<compile_context>
chip_gen: v7x
topology: tpu7x:2x2x1
jax: 0.10.2.dev20260603
libtpu: 0.0.44.dev20260713+nightly
codegen_flags: <defaults>
</compile_context>

<pallas_src>
import functools

import jax
import jax.numpy as jnp
from jax import lax
from jax.experimental import pallas as pl
from jax.experimental.pallas import tpu as pltpu
from jax.experimental.pallas import tpu_sc as plsc

N_MESH = 10000
N_GRID = 10000
E = 320000
D = 128
H = 128

NC = 2
NS = 16
NW = NC * NS
EPW = E // NW
K = 40
NCHUNK = EPW // K
NBUF = 5
KS = K
NCHUNK_S = EPW // KS
NBUF_S = 2



def _project_body(mesh_ref, grid_ref, w1b_ref, w1c_ref, mp_ref, gp_ref):
    mp_ref[...] = jnp.dot(mesh_ref[...], w1b_ref[...],
                          preferred_element_type=jnp.float32)
    gp_ref[...] = jnp.dot(grid_ref[...], w1c_ref[...],
                          preferred_element_type=jnp.float32)


def _project(mesh_nfeat, grid_nfeat, w1b, w1c):
    blk = 1000
    grid = (N_MESH // blk,)
    return pl.pallas_call(
        _project_body,
        grid=grid,
        in_specs=[
            pl.BlockSpec((blk, D), lambda i: (i, 0)),
            pl.BlockSpec((blk, D), lambda i: (i, 0)),
            pl.BlockSpec((D, H), lambda i: (0, 0)),
            pl.BlockSpec((D, H), lambda i: (0, 0)),
        ],
        out_specs=[
            pl.BlockSpec((blk, H), lambda i: (i, 0)),
            pl.BlockSpec((blk, H), lambda i: (i, 0)),
        ],
        out_shape=[
            jax.ShapeDtypeStruct((N_MESH, H), jnp.float32),
            jax.ShapeDtypeStruct((N_GRID, H), jnp.float32),
        ],
    )(mesh_nfeat, grid_nfeat, w1b, w1c)



def _gather_body(epw, mp_hbm, gp_hbm, src_hbm, dst_hbm, mpg_hbm, gpg_hbm,
                 sidx_v, didx_v, *bufs):
    nchunk = epw // K
    wid = lax.axis_index("c") * NS + lax.axis_index("s")
    base = wid * epw
    rows_a = list(bufs[0:NBUF])
    rows_b = list(bufs[NBUF:2 * NBUF])
    gs_a = list(bufs[2 * NBUF:3 * NBUF])
    gs_b = list(bufs[3 * NBUF:4 * NBUF])
    ss_a = list(bufs[4 * NBUF:5 * NBUF])
    ss_b = list(bufs[5 * NBUF:6 * NBUF])
    pltpu.sync_copy(src_hbm.at[wid], sidx_v)
    pltpu.sync_copy(dst_hbm.at[wid], didx_v)

    ngrp = nchunk // NBUF

    def group(g, _):
        descs = {}

        for b in range(NBUF):
            j = NBUF * g + b

            @pl.when(g > 0)
            def _(b=b):
                pltpu.make_async_copy(rows_a[b],
                                      mpg_hbm.at[pl.ds(base, K)],
                                      ss_a[b]).wait()
                pltpu.make_async_copy(rows_b[b],
                                      gpg_hbm.at[pl.ds(base, K)],
                                      ss_b[b]).wait()

            descs[(b, 'a')] = pltpu.async_copy(
                mp_hbm.at[sidx_v.at[j]], rows_a[b], gs_a[b])
            descs[(b, 'b')] = pltpu.async_copy(
                gp_hbm.at[didx_v.at[j]], rows_b[b], gs_b[b])

        for b in range(NBUF):
            j = NBUF * g + b
            descs[(b, 'a')].wait()
            descs[(b, 'b')].wait()
            out_slc = pl.ds(pl.multiple_of(base + j * K, 8), K)
            pltpu.async_copy(rows_a[b], mpg_hbm.at[out_slc], ss_a[b])
            pltpu.async_copy(rows_b[b], gpg_hbm.at[out_slc], ss_b[b])
        return 0

    lax.fori_loop(0, ngrp, group, 0)
    for b in range(NBUF):
        pltpu.make_async_copy(rows_a[b], mpg_hbm.at[pl.ds(base, K)],
                              ss_a[b]).wait()
        pltpu.make_async_copy(rows_b[b], gpg_hbm.at[pl.ds(base, K)],
                              ss_b[b]).wait()


def _gather(mp, gp, src3d, dst3d, n_edges):
    epw = n_edges // NW
    nchunk = epw // K
    mesh = plsc.VectorSubcoreMesh(core_axis_name="c", subcore_axis_name="s")
    return pl.kernel(
        functools.partial(_gather_body, epw),
        out_type=[
            jax.ShapeDtypeStruct((n_edges, H), jnp.float32),
            jax.ShapeDtypeStruct((n_edges, H), jnp.float32),
        ],
        mesh=mesh,
        scratch_types=(
            [pltpu.VMEM((nchunk, K), jnp.int32),
             pltpu.VMEM((nchunk, K), jnp.int32)]
            + [pltpu.VMEM((K, H), jnp.float32)] * (2 * NBUF)
            + [pltpu.SemaphoreType.DMA] * (4 * NBUF)
        ),
    )(mp, gp, src3d, dst3d)



def _edge_mlp_body(m2g_ref, mpg_ref, gpg_ref, w1a_ref, b1_ref, w2_ref,
                   b2_ref, g_ref, be_ref, out_ref):
    x = jnp.dot(m2g_ref[...].astype(jnp.bfloat16),
                w1a_ref[...].astype(jnp.bfloat16),
                preferred_element_type=jnp.float32)
    x = x + mpg_ref[...] + gpg_ref[...] + b1_ref[...]
    hact = x * jax.nn.sigmoid(x)
    y = jnp.dot(hact.astype(jnp.bfloat16), w2_ref[...].astype(jnp.bfloat16),
                preferred_element_type=jnp.float32)
    y = y + b2_ref[...]
    mu = jnp.mean(y, axis=-1, keepdims=True)
    var = jnp.mean(jnp.square(y - mu), axis=-1, keepdims=True)
    out_ref[...] = (y - mu) * lax.rsqrt(var + 1e-5) * g_ref[...] + be_ref[...]


def _edge_mlp(m2g, mpg, gpg, w1a, b1, w2, b2, g, be):
    blk = 2000
    n_edges = m2g.shape[0]
    grid = (n_edges // blk,)
    vec = lambda i: (0, 0)
    return pl.pallas_call(
        _edge_mlp_body,
        grid=grid,
        in_specs=[
            pl.BlockSpec((blk, D), lambda i: (i, 0)),
            pl.BlockSpec((blk, H), lambda i: (i, 0)),
            pl.BlockSpec((blk, H), lambda i: (i, 0)),
            pl.BlockSpec((D, H), vec),
            pl.BlockSpec((1, H), vec),
            pl.BlockSpec((H, D), vec),
            pl.BlockSpec((1, D), vec),
            pl.BlockSpec((1, D), vec),
            pl.BlockSpec((1, D), vec),
        ],
        out_specs=pl.BlockSpec((blk, D), lambda i: (i, 0)),
        out_shape=jax.ShapeDtypeStruct((n_edges, D), jnp.float32),
        compiler_params=pltpu.CompilerParams(
            dimension_semantics=("arbitrary",),
        ),
    )(m2g, mpg, gpg, w1a, b1, w2, b2, g, be)



def _scatter_body(epw, nbuf_s, efeat_hbm, dst3d_hbm, zeros_hbm, agg_hbm,
                  didx_v, *bufs):
    nchunk_s = epw // KS
    rows = list(bufs[0:nbuf_s])
    rsem = list(bufs[nbuf_s:2 * nbuf_s])
    agg_sh = bufs[2 * nbuf_s]
    cid = lax.axis_index("c")
    sid = lax.axis_index("s")
    wid = cid * NS + sid
    base = wid * epw
    start = sid * 640
    @pl.when(sid < NS - 1)
    def _():
        pltpu.sync_copy(zeros_hbm.at[pl.ds(start, 640)],
                        agg_sh.at[pl.ds(start, 640)])

    @pl.when(sid == NS - 1)
    def _():
        pltpu.sync_copy(zeros_hbm.at[pl.ds(9600, 400)],
                        agg_sh.at[pl.ds(9600, 400)])

    pltpu.sync_copy(dst3d_hbm.at[wid], didx_v)
    plsc.subcore_barrier()

    ngrp = nchunk_s // nbuf_s

    def group(g, _):
        descs = {}
        for b in range(nbuf_s):
            j = nbuf_s * g + b
            descs[b] = pltpu.async_copy(
                efeat_hbm.at[pl.ds(pl.multiple_of(base + j * KS, 8), KS)],
                rows[b], rsem[b])
        for b in range(nbuf_s):
            j = nbuf_s * g + b
            descs[b].wait()
            pltpu.sync_copy(rows[b], agg_sh.at[didx_v.at[j]], add=True)
        return 0

    lax.fori_loop(0, ngrp, group, 0)
    plsc.subcore_barrier()

    @pl.when(sid < NS - 1)
    def _():
        pltpu.sync_copy(agg_sh.at[pl.ds(start, 640)],
                        agg_hbm.at[cid, pl.ds(start, 640)])

    @pl.when(sid == NS - 1)
    def _():
        pltpu.sync_copy(agg_sh.at[pl.ds(9600, 400)],
                        agg_hbm.at[cid, pl.ds(9600, 400)])


def _scatter(efeat, dst3d, zeros, n_edges, nbuf_s):
    epw = n_edges // NW
    nchunk_s = epw // KS
    mesh = plsc.VectorSubcoreMesh(core_axis_name="c", subcore_axis_name="s")
    return pl.kernel(
        functools.partial(_scatter_body, epw, nbuf_s),
        out_type=jax.ShapeDtypeStruct((NC, N_GRID, H), jnp.float32),
        mesh=mesh,
        scratch_types=(
            [pltpu.VMEM((nchunk_s, KS), jnp.int32)]
            + [pltpu.VMEM((KS, H), jnp.float32)] * nbuf_s
            + [pltpu.SemaphoreType.DMA] * nbuf_s
            + [pltpu.VMEM_SHARED((N_GRID, H), jnp.float32)]
        ),
    )(efeat, dst3d, zeros)



def _node_mlp_body(grid_ref, agg0_ref, agg1_ref, agg2_ref, agg3_ref,
                   w1a_ref, w1b_ref, b1_ref,
                   w2_ref, b2_ref, g_ref, bn_ref, out_ref):
    agg = (agg0_ref[...] + agg1_ref[...]) + (agg2_ref[...] + agg3_ref[...])
    x = jnp.dot(grid_ref[...].astype(jnp.bfloat16),
                w1a_ref[...].astype(jnp.bfloat16),
                preferred_element_type=jnp.float32)
    x = x + jnp.dot(agg.astype(jnp.bfloat16),
                    w1b_ref[...].astype(jnp.bfloat16),
                    preferred_element_type=jnp.float32)
    x = x + b1_ref[...]
    hact = x * jax.nn.sigmoid(x)
    y = jnp.dot(hact.astype(jnp.bfloat16), w2_ref[...].astype(jnp.bfloat16),
                preferred_element_type=jnp.float32)
    y = y + b2_ref[...]
    mu = jnp.mean(y, axis=-1, keepdims=True)
    var = jnp.mean(jnp.square(y - mu), axis=-1, keepdims=True)
    out_ref[...] = ((y - mu) * lax.rsqrt(var + 1e-5) * g_ref[...]
                    + bn_ref[...] + grid_ref[...])


def _node_mlp(grid_nfeat, aggs, w1a, w1b, b1, w2, b2, g, bn):
    blk = 1000
    grid = (N_GRID // blk,)
    vec = lambda i: (0, 0)
    return pl.pallas_call(
        _node_mlp_body,
        grid=grid,
        in_specs=[
            pl.BlockSpec((blk, D), lambda i: (i, 0)),
            pl.BlockSpec((blk, H), lambda i: (i, 0)),
            pl.BlockSpec((blk, H), lambda i: (i, 0)),
            pl.BlockSpec((blk, H), lambda i: (i, 0)),
            pl.BlockSpec((blk, H), lambda i: (i, 0)),
            pl.BlockSpec((D, H), vec),
            pl.BlockSpec((H, H), vec),
            pl.BlockSpec((1, H), vec),
            pl.BlockSpec((H, D), vec),
            pl.BlockSpec((1, D), vec),
            pl.BlockSpec((1, D), vec),
            pl.BlockSpec((1, D), vec),
        ],
        out_specs=pl.BlockSpec((blk, D), lambda i: (i, 0)),
        out_shape=jax.ShapeDtypeStruct((N_GRID, D), jnp.float32),
    )(grid_nfeat, *aggs, w1a, w1b, b1, w2, b2, g, bn)



def kernel(m2g_efeat, grid_nfeat, mesh_nfeat, src_idx, dst_idx,
           W1e, b1e, W2e, b2e, gE, bE,
           W1n, b1n, W2n, b2n, gN, bN):
    w1a, w1b, w1c = W1e[:D], W1e[D:2 * D], W1e[2 * D:]

    mp, gp = _project(mesh_nfeat, grid_nfeat, w1b, w1c)
    zeros = jnp.zeros((N_GRID, H), jnp.float32)

    E2 = E // 2
    epw2 = E2 // NW
    nchunk2 = epw2 // K
    aggs = []
    for s in range(2):
        sl = slice(s * E2, (s + 1) * E2)
        src3d = src_idx[sl].reshape(NW, nchunk2, K)
        dst3d = dst_idx[sl].reshape(NW, nchunk2, K)
        mpg, gpg = _gather(mp, gp, src3d, dst3d, E2)
        efeat = _edge_mlp(m2g_efeat[sl], mpg, gpg, w1a, b1e.reshape(1, H),
                          W2e, b2e.reshape(1, D), gE.reshape(1, D),
                          bE.reshape(1, D))
        agg = _scatter(efeat, dst3d, zeros, E2, 5)
        aggs.extend([agg[0], agg[1]])

    out = _node_mlp(grid_nfeat, aggs,
                    W1n[:D], W1n[D:], b1n.reshape(1, H),
                    W2n, b2n.reshape(1, D), gN.reshape(1, D),
                    bN.reshape(1, D))
    return out

# --- scband reference (transcript-rebuilt; emitter-appended) ---
"""Pipeline reference for scband-decoder-cugoconcat-42777874268718 (READ-ONLY COPY).

The authoritative reference and input builder live on the scoring server;
editing this copy changes nothing except your own understanding.
"""

import jax, jax.numpy as jnp
import numpy as np

N_MESH = 10000
N_GRID = 10000
E = 320000
D = 128
H = 128


def _mlp(x, W1, b1, W2, b2, g, be):
    h = x @ W1 + b1
    h = h * jax.nn.sigmoid(h)  # SiLU
    h = h @ W2 + b2
    mu = jnp.mean(h, axis=-1, keepdims=True)
    var = jnp.var(h, axis=-1, keepdims=True)
    return (h - mu) * jax.lax.rsqrt(var + 1e-5) * g + be


def setup_inputs(seed: int = 0) -> dict:
    key = jax.random.key(seed)
    ks = jax.random.split(key, 20)
    inp = {}
    inp["m2g_efeat"] = jax.random.normal(ks[0], (E, D), dtype=jnp.float32)
    inp["grid_nfeat"] = jax.random.normal(ks[1], (N_GRID, D), dtype=jnp.float32)
    inp["mesh_nfeat"] = jax.random.normal(ks[2], (N_MESH, D), dtype=jnp.float32)
    inp["src_idx"] = jax.random.randint(ks[3], (E,), 0, N_MESH, dtype=jnp.int32)
    inp["dst_idx"] = jnp.sort(jax.random.randint(ks[4], (E,), 0, N_GRID, dtype=jnp.int32))
    # edge MLP: in = 3*D = 384 -> H -> D, LayerNorm(D)
    inp["W1e"] = jax.random.normal(ks[5], (3 * D, H), dtype=jnp.float32) * 0.02
    inp["b1e"] = jnp.zeros((H,), dtype=jnp.float32)
    inp["W2e"] = jax.random.normal(ks[6], (H, D), dtype=jnp.float32) * 0.02
    inp["b2e"] = jnp.zeros((D,), dtype=jnp.float32)
    inp["gE"] = jnp.ones((D,), dtype=jnp.float32)
    inp["bE"] = jnp.zeros((D,), dtype=jnp.float32)
    # node MLP: in = D (grid) + D (agg edges) = 256 -> H -> D, LayerNorm(D)
    inp["W1n"] = jax.random.normal(ks[7], (2 * D, H), dtype=jnp.float32) * 0.02
    inp["b1n"] = jnp.zeros((H,), dtype=jnp.float32)
    inp["W2n"] = jax.random.normal(ks[8], (H, D), dtype=jnp.float32) * 0.02
    inp["b2n"] = jnp.zeros((D,), dtype=jnp.float32)
    inp["gN"] = jnp.ones((D,), dtype=jnp.float32)
    inp["bN"] = jnp.zeros((D,), dtype=jnp.float32)
    return inp


def reference(m2g_efeat, grid_nfeat, mesh_nfeat, src_idx, dst_idx,
              W1e, b1e, W2e, b2e, gE, bE,
              W1n, b1n, W2n, b2n, gN, bN):
    # update_efeat_e2e(..., 'concat'): concat(edge, src_node_gather, dst_node_gather)
    efeat_cat = jnp.concatenate(
        [m2g_efeat,
         jnp.take(mesh_nfeat, src_idx, axis=0),
         jnp.take(grid_nfeat, dst_idx, axis=0)], axis=-1)
    efeat = _mlp(efeat_cat, W1e, b1e, W2e, b2e, gE, bE)
    # agg_concat_e2n with aggregation='sum': scatter-add edges to dst nodes, concat with dst feats
    agg = jax.ops.segment_sum(efeat, dst_idx, num_segments=N_GRID)
    cat_feat = jnp.concatenate([grid_nfeat, agg], axis=-1)
    dst_feat = _mlp(cat_feat, W1n, b1n, W2n, b2n, gN, bN) + grid_nfeat
    return dst_feat

if __name__ == "__main__":
    import jax
    _d = setup_inputs()
    print(jax.jit(kernel)(*tuple(_d.values())))

</pallas_src>

<mosaic_0001>
#map = affine_map<(d0, d1) -> (0, 0)>
#map1 = affine_map<(d0, d1) -> (0, 0, 0)>
module attributes {stable_mosaic.version = 14 : i64} {
  func.func @_gather_body(%arg0: i32, %arg1: i32, %arg2: memref<10000x128xf32, #tpu.memory_space<hbm>>, %arg3: memref<10000x128xf32, #tpu.memory_space<hbm>>, %arg4: memref<32x125x40xi32, #tpu.memory_space<hbm>>, %arg5: memref<32x125x40xi32, #tpu.memory_space<hbm>>, %arg6: memref<160000x128xf32, #tpu.memory_space<hbm>>, %arg7: memref<160000x128xf32, #tpu.memory_space<hbm>>, %arg8: memref<125x40xi32, #tpu.memory_space<vmem>>, %arg9: memref<125x40xi32, #tpu.memory_space<vmem>>, %arg10: memref<40x128xf32, #tpu.memory_space<vmem>>, %arg11: memref<40x128xf32, #tpu.memory_space<vmem>>, %arg12: memref<40x128xf32, #tpu.memory_space<vmem>>, %arg13: memref<40x128xf32, #tpu.memory_space<vmem>>, %arg14: memref<40x128xf32, #tpu.memory_space<vmem>>, %arg15: memref<40x128xf32, #tpu.memory_space<vmem>>, %arg16: memref<40x128xf32, #tpu.memory_space<vmem>>, %arg17: memref<40x128xf32, #tpu.memory_space<vmem>>, %arg18: memref<40x128xf32, #tpu.memory_space<vmem>>, %arg19: memref<40x128xf32, #tpu.memory_space<vmem>>, %arg20: memref<!tpu.dma_semaphore, #tpu.memory_space<semaphore_mem>>, %arg21: memref<!tpu.dma_semaphore, #tpu.memory_space<semaphore_mem>>, %arg22: memref<!tpu.dma_semaphore, #tpu.memory_space<semaphore_mem>>, %arg23: memref<!tpu.dma_semaphore, #tpu.memory_space<semaphore_mem>>, %arg24: memref<!tpu.dma_semaphore, #tpu.memory_space<semaphore_mem>>, %arg25: memref<!tpu.dma_semaphore, #tpu.memory_space<semaphore_mem>>, %arg26: memref<!tpu.dma_semaphore, #tpu.memory_space<semaphore_mem>>, %arg27: memref<!tpu.dma_semaphore, #tpu.memory_space<semaphore_mem>>, %arg28: memref<!tpu.dma_semaphore, #tpu.memory_space<semaphore_mem>>, %arg29: memref<!tpu.dma_semaphore, #tpu.memory_space<semaphore_mem>>, %arg30: memref<!tpu.dma_semaphore, #tpu.memory_space<semaphore_mem>>, %arg31: memref<!tpu.dma_semaphore, #tpu.memory_space<semaphore_mem>>, %arg32: memref<!tpu.dma_semaphore, #tpu.memory_space<semaphore_mem>>, %arg33: memref<!tpu.dma_semaphore, #tpu.memory_space<semaphore_mem>>, %arg34: memref<!tpu.dma_semaphore, #tpu.memory_space<semaphore_mem>>, %arg35: memref<!tpu.dma_semaphore, #tpu.memory_space<semaphore_mem>>, %arg36: memref<!tpu.dma_semaphore, #tpu.memory_space<semaphore_mem>>, %arg37: memref<!tpu.dma_semaphore, #tpu.memory_space<semaphore_mem>>, %arg38: memref<!tpu.dma_semaphore, #tpu.memory_space<semaphore_mem>>, %arg39: memref<!tpu.dma_semaphore, #tpu.memory_space<semaphore_mem>>) attributes {dimension_semantics = [#tpu.dimension_semantics<core_parallel>, #tpu.dimension_semantics<subcore_parallel>], iteration_bounds = array<i64: 2, 16>, scalar_prefetch = 0 : i64, scratch_operands = 32 : i64, tpu.core_type = #tpu.core_type<sc_vector_subcore>, window_params = [{transform_indices = #map}, {transform_indices = #map}, {transform_indices = #map1}, {transform_indices = #map1}, {transform_indices = #map}, {transform_indices = #map}]} {
    %mul3A = arith.constant 16 : i32
    %mul3A_0 = arith.muli %arg0, %mul3A : i32
    %add3A = arith.addi %mul3A_0, %arg1 : i32
    %mul3A_1 = arith.constant 5000 : i32
    %mul3A_2 = arith.muli %add3A, %mul3A_1 : i32
    "tpu.region"() ({
      %run_scoped3A = tpu.sem_alloc : memref<!tpu.dma_semaphore, #tpu.memory_space<semaphore_mem>>
      %dma_start3A = arith.constant 0 : i32
      %dma_start3A_48 = arith.constant 0 : i32
      %dma_start3A_49 = tpu.memref_slice %arg4[%add3A, %dma_start3A, %dma_start3A_48] : memref<32x125x40xi32, #tpu.memory_space<hbm>> -> memref<1x125x40xi32, #tpu.memory_space<hbm>>
      %dma_start3A_50 = tpu.memref_squeeze %dma_start3A_49 : memref<1x125x40xi32, #tpu.memory_space<hbm>> -> memref<125x40xi32, #tpu.memory_space<hbm>>
      %dma_start3A_51 = arith.constant 0 : i32
      %dma_start3A_52 = arith.constant 0 : i32
      %dma_start3A_53 = tpu.memref_slice %arg4[%add3A, %dma_start3A_51, %dma_start3A_52] : memref<32x125x40xi32, #tpu.memory_space<hbm>> -> memref<1x125x40xi32, #tpu.memory_space<hbm>>
      %dma_start3A_54 = tpu.memref_squeeze %dma_start3A_53 : memref<1x125x40xi32, #tpu.memory_space<hbm>> -> memref<125x40xi32, #tpu.memory_space<hbm>>
      tpu.enqueue_dma source(%dma_start3A_54 : memref<125x40xi32, #tpu.memory_space<hbm>>) target(%arg8 : memref<125x40xi32, #tpu.memory_space<vmem>>) target_semaphore(%run_scoped3A : memref<!tpu.dma_semaphore, #tpu.memory_space<semaphore_mem>>)
      %dma_wait3A_55 = arith.constant 0 : i32
      %dma_wait3A_56 = arith.constant 0 : i32
      %dma_wait3A_57 = tpu.memref_slice %arg4[%add3A, %dma_wait3A_55, %dma_wait3A_56] : memref<32x125x40xi32, #tpu.memory_space<hbm>> -> memref<1x125x40xi32, #tpu.memory_space<hbm>>
      %dma_wait3A_58 = tpu.memref_squeeze %dma_wait3A_57 : memref<1x125x40xi32, #tpu.memory_space<hbm>> -> memref<125x40xi32, #tpu.memory_space<hbm>>
      %dma_wait3A_59 = arith.constant 0 : i32
      %dma_wait3A_60 = arith.constant 0 : i32
      %dma_wait3A_61 = tpu.memref_slice %arg4[%add3A, %dma_wait3A_59, %dma_wait3A_60] : memref<32x125x40xi32, #tpu.memory_space<hbm>> -> memref<1x125x40xi32, #tpu.memory_space<hbm>>
      %dma_wait3A_62 = tpu.memref_squeeze %dma_wait3A_61 : memref<1x125x40xi32, #tpu.memory_space<hbm>> -> memref<125x40xi32, #tpu.memory_space<hbm>>
      tpu.wait_dma2 semaphore(%run_scoped3A : memref<!tpu.dma_semaphore, #tpu.memory_space<semaphore_mem>>) src(%dma_wait3A_62 : memref<125x40xi32, #tpu.memory_space<hbm>>) dst(%arg8 : memref<125x40xi32, #tpu.memory_space<vmem>>)
      tpu.yield
    }) : () -> ()
    "tpu.region"() ({
      %run_scoped3A = tpu.sem_alloc : memref<!tpu.dma_semaphore, #tpu.memory_space<semaphore_mem>>
      %dma_start3A = arith.constant 0 : i32
      %dma_start3A_48 = arith.constant 0 : i32
      %dma_start3A_49 = tpu.memref_slice %arg5[%add3A, %dma_start3A, %dma_start3A_48] : memref<32x125x40xi32, #tpu.memory_space<hbm>> -> memref<1x125x40xi32, #tpu.memory_space<hbm>>
      %dma_start3A_50 = tpu.memref_squeeze %dma_start3A_49 : memref<1x125x40xi32, #tpu.memory_space<hbm>> -> memref<125x40xi32, #tpu.memory_space<hbm>>
      %dma_start3A_51 = arith.constant 0 : i32
      %dma_start3A_52 = arith.constant 0 : i32
      %dma_start3A_53 = tpu.memref_slice %arg5[%add3A, %dma_start3A_51, %dma_start3A_52] : memref<32x125x40xi32, #tpu.memory_space<hbm>> -> memref<1x125x40xi32, #tpu.memory_space<hbm>>
      %dma_start3A_54 = tpu.memref_squeeze %dma_start3A_53 : memref<1x125x40xi32, #tpu.memory_space<hbm>> -> memref<125x40xi32, #tpu.memory_space<hbm>>
      tpu.enqueue_dma source(%dma_start3A_54 : memref<125x40xi32, #tpu.memory_space<hbm>>) target(%arg9 : memref<125x40xi32, #tpu.memory_space<vmem>>) target_semaphore(%run_scoped3A : memref<!tpu.dma_semaphore, #tpu.memory_space<semaphore_mem>>)
      %dma_wait3A_55 = arith.constant 0 : i32
      %dma_wait3A_56 = arith.constant 0 : i32
      %dma_wait3A_57 = tpu.memref_slice %arg5[%add3A, %dma_wait3A_55, %dma_wait3A_56] : memref<32x125x40xi32, #tpu.memory_space<hbm>> -> memref<1x125x40xi32, #tpu.memory_space<hbm>>
      %dma_wait3A_58 = tpu.memref_squeeze %dma_wait3A_57 : memref<1x125x40xi32, #tpu.memory_space<hbm>> -> memref<125x40xi32, #tpu.memory_space<hbm>>
      %dma_wait3A_59 = arith.constant 0 : i32
      %dma_wait3A_60 = arith.constant 0 : i32
      %dma_wait3A_61 = tpu.memref_slice %arg5[%add3A, %dma_wait3A_59, %dma_wait3A_60] : memref<32x125x40xi32, #tpu.memory_space<hbm>> -> memref<1x125x40xi32, #tpu.memory_space<hbm>>
      %dma_wait3A_62 = tpu.memref_squeeze %dma_wait3A_61 : memref<1x125x40xi32, #tpu.memory_space<hbm>> -> memref<125x40xi32, #tpu.memory_space<hbm>>
      tpu.wait_dma2 semaphore(%run_scoped3A : memref<!tpu.dma_semaphore, #tpu.memory_space<semaphore_mem>>) src(%dma_wait3A_62 : memref<125x40xi32, #tpu.memory_space<hbm>>) dst(%arg9 : memref<125x40xi32, #tpu.memory_space<vmem>>)
      tpu.yield
    }) : () -> ()
    %scan3A = arith.constant 0 : i32
    %scan3A_3 = arith.constant 0 : i32
    %scan3A_4 = arith.constant 25 : i32
    %scan3A_5 = arith.addi %scan3A_3, %scan3A_4 : i32
    %scan3A_6 = arith.constant 1 : i32
    %scan3A_7 = scf.for %scan3A_48 = %scan3A_3 to %scan3A_5 step %scan3A_6 iter_args(%scan3A_49 = %scan3A) -> (i32)  : i32 {
      %mul3A_50 = arith.constant 5 : i32
      %mul3A_51 = arith.muli %mul3A_50, %scan3A_48 : i32
      %add3A_52 = arith.constant 0 : i32
      %add3A_53 = arith.addi %mul3A_51, %add3A_52 : i32
      %gt3A = arith.constant 0 : i32
      %gt3A_54 = arith.cmpi sgt, %scan3A_48, %gt3A : i32
      %convert_element_type3A = arith.extui %gt3A_54 : i1 to i32
      %cond3A = arith.constant 0 : i32
      %cond3A_55 = arith.cmpi ne, %convert_element_type3A, %cond3A : i32
      scf.if %cond3A_55 {
        %dma_wait3A_291 = arith.constant 0 : i32
        %dma_wait3A_292 = tpu.memref_slice %arg6[%mul3A_2, %dma_wait3A_291] : memref<160000x128xf32, #tpu.memory_space<hbm>> -> memref<40x128xf32, #tpu.memory_space<hbm>>
        %dma_wait3A_293 = arith.constant 0 : i32
        %dma_wait3A_294 = tpu.memref_slice %arg6[%mul3A_2, %dma_wait3A_293] : memref<160000x128xf32, #tpu.memory_space<hbm>> -> memref<40x128xf32, #tpu.memory_space<hbm>>
        tpu.wait_dma2 semaphore(%arg30 : memref<!tpu.dma_semaphore, #tpu.memory_space<semaphore_mem>>) src(%arg10 : memref<40x128xf32, #tpu.memory_space<vmem>>) dst(%dma_wait3A_294 : memref<40x128xf32, #tpu.memory_space<hbm>>)
        %dma_wait3A_295 = arith.constant 0 : i32
        %dma_wait3A_296 = tpu.memref_slice %arg7[%mul3A_2, %dma_wait3A_295] : memref<160000x128xf32, #tpu.memory_space<hbm>> -> memref<40x128xf32, #tpu.memory_space<hbm>>
        %dma_wait3A_297 = arith.constant 0 : i32
        %dma_wait3A_298 = tpu.memref_slice %arg7[%mul3A_2, %dma_wait3A_297] : memref<160000x128xf32, #tpu.memory_space<hbm>> -> memref<40x128xf32, #tpu.memory_space<hbm>>
        tpu.wait_dma2 semaphore(%arg35 : memref<!tpu.dma_semaphore, #tpu.memory_space<semaphore_mem>>) src(%arg15 : memref<40x128xf32, #tpu.memory_space<vmem>>) dst(%dma_wait3A_298 : memref<40x128xf32, #tpu.memory_space<hbm>>)
      } else {
      }
      %dma_start3A = arith.constant 0 : i32
      %dma_start3A_56 = tpu.memref_slice %arg8[%add3A_53, %dma_start3A] : memref<125x40xi32, #tpu.memory_space<vmem>> -> memref<1x40xi32, #tpu.memory_space<vmem>>
      %dma_start3A_57 = tpu.memref_squeeze %dma_start3A_56 : memref<1x40xi32, #tpu.memory_space<vmem>> -> memref<40xi32, #tpu.memory_space<vmem>>
      %dma_start3A_58 = arith.constant 0 : i32
      %dma_start3A_59 = arith.constant 0 : i32
      %dma_start3A_60 = tpu.memref_slice %arg2[%dma_start3A_58, %dma_start3A_59] : memref<10000x128xf32, #tpu.memory_space<hbm>> -> memref<10000x128xf32, #tpu.memory_space<hbm>>
      tpu.enqueue_indirect_dma source(%dma_start3A_60 : memref<10000x128xf32, #tpu.memory_space<hbm>>) target(%arg10 : memref<40x128xf32, #tpu.memory_space<vmem>>) offsets(%dma_start3A_57 : memref<40xi32, #tpu.memory_space<vmem>>) semaphore(%arg20 : memref<!tpu.dma_semaphore, #tpu.memory_space<semaphore_mem>>)
      %dma_start3A_61 = arith.constant 0 : i32
      %dma_start3A_62 = tpu.memref_slice %arg9[%add3A_53, %dma_start3A_61] : memref<125x40xi32, #tpu.memory_space<vmem>> -> memref<1x40xi32, #tpu.memory_space<vmem>>
      %dma_start3A_63 = tpu.memref_squeeze %dma_start3A_62 : memref<1x40xi32, #tpu.memory_space<vmem>> -> memref<40xi32, #tpu.memory_space<vmem>>
      %dma_start3A_64 = arith.constant 0 : i32
      %dma_start3A_65 = arith.constant 0 : i32
      %dma_start3A_66 = tpu.memref_slice %arg3[%dma_start3A_64, %dma_start3A_65] : memref<10000x128xf32, #tpu.memory_space<hbm>> -> memref<10000x128xf32, #tpu.memory_space<hbm>>
      tpu.enqueue_indirect_dma source(%dma_start3A_66 : memref<10000x128xf32, #tpu.memory_space<hbm>>) target(%arg15 : memref<40x128xf32, #tpu.memory_space<vmem>>) offsets(%dma_start3A_63 : memref<40xi32, #tpu.memory_space<vmem>>) semaphore(%arg25 : memref<!tpu.dma_semaphore, #tpu.memory_space<semaphore_mem>>)
      %mul3A_67 = arith.constant 5 : i32
      %mul3A_68 = arith.muli %mul3A_67, %scan3A_48 : i32
      %add3A_69 = arith.constant 1 : i32
      %add3A_70 = arith.addi %mul3A_68, %add3A_69 : i32
      %gt3A_71 = arith.constant 0 : i32
      %gt3A_72 = arith.cmpi sgt, %scan3A_48, %gt3A_71 : i32
      %convert_element_type3A_73 = arith.extui %gt3A_72 : i1 to i32
      %cond3A_74 = arith.constant 0 : i32
      %cond3A_75 = arith.cmpi ne, %convert_element_type3A_73, %cond3A_74 : i32
      scf.if %cond3A_75 {
        %dma_wait3A_291 = arith.constant 0 : i32
        %dma_wait3A_292 = tpu.memref_slice %arg6[%mul3A_2, %dma_wait3A_291] : memref<160000x128xf32, #tpu.memory_space<hbm>> -> memref<40x128xf32, #tpu.memory_space<hbm>>
        %dma_wait3A_293 = arith.constant 0 : i32
        %dma_wait3A_294 = tpu.memref_slice %arg6[%mul3A_2, %dma_wait3A_293] : memref<160000x128xf32, #tpu.memory_space<hbm>> -> memref<40x128xf32, #tpu.memory_space<hbm>>
        tpu.wait_dma2 semaphore(%arg31 : memref<!tpu.dma_semaphore, #tpu.memory_space<semaphore_mem>>) src(%arg11 : memref<40x128xf32, #tpu.memory_space<vmem>>) dst(%dma_wait3A_294 : memref<40x128xf32, #tpu.memory_space<hbm>>)
        %dma_wait3A_295 = arith.constant 0 : i32
        %dma_wait3A_296 = tpu.memref_slice %arg7[%mul3A_2, %dma_wait3A_295] : memref<160000x128xf32, #tpu.memory_space<hbm>> -> memref<40x128xf32, #tpu.memory_space<hbm>>
        %dma_wait3A_297 = arith.constant 0 : i32
        %dma_wait3A_298 = tpu.memref_slice %arg7[%mul3A_2, %dma_wait3A_297] : memref<160000x128xf32, #tpu.memory_space<hbm>> -> memref<40x128xf32, #tpu.memory_space<hbm>>
        tpu.wait_dma2 semaphore(%arg36 : memref<!tpu.dma_semaphore, #tpu.memory_space<semaphore_mem>>) src(%arg16 : memref<40x128xf32, #tpu.memory_space<vmem>>) dst(%dma_wait3A_298 : memref<40x128xf32, #tpu.memory_space<hbm>>)
      } else {
      }
      %dma_start3A_76 = arith.constant 0 : i32
      %dma_start3A_77 = tpu.memref_slice %arg8[%add3A_70, %dma_start3A_76] : memref<125x40xi32, #tpu.memory_space<vmem>> -> memref<1x40xi32, #tpu.memory_space<vmem>>
      %dma_start3A_78 = tpu.memref_squeeze %dma_start3A_77 : memref<1x40xi32, #tpu.memory_space<vmem>> -> memref<40xi32, #tpu.memory_space<vmem>>
      %dma_start3A_79 = arith.constant 0 : i32
      %dma_start3A_80 = arith.constant 0 : i32
      %dma_start3A_81 = tpu.memref_slice %arg2[%dma_start3A_79, %dma_start3A_80] : memref<10000x128xf32, #tpu.memory_space<hbm>> -> memref<10000x128xf32, #tpu.memory_space<hbm>>
      tpu.enqueue_indirect_dma source(%dma_start3A_81 : memref<10000x128xf32, #tpu.memory_space<hbm>>) target(%arg11 : memref<40x128xf32, #tpu.memory_space<vmem>>) offsets(%dma_start3A_78 : memref<40xi32, #tpu.memory_space<vmem>>) semaphore(%arg21 : memref<!tpu.dma_semaphore, #tpu.memory_space<semaphore_mem>>)
      %dma_start3A_82 = arith.constant 0 : i32
      %dma_start3A_83 = tpu.memref_slice %arg9[%add3A_70, %dma_start3A_82] : memref<125x40xi32, #tpu.memory_space<vmem>> -> memref<1x40xi32, #tpu.memory_space<vmem>>
      %dma_start3A_84 = tpu.memref_squeeze %dma_start3A_83 : memref<1x40xi32, #tpu.memory_space<vmem>> -> memref<40xi32, #tpu.memory_space<vmem>>
      %dma_start3A_85 = arith.constant 0 : i32
      %dma_start3A_86 = arith.constant 0 : i32
      %dma_start3A_87 = tpu.memref_slice %arg3[%dma_start3A_85, %dma_start3A_86] : memref<10000x128xf32, #tpu.memory_space<hbm>> -> memref<10000x128xf32, #tpu.memory_space<hbm>>
      tpu.enqueue_indirect_dma source(%dma_start3A_87 : memref<10000x128xf32, #tpu.memory_space<hbm>>) target(%arg16 : memref<40x128xf32, #tpu.memory_space<vmem>>) offsets(%dma_start3A_84 : memref<40xi32, #tpu.memory_space<vmem>>) semaphore(%arg26 : memref<!tpu.dma_semaphore, #tpu.memory_space<semaphore_mem>>)
      %mul3A_88 = arith.constant 5 : i32
      %mul3A_89 = arith.muli %mul3A_88, %scan3A_48 : i32
      %add3A_90 = arith.constant 2 : i32
      %add3A_91 = arith.addi %mul3A_89, %add3A_90 : i32
      %gt3A_92 = arith.constant 0 : i32
      %gt3A_93 = arith.cmpi sgt, %scan3A_48, %gt3A_92 : i32
      %convert_element_type3A_94 = arith.extui %gt3A_93 : i1 to i32
      %cond3A_95 = arith.constant 0 : i32
      %cond3A_96 = arith.cmpi ne, %convert_element_type3A_94, %cond3A_95 : i32
      scf.if %cond3A_96 {
        %dma_wait3A_291 = arith.constant 0 : i32
        %dma_wait3A_292 = tpu.memref_slice %arg6[%mul3A_2, %dma_wait3A_291] : memref<160000x128xf32, #tpu.memory_space<hbm>> -> memref<40x128xf32, #tpu.memory_space<hbm>>
        %dma_wait3A_293 = arith.constant 0 : i32
        %dma_wait3A_294 = tpu.memref_slice %arg6[%mul3A_2, %dma_wait3A_293] : memref<160000x128xf32, #tpu.memory_space<hbm>> -> memref<40x128xf32, #tpu.memory_space<hbm>>
        tpu.wait_dma2 semaphore(%arg32 : memref<!tpu.dma_semaphore, #tpu.memory_space<semaphore_mem>>) src(%arg12 : memref<40x128xf32, #tpu.memory_space<vmem>>) dst(%dma_wait3A_294 : memref<40x128xf32, #tpu.memory_space<hbm>>)
        %dma_wait3A_295 = arith.constant 0 : i32
        %dma_wait3A_296 = tpu.memref_slice %arg7[%mul3A_2, %dma_wait3A_295] : memref<160000x128xf32, #tpu.memory_space<hbm>> -> memref<40x128xf32, #tpu.memory_space<hbm>>
        %dma_wait3A_297 = arith.constant 0 : i32
        %dma_wait3A_298 = tpu.memref_slice %arg7[%mul3A_2, %dma_wait3A_297] : memref<160000x128xf32, #tpu.memory_space<hbm>> -> memref<40x128xf32, #tpu.memory_space<hbm>>
        tpu.wait_dma2 semaphore(%arg37 : memref<!tpu.dma_semaphore, #tpu.memory_space<semaphore_mem>>) src(%arg17 : memref<40x128xf32, #tpu.memory_space<vmem>>) dst(%dma_wait3A_298 : memref<40x128xf32, #tpu.memory_space<hbm>>)
      } else {
      }
      %dma_start3A_97 = arith.constant 0 : i32
      %dma_start3A_98 = tpu.memref_slice %arg8[%add3A_91, %dma_start3A_97] : memref<125x40xi32, #tpu.memory_space<vmem>> -> memref<1x40xi32, #tpu.memory_space<vmem>>
      %dma_start3A_99 = tpu.memref_squeeze %dma_start3A_98 : memref<1x40xi32, #tpu.memory_space<vmem>> -> memref<40xi32, #tpu.memory_space<vmem>>
      %dma_start3A_100 = arith.constant 0 : i32
      %dma_start3A_101 = arith.constant 0 : i32
      %dma_start3A_102 = tpu.memref_slice %arg2[%dma_start3A_100, %dma_start3A_101] : memref<10000x128xf32, #tpu.memory_space<hbm>> -> memref<10000x128xf32, #tpu.memory_space<hbm>>
      tpu.enqueue_indirect_dma source(%dma_start3A_102 : memref<10000x128xf32, #tpu.memory_space<hbm>>) target(%arg12 : memref<40x128xf32, #tpu.memory_space<vmem>>) offsets(%dma_start3A_99 : memref<40xi32, #tpu.memory_space<vmem>>) semaphore(%arg22 : memref<!tpu.dma_semaphore, #tpu.memory_space<semaphore_mem>>)
      %dma_start3A_103 = arith.constant 0 : i32
      %dma_start3A_104 = tpu.memref_slice %arg9[%add3A_91, %dma_start3A_103] : memref<125x40xi32, #tpu.memory_space<vmem>> -> memref<1x40xi32, #tpu.memory_space<vmem>>
      %dma_start3A_105 = tpu.memref_squeeze %dma_start3A_104 : memref<1x40xi32, #tpu.memory_space<vmem>> -> memref<40xi32, #tpu.memory_space<vmem>>
      %dma_start3A_106 = arith.constant 0 : i32
      %dma_start3A_107 = arith.constant 0 : i32
      %dma_start3A_108 = tpu.memref_slice %arg3[%dma_start3A_106, %dma_start3A_107] : memref<10000x128xf32, #tpu.memory_space<hbm>> -> memref<10000x128xf32, #tpu.memory_space<hbm>>
      tpu.enqueue_indirect_dma source(%dma_start3A_108 : memref<10000x128xf32, #tpu.memory_space<hbm>>) target(%arg17 : memref<40x128xf32, #tpu.memory_space<vmem>>) offsets(%dma_start3A_105 : memref<40xi32, #tpu.memory_space<vmem>>) semaphore(%arg27 : memref<!tpu.dma_semaphore, #tpu.memory_space<semaphore_mem>>)
      %mul3A_109 = arith.constant 5 : i32
      %mul3A_110 = arith.muli %mul3A_109, %scan3A_48 : i32
      %add3A_111 = arith.constant 3 : i32
      %add3A_112 = arith.addi %mul3A_110, %add3A_111 : i32
      %gt3A_113 = arith.constant 0 : i32
      %gt3A_114 = arith.cmpi sgt, %scan3A_48, %gt3A_113 : i32
      %convert_element_type3A_115 = arith.extui %gt3A_114 : i1 to i32
      %cond3A_116 = arith.constant 0 : i32
      %cond3A_117 = arith.cmpi ne, %convert_element_type3A_115, %cond3A_116 : i32
      scf.if %cond3A_117 {
        %dma_wait3A_291 = arith.constant 0 : i32
        %dma_wait3A_292 = tpu.memref_slice %arg6[%mul3A_2, %dma_wait3A_291] : memref<160000x128xf32, #tpu.memory_space<hbm>> -> memref<40x128xf32, #tpu.memory_space<hbm>>
        %dma_wait3A_293 = arith.constant 0 : i32
        %dma_wait3A_294 = tpu.memref_slice %arg6[%mul3A_2, %dma_wait3A_293] : memref<160000x128xf32, #tpu.memory_space<hbm>> -> memref<40x128xf32, #tpu.memory_space<hbm>>
        tpu.wait_dma2 semaphore(%arg33 : memref<!tpu.dma_semaphore, #tpu.memory_space<semaphore_mem>>) src(%arg13 : memref<40x128xf32, #tpu.memory_space<vmem>>) dst(%dma_wait3A_294 : memref<40x128xf32, #tpu.memory_space<hbm>>)
        %dma_wait3A_295 = arith.constant 0 : i32
        %dma_wait3A_296 = tpu.memref_slice %arg7[%mul3A_2, %dma_wait3A_295] : memref<160000x128xf32, #tpu.memory_space<hbm>> -> memref<40x128xf32, #tpu.memory_space<hbm>>
        %dma_wait3A_297 = arith.constant 0 : i32
        %dma_wait3A_298 = tpu.memref_slice %arg7[%mul3A_2, %dma_wait3A_297] : memref<160000x128xf32, #tpu.memory_space<hbm>> -> memref<40x128xf32, #tpu.memory_space<hbm>>
        tpu.wait_dma2 semaphore(%arg38 : memref<!tpu.dma_semaphore, #tpu.memory_space<semaphore_mem>>) src(%arg18 : memref<40x128xf32, #tpu.memory_space<vmem>>) dst(%dma_wait3A_298 : memref<40x128xf32, #tpu.memory_space<hbm>>)
      } else {
      }
      %dma_start3A_118 = arith.constant 0 : i32
      %dma_start3A_119 = tpu.memref_slice %arg8[%add3A_112, %dma_start3A_118] : memref<125x40xi32, #tpu.memory_space<vmem>> -> memref<1x40xi32, #tpu.memory_space<vmem>>
      %dma_start3A_120 = tpu.memref_squeeze %dma_start3A_119 : memref<1x40xi32, #tpu.memory_space<vmem>> -> memref<40xi32, #tpu.memory_space<vmem>>
      %dma_start3A_121 = arith.constant 0 : i32
      %dma_start3A_122 = arith.constant 0 : i32
      %dma_start3A_123 = tpu.memref_slice %arg2[%dma_start3A_121, %dma_start3A_122] : memref<10000x128xf32, #tpu.memory_space<hbm>> -> memref<10000x128xf32, #tpu.memory_space<hbm>>
      tpu.enqueue_indirect_dma source(%dma_start3A_123 : memref<10000x128xf32, #tpu.memory_space<hbm>>) target(%arg13 : memref<40x128xf32, #tpu.memory_space<vmem>>) offsets(%dma_start3A_120 : memref<40xi32, #tpu.memory_space<vmem>>) semaphore(%arg23 : memref<!tpu.dma_semaphore, #tpu.memory_space<semaphore_mem>>)
      %dma_start3A_124 = arith.constant 0 : i32
      %dma_start3A_125 = tpu.memref_slice %arg9[%add3A_112, %dma_start3A_124] : memref<125x40xi32, #tpu.memory_space<vmem>> -> memref<1x40xi32, #tpu.memory_space<vmem>>
      %dma_start3A_126 = tpu.memref_squeeze %dma_start3A_125 : memref<1x40xi32, #tpu.memory_space<vmem>> -> memref<40xi32, #tpu.memory_space<vmem>>
      %dma_start3A_127 = arith.constant 0 : i32
      %dma_start3A_128 = arith.constant 0 : i32
      %dma_start3A_129 = tpu.memref_slice %arg3[%dma_start3A_127, %dma_start3A_128] : memref<10000x128xf32, #tpu.memory_space<hbm>> -> memref<10000x128xf32, #tpu.memory_space<hbm>>
      tpu.enqueue_indirect_dma source(%dma_start3A_129 : memref<10000x128xf32, #tpu.memory_space<hbm>>) target(%arg18 : memref<40x128xf32, #tpu.memory_space<vmem>>) offsets(%dma_start3A_126 : memref<40xi32, #tpu.memory_space<vmem>>) semaphore(%arg28 : memref<!tpu.dma_semaphore, #tpu.memory_space<semaphore_mem>>)
      %mul3A_130 = arith.constant 5 : i32
      %mul3A_131 = arith.muli %mul3A_130, %scan3A_48 : i32
      %add3A_132 = arith.constant 4 : i32
      %add3A_133 = arith.addi %mul3A_131, %add3A_132 : i32
      %gt3A_134 = arith.constant 0 : i32
      %gt3A_135 = arith.cmpi sgt, %scan3A_48, %gt3A_134 : i32
      %convert_element_type3A_136 = arith.extui %gt3A_135 : i1 to i32
      %cond3A_137 = arith.constant 0 : i32
      %cond3A_138 = arith.cmpi ne, %convert_element_type3A_136, %cond3A_137 : i32
      scf.if %cond3A_138 {
        %dma_wait3A_291 = arith.constant 0 : i32
        %dma_wait3A_292 = tpu.memref_slice %arg6[%mul3A_2, %dma_wait3A_291] : memref<160000x128xf32, #tpu.memory_space<hbm>> -> memref<40x128xf32, #tpu.memory_space<hbm>>
        %dma_wait3A_293 = arith.constant 0 : i32
        %dma_wait3A_294 = tpu.memref_slice %arg6[%mul3A_2, %dma_wait3A_293] : memref<160000x128xf32, #tpu.memory_space<hbm>> -> memref<40x128xf32, #tpu.memory_space<hbm>>
        tpu.wait_dma2 semaphore(%arg34 : memref<!tpu.dma_semaphore, #tpu.memory_space<semaphore_mem>>) src(%arg14 : memref<40x128xf32, #tpu.memory_space<vmem>>) dst(%dma_wait3A_294 : memref<40x128xf32, #tpu.memory_space<hbm>>)
        %dma_wait3A_295 = arith.constant 0 : i32
        %dma_wait3A_296 = tpu.memref_slice %arg7[%mul3A_2, %dma_wait3A_295] : memref<160000x128xf32, #tpu.memory_space<hbm>> -> memref<40x128xf32, #tpu.memory_space<hbm>>
        %dma_wait3A_297 = arith.constant 0 : i32
        %dma_wait3A_298 = tpu.memref_slice %arg7[%mul3A_2, %dma_wait3A_297] : memref<160000x128xf32, #tpu.memory_space<hbm>> -> memref<40x128xf32, #tpu.memory_space<hbm>>
        tpu.wait_dma2 semaphore(%arg39 : memref<!tpu.dma_semaphore, #tpu.memory_space<semaphore_mem>>) src(%arg19 : memref<40x128xf32, #tpu.memory_space<vmem>>) dst(%dma_wait3A_298 : memref<40x128xf32, #tpu.memory_space<hbm>>)
      } else {
      }
      %dma_start3A_139 = arith.constant 0 : i32
      %dma_start3A_140 = tpu.memref_slice %arg8[%add3A_133, %dma_start3A_139] : memref<125x40xi32, #tpu.memory_space<vmem>> -> memref<1x40xi32, #tpu.memory_space<vmem>>
      %dma_start3A_141 = tpu.memref_squeeze %dma_start3A_140 : memref<1x40xi32, #tpu.memory_space<vmem>> -> memref<40xi32, #tpu.memory_space<vmem>>
      %dma_start3A_142 = arith.constant 0 : i32
      %dma_start3A_143 = arith.constant 0 : i32
      %dma_start3A_144 = tpu.memref_slice %arg2[%dma_start3A_142, %dma_start3A_143] : memref<10000x128xf32, #tpu.memory_space<hbm>> -> memref<10000x128xf32, #tpu.memory_space<hbm>>
      tpu.enqueue_indirect_dma source(%dma_start3A_144 : memref<10000x128xf32, #tpu.memory_space<hbm>>) target(%arg14 : memref<40x128xf32, #tpu.memory_space<vmem>>) offsets(%dma_start3A_141 : memref<40xi32, #tpu.memory_space<vmem>>) semaphore(%arg24 : memref<!tpu.dma_semaphore, #tpu.memory_space<semaphore_mem>>)
      %dma_start3A_145 = arith.constant 0 : i32
      %dma_start3A_146 = tpu.memref_slice %arg9[%add3A_133, %dma_start3A_145] : memref<125x40xi32, #tpu.memory_space<vmem>> -> memref<1x40xi32, #tpu.memory_space<vmem>>
      %dma_start3A_147 = tpu.memref_squeeze %dma_start3A_146 : memref<1x40xi32, #tpu.memory_space<vmem>> -> memref<40xi32, #tpu.memory_space<vmem>>
      %dma_start3A_148 = arith.constant 0 : i32
      %dma_start3A_149 = arith.constant 0 : i32
      %dma_start3A_150 = tpu.memref_slice %arg3[%dma_start3A_148, %dma_start3A_149] : memref<10000x128xf32, #tpu.memory_space<hbm>> -> memref<10000x128xf32, #tpu.memory_space<hbm>>
      tpu.enqueue_indirect_dma source(%dma_start3A_150 : memref<10000x128xf32, #tpu.memory_space<hbm>>) target(%arg19 : memref<40x128xf32, #tpu.memory_space<vmem>>) offsets(%dma_start3A_147 : memref<40xi32, #tpu.memory_space<vmem>>) semaphore(%arg29 : memref<!tpu.dma_semaphore, #tpu.memory_space<semaphore_mem>>)
      %mul3A_151 = arith.constant 5 : i32
      %mul3A_152 = arith.muli %mul3A_151, %scan3A_48 : i32
      %add3A_153 = arith.constant 0 : i32
      %add3A_154 = arith.addi %mul3A_152, %add3A_153 : i32
      %dma_wait3A_155 = arith.constant 0 : i32
      %dma_wait3A_156 = tpu.memref_slice %arg8[%add3A_53, %dma_wait3A_155] : memref<125x40xi32, #tpu.memory_space<vmem>> -> memref<1x40xi32, #tpu.memory_space<vmem>>
      %dma_wait3A_157 = tpu.memref_squeeze %dma_wait3A_156 : memref<1x40xi32, #tpu.memory_space<vmem>> -> memref<40xi32, #tpu.memory_space<vmem>>
      %dma_wait3A_158 = arith.constant 0 : i32
      %dma_wait3A_159 = arith.constant 0 : i32
      %dma_wait3A_160 = tpu.memref_slice %arg2[%dma_wait3A_158, %dma_wait3A_159] : memref<10000x128xf32, #tpu.memory_space<hbm>> -> memref<10000x128xf32, #tpu.memory_space<hbm>>
      tpu.wait_indirect_dma semaphore(%arg20 : memref<!tpu.dma_semaphore, #tpu.memory_space<semaphore_mem>>) src(%dma_wait3A_160 : memref<10000x128xf32, #tpu.memory_space<hbm>>) dst(%arg10 : memref<40x128xf32, #tpu.memory_space<vmem>>)
      %dma_wait3A_161 = arith.constant 0 : i32
      %dma_wait3A_162 = tpu.memref_slice %arg9[%add3A_53, %dma_wait3A_161] : memref<125x40xi32, #tpu.memory_space<vmem>> -> memref<1x40xi32, #tpu.memory_space<vmem>>
      %dma_wait3A_163 = tpu.memref_squeeze %dma_wait3A_162 : memref<1x40xi32, #tpu.memory_space<vmem>> -> memref<40xi32, #tpu.memory_space<vmem>>
      %dma_wait3A_164 = arith.constant 0 : i32
      %dma_wait3A_165 = arith.constant 0 : i32
      %dma_wait3A_166 = tpu.memref_slice %arg3[%dma_wait3A_164, %dma_wait3A_165] : memref<10000x128xf32, #tpu.memory_space<hbm>> -> memref<10000x128xf32, #tpu.memory_space<hbm>>
      tpu.wait_indirect_dma semaphore(%arg25 : memref<!tpu.dma_semaphore, #tpu.memory_space<semaphore_mem>>) src(%dma_wait3A_166 : memref<10000x128xf32, #tpu.memory_space<hbm>>) dst(%arg15 : memref<40x128xf32, #tpu.memory_space<vmem>>)
      %mul3A_167 = arith.constant 40 : i32
      %mul3A_168 = arith.muli %add3A_154, %mul3A_167 : i32
      %add3A_169 = arith.addi %mul3A_2, %mul3A_168 : i32
      %multiple_of3A = tpu.assume_multiple %add3A_169, 8 : i32
      %dma_start3A_170 = arith.constant 0 : i32
      %dma_start3A_171 = tpu.memref_slice %arg6[%multiple_of3A, %dma_start3A_170] : memref<160000x128xf32, #tpu.memory_space<hbm>> -> memref<40x128xf32, #tpu.memory_space<hbm>>
      %dma_start3A_172 = arith.constant 0 : i32
      %dma_start3A_173 = tpu.memref_slice %arg6[%multiple_of3A, %dma_start3A_172] : memref<160000x128xf32, #tpu.memory_space<hbm>> -> memref<40x128xf32, #tpu.memory_space<hbm>>
      tpu.enqueue_dma source(%arg10 : memref<40x128xf32, #tpu.memory_space<vmem>>) target(%dma_start3A_173 : memref<40x128xf32, #tpu.memory_space<hbm>>) target_semaphore(%arg30 : memref<!tpu.dma_semaphore, #tpu.memory_space<semaphore_mem>>)
      %dma_start3A_174 = arith.constant 0 : i32
      %dma_start3A_175 = tpu.memref_slice %arg7[%multiple_of3A, %dma_start3A_174] : memref<160000x128xf32, #tpu.memory_space<hbm>> -> memref<40x128xf32, #tpu.memory_space<hbm>>
      %dma_start3A_176 = arith.constant 0 : i32
      %dma_start3A_177 = tpu.memref_slice %arg7[%multiple_of3A, %dma_start3A_176] : memref<160000x128xf32, #tpu.memory_space<hbm>> -> memref<40x128xf32, #tpu.memory_space<hbm>>
      tpu.enqueue_dma source(%arg15 : memref<40x128xf32, #tpu.memory_space<vmem>>) target(%dma_start3A_177 : memref<40x128xf32, #tpu.memory_space<hbm>>) target_semaphore(%arg35 : memref<!tpu.dma_semaphore, #tpu.memory_space<semaphore_mem>>)
      %mul3A_178 = arith.constant 5 : i32
      %mul3A_179 = arith.muli %mul3A_178, %scan3A_48 : i32
      %add3A_180 = arith.constant 1 : i32
      %add3A_181 = arith.addi %mul3A_179, %add3A_180 : i32
      %dma_wait3A_182 = arith.constant 0 : i32
      %dma_wait3A_183 = tpu.memref_slice %arg8[%add3A_70, %dma_wait3A_182] : memref<125x40xi32, #tpu.memory_space<vmem>> -> memref<1x40xi32, #tpu.memory_space<vmem>>
      %dma_wait3A_184 = tpu.memref_squeeze %dma_wait3A_183 : memref<1x40xi32, #tpu.memory_space<vmem>> -> memref<40xi32, #tpu.memory_space<vmem>>
      %dma_wait3A_185 = arith.constant 0 : i32
      %dma_wait3A_186 = arith.constant 0 : i32
      %dma_wait3A_187 = tpu.memref_slice %arg2[%dma_wait3A_185, %dma_wait3A_186] : memref<10000x128xf32, #tpu.memory_space<hbm>> -> memref<10000x128xf32, #tpu.memory_space<hbm>>
      tpu.wait_indirect_dma semaphore(%arg21 : memref<!tpu.dma_semaphore, #tpu.memory_space<semaphore_mem>>) src(%dma_wait3A_187 : memref<10000x128xf32, #tpu.memory_space<hbm>>) dst(%arg11 : memref<40x128xf32, #tpu.memory_space<vmem>>)
      %dma_wait3A_188 = arith.constant 0 : i32
      %dma_wait3A_189 = tpu.memref_slice %arg9[%add3A_70, %dma_wait3A_188] : memref<125x40xi32, #tpu.memory_space<vmem>> -> memref<1x40xi32, #tpu.memory_space<vmem>>
      %dma_wait3A_190 = tpu.memref_squeeze %dma_wait3A_189 : memref<1x40xi32, #tpu.memory_space<vmem>> -> memref<40xi32, #tpu.memory_space<vmem>>
      %dma_wait3A_191 = arith.constant 0 : i32
      %dma_wait3A_192 = arith.constant 0 : i32
      %dma_wait3A_193 = tpu.memref_slice %arg3[%dma_wait3A_191, %dma_wait3A_192] : memref<10000x128xf32, #tpu.memory_space<hbm>> -> memref<10000x128xf32, #tpu.memory_space<hbm>>
      tpu.wait_indirect_dma semaphore(%arg26 : memref<!tpu.dma_semaphore, #tpu.memory_space<semaphore_mem>>) src(%dma_wait3A_193 : memref<10000x128xf32, #tpu.memory_space<hbm>>) dst(%arg16 : memref<40x128xf32, #tpu.memory_space<vmem>>)
      %mul3A_194 = arith.constant 40 : i32
      %mul3A_195 = arith.muli %add3A_181, %mul3A_194 : i32
      %add3A_196 = arith.addi %mul3A_2, %mul3A_195 : i32
      %multiple_of3A_197 = tpu.assume_multiple %add3A_196, 8 : i32
      %dma_start3A_198 = arith.constant 0 : i32
      %dma_start3A_199 = tpu.memref_slice %arg6[%multiple_of3A_197, %dma_start3A_198] : memref<160000x128xf32, #tpu.memory_space<hbm>> -> memref<40x128xf32, #tpu.memory_space<hbm>>
      %dma_start3A_200 = arith.constant 0 : i32
      %dma_start3A_201 = tpu.memref_slice %arg6[%multiple_of3A_197, %dma_start3A_200] : memref<160000x128xf32, #tpu.memory_space<hbm>> -> memref<40x128xf32, #tpu.memory_space<hbm>>
      tpu.enqueue_dma source(%arg11 : memref<40x128xf32, #tpu.memory_space<vmem>>) target(%dma_start3A_201 : memref<40x128xf32, #tpu.memory_space<hbm>>) target_semaphore(%arg31 : memref<!tpu.dma_semaphore, #tpu.memory_space<semaphore_mem>>)
      %dma_start3A_202 = arith.constant 0 : i32
      %dma_start3A_203 = tpu.memref_slice %arg7[%multiple_of3A_197, %dma_start3A_202] : memref<160000x128xf32, #tpu.memory_space<hbm>> -> memref<40x128xf32, #tpu.memory_space<hbm>>
      %dma_start3A_204 = arith.constant 0 : i32
      %dma_start3A_205 = tpu.memref_slice %arg7[%multiple_of3A_197, %dma_start3A_204] : memref<160000x128xf32, #tpu.memory_space<hbm>> -> memref<40x128xf32, #tpu.memory_space<hbm>>
      tpu.enqueue_dma source(%arg16 : memref<40x128xf32, #tpu.memory_space<vmem>>) target(%dma_start3A_205 : memref<40x128xf32, #tpu.memory_space<hbm>>) target_semaphore(%arg36 : memref<!tpu.dma_semaphore, #tpu.memory_space<semaphore_mem>>)
      %mul3A_206 = arith.constant 5 : i32
      %mul3A_207 = arith.muli %mul3A_206, %scan3A_48 : i32
      %add3A_208 = arith.constant 2 : i32
      %add3A_209 = arith.addi %mul3A_207, %add3A_208 : i32
      %dma_wait3A_210 = arith.constant 0 : i32
      %dma_wait3A_211 = tpu.memref_slice %arg8[%add3A_91, %dma_wait3A_210] : memref<125x40xi32, #tpu.memory_space<vmem>> -> memref<1x40xi32, #tpu.memory_space<vmem>>
      %dma_wait3A_212 = tpu.memref_squeeze %dma_wait3A_211 : memref<1x40xi32, #tpu.memory_space<vmem>> -> memref<40xi32, #tpu.memory_space<vmem>>
      %dma_wait3A_213 = arith.constant 0 : i32
      %dma_wait3A_214 = arith.constant 0 : i32
      %dma_wait3A_215 = tpu.memref_slice %arg2[%dma_wait3A_213, %dma_wait3A_214] : memref<10000x128xf32, #tpu.memory_space<hbm>> -> memref<10000x128xf32, #tpu.memory_space<hbm>>
      tpu.wait_indirect_dma semaphore(%arg22 : memref<!tpu.dma_semaphore, #tpu.memory_space<semaphore_mem>>) src(%dma_wait3A_215 : memref<10000x128xf32, #tpu.memory_space<hbm>>) dst(%arg12 : memref<40x128xf32, #tpu.memory_space<vmem>>)
      %dma_wait3A_216 = arith.constant 0 : i32
      %dma_wait3A_217 = tpu.memref_slice %arg9[%add3A_91, %dma_wait3A_216] : memref<125x40xi32, #tpu.memory_space<vmem>> -> memref<1x40xi32, #tpu.memory_space<vmem>>
      %dma_wait3A_218 = tpu.memref_squeeze %dma_wait3A_217 : memref<1x40xi32, #tpu.memory_space<vmem>> -> memref<40xi32, #tpu.memory_space<vmem>>
      %dma_wait3A_219 = arith.constant 0 : i32
      %dma_wait3A_220 = arith.constant 0 : i32
      %dma_wait3A_221 = tpu.memref_slice %arg3[%dma_wait3A_219, %dma_wait3A_220] : memref<10000x128xf32, #tpu.memory_space<hbm>> -> memref<10000x128xf32, #tpu.memory_space<hbm>>
      tpu.wait_indirect_dma semaphore(%arg27 : memref<!tpu.dma_semaphore, #tpu.memory_space<semaphore_mem>>) src(%dma_wait3A_221 : memref<10000x128xf32, #tpu.memory_space<hbm>>) dst(%arg17 : memref<40x128xf32, #tpu.memory_space<vmem>>)
      %mul3A_222 = arith.constant 40 : i32
      %mul3A_223 = arith.muli %add3A_209, %mul3A_222 : i32
      %add3A_224 = arith.addi %mul3A_2, %mul3A_223 : i32
      %multiple_of3A_225 = tpu.assume_multiple %add3A_224, 8 : i32
      %dma_start3A_226 = arith.constant 0 : i32
      %dma_start3A_227 = tpu.memref_slice %arg6[%multiple_of3A_225, %dma_start3A_226] : memref<160000x128xf32, #tpu.memory_space<hbm>> -> memref<40x128xf32, #tpu.memory_space<hbm>>
      %dma_start3A_228 = arith.constant 0 : i32
      %dma_start3A_229 = tpu.memref_slice %arg6[%multiple_of3A_225, %dma_start3A_228] : memref<160000x128xf32, #tpu.memory_space<hbm>> -> memref<40x128xf32, #tpu.memory_space<hbm>>
      tpu.enqueue_dma source(%arg12 : memref<40x128xf32, #tpu.memory_space<vmem>>) target(%dma_start3A_229 : memref<40x128xf32, #tpu.memory_space<hbm>>) target_semaphore(%arg32 : memref<!tpu.dma_semaphore, #tpu.memory_space<semaphore_mem>>)
      %dma_start3A_230 = arith.constant 0 : i32
      %dma_start3A_231 = tpu.memref_slice %arg7[%multiple_of3A_225, %dma_start3A_230] : memref<160000x128xf32, #tpu.memory_space<hbm>> -> memref<40x128xf32, #tpu.memory_space<hbm>>
      %dma_start3A_232 = arith.constant 0 : i32
      %dma_start3A_233 = tpu.memref_slice %arg7[%multiple_of3A_225, %dma_start3A_232] : memref<160000x128xf32, #tpu.memory_space<hbm>> -> memref<40x128xf32, #tpu.memory_space<hbm>>
      tpu.enqueue_dma source(%arg17 : memref<40x128xf32, #tpu.memory_space<vmem>>) target(%dma_start3A_233 : memref<40x128xf32, #tpu.memory_space<hbm>>) target_semaphore(%arg37 : memref<!tpu.dma_semaphore, #tpu.memory_space<semaphore_mem>>)
      %mul3A_234 = arith.constant 5 : i32
      %mul3A_235 = arith.muli %mul3A_234, %scan3A_48 : i32
      %add3A_236 = arith.constant 3 : i32
      %add3A_237 = arith.addi %mul3A_235, %add3A_236 : i32
      %dma_wait3A_238 = arith.constant 0 : i32
      %dma_wait3A_239 = tpu.memref_slice %arg8[%add3A_112, %dma_wait3A_238] : memref<125x40xi32, #tpu.memory_space<vmem>> -> memref<1x40xi32, #tpu.memory_space<vmem>>
      %dma_wait3A_240 = tpu.memref_squeeze %dma_wait3A_239 : memref<1x40xi32, #tpu.memory_space<vmem>> -> memref<40xi32, #tpu.memory_space<vmem>>
      %dma_wait3A_241 = arith.constant 0 : i32
      %dma_wait3A_242 = arith.constant 0 : i32
      %dma_wait3A_243 = tpu.memref_slice %arg2[%dma_wait3A_241, %dma_wait3A_242] : memref<10000x128xf32, #tpu.memory_space<hbm>> -> memref<10000x128xf32, #tpu.memory_space<hbm>>
      tpu.wait_indirect_dma semaphore(%arg23 : memref<!tpu.dma_semaphore, #tpu.memory_space<semaphore_mem>>) src(%dma_wait3A_243 : memref<10000x128xf32, #tpu.memory_space<hbm>>) dst(%arg13 : memref<40x128xf32, #tpu.memory_space<vmem>>)
      %dma_wait3A_244 = arith.constant 0 : i32
      %dma_wait3A_245 = tpu.memref_slice %arg9[%add3A_112, %dma_wait3A_244] : memref<125x40xi32, #tpu.memory_space<vmem>> -> memref<1x40xi32, #tpu.memory_space<vmem>>
      %dma_wait3A_246 = tpu.memref_squeeze %dma_wait3A_245 : memref<1x40xi32, #tpu.memory_space<vmem>> -> memref<40xi32, #tpu.memory_space<vmem>>
      %dma_wait3A_247 = arith.constant 0 : i32
      %dma_wait3A_248 = arith.constant 0 : i32
      %dma_wait3A_249 = tpu.memref_slice %arg3[%dma_wait3A_247, %dma_wait3A_248] : memref<10000x128xf32, #tpu.memory_space<hbm>> -> memref<10000x128xf32, #tpu.memory_space<hbm>>
      tpu.wait_indirect_dma semaphore(%arg28 : memref<!tpu.dma_semaphore, #tpu.memory_space<semaphore_mem>>) src(%dma_wait3A_249 : memref<10000x128xf32, #tpu.memory_space<hbm>>) dst(%arg18 : memref<40x128xf32, #tpu.memory_space<vmem>>)
      %mul3A_250 = arith.constant 40 : i32
      %mul3A_251 = arith.muli %add3A_237, %mul3A_250 : i32
      %add3A_252 = arith.addi %mul3A_2, %mul3A_251 : i32
      %multiple_of3A_253 = tpu.assume_multiple %add3A_252, 8 : i32
      %dma_start3A_254 = arith.constant 0 : i32
      %dma_start3A_255 = tpu.memref_slice %arg6[%multiple_of3A_253, %dma_start3A_254] : memref<160000x128xf32, #tpu.memory_space<hbm>> -> memref<40x128xf32, #tpu.memory_space<hbm>>
      %dma_start3A_256 = arith.constant 0 : i32
      %dma_start3A_257 = tpu.memref_slice %arg6[%multiple_of3A_253, %dma_start3A_256] : memref<160000x128xf32, #tpu.memory_space<hbm>> -> memref<40x128xf32, #tpu.memory_space<hbm>>
      tpu.enqueue_dma source(%arg13 : memref<40x128xf32, #tpu.memory_space<vmem>>) target(%dma_start3A_257 : memref<40x128xf32, #tpu.memory_space<hbm>>) target_semaphore(%arg33 : memref<!tpu.dma_semaphore, #tpu.memory_space<semaphore_mem>>)
      %dma_start3A_258 = arith.constant 0 : i32
      %dma_start3A_259 = tpu.memref_slice %arg7[%multiple_of3A_253, %dma_start3A_258] : memref<160000x128xf32, #tpu.memory_space<hbm>> -> memref<40x128xf32, #tpu.memory_space<hbm>>
      %dma_start3A_260 = arith.constant 0 : i32
      %dma_start3A_261 = tpu.memref_slice %arg7[%multiple_of3A_253, %dma_start3A_260] : memref<160000x128xf32, #tpu.memory_space<hbm>> -> memref<40x128xf32, #tpu.memory_space<hbm>>
      tpu.enqueue_dma source(%arg18 : memref<40x128xf32, #tpu.memory_space<vmem>>) target(%dma_start3A_261 : memref<40x128xf32, #tpu.memory_space<hbm>>) target_semaphore(%arg38 : memref<!tpu.dma_semaphore, #tpu.memory_space<semaphore_mem>>)
      %mul3A_262 = arith.constant 5 : i32
      %mul3A_263 = arith.muli %mul3A_262, %scan3A_48 : i32
      %add3A_264 = arith.constant 4 : i32
      %add3A_265 = arith.addi %mul3A_263, %add3A_264 : i32
      %dma_wait3A_266 = arith.constant 0 : i32
      %dma_wait3A_267 = tpu.memref_slice %arg8[%add3A_133, %dma_wait3A_266] : memref<125x40xi32, #tpu.memory_space<vmem>> -> memref<1x40xi32, #tpu.memory_space<vmem>>
      %dma_wait3A_268 = tpu.memref_squeeze %dma_wait3A_267 : memref<1x40xi32, #tpu.memory_space<vmem>> -> memref<40xi32, #tpu.memory_space<vmem>>
      %dma_wait3A_269 = arith.constant 0 : i32
      %dma_wait3A_270 = arith.constant 0 : i32
      %dma_wait3A_271 = tpu.memref_slice %arg2[%dma_wait3A_269, %dma_wait3A_270] : memref<10000x128xf32, #tpu.memory_space<hbm>> -> memref<10000x128xf32, #tpu.memory_space<hbm>>
      tpu.wait_indirect_dma semaphore(%arg24 : memref<!tpu.dma_semaphore, #tpu.memory_space<semaphore_mem>>) src(%dma_wait3A_271 : memref<10000x128xf32, #tpu.memory_space<hbm>>) dst(%arg14 : memref<40x128xf32, #tpu.memory_space<vmem>>)
      %dma_wait3A_272 = arith.constant 0 : i32
      %dma_wait3A_273 = tpu.memref_slice %arg9[%add3A_133, %dma_wait3A_272] : memref<125x40xi32, #tpu.memory_space<vmem>> -> memref<1x40xi32, #tpu.memory_space<vmem>>
      %dma_wait3A_274 = tpu.memref_squeeze %dma_wait3A_273 : memref<1x40xi32, #tpu.memory_space<vmem>> -> memref<40xi32, #tpu.memory_space<vmem>>
      %dma_wait3A_275 = arith.constant 0 : i32
      %dma_wait3A_276 = arith.constant 0 : i32
      %dma_wait3A_277 = tpu.memref_slice %arg3[%dma_wait3A_275, %dma_wait3A_276] : memref<10000x128xf32, #tpu.memory_space<hbm>> -> memref<10000x128xf32, #tpu.memory_space<hbm>>
      tpu.wait_indirect_dma semaphore(%arg29 : memref<!tpu.dma_semaphore, #tpu.memory_space<semaphore_mem>>) src(%dma_wait3A_277 : memref<10000x128xf32, #tpu.memory_space<hbm>>) dst(%arg19 : memref<40x128xf32, #tpu.memory_space<vmem>>)
      %mul3A_278 = arith.constant 40 : i32
      %mul3A_279 = arith.muli %add3A_265, %mul3A_278 : i32
      %add3A_280 = arith.addi %mul3A_2, %mul3A_279 : i32
      %multiple_of3A_281 = tpu.assume_multiple %add3A_280, 8 : i32
      %dma_start3A_282 = arith.constant 0 : i32
      %dma_start3A_283 = tpu.memref_slice %arg6[%multiple_of3A_281, %dma_start3A_282] : memref<160000x128xf32, #tpu.memory_space<hbm>> -> memref<40x128xf32, #tpu.memory_space<hbm>>
      %dma_start3A_284 = arith.constant 0 : i32
      %dma_start3A_285 = tpu.memref_slice %arg6[%multiple_of3A_281, %dma_start3A_284] : memref<160000x128xf32, #tpu.memory_space<hbm>> -> memref<40x128xf32, #tpu.memory_space<hbm>>
      tpu.enqueue_dma source(%arg14 : memref<40x128xf32, #tpu.memory_space<vmem>>) target(%dma_start3A_285 : memref<40x128xf32, #tpu.memory_space<hbm>>) target_semaphore(%arg34 : memref<!tpu.dma_semaphore, #tpu.memory_space<semaphore_mem>>)
      %dma_start3A_286 = arith.constant 0 : i32
      %dma_start3A_287 = tpu.memref_slice %arg7[%multiple_of3A_281, %dma_start3A_286] : memref<160000x128xf32, #tpu.memory_space<hbm>> -> memref<40x128xf32, #tpu.memory_space<hbm>>
      %dma_start3A_288 = arith.constant 0 : i32
      %dma_start3A_289 = tpu.memref_slice %arg7[%multiple_of3A_281, %dma_start3A_288] : memref<160000x128xf32, #tpu.memory_space<hbm>> -> memref<40x128xf32, #tpu.memory_space<hbm>>
      tpu.enqueue_dma source(%arg19 : memref<40x128xf32, #tpu.memory_space<vmem>>) target(%dma_start3A_289 : memref<40x128xf32, #tpu.memory_space<hbm>>) target_semaphore(%arg39 : memref<!tpu.dma_semaphore, #tpu.memory_space<semaphore_mem>>)
      %scan3A_290 = arith.constant 0 : i32
      scf.yield %scan3A_290 : i32
    }
    %scan3A_8 = arith.constant 25 : i32
    %dma_wait3A = arith.constant 0 : i32
    %dma_wait3A_9 = tpu.memref_slice %arg6[%mul3A_2, %dma_wait3A] : memref<160000x128xf32, #tpu.memory_space<hbm>> -> memref<40x128xf32, #tpu.memory_space<hbm>>
    %dma_wait3A_10 = arith.constant 0 : i32
    %dma_wait3A_11 = tpu.memref_slice %arg6[%mul3A_2, %dma_wait3A_10] : memref<160000x128xf32, #tpu.memory_space<hbm>> -> memref<40x128xf32, #tpu.memory_space<hbm>>
    tpu.wait_dma2 semaphore(%arg30 : memref<!tpu.dma_semaphore, #tpu.memory_space<semaphore_mem>>) src(%arg10 : memref<40x128xf32, #tpu.memory_space<vmem>>) dst(%dma_wait3A_11 : memref<40x128xf32, #tpu.memory_space<hbm>>)
    %dma_wait3A_12 = arith.constant 0 : i32
    %dma_wait3A_13 = tpu.memref_slice %arg7[%mul3A_2, %dma_wait3A_12] : memref<160000x128xf32, #tpu.memory_space<hbm>> -> memref<40x128xf32, #tpu.memory_space<hbm>>
    %dma_wait3A_14 = arith.constant 0 : i32
    %dma_wait3A_15 = tpu.memref_slice %arg7[%mul3A_2, %dma_wait3A_14] : memref<160000x128xf32, #tpu.memory_space<hbm>> -> memref<40x128xf32, #tpu.memory_space<hbm>>
    tpu.wait_dma2 semaphore(%arg35 : memref<!tpu.dma_semaphore, #tpu.memory_space<semaphore_mem>>) src(%arg15 : memref<40x128xf32, #tpu.memory_space<vmem>>) dst(%dma_wait3A_15 : memref<40x128xf32, #tpu.memory_space<hbm>>)
    %dma_wait3A_16 = arith.constant 0 : i32
    %dma_wait3A_17 = tpu.memref_slice %arg6[%mul3A_2, %dma_wait3A_16] : memref<160000x128xf32, #tpu.memory_space<hbm>> -> memref<40x128xf32, #tpu.memory_space<hbm>>
    %dma_wait3A_18 = arith.constant 0 : i32
    %dma_wait3A_19 = tpu.memref_slice %arg6[%mul3A_2, %dma_wait3A_18] : memref<160000x128xf32, #tpu.memory_space<hbm>> -> memref<40x128xf32, #tpu.memory_space<hbm>>
    tpu.wait_dma2 semaphore(%arg31 : memref<!tpu.dma_semaphore, #tpu.memory_space<semaphore_mem>>) src(%arg11 : memref<40x128xf32, #tpu.memory_space<vmem>>) dst(%dma_wait3A_19 : memref<40x128xf32, #tpu.memory_space<hbm>>)
    %dma_wait3A_20 = arith.constant 0 : i32
    %dma_wait3A_21 = tpu.memref_slice %arg7[%mul3A_2, %dma_wait3A_20] : memref<160000x128xf32, #tpu.memory_space<hbm>> -> memref<40x128xf32, #tpu.memory_space<hbm>>
    %dma_wait3A_22 = arith.constant 0 : i32
    %dma_wait3A_23 = tpu.memref_slice %arg7[%mul3A_2, %dma_wait3A_22] : memref<160000x128xf32, #tpu.memory_space<hbm>> -> memref<40x128xf32, #tpu.memory_space<hbm>>
    tpu.wait_dma2 semaphore(%arg36 : memref<!tpu.dma_semaphore, #tpu.memory_space<semaphore_mem>>) src(%arg16 : memref<40x128xf32, #tpu.memory_space<vmem>>) dst(%dma_wait3A_23 : memref<40x128xf32, #tpu.memory_space<hbm>>)
    %dma_wait3A_24 = arith.constant 0 : i32
    %dma_wait3A_25 = tpu.memref_slice %arg6[%mul3A_2, %dma_wait3A_24] : memref<160000x128xf32, #tpu.memory_space<hbm>> -> memref<40x128xf32, #tpu.memory_space<hbm>>
    %dma_wait3A_26 = arith.constant 0 : i32
    %dma_wait3A_27 = tpu.memref_slice %arg6[%mul3A_2, %dma_wait3A_26] : memref<160000x128xf32, #tpu.memory_space<hbm>> -> memref<40x128xf32, #tpu.memory_space<hbm>>
    tpu.wait_dma2 semaphore(%arg32 : memref<!tpu.dma_semaphore, #tpu.memory_space<semaphore_mem>>) src(%arg12 : memref<40x128xf32, #tpu.memory_space<vmem>>) dst(%dma_wait3A_27 : memref<40x128xf32, #tpu.memory_space<hbm>>)
    %dma_wait3A_28 = arith.constant 0 : i32
    %dma_wait3A_29 = tpu.memref_slice %arg7[%mul3A_2, %dma_wait3A_28] : memref<160000x128xf32, #tpu.memory_space<hbm>> -> memref<40x128xf32, #tpu.memory_space<hbm>>
    %dma_wait3A_30 = arith.constant 0 : i32
    %dma_wait3A_31 = tpu.memref_slice %arg7[%mul3A_2, %dma_wait3A_30] : memref<160000x128xf32, #tpu.memory_space<hbm>> -> memref<40x128xf32, #tpu.memory_space<hbm>>
    tpu.wait_dma2 semaphore(%arg37 : memref<!tpu.dma_semaphore, #tpu.memory_space<semaphore_mem>>) src(%arg17 : memref<40x128xf32, #tpu.memory_space<vmem>>) dst(%dma_wait3A_31 : memref<40x128xf32, #tpu.memory_space<hbm>>)
    %dma_wait3A_32 = arith.constant 0 : i32
    %dma_wait3A_33 = tpu.memref_slice %arg6[%mul3A_2, %dma_wait3A_32] : memref<160000x128xf32, #tpu.memory_space<hbm>> -> memref<40x128xf32, #tpu.memory_space<hbm>>
    %dma_wait3A_34 = arith.constant 0 : i32
    %dma_wait3A_35 = tpu.memref_slice %arg6[%mul3A_2, %dma_wait3A_34] : memref<160000x128xf32, #tpu.memory_space<hbm>> -> memref<40x128xf32, #tpu.memory_space<hbm>>
    tpu.wait_dma2 semaphore(%arg33 : memref<!tpu.dma_semaphore, #tpu.memory_space<semaphore_mem>>) src(%arg13 : memref<40x128xf32, #tpu.memory_space<vmem>>) dst(%dma_wait3A_35 : memref<40x128xf32, #tpu.memory_space<hbm>>)
    %dma_wait3A_36 = arith.constant 0 : i32
    %dma_wait3A_37 = tpu.memref_slice %arg7[%mul3A_2, %dma_wait3A_36] : memref<160000x128xf32, #tpu.memory_space<hbm>> -> memref<40x128xf32, #tpu.memory_space<hbm>>
    %dma_wait3A_38 = arith.constant 0 : i32
    %dma_wait3A_39 = tpu.memref_slice %arg7[%mul3A_2, %dma_wait3A_38] : memref<160000x128xf32, #tpu.memory_space<hbm>> -> memref<40x128xf32, #tpu.memory_space<hbm>>
    tpu.wait_dma2 semaphore(%arg38 : memref<!tpu.dma_semaphore, #tpu.memory_space<semaphore_mem>>) src(%arg18 : memref<40x128xf32, #tpu.memory_space<vmem>>) dst(%dma_wait3A_39 : memref<40x128xf32, #tpu.memory_space<hbm>>)
    %dma_wait3A_40 = arith.constant 0 : i32
    %dma_wait3A_41 = tpu.memref_slice %arg6[%mul3A_2, %dma_wait3A_40] : memref<160000x128xf32, #tpu.memory_space<hbm>> -> memref<40x128xf32, #tpu.memory_space<hbm>>
    %dma_wait3A_42 = arith.constant 0 : i32
    %dma_wait3A_43 = tpu.memref_slice %arg6[%mul3A_2, %dma_wait3A_42] : memref<160000x128xf32, #tpu.memory_space<hbm>> -> memref<40x128xf32, #tpu.memory_space<hbm>>
    tpu.wait_dma2 semaphore(%arg34 : memref<!tpu.dma_semaphore, #tpu.memory_space<semaphore_mem>>) src(%arg14 : memref<40x128xf32, #tpu.memory_space<vmem>>) dst(%dma_wait3A_43 : memref<40x128xf32, #tpu.memory_space<hbm>>)
    %dma_wait3A_44 = arith.constant 0 : i32
    %dma_wait3A_45 = tpu.memref_slice %arg7[%mul3A_2, %dma_wait3A_44] : memref<160000x128xf32, #tpu.memory_space<hbm>> -> memref<40x128xf32, #tpu.memory_space<hbm>>
    %dma_wait3A_46 = arith.constant 0 : i32
    %dma_wait3A_47 = tpu.memref_slice %arg7[%mul3A_2, %dma_wait3A_46] : memref<160000x128xf32, #tpu.memory_space<hbm>> -> memref<40x128xf32, #tpu.memory_space<hbm>>
    tpu.wait_dma2 semaphore(%arg39 : memref<!tpu.dma_semaphore, #tpu.memory_space<semaphore_mem>>) src(%arg19 : memref<40x128xf32, #tpu.memory_space<vmem>>) dst(%dma_wait3A_47 : memref<40x128xf32, #tpu.memory_space<hbm>>)
    return
  }
}

#map = affine_map<(d0, d1) -> (0, 0)>
#map1 = affine_map<(d0, d1) -> (0, 0, 0)>
module attributes {stable_mosaic.version = 14 : i64} {
  func.func @_gather_body(%arg0: i32, %arg1: i32, %arg2: memref<10000x128xf32, #tpu.memory_space<hbm>>, %arg3: memref<10000x128xf32, #tpu.memory_space<hbm>>, %arg4: memref<32x125x40xi32, #tpu.memory_space<hbm>>, %arg5: memref<32x125x40xi32, #tpu.memory_space<hbm>>, %arg6: memref<160000x128xf32, #tpu.memory_space<hbm>>, %arg7: memref<160000x128xf32, #tpu.memory_space<hbm>>, %arg8: memref<125x40xi32, #tpu.memory_space<vmem>>, %arg9: memref<125x40xi32, #tpu.memory_space<vmem>>, %arg10: memref<40x128xf32, #tpu.memory_space<vmem>>, %arg11: memref<40x128xf32, #tpu.memory_space<vmem>>, %arg12: memref<40x128xf32, #tpu.memory_space<vmem>>, %arg13: memref<40x128xf32, #tpu.memory_space<vmem>>, %arg14: memref<40x128xf32, #tpu.memory_space<vmem>>, %arg15: memref<40x128xf32, #tpu.memory_space<vmem>>, %arg16: memref<40x128xf32, #tpu.memory_space<vmem>>, %arg17: memref<40x128xf32, #tpu.memory_space<vmem>>, %arg18: memref<40x128xf32, #tpu.memory_space<vmem>>, %arg19: memref<40x128xf32, #tpu.memory_space<vmem>>, %arg20: memref<!tpu.dma_semaphore, #tpu.memory_space<semaphore_mem>>, %arg21: memref<!tpu.dma_semaphore, #tpu.memory_space<semaphore_mem>>, %arg22: memref<!tpu.dma_semaphore, #tpu.memory_space<semaphore_mem>>, %arg23: memref<!tpu.dma_semaphore, #tpu.memory_space<semaphore_mem>>, %arg24: memref<!tpu.dma_semaphore, #tpu.memory_space<semaphore_mem>>, %arg25: memref<!tpu.dma_semaphore, #tpu.memory_space<semaphore_mem>>, %arg26: memref<!tpu.dma_semaphore, #tpu.memory_space<semaphore_mem>>, %arg27: memref<!tpu.dma_semaphore, #tpu.memory_space<semaphore_mem>>, %arg28: memref<!tpu.dma_semaphore, #tpu.memory_space<semaphore_mem>>, %arg29: memref<!tpu.dma_semaphore, #tpu.memory_space<semaphore_mem>>, %arg30: memref<!tpu.dma_semaphore, #tpu.memory_space<semaphore_mem>>, %arg31: memref<!tpu.dma_semaphore, #tpu.memory_space<semaphore_mem>>, %arg32: memref<!tpu.dma_semaphore, #tpu.memory_space<semaphore_mem>>, %arg33: memref<!tpu.dma_semaphore, #tpu.memory_space<semaphore_mem>>, %arg34: memref<!tpu.dma_semaphore, #tpu.memory_space<semaphore_mem>>, %arg35: memref<!tpu.dma_semaphore, #tpu.memory_space<semaphore_mem>>, %arg36: memref<!tpu.dma_semaphore, #tpu.memory_space<semaphore_mem>>, %arg37: memref<!tpu.dma_semaphore, #tpu.memory_space<semaphore_mem>>, %arg38: memref<!tpu.dma_semaphore, #tpu.memory_space<semaphore_mem>>, %arg39: memref<!tpu.dma_semaphore, #tpu.memory_space<semaphore_mem>>) attributes {dimension_semantics = [#tpu.dimension_semantics<core_parallel>, #tpu.dimension_semantics<subcore_parallel>], iteration_bounds = array<i64: 2, 16>, scalar_prefetch = 0 : i64, scratch_operands = 32 : i64, tpu.core_type = #tpu.core_type<sc_vector_subcore>, window_params = [{transform_indices = #map}, {transform_indices = #map}, {transform_indices = #map1}, {transform_indices = #map1}, {transform_indices = #map}, {transform_indices = #map}]} {
    %mul3A = arith.constant 16 : i32
    %mul3A_0 = arith.muli %arg0, %mul3A : i32
    %add3A = arith.addi %mul3A_0, %arg1 : i32
    %mul3A_1 = arith.constant 5000 : i32
    %mul3A_2 = arith.muli %add3A, %mul3A_1 : i32
    "tpu.region"() ({
      %run_scoped3A = tpu.sem_alloc : memref<!tpu.dma_semaphore, #tpu.memory_space<semaphore_mem>>
      %dma_start3A = arith.constant 0 : i32
      %dma_start3A_48 = arith.constant 0 : i32
      %dma_start3A_49 = tpu.memref_slice %arg4[%add3A, %dma_start3A, %dma_start3A_48] : memref<32x125x40xi32, #tpu.memory_space<hbm>> -> memref<1x125x40xi32, #tpu.memory_space<hbm>>
      %dma_start3A_50 = tpu.memref_squeeze %dma_start3A_49 : memref<1x125x40xi32, #tpu.memory_space<hbm>> -> memref<125x40xi32, #tpu.memory_space<hbm>>
      %dma_start3A_51 = arith.constant 0 : i32
      %dma_start3A_52 = arith.constant 0 : i32
      %dma_start3A_53 = tpu.memref_slice %arg4[%add3A, %dma_start3A_51, %dma_start3A_52] : memref<32x125x40xi32, #tpu.memory_space<hbm>> -> memref<1x125x40xi32, #tpu.memory_space<hbm>>
      %dma_start3A_54 = tpu.memref_squeeze %dma_start3A_53 : memref<1x125x40xi32, #tpu.memory_space<hbm>> -> memref<125x40xi32, #tpu.memory_space<hbm>>
      tpu.enqueue_dma source(%dma_start3A_54 : memref<125x40xi32, #tpu.memory_space<hbm>>) target(%arg8 : memref<125x40xi32, #tpu.memory_space<vmem>>) target_semaphore(%run_scoped3A : memref<!tpu.dma_semaphore, #tpu.memory_space<semaphore_mem>>)
      %dma_wait3A_55 = arith.constant 0 : i32
      %dma_wait3A_56 = arith.constant 0 : i32
      %dma_wait3A_57 = tpu.memref_slice %arg4[%add3A, %dma_wait3A_55, %dma_wait3A_56] : memref<32x125x40xi32, #tpu.memory_space<hbm>> -> memref<1x125x40xi32, #tpu.memory_space<hbm>>
      %dma_wait3A_58 = tpu.memref_squeeze %dma_wait3A_57 : memref<1x125x40xi32, #tpu.memory_space<hbm>> -> memref<125x40xi32, #tpu.memory_space<hbm>>
      %dma_wait3A_59 = arith.constant 0 : i32
      %dma_wait3A_60 = arith.constant 0 : i32
      %dma_wait3A_61 = tpu.memref_slice %arg4[%add3A, %dma_wait3A_59, %dma_wait3A_60] : memref<32x125x40xi32, #tpu.memory_space<hbm>> -> memref<1x125x40xi32, #tpu.memory_space<hbm>>
      %dma_wait3A_62 = tpu.memref_squeeze %dma_wait3A_61 : memref<1x125x40xi32, #tpu.memory_space<hbm>> -> memref<125x40xi32, #tpu.memory_space<hbm>>
      tpu.wait_dma2 semaphore(%run_scoped3A : memref<!tpu.dma_semaphore, #tpu.memory_space<semaphore_mem>>) src(%dma_wait3A_62 : memref<125x40xi32, #tpu.memory_space<hbm>>) dst(%arg8 : memref<125x40xi32, #tpu.memory_space<vmem>>)
      tpu.yield
    }) : () -> ()
    "tpu.region"() ({
      %run_scoped3A = tpu.sem_alloc : memref<!tpu.dma_semaphore, #tpu.memory_space<semaphore_mem>>
      %dma_start3A = arith.constant 0 : i32
      %dma_start3A_48 = arith.constant 0 : i32
      %dma_start3A_49 = tpu.memref_slice %arg5[%add3A, %dma_start3A, %dma_start3A_48] : memref<32x125x40xi32, #tpu.memory_space<hbm>> -> memref<1x125x40xi32, #tpu.memory_space<hbm>>
      %dma_start3A_50 = tpu.memref_squeeze %dma_start3A_49 : memref<1x125x40xi32, #tpu.memory_space<hbm>> -> memref<125x40xi32, #tpu.memory_space<hbm>>
      %dma_start3A_51 = arith.constant 0 : i32
      %dma_start3A_52 = arith.constant 0 : i32
      %dma_start3A_53 = tpu.memref_slice %arg5[%add3A, %dma_start3A_51, %dma_start3A_52] : memref<32x125x40xi32, #tpu.memory_space<hbm>> -> memref<1x125x40xi32, #tpu.memory_space<hbm>>
      %dma_start3A_54 = tpu.memref_squeeze %dma_start3A_53 : memref<1x125x40xi32, #tpu.memory_space<hbm>> -> memref<125x40xi32, #tpu.memory_space<hbm>>
      tpu.enqueue_dma source(%dma_start3A_54 : memref<125x40xi32, #tpu.memory_space<hbm>>) target(%arg9 : memref<125x40xi32, #tpu.memory_space<vmem>>) target_semaphore(%run_scoped3A : memref<!tpu.dma_semaphore, #tpu.memory_space<semaphore_mem>>)
      %dma_wait3A_55 = arith.constant 0 : i32
      %dma_wait3A_56 = arith.constant 0 : i32
      %dma_wait3A_57 = tpu.memref_slice %arg5[%add3A, %dma_wait3A_55, %dma_wait3A_56] : memref<32x125x40xi32, #tpu.memory_space<hbm>> -> memref<1x125x40xi32, #tpu.memory_space<hbm>>
      %dma_wait3A_58 = tpu.memref_squeeze %dma_wait3A_57 : memref<1x125x40xi32, #tpu.memory_space<hbm>> -> memref<125x40xi32, #tpu.memory_space<hbm>>
      %dma_wait3A_59 = arith.constant 0 : i32
      %dma_wait3A_60 = arith.constant 0 : i32
      %dma_wait3A_61 = tpu.memref_slice %arg5[%add3A, %dma_wait3A_59, %dma_wait3A_60] : memref<32x125x40xi32, #tpu.memory_space<hbm>> -> memref<1x125x40xi32, #tpu.memory_space<hbm>>
      %dma_wait3A_62 = tpu.memref_squeeze %dma_wait3A_61 : memref<1x125x40xi32, #tpu.memory_space<hbm>> -> memref<125x40xi32, #tpu.memory_space<hbm>>
      tpu.wait_dma2 semaphore(%run_scoped3A : memref<!tpu.dma_semaphore, #tpu.memory_space<semaphore_mem>>) src(%dma_wait3A_62 : memref<125x40xi32, #tpu.memory_space<hbm>>) dst(%arg9 : memref<125x40xi32, #tpu.memory_space<vmem>>)
      tpu.yield
    }) : () -> ()
    %scan3A = arith.constant 0 : i32
    %scan3A_3 = arith.constant 0 : i32
    %scan3A_4 = arith.constant 25 : i32
    %scan3A_5 = arith.addi %scan3A_3, %scan3A_4 : i32
    %scan3A_6 = arith.constant 1 : i32
    %scan3A_7 = scf.for %scan3A_48 = %scan3A_3 to %scan3A_5 step %scan3A_6 iter_args(%scan3A_49 = %scan3A) -> (i32)  : i32 {
      %mul3A_50 = arith.constant 5 : i32
      %mul3A_51 = arith.muli %mul3A_50, %scan3A_48 : i32
      %add3A_52 = arith.constant 0 : i32
      %add3A_53 = arith.addi %mul3A_51, %add3A_52 : i32
      %gt3A = arith.constant 0 : i32
      %gt3A_54 = arith.cmpi sgt, %scan3A_48, %gt3A : i32
      %convert_element_type3A = arith.extui %gt3A_54 : i1 to i32
      %cond3A = arith.constant 0 : i32
      %cond3A_55 = arith.cmpi ne, %convert_element_type3A, %cond3A : i32
      scf.if %cond3A_55 {
        %dma_wait3A_291 = arith.constant 0 : i32
        %dma_wait3A_292 = tpu.memref_slice %arg6[%mul3A_2, %dma_wait3A_291] : memref<160000x128xf32, #tpu.memory_space<hbm>> -> memref<40x128xf32, #tpu.memory_space<hbm>>
        %dma_wait3A_293 = arith.constant 0 : i32
        %dma_wait3A_294 = tpu.memref_slice %arg6[%mul3A_2, %dma_wait3A_293] : memref<160000x128xf32, #tpu.memory_space<hbm>> -> memref<40x128xf32, #tpu.memory_space<hbm>>
        tpu.wait_dma2 semaphore(%arg30 : memref<!tpu.dma_semaphore, #tpu.memory_space<semaphore_mem>>) src(%arg10 : memref<40x128xf32, #tpu.memory_space<vmem>>) dst(%dma_wait3A_294 : memref<40x128xf32, #tpu.memory_space<hbm>>)
        %dma_wait3A_295 = arith.constant 0 : i32
        %dma_wait3A_296 = tpu.memref_slice %arg7[%mul3A_2, %dma_wait3A_295] : memref<160000x128xf32, #tpu.memory_space<hbm>> -> memref<40x128xf32, #tpu.memory_space<hbm>>
        %dma_wait3A_297 = arith.constant 0 : i32
        %dma_wait3A_298 = tpu.memref_slice %arg7[%mul3A_2, %dma_wait3A_297] : memref<160000x128xf32, #tpu.memory_space<hbm>> -> memref<40x128xf32, #tpu.memory_space<hbm>>
        tpu.wait_dma2 semaphore(%arg35 : memref<!tpu.dma_semaphore, #tpu.memory_space<semaphore_mem>>) src(%arg15 : memref<40x128xf32, #tpu.memory_space<vmem>>) dst(%dma_wait3A_298 : memref<40x128xf32, #tpu.memory_space<hbm>>)
      } else {
      }
      %dma_start3A = arith.constant 0 : i32
      %dma_start3A_56 = tpu.memref_slice %arg8[%add3A_53, %dma_start3A] : memref<125x40xi32, #tpu.memory_space<vmem>> -> memref<1x40xi32, #tpu.memory_space<vmem>>
      %dma_start3A_57 = tpu.memref_squeeze %dma_start3A_56 : memref<1x40xi32, #tpu.memory_space<vmem>> -> memref<40xi32, #tpu.memory_space<vmem>>
      %dma_start3A_58 = arith.constant 0 : i32
      %dma_start3A_59 = arith.constant 0 : i32
      %dma_start3A_60 = tpu.memref_slice %arg2[%dma_start3A_58, %dma_start3A_59] : memref<10000x128xf32, #tpu.memory_space<hbm>> -> memref<10000x128xf32, #tpu.memory_space<hbm>>
      tpu.enqueue_indirect_dma source(%dma_start3A_60 : memref<10000x128xf32, #tpu.memory_space<hbm>>) target(%arg10 : memref<40x128xf32, #tpu.memory_space<vmem>>) offsets(%dma_start3A_57 : memref<40xi32, #tpu.memory_space<vmem>>) semaphore(%arg20 : memref<!tpu.dma_semaphore, #tpu.memory_space<semaphore_mem>>)
      %dma_start3A_61 = arith.constant 0 : i32
      %dma_start3A_62 = tpu.memref_slice %arg9[%add3A_53, %dma_start3A_61] : memref<125x40xi32, #tpu.memory_space<vmem>> -> memref<1x40xi32, #tpu.memory_space<vmem>>
      %dma_start3A_63 = tpu.memref_squeeze %dma_start3A_62 : memref<1x40xi32, #tpu.memory_space<vmem>> -> memref<40xi32, #tpu.memory_space<vmem>>
      %dma_start3A_64 = arith.constant 0 : i32
      %dma_start3A_65 = arith.constant 0 : i32
      %dma_start3A_66 = tpu.memref_slice %arg3[%dma_start3A_64, %dma_start3A_65] : memref<10000x128xf32, #tpu.memory_space<hbm>> -> memref<10000x128xf32, #tpu.memory_space<hbm>>
      tpu.enqueue_indirect_dma source(%dma_start3A_66 : memref<10000x128xf32, #tpu.memory_space<hbm>>) target(%arg15 : memref<40x128xf32, #tpu.memory_space<vmem>>) offsets(%dma_start3A_63 : memref<40xi32, #tpu.memory_space<vmem>>) semaphore(%arg25 : memref<!tpu.dma_semaphore, #tpu.memory_space<semaphore_mem>>)
      %mul3A_67 = arith.constant 5 : i32
      %mul3A_68 = arith.muli %mul3A_67, %scan3A_48 : i32
      %add3A_69 = arith.constant 1 : i32
      %add3A_70 = arith.addi %mul3A_68, %add3A_69 : i32
      %gt3A_71 = arith.constant 0 : i32
      %gt3A_72 = arith.cmpi sgt, %scan3A_48, %gt3A_71 : i32
      %convert_element_type3A_73 = arith.extui %gt3A_72 : i1 to i32
      %cond3A_74 = arith.constant 0 : i32
      %cond3A_75 = arith.cmpi ne, %convert_element_type3A_73, %cond3A_74 : i32
      scf.if %cond3A_75 {
        %dma_wait3A_291 = arith.constant 0 : i32
        %dma_wait3A_292 = tpu.memref_slice %arg6[%mul3A_2, %dma_wait3A_291] : memref<160000x128xf32, #tpu.memory_space<hbm>> -> memref<40x128xf32, #tpu.memory_space<hbm>>
        %dma_wait3A_293 = arith.constant 0 : i32
        %dma_wait3A_294 = tpu.memref_slice %arg6[%mul3A_2, %dma_wait3A_293] : memref<160000x128xf32, #tpu.memory_space<hbm>> -> memref<40x128xf32, #tpu.memory_space<hbm>>
        tpu.wait_dma2 semaphore(%arg31 : memref<!tpu.dma_semaphore, #tpu.memory_space<semaphore_mem>>) src(%arg11 : memref<40x128xf32, #tpu.memory_space<vmem>>) dst(%dma_wait3A_294 : memref<40x128xf32, #tpu.memory_space<hbm>>)
        %dma_wait3A_295 = arith.constant 0 : i32
        %dma_wait3A_296 = tpu.memref_slice %arg7[%mul3A_2, %dma_wait3A_295] : memref<160000x128xf32, #tpu.memory_space<hbm>> -> memref<40x128xf32, #tpu.memory_space<hbm>>
        %dma_wait3A_297 = arith.constant 0 : i32
        %dma_wait3A_298 = tpu.memref_slice %arg7[%mul3A_2, %dma_wait3A_297] : memref<160000x128xf32, #tpu.memory_space<hbm>> -> memref<40x128xf32, #tpu.memory_space<hbm>>
        tpu.wait_dma2 semaphore(%arg36 : memref<!tpu.dma_semaphore, #tpu.memory_space<semaphore_mem>>) src(%arg16 : memref<40x128xf32, #tpu.memory_space<vmem>>) dst(%dma_wait3A_298 : memref<40x128xf32, #tpu.memory_space<hbm>>)
      } else {
      }
      %dma_start3A_76 = arith.constant 0 : i32
      %dma_start3A_77 = tpu.memref_slice %arg8[%add3A_70, %dma_start3A_76] : memref<125x40xi32, #tpu.memory_space<vmem>> -> memref<1x40xi32, #tpu.memory_space<vmem>>
      %dma_start3A_78 = tpu.memref_squeeze %dma_start3A_77 : memref<1x40xi32, #tpu.memory_space<vmem>> -> memref<40xi32, #tpu.memory_space<vmem>>
      %dma_start3A_79 = arith.constant 0 : i32
      %dma_start3A_80 = arith.constant 0 : i32
      %dma_start3A_81 = tpu.memref_slice %arg2[%dma_start3A_79, %dma_start3A_80] : memref<10000x128xf32, #tpu.memory_space<hbm>> -> memref<10000x128xf32, #tpu.memory_space<hbm>>
      tpu.enqueue_indirect_dma source(%dma_start3A_81 : memref<10000x128xf32, #tpu.memory_space<hbm>>) target(%arg11 : memref<40x128xf32, #tpu.memory_space<vmem>>) offsets(%dma_start3A_78 : memref<40xi32, #tpu.memory_space<vmem>>) semaphore(%arg21 : memref<!tpu.dma_semaphore, #tpu.memory_space<semaphore_mem>>)
      %dma_start3A_82 = arith.constant 0 : i32
      %dma_start3A_83 = tpu.memref_slice %arg9[%add3A_70, %dma_start3A_82] : memref<125x40xi32, #tpu.memory_space<vmem>> -> memref<1x40xi32, #tpu.memory_space<vmem>>
      %dma_start3A_84 = tpu.memref_squeeze %dma_start3A_83 : memref<1x40xi32, #tpu.memory_space<vmem>> -> memref<40xi32, #tpu.memory_space<vmem>>
      %dma_start3A_85 = arith.constant 0 : i32
      %dma_start3A_86 = arith.constant 0 : i32
      %dma_start3A_87 = tpu.memref_slice %arg3[%dma_start3A_85, %dma_start3A_86] : memref<10000x128xf32, #tpu.memory_space<hbm>> -> memref<10000x128xf32, #tpu.memory_space<hbm>>
      tpu.enqueue_indirect_dma source(%dma_start3A_87 : memref<10000x128xf32, #tpu.memory_space<hbm>>) target(%arg16 : memref<40x128xf32, #tpu.memory_space<vmem>>) offsets(%dma_start3A_84 : memref<40xi32, #tpu.memory_space<vmem>>) semaphore(%arg26 : memref<!tpu.dma_semaphore, #tpu.memory_space<semaphore_mem>>)
      %mul3A_88 = arith.constant 5 : i32
      %mul3A_89 = arith.muli %mul3A_88, %scan3A_48 : i32
      %add3A_90 = arith.constant 2 : i32
      %add3A_91 = arith.addi %mul3A_89, %add3A_90 : i32
      %gt3A_92 = arith.constant 0 : i32
      %gt3A_93 = arith.cmpi sgt, %scan3A_48, %gt3A_92 : i32
      %convert_element_type3A_94 = arith.extui %gt3A_93 : i1 to i32
      %cond3A_95 = arith.constant 0 : i32
      %cond3A_96 = arith.cmpi ne, %convert_element_type3A_94, %cond3A_95 : i32
      scf.if %cond3A_96 {
        %dma_wait3A_291 = arith.constant 0 : i32
        %dma_wait3A_292 = tpu.memref_slice %arg6[%mul3A_2, %dma_wait3A_291] : memref<160000x128xf32, #tpu.memory_space<hbm>> -> memref<40x128xf32, #tpu.memory_space<hbm>>
        %dma_wait3A_293 = arith.constant 0 : i32
        %dma_wait3A_294 = tpu.memref_slice %arg6[%mul3A_2, %dma_wait3A_293] : memref<160000x128xf32, #tpu.memory_space<hbm>> -> memref<40x128xf32, #tpu.memory_space<hbm>>
        tpu.wait_dma2 semaphore(%arg32 : memref<!tpu.dma_semaphore, #tpu.memory_space<semaphore_mem>>) src(%arg12 : memref<40x128xf32, #tpu.memory_space<vmem>>) dst(%dma_wait3A_294 : memref<40x128xf32, #tpu.memory_space<hbm>>)
        %dma_wait3A_295 = arith.constant 0 : i32
        %dma_wait3A_296 = tpu.memref_slice %arg7[%mul3A_2, %dma_wait3A_295] : memref<160000x128xf32, #tpu.memory_space<hbm>> -> memref<40x128xf32, #tpu.memory_space<hbm>>
        %dma_wait3A_297 = arith.constant 0 : i32
        %dma_wait3A_298 = tpu.memref_slice %arg7[%mul3A_2, %dma_wait3A_297] : memref<160000x128xf32, #tpu.memory_space<hbm>> -> memref<40x128xf32, #tpu.memory_space<hbm>>
        tpu.wait_dma2 semaphore(%arg37 : memref<!tpu.dma_semaphore, #tpu.memory_space<semaphore_mem>>) src(%arg17 : memref<40x128xf32, #tpu.memory_space<vmem>>) dst(%dma_wait3A_298 : memref<40x128xf32, #tpu.memory_space<hbm>>)
      } else {
      }
      %dma_start3A_97 = arith.constant 0 : i32
      %dma_start3A_98 = tpu.memref_slice %arg8[%add3A_91, %dma_start3A_97] : memref<125x40xi32, #tpu.memory_space<vmem>> -> memref<1x40xi32, #tpu.memory_space<vmem>>
      %dma_start3A_99 = tpu.memref_squeeze %dma_start3A_98 : memref<1x40xi32, #tpu.memory_space<vmem>> -> memref<40xi32, #tpu.memory_space<vmem>>
      %dma_start3A_100 = arith.constant 0 : i32
      %dma_start3A_101 = arith.constant 0 : i32
      %dma_start3A_102 = tpu.memref_slice %arg2[%dma_start3A_100, %dma_start3A_101] : memref<10000x128xf32, #tpu.memory_space<hbm>> -> memref<10000x128xf32, #tpu.memory_space<hbm>>
      tpu.enqueue_indirect_dma source(%dma_start3A_102 : memref<10000x128xf32, #tpu.memory_space<hbm>>) target(%arg12 : memref<40x128xf32, #tpu.memory_space<vmem>>) offsets(%dma_start3A_99 : memref<40xi32, #tpu.memory_space<vmem>>) semaphore(%arg22 : memref<!tpu.dma_semaphore, #tpu.memory_space<semaphore_mem>>)
      %dma_start3A_103 = arith.constant 0 : i32
      %dma_start3A_104 = tpu.memref_slice %arg9[%add3A_91, %dma_start3A_103] : memref<125x40xi32, #tpu.memory_space<vmem>> -> memref<1x40xi32, #tpu.memory_space<vmem>>
      %dma_start3A_105 = tpu.memref_squeeze %dma_start3A_104 : memref<1x40xi32, #tpu.memory_space<vmem>> -> memref<40xi32, #tpu.memory_space<vmem>>
      %dma_start3A_106 = arith.constant 0 : i32
      %dma_start3A_107 = arith.constant 0 : i32
      %dma_start3A_108 = tpu.memref_slice %arg3[%dma_start3A_106, %dma_start3A_107] : memref<10000x128xf32, #tpu.memory_space<hbm>> -> memref<10000x128xf32, #tpu.memory_space<hbm>>
      tpu.enqueue_indirect_dma source(%dma_start3A_108 : memref<10000x128xf32, #tpu.memory_space<hbm>>) target(%arg17 : memref<40x128xf32, #tpu.memory_space<vmem>>) offsets(%dma_start3A_105 : memref<40xi32, #tpu.memory_space<vmem>>) semaphore(%arg27 : memref<!tpu.dma_semaphore, #tpu.memory_space<semaphore_mem>>)
      %mul3A_109 = arith.constant 5 : i32
      %mul3A_110 = arith.muli %mul3A_109, %scan3A_48 : i32
      %add3A_111 = arith.constant 3 : i32
      %add3A_112 = arith.addi %mul3A_110, %add3A_111 : i32
      %gt3A_113 = arith.constant 0 : i32
      %gt3A_114 = arith.cmpi sgt, %scan3A_48, %gt3A_113 : i32
      %convert_element_type3A_115 = arith.extui %gt3A_114 : i1 to i32
      %cond3A_116 = arith.constant 0 : i32
      %cond3A_117 = arith.cmpi ne, %convert_element_type3A_115, %cond3A_116 : i32
      scf.if %cond3A_117 {
        %dma_wait3A_291 = arith.constant 0 : i32
        %dma_wait3A_292 = tpu.memref_slice %arg6[%mul3A_2, %dma_wait3A_291] : memref<160000x128xf32, #tpu.memory_space<hbm>> -> memref<40x128xf32, #tpu.memory_space<hbm>>
        %dma_wait3A_293 = arith.constant 0 : i32
        %dma_wait3A_294 = tpu.memref_slice %arg6[%mul3A_2, %dma_wait3A_293] : memref<160000x128xf32, #tpu.memory_space<hbm>> -> memref<40x128xf32, #tpu.memory_space<hbm>>
        tpu.wait_dma2 semaphore(%arg33 : memref<!tpu.dma_semaphore, #tpu.memory_space<semaphore_mem>>) src(%arg13 : memref<40x128xf32, #tpu.memory_space<vmem>>) dst(%dma_wait3A_294 : memref<40x128xf32, #tpu.memory_space<hbm>>)
        %dma_wait3A_295 = arith.constant 0 : i32
        %dma_wait3A_296 = tpu.memref_slice %arg7[%mul3A_2, %dma_wait3A_295] : memref<160000x128xf32, #tpu.memory_space<hbm>> -> memref<40x128xf32, #tpu.memory_space<hbm>>
        %dma_wait3A_297 = arith.constant 0 : i32
        %dma_wait3A_298 = tpu.memref_slice %arg7[%mul3A_2, %dma_wait3A_297] : memref<160000x128xf32, #tpu.memory_space<hbm>> -> memref<40x128xf32, #tpu.memory_space<hbm>>
        tpu.wait_dma2 semaphore(%arg38 : memref<!tpu.dma_semaphore, #tpu.memory_space<semaphore_mem>>) src(%arg18 : memref<40x128xf32, #tpu.memory_space<vmem>>) dst(%dma_wait3A_298 : memref<40x128xf32, #tpu.memory_space<hbm>>)
      } else {
      }
      %dma_start3A_118 = arith.constant 0 : i32
      %dma_start3A_119 = tpu.memref_slice %arg8[%add3A_112, %dma_start3A_118] : memref<125x40xi32, #tpu.memory_space<vmem>> -> memref<1x40xi32, #tpu.memory_space<vmem>>
      %dma_start3A_120 = tpu.memref_squeeze %dma_start3A_119 : memref<1x40xi32, #tpu.memory_space<vmem>> -> memref<40xi32, #tpu.memory_space<vmem>>
      %dma_start3A_121 = arith.constant 0 : i32
      %dma_start3A_122 = arith.constant 0 : i32
      %dma_start3A_123 = tpu.memref_slice %arg2[%dma_start3A_121, %dma_start3A_122] : memref<10000x128xf32, #tpu.memory_space<hbm>> -> memref<10000x128xf32, #tpu.memory_space<hbm>>
      tpu.enqueue_indirect_dma source(%dma_start3A_123 : memref<10000x128xf32, #tpu.memory_space<hbm>>) target(%arg13 : memref<40x128xf32, #tpu.memory_space<vmem>>) offsets(%dma_start3A_120 : memref<40xi32, #tpu.memory_space<vmem>>) semaphore(%arg23 : memref<!tpu.dma_semaphore, #tpu.memory_space<semaphore_mem>>)
      %dma_start3A_124 = arith.constant 0 : i32
      %dma_start3A_125 = tpu.memref_slice %arg9[%add3A_112, %dma_start3A_124] : memref<125x40xi32, #tpu.memory_space<vmem>> -> memref<1x40xi32, #tpu.memory_space<vmem>>
      %dma_start3A_126 = tpu.memref_squeeze %dma_start3A_125 : memref<1x40xi32, #tpu.memory_space<vmem>> -> memref<40xi32, #tpu.memory_space<vmem>>
      %dma_start3A_127 = arith.constant 0 : i32
      %dma_start3A_128 = arith.constant 0 : i32
      %dma_start3A_129 = tpu.memref_slice %arg3[%dma_start3A_127, %dma_start3A_128] : memref<10000x128xf32, #tpu.memory_space<hbm>> -> memref<10000x128xf32, #tpu.memory_space<hbm>>
      tpu.enqueue_indirect_dma source(%dma_start3A_129 : memref<10000x128xf32, #tpu.memory_space<hbm>>) target(%arg18 : memref<40x128xf32, #tpu.memory_space<vmem>>) offsets(%dma_start3A_126 : memref<40xi32, #tpu.memory_space<vmem>>) semaphore(%arg28 : memref<!tpu.dma_semaphore, #tpu.memory_space<semaphore_mem>>)
      %mul3A_130 = arith.constant 5 : i32
      %mul3A_131 = arith.muli %mul3A_130, %scan3A_48 : i32
      %add3A_132 = arith.constant 4 : i32
      %add3A_133 = arith.addi %mul3A_131, %add3A_132 : i32
      %gt3A_134 = arith.constant 0 : i32
      %gt3A_135 = arith.cmpi sgt, %scan3A_48, %gt3A_134 : i32
      %convert_element_type3A_136 = arith.extui %gt3A_135 : i1 to i32
      %cond3A_137 = arith.constant 0 : i32
      %cond3A_138 = arith.cmpi ne, %convert_element_type3A_136, %cond3A_137 : i32
      scf.if %cond3A_138 {
        %dma_wait3A_291 = arith.constant 0 : i32
        %dma_wait3A_292 = tpu.memref_slice %arg6[%mul3A_2, %dma_wait3A_291] : memref<160000x128xf32, #tpu.memory_space<hbm>> -> memref<40x128xf32, #tpu.memory_space<hbm>>
        %dma_wait3A_293 = arith.constant 0 : i32
        %dma_wait3A_294 = tpu.memref_slice %arg6[%mul3A_2, %dma_wait3A_293] : memref<160000x128xf32, #tpu.memory_space<hbm>> -> memref<40x128xf32, #tpu.memory_space<hbm>>
        tpu.wait_dma2 semaphore(%arg34 : memref<!tpu.dma_semaphore, #tpu.memory_space<semaphore_mem>>) src(%arg14 : memref<40x128xf32, #tpu.memory_space<vmem>>) dst(%dma_wait3A_294 : memref<40x128xf32, #tpu.memory_space<hbm>>)
        %dma_wait3A_295 = arith.constant 0 : i32
        %dma_wait3A_296 = tpu.memref_slice %arg7[%mul3A_2, %dma_wait3A_295] : memref<160000x128xf32, #tpu.memory_space<hbm>> -> memref<40x128xf32, #tpu.memory_space<hbm>>
        %dma_wait3A_297 = arith.constant 0 : i32
        %dma_wait3A_298 = tpu.memref_slice %arg7[%mul3A_2, %dma_wait3A_297] : memref<160000x128xf32, #tpu.memory_space<hbm>> -> memref<40x128xf32, #tpu.memory_space<hbm>>
        tpu.wait_dma2 semaphore(%arg39 : memref<!tpu.dma_semaphore, #tpu.memory_space<semaphore_mem>>) src(%arg19 : memref<40x128xf32, #tpu.memory_space<vmem>>) dst(%dma_wait3A_298 : memref<40x128xf32, #tpu.memory_space<hbm>>)
      } else {
      }
      %dma_start3A_139 = arith.constant 0 : i32
      %dma_start3A_140 = tpu.memref_slice %arg8[%add3A_133, %dma_start3A_139] : memref<125x40xi32, #tpu.memory_space<vmem>> -> memref<1x40xi32, #tpu.memory_space<vmem>>
      %dma_start3A_141 = tpu.memref_squeeze %dma_start3A_140 : memref<1x40xi32, #tpu.memory_space<vmem>> -> memref<40xi32, #tpu.memory_space<vmem>>
      %dma_start3A_142 = arith.constant 0 : i32
      %dma_start3A_143 = arith.constant 0 : i32
      %dma_start3A_144 = tpu.memref_slice %arg2[%dma_start3A_142, %dma_start3A_143] : memref<10000x128xf32, #tpu.memory_space<hbm>> -> memref<10000x128xf32, #tpu.memory_space<hbm>>
      tpu.enqueue_indirect_dma source(%dma_start3A_144 : memref<10000x128xf32, #tpu.memory_space<hbm>>) target(%arg14 : memref<40x128xf32, #tpu.memory_space<vmem>>) offsets(%dma_start3A_141 : memref<40xi32, #tpu.memory_space<vmem>>) semaphore(%arg24 : memref<!tpu.dma_semaphore, #tpu.memory_space<semaphore_mem>>)
      %dma_start3A_145 = arith.constant 0 : i32
      %dma_start3A_146 = tpu.memref_slice %arg9[%add3A_133, %dma_start3A_145] : memref<125x40xi32, #tpu.memory_space<vmem>> -> memref<1x40xi32, #tpu.memory_space<vmem>>
      %dma_start3A_147 = tpu.memref_squeeze %dma_start3A_146 : memref<1x40xi32, #tpu.memory_space<vmem>> -> memref<40xi32, #tpu.memory_space<vmem>>
      %dma_start3A_148 = arith.constant 0 : i32
      %dma_start3A_149 = arith.constant 0 : i32
      %dma_start3A_150 = tpu.memref_slice %arg3[%dma_start3A_148, %dma_start3A_149] : memref<10000x128xf32, #tpu.memory_space<hbm>> -> memref<10000x128xf32, #tpu.memory_space<hbm>>
      tpu.enqueue_indirect_dma source(%dma_start3A_150 : memref<10000x128xf32, #tpu.memory_space<hbm>>) target(%arg19 : memref<40x128xf32, #tpu.memory_space<vmem>>) offsets(%dma_start3A_147 : memref<40xi32, #tpu.memory_space<vmem>>) semaphore(%arg29 : memref<!tpu.dma_semaphore, #tpu.memory_space<semaphore_mem>>)
      %mul3A_151 = arith.constant 5 : i32
      %mul3A_152 = arith.muli %mul3A_151, %scan3A_48 : i32
      %add3A_153 = arith.constant 0 : i32
      %add3A_154 = arith.addi %mul3A_152, %add3A_153 : i32
      %dma_wait3A_155 = arith.constant 0 : i32
      %dma_wait3A_156 = tpu.memref_slice %arg8[%add3A_53, %dma_wait3A_155] : memref<125x40xi32, #tpu.memory_space<vmem>> -> memref<1x40xi32, #tpu.memory_space<vmem>>
      %dma_wait3A_157 = tpu.memref_squeeze %dma_wait3A_156 : memref<1x40xi32, #tpu.memory_space<vmem>> -> memref<40xi32, #tpu.memory_space<vmem>>
      %dma_wait3A_158 = arith.constant 0 : i32
      %dma_wait3A_159 = arith.constant 0 : i32
      %dma_wait3A_160 = tpu.memref_slice %arg2[%dma_wait3A_158, %dma_wait3A_159] : memref<10000x128xf32, #tpu.memory_space<hbm>> -> memref<10000x128xf32, #tpu.memory_space<hbm>>
      tpu.wait_indirect_dma semaphore(%arg20 : memref<!tpu.dma_semaphore, #tpu.memory_space<semaphore_mem>>) src(%dma_wait3A_160 : memref<10000x128xf32, #tpu.memory_space<hbm>>) dst(%arg10 : memref<40x128xf32, #tpu.memory_space<vmem>>)
      %dma_wait3A_161 = arith.constant 0 : i32
      %dma_wait3A_162 = tpu.memref_slice %arg9[%add3A_53, %dma_wait3A_161] : memref<125x40xi32, #tpu.memory_space<vmem>> -> memref<1x40xi32, #tpu.memory_space<vmem>>
      %dma_wait3A_163 = tpu.memref_squeeze %dma_wait3A_162 : memref<1x40xi32, #tpu.memory_space<vmem>> -> memref<40xi32, #tpu.memory_space<vmem>>
      %dma_wait3A_164 = arith.constant 0 : i32
      %dma_wait3A_165 = arith.constant 0 : i32
      %dma_wait3A_166 = tpu.memref_slice %arg3[%dma_wait3A_164, %dma_wait3A_165] : memref<10000x128xf32, #tpu.memory_space<hbm>> -> memref<10000x128xf32, #tpu.memory_space<hbm>>
      tpu.wait_indirect_dma semaphore(%arg25 : memref<!tpu.dma_semaphore, #tpu.memory_space<semaphore_mem>>) src(%dma_wait3A_166 : memref<10000x128xf32, #tpu.memory_space<hbm>>) dst(%arg15 : memref<40x128xf32, #tpu.memory_space<vmem>>)
      %mul3A_167 = arith.constant 40 : i32
      %mul3A_168 = arith.muli %add3A_154, %mul3A_167 : i32
      %add3A_169 = arith.addi %mul3A_2, %mul3A_168 : i32
      %multiple_of3A = tpu.assume_multiple %add3A_169, 8 : i32
      %dma_start3A_170 = arith.constant 0 : i32
      %dma_start3A_171 = tpu.memref_slice %arg6[%multiple_of3A, %dma_start3A_170] : memref<160000x128xf32, #tpu.memory_space<hbm>> -> memref<40x128xf32, #tpu.memory_space<hbm>>
      %dma_start3A_172 = arith.constant 0 : i32
      %dma_start3A_173 = tpu.memref_slice %arg6[%multiple_of3A, %dma_start3A_172] : memref<160000x128xf32, #tpu.memory_space<hbm>> -> memref<40x128xf32, #tpu.memory_space<hbm>>
      tpu.enqueue_dma source(%arg10 : memref<40x128xf32, #tpu.memory_space<vmem>>) target(%dma_start3A_173 : memref<40x128xf32, #tpu.memory_space<hbm>>) target_semaphore(%arg30 : memref<!tpu.dma_semaphore, #tpu.memory_space<semaphore_mem>>)
      %dma_start3A_174 = arith.constant 0 : i32
      %dma_start3A_175 = tpu.memref_slice %arg7[%multiple_of3A, %dma_start3A_174] : memref<160000x128xf32, #tpu.memory_space<hbm>> -> memref<40x128xf32, #tpu.memory_space<hbm>>
      %dma_start3A_176 = arith.constant 0 : i32
      %dma_start3A_177 = tpu.memref_slice %arg7[%multiple_of3A, %dma_start3A_176] : memref<160000x128xf32, #tpu.memory_space<hbm>> -> memref<40x128xf32, #tpu.memory_space<hbm>>
      tpu.enqueue_dma source(%arg15 : memref<40x128xf32, #tpu.memory_space<vmem>>) target(%dma_start3A_177 : memref<40x128xf32, #tpu.memory_space<hbm>>) target_semaphore(%arg35 : memref<!tpu.dma_semaphore, #tpu.memory_space<semaphore_mem>>)
      %mul3A_178 = arith.constant 5 : i32
      %mul3A_179 = arith.muli %mul3A_178, %scan3A_48 : i32
      %add3A_180 = arith.constant 1 : i32
      %add3A_181 = arith.addi %mul3A_179, %add3A_180 : i32
      %dma_wait3A_182 = arith.constant 0 : i32
      %dma_wait3A_183 = tpu.memref_slice %arg8[%add3A_70, %dma_wait3A_182] : memref<125x40xi32, #tpu.memory_space<vmem>> -> memref<1x40xi32, #tpu.memory_space<vmem>>
      %dma_wait3A_184 = tpu.memref_squeeze %dma_wait3A_183 : memref<1x40xi32, #tpu.memory_space<vmem>> -> memref<40xi32, #tpu.memory_space<vmem>>
      %dma_wait3A_185 = arith.constant 0 : i32
      %dma_wait3A_186 = arith.constant 0 : i32
      %dma_wait3A_187 = tpu.memref_slice %arg2[%dma_wait3A_185, %dma_wait3A_186] : memref<10000x128xf32, #tpu.memory_space<hbm>> -> memref<10000x128xf32, #tpu.memory_space<hbm>>
      tpu.wait_indirect_dma semaphore(%arg21 : memref<!tpu.dma_semaphore, #tpu.memory_space<semaphore_mem>>) src(%dma_wait3A_187 : memref<10000x128xf32, #tpu.memory_space<hbm>>) dst(%arg11 : memref<40x128xf32, #tpu.memory_space<vmem>>)
      %dma_wait3A_188 = arith.constant 0 : i32
      %dma_wait3A_189 = tpu.memref_slice %arg9[%add3A_70, %dma_wait3A_188] : memref<125x40xi32, #tpu.memory_space<vmem>> -> memref<1x40xi32, #tpu.memory_space<vmem>>
      %dma_wait3A_190 = tpu.memref_squeeze %dma_wait3A_189 : memref<1x40xi32, #tpu.memory_space<vmem>> -> memref<40xi32, #tpu.memory_space<vmem>>
      %dma_wait3A_191 = arith.constant 0 : i32
      %dma_wait3A_192 = arith.constant 0 : i32
      %dma_wait3A_193 = tpu.memref_slice %arg3[%dma_wait3A_191, %dma_wait3A_192] : memref<10000x128xf32, #tpu.memory_space<hbm>> -> memref<10000x128xf32, #tpu.memory_space<hbm>>
      tpu.wait_indirect_dma semaphore(%arg26 : memref<!tpu.dma_semaphore, #tpu.memory_space<semaphore_mem>>) src(%dma_wait3A_193 : memref<10000x128xf32, #tpu.memory_space<hbm>>) dst(%arg16 : memref<40x128xf32, #tpu.memory_space<vmem>>)
      %mul3A_194 = arith.constant 40 : i32
      %mul3A_195 = arith.muli %add3A_181, %mul3A_194 : i32
      %add3A_196 = arith.addi %mul3A_2, %mul3A_195 : i32
      %multiple_of3A_197 = tpu.assume_multiple %add3A_196, 8 : i32
      %dma_start3A_198 = arith.constant 0 : i32
      %dma_start3A_199 = tpu.memref_slice %arg6[%multiple_of3A_197, %dma_start3A_198] : memref<160000x128xf32, #tpu.memory_space<hbm>> -> memref<40x128xf32, #tpu.memory_space<hbm>>
      %dma_start3A_200 = arith.constant 0 : i32
      %dma_start3A_201 = tpu.memref_slice %arg6[%multiple_of3A_197, %dma_start3A_200] : memref<160000x128xf32, #tpu.memory_space<hbm>> -> memref<40x128xf32, #tpu.memory_space<hbm>>
      tpu.enqueue_dma source(%arg11 : memref<40x128xf32, #tpu.memory_space<vmem>>) target(%dma_start3A_201 : memref<40x128xf32, #tpu.memory_space<hbm>>) target_semaphore(%arg31 : memref<!tpu.dma_semaphore, #tpu.memory_space<semaphore_mem>>)
      %dma_start3A_202 = arith.constant 0 : i32
      %dma_start3A_203 = tpu.memref_slice %arg7[%multiple_of3A_197, %dma_start3A_202] : memref<160000x128xf32, #tpu.memory_space<hbm>> -> memref<40x128xf32, #tpu.memory_space<hbm>>
      %dma_start3A_204 = arith.constant 0 : i32
      %dma_start3A_205 = tpu.memref_slice %arg7[%multiple_of3A_197, %dma_start3A_204] : memref<160000x128xf32, #tpu.memory_space<hbm>> -> memref<40x128xf32, #tpu.memory_space<hbm>>
      tpu.enqueue_dma source(%arg16 : memref<40x128xf32, #tpu.memory_space<vmem>>) target(%dma_start3A_205 : memref<40x128xf32, #tpu.memory_space<hbm>>) target_semaphore(%arg36 : memref<!tpu.dma_semaphore, #tpu.memory_space<semaphore_mem>>)
      %mul3A_206 = arith.constant 5 : i32
      %mul3A_207 = arith.muli %mul3A_206, %scan3A_48 : i32
      %add3A_208 = arith.constant 2 : i32
      %add3A_209 = arith.addi %mul3A_207, %add3A_208 : i32
      %dma_wait3A_210 = arith.constant 0 : i32
      %dma_wait3A_211 = tpu.memref_slice %arg8[%add3A_91, %dma_wait3A_210] : memref<125x40xi32, #tpu.memory_space<vmem>> -> memref<1x40xi32, #tpu.memory_space<vmem>>
      %dma_wait3A_212 = tpu.memref_squeeze %dma_wait3A_211 : memref<1x40xi32, #tpu.memory_space<vmem>> -> memref<40xi32, #tpu.memory_space<vmem>>
      %dma_wait3A_213 = arith.constant 0 : i32
      %dma_wait3A_214 = arith.constant 0 : i32
      %dma_wait3A_215 = tpu.memref_slice %arg2[%dma_wait3A_213, %dma_wait3A_214] : memref<10000x128xf32, #tpu.memory_space<hbm>> -> memref<10000x128xf32, #tpu.memory_space<hbm>>
      tpu.wait_indirect_dma semaphore(%arg22 : memref<!tpu.dma_semaphore, #tpu.memory_space<semaphore_mem>>) src(%dma_wait3A_215 : memref<10000x128xf32, #tpu.memory_space<hbm>>) dst(%arg12 : memref<40x128xf32, #tpu.memory_space<vmem>>)
      %dma_wait3A_216 = arith.constant 0 : i32
      %dma_wait3A_217 = tpu.memref_slice %arg9[%add3A_91, %dma_wait3A_216] : memref<125x40xi32, #tpu.memory_space<vmem>> -> memref<1x40xi32, #tpu.memory_space<vmem>>
      %dma_wait3A_218 = tpu.memref_squeeze %dma_wait3A_217 : memref<1x40xi32, #tpu.memory_space<vmem>> -> memref<40xi32, #tpu.memory_space<vmem>>
      %dma_wait3A_219 = arith.constant 0 : i32
      %dma_wait3A_220 = arith.constant 0 : i32
      %dma_wait3A_221 = tpu.memref_slice %arg3[%dma_wait3A_219, %dma_wait3A_220] : memref<10000x128xf32, #tpu.memory_space<hbm>> -> memref<10000x128xf32, #tpu.memory_space<hbm>>
      tpu.wait_indirect_dma semaphore(%arg27 : memref<!tpu.dma_semaphore, #tpu.memory_space<semaphore_mem>>) src(%dma_wait3A_221 : memref<10000x128xf32, #tpu.memory_space<hbm>>) dst(%arg17 : memref<40x128xf32, #tpu.memory_space<vmem>>)
      %mul3A_222 = arith.constant 40 : i32
      %mul3A_223 = arith.muli %add3A_209, %mul3A_222 : i32
      %add3A_224 = arith.addi %mul3A_2, %mul3A_223 : i32
      %multiple_of3A_225 = tpu.assume_multiple %add3A_224, 8 : i32
      %dma_start3A_226 = arith.constant 0 : i32
      %dma_start3A_227 = tpu.memref_slice %arg6[%multiple_of3A_225, %dma_start3A_226] : memref<160000x128xf32, #tpu.memory_space<hbm>> -> memref<40x128xf32, #tpu.memory_space<hbm>>
      %dma_start3A_228 = arith.constant 0 : i32
      %dma_start3A_229 = tpu.memref_slice %arg6[%multiple_of3A_225, %dma_start3A_228] : memref<160000x128xf32, #tpu.memory_space<hbm>> -> memref<40x128xf32, #tpu.memory_space<hbm>>
      tpu.enqueue_dma source(%arg12 : memref<40x128xf32, #tpu.memory_space<vmem>>) target(%dma_start3A_229 : memref<40x128xf32, #tpu.memory_space<hbm>>) target_semaphore(%arg32 : memref<!tpu.dma_semaphore, #tpu.memory_space<semaphore_mem>>)
      %dma_start3A_230 = arith.constant 0 : i32
      %dma_start3A_231 = tpu.memref_slice %arg7[%multiple_of3A_225, %dma_start3A_230] : memref<160000x128xf32, #tpu.memory_space<hbm>> -> memref<40x128xf32, #tpu.memory_space<hbm>>
      %dma_start3A_232 = arith.constant 0 : i32
      %dma_start3A_233 = tpu.memref_slice %arg7[%multiple_of3A_225, %dma_start3A_232] : memref<160000x128xf32, #tpu.memory_space<hbm>> -> memref<40x128xf32, #tpu.memory_space<hbm>>
      tpu.enqueue_dma source(%arg17 : memref<40x128xf32, #tpu.memory_space<vmem>>) target(%dma_start3A_233 : memref<40x128xf32, #tpu.memory_space<hbm>>) target_semaphore(%arg37 : memref<!tpu.dma_semaphore, #tpu.memory_space<semaphore_mem>>)
      %mul3A_234 = arith.constant 5 : i32
      %mul3A_235 = arith.muli %mul3A_234, %scan3A_48 : i32
      %add3A_236 = arith.constant 3 : i32
      %add3A_237 = arith.addi %mul3A_235, %add3A_236 : i32
      %dma_wait3A_238 = arith.constant 0 : i32
      %dma_wait3A_239 = tpu.memref_slice %arg8[%add3A_112, %dma_wait3A_238] : memref<125x40xi32, #tpu.memory_space<vmem>> -> memref<1x40xi32, #tpu.memory_space<vmem>>
      %dma_wait3A_240 = tpu.memref_squeeze %dma_wait3A_239 : memref<1x40xi32, #tpu.memory_space<vmem>> -> memref<40xi32, #tpu.memory_space<vmem>>
      %dma_wait3A_241 = arith.constant 0 : i32
      %dma_wait3A_242 = arith.constant 0 : i32
      %dma_wait3A_243 = tpu.memref_slice %arg2[%dma_wait3A_241, %dma_wait3A_242] : memref<10000x128xf32, #tpu.memory_space<hbm>> -> memref<10000x128xf32, #tpu.memory_space<hbm>>
      tpu.wait_indirect_dma semaphore(%arg23 : memref<!tpu.dma_semaphore, #tpu.memory_space<semaphore_mem>>) src(%dma_wait3A_243 : memref<10000x128xf32, #tpu.memory_space<hbm>>) dst(%arg13 : memref<40x128xf32, #tpu.memory_space<vmem>>)
      %dma_wait3A_244 = arith.constant 0 : i32
      %dma_wait3A_245 = tpu.memref_slice %arg9[%add3A_112, %dma_wait3A_244] : memref<125x40xi32, #tpu.memory_space<vmem>> -> memref<1x40xi32, #tpu.memory_space<vmem>>
      %dma_wait3A_246 = tpu.memref_squeeze %dma_wait3A_245 : memref<1x40xi32, #tpu.memory_space<vmem>> -> memref<40xi32, #tpu.memory_space<vmem>>
      %dma_wait3A_247 = arith.constant 0 : i32
      %dma_wait3A_248 = arith.constant 0 : i32
      %dma_wait3A_249 = tpu.memref_slice %arg3[%dma_wait3A_247, %dma_wait3A_248] : memref<10000x128xf32, #tpu.memory_space<hbm>> -> memref<10000x128xf32, #tpu.memory_space<hbm>>
      tpu.wait_indirect_dma semaphore(%arg28 : memref<!tpu.dma_semaphore, #tpu.memory_space<semaphore_mem>>) src(%dma_wait3A_249 : memref<10000x128xf32, #tpu.memory_space<hbm>>) dst(%arg18 : memref<40x128xf32, #tpu.memory_space<vmem>>)
      %mul3A_250 = arith.constant 40 : i32
      %mul3A_251 = arith.muli %add3A_237, %mul3A_250 : i32
      %add3A_252 = arith.addi %mul3A_2, %mul3A_251 : i32
      %multiple_of3A_253 = tpu.assume_multiple %add3A_252, 8 : i32
      %dma_start3A_254 = arith.constant 0 : i32
      %dma_start3A_255 = tpu.memref_slice %arg6[%multiple_of3A_253, %dma_start3A_254] : memref<160000x128xf32, #tpu.memory_space<hbm>> -> memref<40x128xf32, #tpu.memory_space<hbm>>
      %dma_start3A_256 = arith.constant 0 : i32
      %dma_start3A_257 = tpu.memref_slice %arg6[%multiple_of3A_253, %dma_start3A_256] : memref<160000x128xf32, #tpu.memory_space<hbm>> -> memref<40x128xf32, #tpu.memory_space<hbm>>
      tpu.enqueue_dma source(%arg13 : memref<40x128xf32, #tpu.memory_space<vmem>>) target(%dma_start3A_257 : memref<40x128xf32, #tpu.memory_space<hbm>>) target_semaphore(%arg33 : memref<!tpu.dma_semaphore, #tpu.memory_space<semaphore_mem>>)
      %dma_start3A_258 = arith.constant 0 : i32
      %dma_start3A_259 = tpu.memref_slice %arg7[%multiple_of3A_253, %dma_start3A_258] : memref<160000x128xf32, #tpu.memory_space<hbm>> -> memref<40x128xf32, #tpu.memory_space<hbm>>
      %dma_start3A_260 = arith.constant 0 : i32
      %dma_start3A_261 = tpu.memref_slice %arg7[%multiple_of3A_253, %dma_start3A_260] : memref<160000x128xf32, #tpu.memory_space<hbm>> -> memref<40x128xf32, #tpu.memory_space<hbm>>
      tpu.enqueue_dma source(%arg18 : memref<40x128xf32, #tpu.memory_space<vmem>>) target(%dma_start3A_261 : memref<40x128xf32, #tpu.memory_space<hbm>>) target_semaphore(%arg38 : memref<!tpu.dma_semaphore, #tpu.memory_space<semaphore_mem>>)
      %mul3A_262 = arith.constant 5 : i32
      %mul3A_263 = arith.muli %mul3A_262, %scan3A_48 : i32
      %add3A_264 = arith.constant 4 : i32
      %add3A_265 = arith.addi %mul3A_263, %add3A_264 : i32
      %dma_wait3A_266 = arith.constant 0 : i32
      %dma_wait3A_267 = tpu.memref_slice %arg8[%add3A_133, %dma_wait3A_266] : memref<125x40xi32, #tpu.memory_space<vmem>> -> memref<1x40xi32, #tpu.memory_space<vmem>>
      %dma_wait3A_268 = tpu.memref_squeeze %dma_wait3A_267 : memref<1x40xi32, #tpu.memory_space<vmem>> -> memref<40xi32, #tpu.memory_space<vmem>>
      %dma_wait3A_269 = arith.constant 0 : i32
      %dma_wait3A_270 = arith.constant 0 : i32
      %dma_wait3A_271 = tpu.memref_slice %arg2[%dma_wait3A_269, %dma_wait3A_270] : memref<10000x128xf32, #tpu.memory_space<hbm>> -> memref<10000x128xf32, #tpu.memory_space<hbm>>
      tpu.wait_indirect_dma semaphore(%arg24 : memref<!tpu.dma_semaphore, #tpu.memory_space<semaphore_mem>>) src(%dma_wait3A_271 : memref<10000x128xf32, #tpu.memory_space<hbm>>) dst(%arg14 : memref<40x128xf32, #tpu.memory_space<vmem>>)
      %dma_wait3A_272 = arith.constant 0 : i32
      %dma_wait3A_273 = tpu.memref_slice %arg9[%add3A_133, %dma_wait3A_272] : memref<125x40xi32, #tpu.memory_space<vmem>> -> memref<1x40xi32, #tpu.memory_space<vmem>>
      %dma_wait3A_274 = tpu.memref_squeeze %dma_wait3A_273 : memref<1x40xi32, #tpu.memory_space<vmem>> -> memref<40xi32, #tpu.memory_space<vmem>>
      %dma_wait3A_275 = arith.constant 0 : i32
      %dma_wait3A_276 = arith.constant 0 : i32
      %dma_wait3A_277 = tpu.memref_slice %arg3[%dma_wait3A_275, %dma_wait3A_276] : memref<10000x128xf32, #tpu.memory_space<hbm>> -> memref<10000x128xf32, #tpu.memory_space<hbm>>
      tpu.wait_indirect_dma semaphore(%arg29 : memref<!tpu.dma_semaphore, #tpu.memory_space<semaphore_mem>>) src(%dma_wait3A_277 : memref<10000x128xf32, #tpu.memory_space<hbm>>) dst(%arg19 : memref<40x128xf32, #tpu.memory_space<vmem>>)
      %mul3A_278 = arith.constant 40 : i32
      %mul3A_279 = arith.muli %add3A_265, %mul3A_278 : i32
      %add3A_280 = arith.addi %mul3A_2, %mul3A_279 : i32
      %multiple_of3A_281 = tpu.assume_multiple %add3A_280, 8 : i32
      %dma_start3A_282 = arith.constant 0 : i32
      %dma_start3A_283 = tpu.memref_slice %arg6[%multiple_of3A_281, %dma_start3A_282] : memref<160000x128xf32, #tpu.memory_space<hbm>> -> memref<40x128xf32, #tpu.memory_space<hbm>>
      %dma_start3A_284 = arith.constant 0 : i32
      %dma_start3A_285 = tpu.memref_slice %arg6[%multiple_of3A_281, %dma_start3A_284] : memref<160000x128xf32, #tpu.memory_space<hbm>> -> memref<40x128xf32, #tpu.memory_space<hbm>>
      tpu.enqueue_dma source(%arg14 : memref<40x128xf32, #tpu.memory_space<vmem>>) target(%dma_start3A_285 : memref<40x128xf32, #tpu.memory_space<hbm>>) target_semaphore(%arg34 : memref<!tpu.dma_semaphore, #tpu.memory_space<semaphore_mem>>)
      %dma_start3A_286 = arith.constant 0 : i32
      %dma_start3A_287 = tpu.memref_slice %arg7[%multiple_of3A_281, %dma_start3A_286] : memref<160000x128xf32, #tpu.memory_space<hbm>> -> memref<40x128xf32, #tpu.memory_space<hbm>>
      %dma_start3A_288 = arith.constant 0 : i32
      %dma_start3A_289 = tpu.memref_slice %arg7[%multiple_of3A_281, %dma_start3A_288] : memref<160000x128xf32, #tpu.memory_space<hbm>> -> memref<40x128xf32, #tpu.memory_space<hbm>>
      tpu.enqueue_dma source(%arg19 : memref<40x128xf32, #tpu.memory_space<vmem>>) target(%dma_start3A_289 : memref<40x128xf32, #tpu.memory_space<hbm>>) target_semaphore(%arg39 : memref<!tpu.dma_semaphore, #tpu.memory_space<semaphore_mem>>)
      %scan3A_290 = arith.constant 0 : i32
      scf.yield %scan3A_290 : i32
    }
    %scan3A_8 = arith.constant 25 : i32
    %dma_wait3A = arith.constant 0 : i32
    %dma_wait3A_9 = tpu.memref_slice %arg6[%mul3A_2, %dma_wait3A] : memref<160000x128xf32, #tpu.memory_space<hbm>> -> memref<40x128xf32, #tpu.memory_space<hbm>>
    %dma_wait3A_10 = arith.constant 0 : i32
    %dma_wait3A_11 = tpu.memref_slice %arg6[%mul3A_2, %dma_wait3A_10] : memref<160000x128xf32, #tpu.memory_space<hbm>> -> memref<40x128xf32, #tpu.memory_space<hbm>>
    tpu.wait_dma2 semaphore(%arg30 : memref<!tpu.dma_semaphore, #tpu.memory_space<semaphore_mem>>) src(%arg10 : memref<40x128xf32, #tpu.memory_space<vmem>>) dst(%dma_wait3A_11 : memref<40x128xf32, #tpu.memory_space<hbm>>)
    %dma_wait3A_12 = arith.constant 0 : i32
    %dma_wait3A_13 = tpu.memref_slice %arg7[%mul3A_2, %dma_wait3A_12] : memref<160000x128xf32, #tpu.memory_space<hbm>> -> memref<40x128xf32, #tpu.memory_space<hbm>>
    %dma_wait3A_14 = arith.constant 0 : i32
    %dma_wait3A_15 = tpu.memref_slice %arg7[%mul3A_2, %dma_wait3A_14] : memref<160000x128xf32, #tpu.memory_space<hbm>> -> memref<40x128xf32, #tpu.memory_space<hbm>>
    tpu.wait_dma2 semaphore(%arg35 : memref<!tpu.dma_semaphore, #tpu.memory_space<semaphore_mem>>) src(%arg15 : memref<40x128xf32, #tpu.memory_space<vmem>>) dst(%dma_wait3A_15 : memref<40x128xf32, #tpu.memory_space<hbm>>)
    %dma_wait3A_16 = arith.constant 0 : i32
    %dma_wait3A_17 = tpu.memref_slice %arg6[%mul3A_2, %dma_wait3A_16] : memref<160000x128xf32, #tpu.memory_space<hbm>> -> memref<40x128xf32, #tpu.memory_space<hbm>>
    %dma_wait3A_18 = arith.constant 0 : i32
    %dma_wait3A_19 = tpu.memref_slice %arg6[%mul3A_2, %dma_wait3A_18] : memref<160000x128xf32, #tpu.memory_space<hbm>> -> memref<40x128xf32, #tpu.memory_space<hbm>>
    tpu.wait_dma2 semaphore(%arg31 : memref<!tpu.dma_semaphore, #tpu.memory_space<semaphore_mem>>) src(%arg11 : memref<40x128xf32, #tpu.memory_space<vmem>>) dst(%dma_wait3A_19 : memref<40x128xf32, #tpu.memory_space<hbm>>)
    %dma_wait3A_20 = arith.constant 0 : i32
    %dma_wait3A_21 = tpu.memref_slice %arg7[%mul3A_2, %dma_wait3A_20] : memref<160000x128xf32, #tpu.memory_space<hbm>> -> memref<40x128xf32, #tpu.memory_space<hbm>>
    %dma_wait3A_22 = arith.constant 0 : i32
    %dma_wait3A_23 = tpu.memref_slice %arg7[%mul3A_2, %dma_wait3A_22] : memref<160000x128xf32, #tpu.memory_space<hbm>> -> memref<40x128xf32, #tpu.memory_space<hbm>>
    tpu.wait_dma2 semaphore(%arg36 : memref<!tpu.dma_semaphore, #tpu.memory_space<semaphore_mem>>) src(%arg16 : memref<40x128xf32, #tpu.memory_space<vmem>>) dst(%dma_wait3A_23 : memref<40x128xf32, #tpu.memory_space<hbm>>)
    %dma_wait3A_24 = arith.constant 0 : i32
    %dma_wait3A_25 = tpu.memref_slice %arg6[%mul3A_2, %dma_wait3A_24] : memref<160000x128xf32, #tpu.memory_space<hbm>> -> memref<40x128xf32, #tpu.memory_space<hbm>>
    %dma_wait3A_26 = arith.constant 0 : i32
    %dma_wait3A_27 = tpu.memref_slice %arg6[%mul3A_2, %dma_wait3A_26] : memref<160000x128xf32, #tpu.memory_space<hbm>> -> memref<40x128xf32, #tpu.memory_space<hbm>>
    tpu.wait_dma2 semaphore(%arg32 : memref<!tpu.dma_semaphore, #tpu.memory_space<semaphore_mem>>) src(%arg12 : memref<40x128xf32, #tpu.memory_space<vmem>>) dst(%dma_wait3A_27 : memref<40x128xf32, #tpu.memory_space<hbm>>)
    %dma_wait3A_28 = arith.constant 0 : i32
    %dma_wait3A_29 = tpu.memref_slice %arg7[%mul3A_2, %dma_wait3A_28] : memref<160000x128xf32, #tpu.memory_space<hbm>> -> memref<40x128xf32, #tpu.memory_space<hbm>>
    %dma_wait3A_30 = arith.constant 0 : i32
    %dma_wait3A_31 = tpu.memref_slice %arg7[%mul3A_2, %dma_wait3A_30] : memref<160000x128xf32, #tpu.memory_space<hbm>> -> memref<40x128xf32, #tpu.memory_space<hbm>>
    tpu.wait_dma2 semaphore(%arg37 : memref<!tpu.dma_semaphore, #tpu.memory_space<semaphore_mem>>) src(%arg17 : memref<40x128xf32, #tpu.memory_space<vmem>>) dst(%dma_wait3A_31 : memref<40x128xf32, #tpu.memory_space<hbm>>)
    %dma_wait3A_32 = arith.constant 0 : i32
    %dma_wait3A_33 = tpu.memref_slice %arg6[%mul3A_2, %dma_wait3A_32] : memref<160000x128xf32, #tpu.memory_space<hbm>> -> memref<40x128xf32, #tpu.memory_space<hbm>>
    %dma_wait3A_34 = arith.constant 0 : i32
    %dma_wait3A_35 = tpu.memref_slice %arg6[%mul3A_2, %dma_wait3A_34] : memref<160000x128xf32, #tpu.memory_space<hbm>> -> memref<40x128xf32, #tpu.memory_space<hbm>>
    tpu.wait_dma2 semaphore(%arg33 : memref<!tpu.dma_semaphore, #tpu.memory_space<semaphore_mem>>) src(%arg13 : memref<40x128xf32, #tpu.memory_space<vmem>>) dst(%dma_wait3A_35 : memref<40x128xf32, #tpu.memory_space<hbm>>)
    %dma_wait3A_36 = arith.constant 0 : i32
    %dma_wait3A_37 = tpu.memref_slice %arg7[%mul3A_2, %dma_wait3A_36] : memref<160000x128xf32, #tpu.memory_space<hbm>> -> memref<40x128xf32, #tpu.memory_space<hbm>>
    %dma_wait3A_38 = arith.constant 0 : i32
    %dma_wait3A_39 = tpu.memref_slice %arg7[%mul3A_2, %dma_wait3A_38] : memref<160000x128xf32, #tpu.memory_space<hbm>> -> memref<40x128xf32, #tpu.memory_space<hbm>>
    tpu.wait_dma2 semaphore(%arg38 : memref<!tpu.dma_semaphore, #tpu.memory_space<semaphore_mem>>) src(%arg18 : memref<40x128xf32, #tpu.memory_space<vmem>>) dst(%dma_wait3A_39 : memref<40x128xf32, #tpu.memory_space<hbm>>)
    %dma_wait3A_40 = arith.constant 0 : i32
    %dma_wait3A_41 = tpu.memref_slice %arg6[%mul3A_2, %dma_wait3A_40] : memref<160000x128xf32, #tpu.memory_space<hbm>> -> memref<40x128xf32, #tpu.memory_space<hbm>>
    %dma_wait3A_42 = arith.constant 0 : i32
    %dma_wait3A_43 = tpu.memref_slice %arg6[%mul3A_2, %dma_wait3A_42] : memref<160000x128xf32, #tpu.memory_space<hbm>> -> memref<40x128xf32, #tpu.memory_space<hbm>>
    tpu.wait_dma2 semaphore(%arg34 : memref<!tpu.dma_semaphore, #tpu.memory_space<semaphore_mem>>) src(%arg14 : memref<40x128xf32, #tpu.memory_space<vmem>>) dst(%dma_wait3A_43 : memref<40x128xf32, #tpu.memory_space<hbm>>)
    %dma_wait3A_44 = arith.constant 0 : i32
    %dma_wait3A_45 = tpu.memref_slice %arg7[%mul3A_2, %dma_wait3A_44] : memref<160000x128xf32, #tpu.memory_space<hbm>> -> memref<40x128xf32, #tpu.memory_space<hbm>>
    %dma_wait3A_46 = arith.constant 0 : i32
    %dma_wait3A_47 = tpu.memref_slice %arg7[%mul3A_2, %dma_wait3A_46] : memref<160000x128xf32, #tpu.memory_space<hbm>> -> memref<40x128xf32, #tpu.memory_space<hbm>>
    tpu.wait_dma2 semaphore(%arg39 : memref<!tpu.dma_semaphore, #tpu.memory_space<semaphore_mem>>) src(%arg19 : memref<40x128xf32, #tpu.memory_space<vmem>>) dst(%dma_wait3A_47 : memref<40x128xf32, #tpu.memory_space<hbm>>)
    return
  }
}

#map = affine_map<(d0, d1) -> (0, 0)>
#map1 = affine_map<(d0, d1) -> (0, 0, 0)>
module attributes {stable_mosaic.version = 14 : i64} {
  func.func @_scatter_body(%arg0: i32, %arg1: i32, %arg2: memref<160000x128xf32, #tpu.memory_space<hbm>>, %arg3: memref<32x125x40xi32, #tpu.memory_space<hbm>>, %arg4: memref<10000x128xf32, #tpu.memory_space<hbm>>, %arg5: memref<2x10000x128xf32, #tpu.memory_space<hbm>>, %arg6: memref<125x40xi32, #tpu.memory_space<vmem>>, %arg7: memref<40x128xf32, #tpu.memory_space<vmem>>, %arg8: memref<40x128xf32, #tpu.memory_space<vmem>>, %arg9: memref<40x128xf32, #tpu.memory_space<vmem>>, %arg10: memref<40x128xf32, #tpu.memory_space<vmem>>, %arg11: memref<40x128xf32, #tpu.memory_space<vmem>>, %arg12: memref<!tpu.dma_semaphore, #tpu.memory_space<semaphore_mem>>, %arg13: memref<!tpu.dma_semaphore, #tpu.memory_space<semaphore_mem>>, %arg14: memref<!tpu.dma_semaphore, #tpu.memory_space<semaphore_mem>>, %arg15: memref<!tpu.dma_semaphore, #tpu.memory_space<semaphore_mem>>, %arg16: memref<!tpu.dma_semaphore, #tpu.memory_space<semaphore_mem>>, %arg17: memref<10000x128xf32, #tpu.memory_space<vmem_shared>>) attributes {dimension_semantics = [#tpu.dimension_semantics<core_parallel>, #tpu.dimension_semantics<subcore_parallel>], iteration_bounds = array<i64: 2, 16>, scalar_prefetch = 0 : i64, scratch_operands = 12 : i64, tpu.core_type = #tpu.core_type<sc_vector_subcore>, window_params = [{transform_indices = #map}, {transform_indices = #map1}, {transform_indices = #map}, {transform_indices = #map1}]} {
    %mul3A = arith.constant 16 : i32
    %mul3A_0 = arith.muli %arg0, %mul3A : i32
    %add3A = arith.addi %mul3A_0, %arg1 : i32
    %mul3A_1 = arith.constant 5000 : i32
    %mul3A_2 = arith.muli %add3A, %mul3A_1 : i32
    %mul3A_3 = arith.constant 640 : i32
    %mul3A_4 = arith.muli %arg1, %mul3A_3 : i32
    %lt3A = arith.constant 15 : i32
    %lt3A_5 = arith.cmpi slt, %arg1, %lt3A : i32
    %convert_element_type3A = arith.extui %lt3A_5 : i1 to i32
    %cond3A = arith.constant 0 : i32
    %cond3A_6 = arith.cmpi ne, %convert_element_type3A, %cond3A : i32
    scf.if %cond3A_6 {
      "tpu.region"() ({
        %run_scoped3A = tpu.sem_alloc : memref<!tpu.dma_semaphore, #tpu.memory_space<semaphore_mem>>
        %dma_start3A = arith.constant 0 : i32
        %dma_start3A_28 = tpu.memref_slice %arg17[%mul3A_4, %dma_start3A] : memref<10000x128xf32, #tpu.memory_space<vmem_shared>> -> memref<640x128xf32, #tpu.memory_space<vmem_shared>>
        %dma_start3A_29 = arith.constant 0 : i32
        %dma_start3A_30 = tpu.memref_slice %arg4[%mul3A_4, %dma_start3A_29] : memref<10000x128xf32, #tpu.memory_space<hbm>> -> memref<640x128xf32, #tpu.memory_space<hbm>>
        tpu.enqueue_dma source(%dma_start3A_30 : memref<640x128xf32, #tpu.memory_space<hbm>>) target(%dma_start3A_28 : memref<640x128xf32, #tpu.memory_space<vmem_shared>>) target_semaphore(%run_scoped3A : memref<!tpu.dma_semaphore, #tpu.memory_space<semaphore_mem>>)
        %dma_wait3A = arith.constant 0 : i32
        %dma_wait3A_31 = tpu.memref_slice %arg17[%mul3A_4, %dma_wait3A] : memref<10000x128xf32, #tpu.memory_space<vmem_shared>> -> memref<640x128xf32, #tpu.memory_space<vmem_shared>>
        %dma_wait3A_32 = arith.constant 0 : i32
        %dma_wait3A_33 = tpu.memref_slice %arg4[%mul3A_4, %dma_wait3A_32] : memref<10000x128xf32, #tpu.memory_space<hbm>> -> memref<640x128xf32, #tpu.memory_space<hbm>>
        tpu.wait_dma2 semaphore(%run_scoped3A : memref<!tpu.dma_semaphore, #tpu.memory_space<semaphore_mem>>) src(%dma_wait3A_33 : memref<640x128xf32, #tpu.memory_space<hbm>>) dst(%dma_wait3A_31 : memref<640x128xf32, #tpu.memory_space<vmem_shared>>)
        tpu.yield
      }) : () -> ()
    } else {
    }
    %eq3A = arith.constant 15 : i32
    %eq3A_7 = arith.cmpi eq, %arg1, %eq3A : i32
    %convert_element_type3A_8 = arith.extui %eq3A_7 : i1 to i32
    %cond3A_9 = arith.constant 0 : i32
    %cond3A_10 = arith.cmpi ne, %convert_element_type3A_8, %cond3A_9 : i32
    scf.if %cond3A_10 {
      "tpu.region"() ({
        %run_scoped3A = tpu.sem_alloc : memref<!tpu.dma_semaphore, #tpu.memory_space<semaphore_mem>>
        %dma_start3A = arith.constant 9600 : i32
        %dma_start3A_28 = arith.constant 0 : i32
        %dma_start3A_29 = tpu.memref_slice %arg17[%dma_start3A, %dma_start3A_28] : memref<10000x128xf32, #tpu.memory_space<vmem_shared>> -> memref<400x128xf32, #tpu.memory_space<vmem_shared>>
        %dma_start3A_30 = arith.constant 9600 : i32
        %dma_start3A_31 = arith.constant 0 : i32
        %dma_start3A_32 = tpu.memref_slice %arg4[%dma_start3A_30, %dma_start3A_31] : memref<10000x128xf32, #tpu.memory_space<hbm>> -> memref<400x128xf32, #tpu.memory_space<hbm>>
        tpu.enqueue_dma source(%dma_start3A_32 : memref<400x128xf32, #tpu.memory_space<hbm>>) target(%dma_start3A_29 : memref<400x128xf32, #tpu.memory_space<vmem_shared>>) target_semaphore(%run_scoped3A : memref<!tpu.dma_semaphore, #tpu.memory_space<semaphore_mem>>)
        %dma_wait3A = arith.constant 9600 : i32
        %dma_wait3A_33 = arith.constant 0 : i32
        %dma_wait3A_34 = tpu.memref_slice %arg17[%dma_wait3A, %dma_wait3A_33] : memref<10000x128xf32, #tpu.memory_space<vmem_shared>> -> memref<400x128xf32, #tpu.memory_space<vmem_shared>>
        %dma_wait3A_35 = arith.constant 9600 : i32
        %dma_wait3A_36 = arith.constant 0 : i32
        %dma_wait3A_37 = tpu.memref_slice %arg4[%dma_wait3A_35, %dma_wait3A_36] : memref<10000x128xf32, #tpu.memory_space<hbm>> -> memref<400x128xf32, #tpu.memory_space<hbm>>
        tpu.wait_dma2 semaphore(%run_scoped3A : memref<!tpu.dma_semaphore, #tpu.memory_space<semaphore_mem>>) src(%dma_wait3A_37 : memref<400x128xf32, #tpu.memory_space<hbm>>) dst(%dma_wait3A_34 : memref<400x128xf32, #tpu.memory_space<vmem_shared>>)
        tpu.yield
      }) : () -> ()
    } else {
    }
    "tpu.region"() ({
      %run_scoped3A = tpu.sem_alloc : memref<!tpu.dma_semaphore, #tpu.memory_space<semaphore_mem>>
      %dma_start3A = arith.constant 0 : i32
      %dma_start3A_28 = arith.constant 0 : i32
      %dma_start3A_29 = tpu.memref_slice %arg3[%add3A, %dma_start3A, %dma_start3A_28] : memref<32x125x40xi32, #tpu.memory_space<hbm>> -> memref<1x125x40xi32, #tpu.memory_space<hbm>>
      %dma_start3A_30 = tpu.memref_squeeze %dma_start3A_29 : memref<1x125x40xi32, #tpu.memory_space<hbm>> -> memref<125x40xi32, #tpu.memory_space<hbm>>
      %dma_start3A_31 = arith.constant 0 : i32
      %dma_start3A_32 = arith.constant 0 : i32
      %dma_start3A_33 = tpu.memref_slice %arg3[%add3A, %dma_start3A_31, %dma_start3A_32] : memref<32x125x40xi32, #tpu.memory_space<hbm>> -> memref<1x125x40xi32, #tpu.memory_space<hbm>>
      %dma_start3A_34 = tpu.memref_squeeze %dma_start3A_33 : memref<1x125x40xi32, #tpu.memory_space<hbm>> -> memref<125x40xi32, #tpu.memory_space<hbm>>
      tpu.enqueue_dma source(%dma_start3A_34 : memref<125x40xi32, #tpu.memory_space<hbm>>) target(%arg6 : memref<125x40xi32, #tpu.memory_space<vmem>>) target_semaphore(%run_scoped3A : memref<!tpu.dma_semaphore, #tpu.memory_space<semaphore_mem>>)
      %dma_wait3A = arith.constant 0 : i32
      %dma_wait3A_35 = arith.constant 0 : i32
      %dma_wait3A_36 = tpu.memref_slice %arg3[%add3A, %dma_wait3A, %dma_wait3A_35] : memref<32x125x40xi32, #tpu.memory_space<hbm>> -> memref<1x125x40xi32, #tpu.memory_space<hbm>>
      %dma_wait3A_37 = tpu.memref_squeeze %dma_wait3A_36 : memref<1x125x40xi32, #tpu.memory_space<hbm>> -> memref<125x40xi32, #tpu.memory_space<hbm>>
      %dma_wait3A_38 = arith.constant 0 : i32
      %dma_wait3A_39 = arith.constant 0 : i32
      %dma_wait3A_40 = tpu.memref_slice %arg3[%add3A, %dma_wait3A_38, %dma_wait3A_39] : memref<32x125x40xi32, #tpu.memory_space<hbm>> -> memref<1x125x40xi32, #tpu.memory_space<hbm>>
      %dma_wait3A_41 = tpu.memref_squeeze %dma_wait3A_40 : memref<1x125x40xi32, #tpu.memory_space<hbm>> -> memref<125x40xi32, #tpu.memory_space<hbm>>
      tpu.wait_dma2 semaphore(%run_scoped3A : memref<!tpu.dma_semaphore, #tpu.memory_space<semaphore_mem>>) src(%dma_wait3A_41 : memref<125x40xi32, #tpu.memory_space<hbm>>) dst(%arg6 : memref<125x40xi32, #tpu.memory_space<vmem>>)
      tpu.yield
    }) : () -> ()
    %barrier3A = arith.constant 0 : index
    tpu.barrier barrier_id(%barrier3A)
    %scan3A = arith.constant 0 : i32
    %scan3A_11 = arith.constant 0 : i32
    %scan3A_12 = arith.constant 25 : i32
    %scan3A_13 = arith.addi %scan3A_11, %scan3A_12 : i32
    %scan3A_14 = arith.constant 1 : i32
    %scan3A_15 = scf.for %scan3A_28 = %scan3A_11 to %scan3A_13 step %scan3A_14 iter_args(%scan3A_29 = %scan3A) -> (i32)  : i32 {
      %mul3A_30 = arith.constant 5 : i32
      %mul3A_31 = arith.muli %mul3A_30, %scan3A_28 : i32
      %add3A_32 = arith.constant 0 : i32
      %add3A_33 = arith.addi %mul3A_31, %add3A_32 : i32
      %mul3A_34 = arith.constant 40 : i32
      %mul3A_35 = arith.muli %add3A_33, %mul3A_34 : i32
      %add3A_36 = arith.addi %mul3A_2, %mul3A_35 : i32
      %multiple_of3A = tpu.assume_multiple %add3A_36, 8 : i32
      %dma_start3A = arith.constant 0 : i32
      %dma_start3A_37 = tpu.memref_slice %arg2[%multiple_of3A, %dma_start3A] : memref<160000x128xf32, #tpu.memory_space<hbm>> -> memref<40x128xf32, #tpu.memory_space<hbm>>
      %dma_start3A_38 = arith.constant 0 : i32
      %dma_start3A_39 = tpu.memref_slice %arg2[%multiple_of3A, %dma_start3A_38] : memref<160000x128xf32, #tpu.memory_space<hbm>> -> memref<40x128xf32, #tpu.memory_space<hbm>>
      tpu.enqueue_dma source(%dma_start3A_39 : memref<40x128xf32, #tpu.memory_space<hbm>>) target(%arg7 : memref<40x128xf32, #tpu.memory_space<vmem>>) target_semaphore(%arg12 : memref<!tpu.dma_semaphore, #tpu.memory_space<semaphore_mem>>)
      %mul3A_40 = arith.constant 5 : i32
      %mul3A_41 = arith.muli %mul3A_40, %scan3A_28 : i32
      %add3A_42 = arith.constant 1 : i32
      %add3A_43 = arith.addi %mul3A_41, %add3A_42 : i32
      %mul3A_44 = arith.constant 40 : i32
      %mul3A_45 = arith.muli %add3A_43, %mul3A_44 : i32
      %add3A_46 = arith.addi %mul3A_2, %mul3A_45 : i32
      %multiple_of3A_47 = tpu.assume_multiple %add3A_46, 8 : i32
      %dma_start3A_48 = arith.constant 0 : i32
      %dma_start3A_49 = tpu.memref_slice %arg2[%multiple_of3A_47, %dma_start3A_48] : memref<160000x128xf32, #tpu.memory_space<hbm>> -> memref<40x128xf32, #tpu.memory_space<hbm>>
      %dma_start3A_50 = arith.constant 0 : i32
      %dma_start3A_51 = tpu.memref_slice %arg2[%multiple_of3A_47, %dma_start3A_50] : memref<160000x128xf32, #tpu.memory_space<hbm>> -> memref<40x128xf32, #tpu.memory_space<hbm>>
      tpu.enqueue_dma source(%dma_start3A_51 : memref<40x128xf32, #tpu.memory_space<hbm>>) target(%arg8 : memref<40x128xf32, #tpu.memory_space<vmem>>) target_semaphore(%arg13 : memref<!tpu.dma_semaphore, #tpu.memory_space<semaphore_mem>>)
      %mul3A_52 = arith.constant 5 : i32
      %mul3A_53 = arith.muli %mul3A_52, %scan3A_28 : i32
      %add3A_54 = arith.constant 2 : i32
      %add3A_55 = arith.addi %mul3A_53, %add3A_54 : i32
      %mul3A_56 = arith.constant 40 : i32
      %mul3A_57 = arith.muli %add3A_55, %mul3A_56 : i32
      %add3A_58 = arith.addi %mul3A_2, %mul3A_57 : i32
      %multiple_of3A_59 = tpu.assume_multiple %add3A_58, 8 : i32
      %dma_start3A_60 = arith.constant 0 : i32
      %dma_start3A_61 = tpu.memref_slice %arg2[%multiple_of3A_59, %dma_start3A_60] : memref<160000x128xf32, #tpu.memory_space<hbm>> -> memref<40x128xf32, #tpu.memory_space<hbm>>
      %dma_start3A_62 = arith.constant 0 : i32
      %dma_start3A_63 = tpu.memref_slice %arg2[%multiple_of3A_59, %dma_start3A_62] : memref<160000x128xf32, #tpu.memory_space<hbm>> -> memref<40x128xf32, #tpu.memory_space<hbm>>
      tpu.enqueue_dma source(%dma_start3A_63 : memref<40x128xf32, #tpu.memory_space<hbm>>) target(%arg9 : memref<40x128xf32, #tpu.memory_space<vmem>>) target_semaphore(%arg14 : memref<!tpu.dma_semaphore, #tpu.memory_space<semaphore_mem>>)
      %mul3A_64 = arith.constant 5 : i32
      %mul3A_65 = arith.muli %mul3A_64, %scan3A_28 : i32
      %add3A_66 = arith.constant 3 : i32
      %add3A_67 = arith.addi %mul3A_65, %add3A_66 : i32
      %mul3A_68 = arith.constant 40 : i32
      %mul3A_69 = arith.muli %add3A_67, %mul3A_68 : i32
      %add3A_70 = arith.addi %mul3A_2, %mul3A_69 : i32
      %multiple_of3A_71 = tpu.assume_multiple %add3A_70, 8 : i32
      %dma_start3A_72 = arith.constant 0 : i32
      %dma_start3A_73 = tpu.memref_slice %arg2[%multiple_of3A_71, %dma_start3A_72] : memref<160000x128xf32, #tpu.memory_space<hbm>> -> memref<40x128xf32, #tpu.memory_space<hbm>>
      %dma_start3A_74 = arith.constant 0 : i32
      %dma_start3A_75 = tpu.memref_slice %arg2[%multiple_of3A_71, %dma_start3A_74] : memref<160000x128xf32, #tpu.memory_space<hbm>> -> memref<40x128xf32, #tpu.memory_space<hbm>>
      tpu.enqueue_dma source(%dma_start3A_75 : memref<40x128xf32, #tpu.memory_space<hbm>>) target(%arg10 : memref<40x128xf32, #tpu.memory_space<vmem>>) target_semaphore(%arg15 : memref<!tpu.dma_semaphore, #tpu.memory_space<semaphore_mem>>)
      %mul3A_76 = arith.constant 5 : i32
      %mul3A_77 = arith.muli %mul3A_76, %scan3A_28 : i32
      %add3A_78 = arith.constant 4 : i32
      %add3A_79 = arith.addi %mul3A_77, %add3A_78 : i32
      %mul3A_80 = arith.constant 40 : i32
      %mul3A_81 = arith.muli %add3A_79, %mul3A_80 : i32
      %add3A_82 = arith.addi %mul3A_2, %mul3A_81 : i32
      %multiple_of3A_83 = tpu.assume_multiple %add3A_82, 8 : i32
      %dma_start3A_84 = arith.constant 0 : i32
      %dma_start3A_85 = tpu.memref_slice %arg2[%multiple_of3A_83, %dma_start3A_84] : memref<160000x128xf32, #tpu.memory_space<hbm>> -> memref<40x128xf32, #tpu.memory_space<hbm>>
      %dma_start3A_86 = arith.constant 0 : i32
      %dma_start3A_87 = tpu.memref_slice %arg2[%multiple_of3A_83, %dma_start3A_86] : memref<160000x128xf32, #tpu.memory_space<hbm>> -> memref<40x128xf32, #tpu.memory_space<hbm>>
      tpu.enqueue_dma source(%dma_start3A_87 : memref<40x128xf32, #tpu.memory_space<hbm>>) target(%arg11 : memref<40x128xf32, #tpu.memory_space<vmem>>) target_semaphore(%arg16 : memref<!tpu.dma_semaphore, #tpu.memory_space<semaphore_mem>>)
      %mul3A_88 = arith.constant 5 : i32
      %mul3A_89 = arith.muli %mul3A_88, %scan3A_28 : i32
      %add3A_90 = arith.constant 0 : i32
      %add3A_91 = arith.addi %mul3A_89, %add3A_90 : i32
      %dma_wait3A = arith.constant 0 : i32
      %dma_wait3A_92 = tpu.memref_slice %arg2[%multiple_of3A, %dma_wait3A] : memref<160000x128xf32, #tpu.memory_space<hbm>> -> memref<40x128xf32, #tpu.memory_space<hbm>>
      %dma_wait3A_93 = arith.constant 0 : i32
      %dma_wait3A_94 = tpu.memref_slice %arg2[%multiple_of3A, %dma_wait3A_93] : memref<160000x128xf32, #tpu.memory_space<hbm>> -> memref<40x128xf32, #tpu.memory_space<hbm>>
      tpu.wait_dma2 semaphore(%arg12 : memref<!tpu.dma_semaphore, #tpu.memory_space<semaphore_mem>>) src(%dma_wait3A_94 : memref<40x128xf32, #tpu.memory_space<hbm>>) dst(%arg7 : memref<40x128xf32, #tpu.memory_space<vmem>>)
      "tpu.region"() ({
        %run_scoped3A = tpu.sem_alloc : memref<!tpu.dma_semaphore, #tpu.memory_space<semaphore_mem>>
        %dma_start3A_128 = arith.constant 0 : i32
        %dma_start3A_129 = tpu.memref_slice %arg6[%add3A_91, %dma_start3A_128] : memref<125x40xi32, #tpu.memory_space<vmem>> -> memref<1x40xi32, #tpu.memory_space<vmem>>
        %dma_start3A_130 = tpu.memref_squeeze %dma_start3A_129 : memref<1x40xi32, #tpu.memory_space<vmem>> -> memref<40xi32, #tpu.memory_space<vmem>>
        %dma_start3A_131 = arith.constant 0 : i32
        %dma_start3A_132 = arith.constant 0 : i32
        %dma_start3A_133 = tpu.memref_slice %arg17[%dma_start3A_131, %dma_start3A_132] : memref<10000x128xf32, #tpu.memory_space<vmem_shared>> -> memref<10000x128xf32, #tpu.memory_space<vmem_shared>>
        tpu.enqueue_indirect_dma source(%arg7 : memref<40x128xf32, #tpu.memory_space<vmem>>) target(%dma_start3A_133 : memref<10000x128xf32, #tpu.memory_space<vmem_shared>>) offsets(%dma_start3A_130 : memref<40xi32, #tpu.memory_space<vmem>>) semaphore(%run_scoped3A : memref<!tpu.dma_semaphore, #tpu.memory_space<semaphore_mem>>) {add = true}
        %dma_wait3A_134 = arith.constant 0 : i32
        %dma_wait3A_135 = tpu.memref_slice %arg6[%add3A_91, %dma_wait3A_134] : memref<125x40xi32, #tpu.memory_space<vmem>> -> memref<1x40xi32, #tpu.memory_space<vmem>>
        %dma_wait3A_136 = tpu.memref_squeeze %dma_wait3A_135 : memref<1x40xi32, #tpu.memory_space<vmem>> -> memref<40xi32, #tpu.memory_space<vmem>>
        %dma_wait3A_137 = arith.constant 0 : i32
        %dma_wait3A_138 = arith.constant 0 : i32
        %dma_wait3A_139 = tpu.memref_slice %arg17[%dma_wait3A_137, %dma_wait3A_138] : memref<10000x128xf32, #tpu.memory_space<vmem_shared>> -> memref<10000x128xf32, #tpu.memory_space<vmem_shared>>
        tpu.wait_indirect_dma semaphore(%run_scoped3A : memref<!tpu.dma_semaphore, #tpu.memory_space<semaphore_mem>>) src(%arg7 : memref<40x128xf32, #tpu.memory_space<vmem>>) dst(%dma_wait3A_139 : memref<10000x128xf32, #tpu.memory_space<vmem_shared>>)
        tpu.yield
      }) : () -> ()
      %mul3A_95 = arith.constant 5 : i32
      %mul3A_96 = arith.muli %mul3A_95, %scan3A_28 : i32
      %add3A_97 = arith.constant 1 : i32
      %add3A_98 = arith.addi %mul3A_96, %add3A_97 : i32
      %dma_wait3A_99 = arith.constant 0 : i32
      %dma_wait3A_100 = tpu.memref_slice %arg2[%multiple_of3A_47, %dma_wait3A_99] : memref<160000x128xf32, #tpu.memory_space<hbm>> -> memref<40x128xf32, #tpu.memory_space<hbm>>
      %dma_wait3A_101 = arith.constant 0 : i32
      %dma_wait3A_102 = tpu.memref_slice %arg2[%multiple_of3A_47, %dma_wait3A_101] : memref<160000x128xf32, #tpu.memory_space<hbm>> -> memref<40x128xf32, #tpu.memory_space<hbm>>
      tpu.wait_dma2 semaphore(%arg13 : memref<!tpu.dma_semaphore, #tpu.memory_space<semaphore_mem>>) src(%dma_wait3A_102 : memref<40x128xf32, #tpu.memory_space<hbm>>) dst(%arg8 : memref<40x128xf32, #tpu.memory_space<vmem>>)
      "tpu.region"() ({
        %run_scoped3A = tpu.sem_alloc : memref<!tpu.dma_semaphore, #tpu.memory_space<semaphore_mem>>
        %dma_start3A_128 = arith.constant 0 : i32
        %dma_start3A_129 = tpu.memref_slice %arg6[%add3A_98, %dma_start3A_128] : memref<125x40xi32, #tpu.memory_space<vmem>> -> memref<1x40xi32, #tpu.memory_space<vmem>>
        %dma_start3A_130 = tpu.memref_squeeze %dma_start3A_129 : memref<1x40xi32, #tpu.memory_space<vmem>> -> memref<40xi32, #tpu.memory_space<vmem>>
        %dma_start3A_131 = arith.constant 0 : i32
        %dma_start3A_132 = arith.constant 0 : i32
        %dma_start3A_133 = tpu.memref_slice %arg17[%dma_start3A_131, %dma_start3A_132] : memref<10000x128xf32, #tpu.memory_space<vmem_shared>> -> memref<10000x128xf32, #tpu.memory_space<vmem_shared>>
        tpu.enqueue_indirect_dma source(%arg8 : memref<40x128xf32, #tpu.memory_space<vmem>>) target(%dma_start3A_133 : memref<10000x128xf32, #tpu.memory_space<vmem_shared>>) offsets(%dma_start3A_130 : memref<40xi32, #tpu.memory_space<vmem>>) semaphore(%run_scoped3A : memref<!tpu.dma_semaphore, #tpu.memory_space<semaphore_mem>>) {add = true}
        %dma_wait3A_134 = arith.constant 0 : i32
        %dma_wait3A_135 = tpu.memref_slice %arg6[%add3A_98, %dma_wait3A_134] : memref<125x40xi32, #tpu.memory_space<vmem>> -> memref<1x40xi32, #tpu.memory_space<vmem>>
        %dma_wait3A_136 = tpu.memref_squeeze %dma_wait3A_135 : memref<1x40xi32, #tpu.memory_space<vmem>> -> memref<40xi32, #tpu.memory_space<vmem>>
        %dma_wait3A_137 = arith.constant 0 : i32
        %dma_wait3A_138 = arith.constant 0 : i32
        %dma_wait3A_139 = tpu.memref_slice %arg17[%dma_wait3A_137, %dma_wait3A_138] : memref<10000x128xf32, #tpu.memory_space<vmem_shared>> -> memref<10000x128xf32, #tpu.memory_space<vmem_shared>>
        tpu.wait_indirect_dma semaphore(%run_scoped3A : memref<!tpu.dma_semaphore, #tpu.memory_space<semaphore_mem>>) src(%arg8 : memref<40x128xf32, #tpu.memory_space<vmem>>) dst(%dma_wait3A_139 : memref<10000x128xf32, #tpu.memory_space<vmem_shared>>)
        tpu.yield
      }) : () -> ()
      %mul3A_103 = arith.constant 5 : i32
      %mul3A_104 = arith.muli %mul3A_103, %scan3A_28 : i32
      %add3A_105 = arith.constant 2 : i32
      %add3A_106 = arith.addi %mul3A_104, %add3A_105 : i32
      %dma_wait3A_107 = arith.constant 0 : i32
      %dma_wait3A_108 = tpu.memref_slice %arg2[%multiple_of3A_59, %dma_wait3A_107] : memref<160000x128xf32, #tpu.memory_space<hbm>> -> memref<40x128xf32, #tpu.memory_space<hbm>>
      %dma_wait3A_109 = arith.constant 0 : i32
      %dma_wait3A_110 = tpu.memref_slice %arg2[%multiple_of3A_59, %dma_wait3A_109] : memref<160000x128xf32, #tpu.memory_space<hbm>> -> memref<40x128xf32, #tpu.memory_space<hbm>>
      tpu.wait_dma2 semaphore(%arg14 : memref<!tpu.dma_semaphore, #tpu.memory_space<semaphore_mem>>) src(%dma_wait3A_110 : memref<40x128xf32, #tpu.memory_space<hbm>>) dst(%arg9 : memref<40x128xf32, #tpu.memory_space<vmem>>)
      "tpu.region"() ({
        %run_scoped3A = tpu.sem_alloc : memref<!tpu.dma_semaphore, #tpu.memory_space<semaphore_mem>>
        %dma_start3A_128 = arith.constant 0 : i32
        %dma_start3A_129 = tpu.memref_slice %arg6[%add3A_106, %dma_start3A_128] : memref<125x40xi32, #tpu.memory_space<vmem>> -> memref<1x40xi32, #tpu.memory_space<vmem>>
        %dma_start3A_130 = tpu.memref_squeeze %dma_start3A_129 : memref<1x40xi32, #tpu.memory_space<vmem>> -> memref<40xi32, #tpu.memory_space<vmem>>
        %dma_start3A_131 = arith.constant 0 : i32
        %dma_start3A_132 = arith.constant 0 : i32
        %dma_start3A_133 = tpu.memref_slice %arg17[%dma_start3A_131, %dma_start3A_132] : memref<10000x128xf32, #tpu.memory_space<vmem_shared>> -> memref<10000x128xf32, #tpu.memory_space<vmem_shared>>
        tpu.enqueue_indirect_dma source(%arg9 : memref<40x128xf32, #tpu.memory_space<vmem>>) target(%dma_start3A_133 : memref<10000x128xf32, #tpu.memory_space<vmem_shared>>) offsets(%dma_start3A_130 : memref<40xi32, #tpu.memory_space<vmem>>) semaphore(%run_scoped3A : memref<!tpu.dma_semaphore, #tpu.memory_space<semaphore_mem>>) {add = true}
        %dma_wait3A_134 = arith.constant 0 : i32
        %dma_wait3A_135 = tpu.memref_slice %arg6[%add3A_106, %dma_wait3A_134] : memref<125x40xi32, #tpu.memory_space<vmem>> -> memref<1x40xi32, #tpu.memory_space<vmem>>
        %dma_wait3A_136 = tpu.memref_squeeze %dma_wait3A_135 : memref<1x40xi32, #tpu.memory_space<vmem>> -> memref<40xi32, #tpu.memory_space<vmem>>
        %dma_wait3A_137 = arith.constant 0 : i32
        %dma_wait3A_138 = arith.constant 0 : i32
        %dma_wait3A_139 = tpu.memref_slice %arg17[%dma_wait3A_137, %dma_wait3A_138] : memref<10000x128xf32, #tpu.memory_space<vmem_shared>> -> memref<10000x128xf32, #tpu.memory_space<vmem_shared>>
        tpu.wait_indirect_dma semaphore(%run_scoped3A : memref<!tpu.dma_semaphore, #tpu.memory_space<semaphore_mem>>) src(%arg9 : memref<40x128xf32, #tpu.memory_space<vmem>>) dst(%dma_wait3A_139 : memref<10000x128xf32, #tpu.memory_space<vmem_shared>>)
        tpu.yield
      }) : () -> ()
      %mul3A_111 = arith.constant 5 : i32
      %mul3A_112 = arith.muli %mul3A_111, %scan3A_28 : i32
      %add3A_113 = arith.constant 3 : i32
      %add3A_114 = arith.addi %mul3A_112, %add3A_113 : i32
      %dma_wait3A_115 = arith.constant 0 : i32
      %dma_wait3A_116 = tpu.memref_slice %arg2[%multiple_of3A_71, %dma_wait3A_115] : memref<160000x128xf32, #tpu.memory_space<hbm>> -> memref<40x128xf32, #tpu.memory_space<hbm>>
      %dma_wait3A_117 = arith.constant 0 : i32
      %dma_wait3A_118 = tpu.memref_slice %arg2[%multiple_of3A_71, %dma_wait3A_117] : memref<160000x128xf32, #tpu.memory_space<hbm>> -> memref<40x128xf32, #tpu.memory_space<hbm>>
      tpu.wait_dma2 semaphore(%arg15 : memref<!tpu.dma_semaphore, #tpu.memory_space<semaphore_mem>>) src(%dma_wait3A_118 : memref<40x128xf32, #tpu.memory_space<hbm>>) dst(%arg10 : memref<40x128xf32, #tpu.memory_space<vmem>>)
      "tpu.region"() ({
        %run_scoped3A = tpu.sem_alloc : memref<!tpu.dma_semaphore, #tpu.memory_space<semaphore_mem>>
        %dma_start3A_128 = arith.constant 0 : i32
        %dma_start3A_129 = tpu.memref_slice %arg6[%add3A_114, %dma_start3A_128] : memref<125x40xi32, #tpu.memory_space<vmem>> -> memref<1x40xi32, #tpu.memory_space<vmem>>
        %dma_start3A_130 = tpu.memref_squeeze %dma_start3A_129 : memref<1x40xi32, #tpu.memory_space<vmem>> -> memref<40xi32, #tpu.memory_space<vmem>>
        %dma_start3A_131 = arith.constant 0 : i32
        %dma_start3A_132 = arith.constant 0 : i32
        %dma_start3A_133 = tpu.memref_slice %arg17[%dma_start3A_131, %dma_start3A_132] : memref<10000x128xf32, #tpu.memory_space<vmem_shared>> -> memref<10000x128xf32, #tpu.memory_space<vmem_shared>>
        tpu.enqueue_indirect_dma source(%arg10 : memref<40x128xf32, #tpu.memory_space<vmem>>) target(%dma_start3A_133 : memref<10000x128xf32, #tpu.memory_space<vmem_shared>>) offsets(%dma_start3A_130 : memref<40xi32, #tpu.memory_space<vmem>>) semaphore(%run_scoped3A : memref<!tpu.dma_semaphore, #tpu.memory_space<semaphore_mem>>) {add = true}
        %dma_wait3A_134 = arith.constant 0 : i32
        %dma_wait3A_135 = tpu.memref_slice %arg6[%add3A_114, %dma_wait3A_134] : memref<125x40xi32, #tpu.memory_space<vmem>> -> memref<1x40xi32, #tpu.memory_space<vmem>>
        %dma_wait3A_136 = tpu.memref_squeeze %dma_wait3A_135 : memref<1x40xi32, #tpu.memory_space<vmem>> -> memref<40xi32, #tpu.memory_space<vmem>>
        %dma_wait3A_137 = arith.constant 0 : i32
        %dma_wait3A_138 = arith.constant 0 : i32
        %dma_wait3A_139 = tpu.memref_slice %arg17[%dma_wait3A_137, %dma_wait3A_138] : memref<10000x128xf32, #tpu.memory_space<vmem_shared>> -> memref<10000x128xf32, #tpu.memory_space<vmem_shared>>
        tpu.wait_indirect_dma semaphore(%run_scoped3A : memref<!tpu.dma_semaphore, #tpu.memory_space<semaphore_mem>>) src(%arg10 : memref<40x128xf32, #tpu.memory_space<vmem>>) dst(%dma_wait3A_139 : memref<10000x128xf32, #tpu.memory_space<vmem_shared>>)
        tpu.yield
      }) : () -> ()
      %mul3A_119 = arith.constant 5 : i32
      %mul3A_120 = arith.muli %mul3A_119, %scan3A_28 : i32
      %add3A_121 = arith.constant 4 : i32
      %add3A_122 = arith.addi %mul3A_120, %add3A_121 : i32
      %dma_wait3A_123 = arith.constant 0 : i32
      %dma_wait3A_124 = tpu.memref_slice %arg2[%multiple_of3A_83, %dma_wait3A_123] : memref<160000x128xf32, #tpu.memory_space<hbm>> -> memref<40x128xf32, #tpu.memory_space<hbm>>
      %dma_wait3A_125 = arith.constant 0 : i32
      %dma_wait3A_126 = tpu.memref_slice %arg2[%multiple_of3A_83, %dma_wait3A_125] : memref<160000x128xf32, #tpu.memory_space<hbm>> -> memref<40x128xf32, #tpu.memory_space<hbm>>
      tpu.wait_dma2 semaphore(%arg16 : memref<!tpu.dma_semaphore, #tpu.memory_space<semaphore_mem>>) src(%dma_wait3A_126 : memref<40x128xf32, #tpu.memory_space<hbm>>) dst(%arg11 : memref<40x128xf32, #tpu.memory_space<vmem>>)
      "tpu.region"() ({
        %run_scoped3A = tpu.sem_alloc : memref<!tpu.dma_semaphore, #tpu.memory_space<semaphore_mem>>
        %dma_start3A_128 = arith.constant 0 : i32
        %dma_start3A_129 = tpu.memref_slice %arg6[%add3A_122, %dma_start3A_128] : memref<125x40xi32, #tpu.memory_space<vmem>> -> memref<1x40xi32, #tpu.memory_space<vmem>>
        %dma_start3A_130 = tpu.memref_squeeze %dma_start3A_129 : memref<1x40xi32, #tpu.memory_space<vmem>> -> memref<40xi32, #tpu.memory_space<vmem>>
        %dma_start3A_131 = arith.constant 0 : i32
        %dma_start3A_132 = arith.constant 0 : i32
        %dma_start3A_133 = tpu.memref_slice %arg17[%dma_start3A_131, %dma_start3A_132] : memref<10000x128xf32, #tpu.memory_space<vmem_shared>> -> memref<10000x128xf32, #tpu.memory_space<vmem_shared>>
        tpu.enqueue_indirect_dma source(%arg11 : memref<40x128xf32, #tpu.memory_space<vmem>>) target(%dma_start3A_133 : memref<10000x128xf32, #tpu.memory_space<vmem_shared>>) offsets(%dma_start3A_130 : memref<40xi32, #tpu.memory_space<vmem>>) semaphore(%run_scoped3A : memref<!tpu.dma_semaphore, #tpu.memory_space<semaphore_mem>>) {add = true}
        %dma_wait3A_134 = arith.constant 0 : i32
        %dma_wait3A_135 = tpu.memref_slice %arg6[%add3A_122, %dma_wait3A_134] : memref<125x40xi32, #tpu.memory_space<vmem>> -> memref<1x40xi32, #tpu.memory_space<vmem>>
        %dma_wait3A_136 = tpu.memref_squeeze %dma_wait3A_135 : memref<1x40xi32, #tpu.memory_space<vmem>> -> memref<40xi32, #tpu.memory_space<vmem>>
        %dma_wait3A_137 = arith.constant 0 : i32
        %dma_wait3A_138 = arith.constant 0 : i32
        %dma_wait3A_139 = tpu.memref_slice %arg17[%dma_wait3A_137, %dma_wait3A_138] : memref<10000x128xf32, #tpu.memory_space<vmem_shared>> -> memref<10000x128xf32, #tpu.memory_space<vmem_shared>>
        tpu.wait_indirect_dma semaphore(%run_scoped3A : memref<!tpu.dma_semaphore, #tpu.memory_space<semaphore_mem>>) src(%arg11 : memref<40x128xf32, #tpu.memory_space<vmem>>) dst(%dma_wait3A_139 : memref<10000x128xf32, #tpu.memory_space<vmem_shared>>)
        tpu.yield
      }) : () -> ()
      %scan3A_127 = arith.constant 0 : i32
      scf.yield %scan3A_127 : i32
    }
    %scan3A_16 = arith.constant 25 : i32
    %barrier3A_17 = arith.constant 0 : index
    tpu.barrier barrier_id(%barrier3A_17)
    %lt3A_18 = arith.constant 15 : i32
    %lt3A_19 = arith.cmpi slt, %arg1, %lt3A_18 : i32
    %convert_element_type3A_20 = arith.extui %lt3A_19 : i1 to i32
    %cond3A_21 = arith.constant 0 : i32
    %cond3A_22 = arith.cmpi ne, %convert_element_type3A_20, %cond3A_21 : i32
    scf.if %cond3A_22 {
      "tpu.region"() ({
        %run_scoped3A = tpu.sem_alloc : memref<!tpu.dma_semaphore, #tpu.memory_space<semaphore_mem>>
        %dma_start3A = arith.constant 0 : i32
        %dma_start3A_28 = tpu.memref_slice %arg5[%arg0, %mul3A_4, %dma_start3A] : memref<2x10000x128xf32, #tpu.memory_space<hbm>> -> memref<1x640x128xf32, #tpu.memory_space<hbm>>
        %dma_start3A_29 = tpu.memref_squeeze %dma_start3A_28 : memref<1x640x128xf32, #tpu.memory_space<hbm>> -> memref<640x128xf32, #tpu.memory_space<hbm>>
        %dma_start3A_30 = arith.constant 0 : i32
        %dma_start3A_31 = tpu.memref_slice %arg17[%mul3A_4, %dma_start3A_30] : memref<10000x128xf32, #tpu.memory_space<vmem_shared>> -> memref<640x128xf32, #tpu.memory_space<vmem_shared>>
        tpu.enqueue_dma source(%dma_start3A_31 : memref<640x128xf32, #tpu.memory_space<vmem_shared>>) target(%dma_start3A_29 : memref<640x128xf32, #tpu.memory_space<hbm>>) target_semaphore(%run_scoped3A : memref<!tpu.dma_semaphore, #tpu.memory_space<semaphore_mem>>)
        %dma_wait3A = arith.constant 0 : i32
        %dma_wait3A_32 = tpu.memref_slice %arg5[%arg0, %mul3A_4, %dma_wait3A] : memref<2x10000x128xf32, #tpu.memory_space<hbm>> -> memref<1x640x128xf32, #tpu.memory_space<hbm>>
        %dma_wait3A_33 = tpu.memref_squeeze %dma_wait3A_32 : memref<1x640x128xf32, #tpu.memory_space<hbm>> -> memref<640x128xf32, #tpu.memory_space<hbm>>
        %dma_wait3A_34 = arith.constant 0 : i32
        %dma_wait3A_35 = tpu.memref_slice %arg17[%mul3A_4, %dma_wait3A_34] : memref<10000x128xf32, #tpu.memory_space<vmem_shared>> -> memref<640x128xf32, #tpu.memory_space<vmem_shared>>
        tpu.wait_dma2 semaphore(%run_scoped3A : memref<!tpu.dma_semaphore, #tpu.memory_space<semaphore_mem>>) src(%dma_wait3A_35 : memref<640x128xf32, #tpu.memory_space<vmem_shared>>) dst(%dma_wait3A_33 : memref<640x128xf32, #tpu.memory_space<hbm>>)
        tpu.yield
      }) : () -> ()
    } else {
    }
    %eq3A_23 = arith.constant 15 : i32
    %eq3A_24 = arith.cmpi eq, %arg1, %eq3A_23 : i32
    %convert_element_type3A_25 = arith.extui %eq3A_24 : i1 to i32
    %cond3A_26 = arith.constant 0 : i32
    %cond3A_27 = arith.cmpi ne, %convert_element_type3A_25, %cond3A_26 : i32
    scf.if %cond3A_27 {
      "tpu.region"() ({
        %run_scoped3A = tpu.sem_alloc : memref<!tpu.dma_semaphore, #tpu.memory_space<semaphore_mem>>
        %dma_start3A = arith.constant 9600 : i32
        %dma_start3A_28 = arith.constant 0 : i32
        %dma_start3A_29 = tpu.memref_slice %arg5[%arg0, %dma_start3A, %dma_start3A_28] : memref<2x10000x128xf32, #tpu.memory_space<hbm>> -> memref<1x400x128xf32, #tpu.memory_space<hbm>>
        %dma_start3A_30 = tpu.memref_squeeze %dma_start3A_29 : memref<1x400x128xf32, #tpu.memory_space<hbm>> -> memref<400x128xf32, #tpu.memory_space<hbm>>
        %dma_start3A_31 = arith.constant 9600 : i32
        %dma_start3A_32 = arith.constant 0 : i32
        %dma_start3A_33 = tpu.memref_slice %arg17[%dma_start3A_31, %dma_start3A_32] : memref<10000x128xf32, #tpu.memory_space<vmem_shared>> -> memref<400x128xf32, #tpu.memory_space<vmem_shared>>
        tpu.enqueue_dma source(%dma_start3A_33 : memref<400x128xf32, #tpu.memory_space<vmem_shared>>) target(%dma_start3A_30 : memref<400x128xf32, #tpu.memory_space<hbm>>) target_semaphore(%run_scoped3A : memref<!tpu.dma_semaphore, #tpu.memory_space<semaphore_mem>>)
        %dma_wait3A = arith.constant 9600 : i32
        %dma_wait3A_34 = arith.constant 0 : i32
        %dma_wait3A_35 = tpu.memref_slice %arg5[%arg0, %dma_wait3A, %dma_wait3A_34] : memref<2x10000x128xf32, #tpu.memory_space<hbm>> -> memref<1x400x128xf32, #tpu.memory_space<hbm>>
        %dma_wait3A_36 = tpu.memref_squeeze %dma_wait3A_35 : memref<1x400x128xf32, #tpu.memory_space<hbm>> -> memref<400x128xf32, #tpu.memory_space<hbm>>
        %dma_wait3A_37 = arith.constant 9600 : i32
        %dma_wait3A_38 = arith.constant 0 : i32
        %dma_wait3A_39 = tpu.memref_slice %arg17[%dma_wait3A_37, %dma_wait3A_38] : memref<10000x128xf32, #tpu.memory_space<vmem_shared>> -> memref<400x128xf32, #tpu.memory_space<vmem_shared>>
        tpu.wait_dma2 semaphore(%run_scoped3A : memref<!tpu.dma_semaphore, #tpu.memory_space<semaphore_mem>>) src(%dma_wait3A_39 : memref<400x128xf32, #tpu.memory_space<vmem_shared>>) dst(%dma_wait3A_36 : memref<400x128xf32, #tpu.memory_space<hbm>>)
        tpu.yield
      }) : () -> ()
    } else {
    }
    return
  }
}

#map = affine_map<(d0, d1) -> (0, 0)>
#map1 = affine_map<(d0, d1) -> (0, 0, 0)>
module attributes {stable_mosaic.version = 14 : i64} {
  func.func @_scatter_body(%arg0: i32, %arg1: i32, %arg2: memref<160000x128xf32, #tpu.memory_space<hbm>>, %arg3: memref<32x125x40xi32, #tpu.memory_space<hbm>>, %arg4: memref<10000x128xf32, #tpu.memory_space<hbm>>, %arg5: memref<2x10000x128xf32, #tpu.memory_space<hbm>>, %arg6: memref<125x40xi32, #tpu.memory_space<vmem>>, %arg7: memref<40x128xf32, #tpu.memory_space<vmem>>, %arg8: memref<40x128xf32, #tpu.memory_space<vmem>>, %arg9: memref<40x128xf32, #tpu.memory_space<vmem>>, %arg10: memref<40x128xf32, #tpu.memory_space<vmem>>, %arg11: memref<40x128xf32, #tpu.memory_space<vmem>>, %arg12: memref<!tpu.dma_semaphore, #tpu.memory_space<semaphore_mem>>, %arg13: memref<!tpu.dma_semaphore, #tpu.memory_space<semaphore_mem>>, %arg14: memref<!tpu.dma_semaphore, #tpu.memory_space<semaphore_mem>>, %arg15: memref<!tpu.dma_semaphore, #tpu.memory_space<semaphore_mem>>, %arg16: memref<!tpu.dma_semaphore, #tpu.memory_space<semaphore_mem>>, %arg17: memref<10000x128xf32, #tpu.memory_space<vmem_shared>>) attributes {dimension_semantics = [#tpu.dimension_semantics<core_parallel>, #tpu.dimension_semantics<subcore_parallel>], iteration_bounds = array<i64: 2, 16>, scalar_prefetch = 0 : i64, scratch_operands = 12 : i64, tpu.core_type = #tpu.core_type<sc_vector_subcore>, window_params = [{transform_indices = #map}, {transform_indices = #map1}, {transform_indices = #map}, {transform_indices = #map1}]} {
    %mul3A = arith.constant 16 : i32
    %mul3A_0 = arith.muli %arg0, %mul3A : i32
    %add3A = arith.addi %mul3A_0, %arg1 : i32
    %mul3A_1 = arith.constant 5000 : i32
    %mul3A_2 = arith.muli %add3A, %mul3A_1 : i32
    %mul3A_3 = arith.constant 640 : i32
    %mul3A_4 = arith.muli %arg1, %mul3A_3 : i32
    %lt3A = arith.constant 15 : i32
    %lt3A_5 = arith.cmpi slt, %arg1, %lt3A : i32
    %convert_element_type3A = arith.extui %lt3A_5 : i1 to i32
    %cond3A = arith.constant 0 : i32
    %cond3A_6 = arith.cmpi ne, %convert_element_type3A, %cond3A : i32
    scf.if %cond3A_6 {
      "tpu.region"() ({
        %run_scoped3A = tpu.sem_alloc : memref<!tpu.dma_semaphore, #tpu.memory_space<semaphore_mem>>
        %dma_start3A = arith.constant 0 : i32
        %dma_start3A_28 = tpu.memref_slice %arg17[%mul3A_4, %dma_start3A] : memref<10000x128xf32, #tpu.memory_space<vmem_shared>> -> memref<640x128xf32, #tpu.memory_space<vmem_shared>>
        %dma_start3A_29 = arith.constant 0 : i32
        %dma_start3A_30 = tpu.memref_slice %arg4[%mul3A_4, %dma_start3A_29] : memref<10000x128xf32, #tpu.memory_space<hbm>> -> memref<640x128xf32, #tpu.memory_space<hbm>>
        tpu.enqueue_dma source(%dma_start3A_30 : memref<640x128xf32, #tpu.memory_space<hbm>>) target(%dma_start3A_28 : memref<640x128xf32, #tpu.memory_space<vmem_shared>>) target_semaphore(%run_scoped3A : memref<!tpu.dma_semaphore, #tpu.memory_space<semaphore_mem>>)
        %dma_wait3A = arith.constant 0 : i32
        %dma_wait3A_31 = tpu.memref_slice %arg17[%mul3A_4, %dma_wait3A] : memref<10000x128xf32, #tpu.memory_space<vmem_shared>> -> memref<640x128xf32, #tpu.memory_space<vmem_shared>>
        %dma_wait3A_32 = arith.constant 0 : i32
        %dma_wait3A_33 = tpu.memref_slice %arg4[%mul3A_4, %dma_wait3A_32] : memref<10000x128xf32, #tpu.memory_space<hbm>> -> memref<640x128xf32, #tpu.memory_space<hbm>>
        tpu.wait_dma2 semaphore(%run_scoped3A : memref<!tpu.dma_semaphore, #tpu.memory_space<semaphore_mem>>) src(%dma_wait3A_33 : memref<640x128xf32, #tpu.memory_space<hbm>>) dst(%dma_wait3A_31 : memref<640x128xf32, #tpu.memory_space<vmem_shared>>)
        tpu.yield
      }) : () -> ()
    } else {
    }
    %eq3A = arith.constant 15 : i32
    %eq3A_7 = arith.cmpi eq, %arg1, %eq3A : i32
    %convert_element_type3A_8 = arith.extui %eq3A_7 : i1 to i32
    %cond3A_9 = arith.constant 0 : i32
    %cond3A_10 = arith.cmpi ne, %convert_element_type3A_8, %cond3A_9 : i32
    scf.if %cond3A_10 {
      "tpu.region"() ({
        %run_scoped3A = tpu.sem_alloc : memref<!tpu.dma_semaphore, #tpu.memory_space<semaphore_mem>>
        %dma_start3A = arith.constant 9600 : i32
        %dma_start3A_28 = arith.constant 0 : i32
        %dma_start3A_29 = tpu.memref_slice %arg17[%dma_start3A, %dma_start3A_28] : memref<10000x128xf32, #tpu.memory_space<vmem_shared>> -> memref<400x128xf32, #tpu.memory_space<vmem_shared>>
        %dma_start3A_30 = arith.constant 9600 : i32
        %dma_start3A_31 = arith.constant 0 : i32
        %dma_start3A_32 = tpu.memref_slice %arg4[%dma_start3A_30, %dma_start3A_31] : memref<10000x128xf32, #tpu.memory_space<hbm>> -> memref<400x128xf32, #tpu.memory_space<hbm>>
        tpu.enqueue_dma source(%dma_start3A_32 : memref<400x128xf32, #tpu.memory_space<hbm>>) target(%dma_start3A_29 : memref<400x128xf32, #tpu.memory_space<vmem_shared>>) target_semaphore(%run_scoped3A : memref<!tpu.dma_semaphore, #tpu.memory_space<semaphore_mem>>)
        %dma_wait3A = arith.constant 9600 : i32
        %dma_wait3A_33 = arith.constant 0 : i32
        %dma_wait3A_34 = tpu.memref_slice %arg17[%dma_wait3A, %dma_wait3A_33] : memref<10000x128xf32, #tpu.memory_space<vmem_shared>> -> memref<400x128xf32, #tpu.memory_space<vmem_shared>>
        %dma_wait3A_35 = arith.constant 9600 : i32
        %dma_wait3A_36 = arith.constant 0 : i32
        %dma_wait3A_37 = tpu.memref_slice %arg4[%dma_wait3A_35, %dma_wait3A_36] : memref<10000x128xf32, #tpu.memory_space<hbm>> -> memref<400x128xf32, #tpu.memory_space<hbm>>
        tpu.wait_dma2 semaphore(%run_scoped3A : memref<!tpu.dma_semaphore, #tpu.memory_space<semaphore_mem>>) src(%dma_wait3A_37 : memref<400x128xf32, #tpu.memory_space<hbm>>) dst(%dma_wait3A_34 : memref<400x128xf32, #tpu.memory_space<vmem_shared>>)
        tpu.yield
      }) : () -> ()
    } else {
    }
    "tpu.region"() ({
      %run_scoped3A = tpu.sem_alloc : memref<!tpu.dma_semaphore, #tpu.memory_space<semaphore_mem>>
      %dma_start3A = arith.constant 0 : i32
      %dma_start3A_28 = arith.constant 0 : i32
      %dma_start3A_29 = tpu.memref_slice %arg3[%add3A, %dma_start3A, %dma_start3A_28] : memref<32x125x40xi32, #tpu.memory_space<hbm>> -> memref<1x125x40xi32, #tpu.memory_space<hbm>>
      %dma_start3A_30 = tpu.memref_squeeze %dma_start3A_29 : memref<1x125x40xi32, #tpu.memory_space<hbm>> -> memref<125x40xi32, #tpu.memory_space<hbm>>
      %dma_start3A_31 = arith.constant 0 : i32
      %dma_start3A_32 = arith.constant 0 : i32
      %dma_start3A_33 = tpu.memref_slice %arg3[%add3A, %dma_start3A_31, %dma_start3A_32] : memref<32x125x40xi32, #tpu.memory_space<hbm>> -> memref<1x125x40xi32, #tpu.memory_space<hbm>>
      %dma_start3A_34 = tpu.memref_squeeze %dma_start3A_33 : memref<1x125x40xi32, #tpu.memory_space<hbm>> -> memref<125x40xi32, #tpu.memory_space<hbm>>
      tpu.enqueue_dma source(%dma_start3A_34 : memref<125x40xi32, #tpu.memory_space<hbm>>) target(%arg6 : memref<125x40xi32, #tpu.memory_space<vmem>>) target_semaphore(%run_scoped3A : memref<!tpu.dma_semaphore, #tpu.memory_space<semaphore_mem>>)
      %dma_wait3A = arith.constant 0 : i32
      %dma_wait3A_35 = arith.constant 0 : i32
      %dma_wait3A_36 = tpu.memref_slice %arg3[%add3A, %dma_wait3A, %dma_wait3A_35] : memref<32x125x40xi32, #tpu.memory_space<hbm>> -> memref<1x125x40xi32, #tpu.memory_space<hbm>>
      %dma_wait3A_37 = tpu.memref_squeeze %dma_wait3A_36 : memref<1x125x40xi32, #tpu.memory_space<hbm>> -> memref<125x40xi32, #tpu.memory_space<hbm>>
      %dma_wait3A_38 = arith.constant 0 : i32
      %dma_wait3A_39 = arith.constant 0 : i32
      %dma_wait3A_40 = tpu.memref_slice %arg3[%add3A, %dma_wait3A_38, %dma_wait3A_39] : memref<32x125x40xi32, #tpu.memory_space<hbm>> -> memref<1x125x40xi32, #tpu.memory_space<hbm>>
      %dma_wait3A_41 = tpu.memref_squeeze %dma_wait3A_40 : memref<1x125x40xi32, #tpu.memory_space<hbm>> -> memref<125x40xi32, #tpu.memory_space<hbm>>
      tpu.wait_dma2 semaphore(%run_scoped3A : memref<!tpu.dma_semaphore, #tpu.memory_space<semaphore_mem>>) src(%dma_wait3A_41 : memref<125x40xi32, #tpu.memory_space<hbm>>) dst(%arg6 : memref<125x40xi32, #tpu.memory_space<vmem>>)
      tpu.yield
    }) : () -> ()
    %barrier3A = arith.constant 0 : index
    tpu.barrier barrier_id(%barrier3A)
    %scan3A = arith.constant 0 : i32
    %scan3A_11 = arith.constant 0 : i32
    %scan3A_12 = arith.constant 25 : i32
    %scan3A_13 = arith.addi %scan3A_11, %scan3A_12 : i32
    %scan3A_14 = arith.constant 1 : i32
    %scan3A_15 = scf.for %scan3A_28 = %scan3A_11 to %scan3A_13 step %scan3A_14 iter_args(%scan3A_29 = %scan3A) -> (i32)  : i32 {
      %mul3A_30 = arith.constant 5 : i32
      %mul3A_31 = arith.muli %mul3A_30, %scan3A_28 : i32
      %add3A_32 = arith.constant 0 : i32
      %add3A_33 = arith.addi %mul3A_31, %add3A_32 : i32
      %mul3A_34 = arith.constant 40 : i32
      %mul3A_35 = arith.muli %add3A_33, %mul3A_34 : i32
      %add3A_36 = arith.addi %mul3A_2, %mul3A_35 : i32
      %multiple_of3A = tpu.assume_multiple %add3A_36, 8 : i32
      %dma_start3A = arith.constant 0 : i32
      %dma_start3A_37 = tpu.memref_slice %arg2[%multiple_of3A, %dma_start3A] : memref<160000x128xf32, #tpu.memory_space<hbm>> -> memref<40x128xf32, #tpu.memory_space<hbm>>
      %dma_start3A_38 = arith.constant 0 : i32
      %dma_start3A_39 = tpu.memref_slice %arg2[%multiple_of3A, %dma_start3A_38] : memref<160000x128xf32, #tpu.memory_space<hbm>> -> memref<40x128xf32, #tpu.memory_space<hbm>>
      tpu.enqueue_dma source(%dma_start3A_39 : memref<40x128xf32, #tpu.memory_space<hbm>>) target(%arg7 : memref<40x128xf32, #tpu.memory_space<vmem>>) target_semaphore(%arg12 : memref<!tpu.dma_semaphore, #tpu.memory_space<semaphore_mem>>)
      %mul3A_40 = arith.constant 5 : i32
      %mul3A_41 = arith.muli %mul3A_40, %scan3A_28 : i32
      %add3A_42 = arith.constant 1 : i32
      %add3A_43 = arith.addi %mul3A_41, %add3A_42 : i32
      %mul3A_44 = arith.constant 40 : i32
      %mul3A_45 = arith.muli %add3A_43, %mul3A_44 : i32
      %add3A_46 = arith.addi %mul3A_2, %mul3A_45 : i32
      %multiple_of3A_47 = tpu.assume_multiple %add3A_46, 8 : i32
      %dma_start3A_48 = arith.constant 0 : i32
      %dma_start3A_49 = tpu.memref_slice %arg2[%multiple_of3A_47, %dma_start3A_48] : memref<160000x128xf32, #tpu.memory_space<hbm>> -> memref<40x128xf32, #tpu.memory_space<hbm>>
      %dma_start3A_50 = arith.constant 0 : i32
      %dma_start3A_51 = tpu.memref_slice %arg2[%multiple_of3A_47, %dma_start3A_50] : memref<160000x128xf32, #tpu.memory_space<hbm>> -> memref<40x128xf32, #tpu.memory_space<hbm>>
      tpu.enqueue_dma source(%dma_start3A_51 : memref<40x128xf32, #tpu.memory_space<hbm>>) target(%arg8 : memref<40x128xf32, #tpu.memory_space<vmem>>) target_semaphore(%arg13 : memref<!tpu.dma_semaphore, #tpu.memory_space<semaphore_mem>>)
      %mul3A_52 = arith.constant 5 : i32
      %mul3A_53 = arith.muli %mul3A_52, %scan3A_28 : i32
      %add3A_54 = arith.constant 2 : i32
      %add3A_55 = arith.addi %mul3A_53, %add3A_54 : i32
      %mul3A_56 = arith.constant 40 : i32
      %mul3A_57 = arith.muli %add3A_55, %mul3A_56 : i32
      %add3A_58 = arith.addi %mul3A_2, %mul3A_57 : i32
      %multiple_of3A_59 = tpu.assume_multiple %add3A_58, 8 : i32
      %dma_start3A_60 = arith.constant 0 : i32
      %dma_start3A_61 = tpu.memref_slice %arg2[%multiple_of3A_59, %dma_start3A_60] : memref<160000x128xf32, #tpu.memory_space<hbm>> -> memref<40x128xf32, #tpu.memory_space<hbm>>
      %dma_start3A_62 = arith.constant 0 : i32
      %dma_start3A_63 = tpu.memref_slice %arg2[%multiple_of3A_59, %dma_start3A_62] : memref<160000x128xf32, #tpu.memory_space<hbm>> -> memref<40x128xf32, #tpu.memory_space<hbm>>
      tpu.enqueue_dma source(%dma_start3A_63 : memref<40x128xf32, #tpu.memory_space<hbm>>) target(%arg9 : memref<40x128xf32, #tpu.memory_space<vmem>>) target_semaphore(%arg14 : memref<!tpu.dma_semaphore, #tpu.memory_space<semaphore_mem>>)
      %mul3A_64 = arith.constant 5 : i32
      %mul3A_65 = arith.muli %mul3A_64, %scan3A_28 : i32
      %add3A_66 = arith.constant 3 : i32
      %add3A_67 = arith.addi %mul3A_65, %add3A_66 : i32
      %mul3A_68 = arith.constant 40 : i32
      %mul3A_69 = arith.muli %add3A_67, %mul3A_68 : i32
      %add3A_70 = arith.addi %mul3A_2, %mul3A_69 : i32
      %multiple_of3A_71 = tpu.assume_multiple %add3A_70, 8 : i32
      %dma_start3A_72 = arith.constant 0 : i32
      %dma_start3A_73 = tpu.memref_slice %arg2[%multiple_of3A_71, %dma_start3A_72] : memref<160000x128xf32, #tpu.memory_space<hbm>> -> memref<40x128xf32, #tpu.memory_space<hbm>>
      %dma_start3A_74 = arith.constant 0 : i32
      %dma_start3A_75 = tpu.memref_slice %arg2[%multiple_of3A_71, %dma_start3A_74] : memref<160000x128xf32, #tpu.memory_space<hbm>> -> memref<40x128xf32, #tpu.memory_space<hbm>>
      tpu.enqueue_dma source(%dma_start3A_75 : memref<40x128xf32, #tpu.memory_space<hbm>>) target(%arg10 : memref<40x128xf32, #tpu.memory_space<vmem>>) target_semaphore(%arg15 : memref<!tpu.dma_semaphore, #tpu.memory_space<semaphore_mem>>)
      %mul3A_76 = arith.constant 5 : i32
      %mul3A_77 = arith.muli %mul3A_76, %scan3A_28 : i32
      %add3A_78 = arith.constant 4 : i32
      %add3A_79 = arith.addi %mul3A_77, %add3A_78 : i32
      %mul3A_80 = arith.constant 40 : i32
      %mul3A_81 = arith.muli %add3A_79, %mul3A_80 : i32
      %add3A_82 = arith.addi %mul3A_2, %mul3A_81 : i32
      %multiple_of3A_83 = tpu.assume_multiple %add3A_82, 8 : i32
      %dma_start3A_84 = arith.constant 0 : i32
      %dma_start3A_85 = tpu.memref_slice %arg2[%multiple_of3A_83, %dma_start3A_84] : memref<160000x128xf32, #tpu.memory_space<hbm>> -> memref<40x128xf32, #tpu.memory_space<hbm>>
      %dma_start3A_86 = arith.constant 0 : i32
      %dma_start3A_87 = tpu.memref_slice %arg2[%multiple_of3A_83, %dma_start3A_86] : memref<160000x128xf32, #tpu.memory_space<hbm>> -> memref<40x128xf32, #tpu.memory_space<hbm>>
      tpu.enqueue_dma source(%dma_start3A_87 : memref<40x128xf32, #tpu.memory_space<hbm>>) target(%arg11 : memref<40x128xf32, #tpu.memory_space<vmem>>) target_semaphore(%arg16 : memref<!tpu.dma_semaphore, #tpu.memory_space<semaphore_mem>>)
      %mul3A_88 = arith.constant 5 : i32
      %mul3A_89 = arith.muli %mul3A_88, %scan3A_28 : i32
      %add3A_90 = arith.constant 0 : i32
      %add3A_91 = arith.addi %mul3A_89, %add3A_90 : i32
      %dma_wait3A = arith.constant 0 : i32
      %dma_wait3A_92 = tpu.memref_slice %arg2[%multiple_of3A, %dma_wait3A] : memref<160000x128xf32, #tpu.memory_space<hbm>> -> memref<40x128xf32, #tpu.memory_space<hbm>>
      %dma_wait3A_93 = arith.constant 0 : i32
      %dma_wait3A_94 = tpu.memref_slice %arg2[%multiple_of3A, %dma_wait3A_93] : memref<160000x128xf32, #tpu.memory_space<hbm>> -> memref<40x128xf32, #tpu.memory_space<hbm>>
      tpu.wait_dma2 semaphore(%arg12 : memref<!tpu.dma_semaphore, #tpu.memory_space<semaphore_mem>>) src(%dma_wait3A_94 : memref<40x128xf32, #tpu.memory_space<hbm>>) dst(%arg7 : memref<40x128xf32, #tpu.memory_space<vmem>>)
      "tpu.region"() ({
        %run_scoped3A = tpu.sem_alloc : memref<!tpu.dma_semaphore, #tpu.memory_space<semaphore_mem>>
        %dma_start3A_128 = arith.constant 0 : i32
        %dma_start3A_129 = tpu.memref_slice %arg6[%add3A_91, %dma_start3A_128] : memref<125x40xi32, #tpu.memory_space<vmem>> -> memref<1x40xi32, #tpu.memory_space<vmem>>
        %dma_start3A_130 = tpu.memref_squeeze %dma_start3A_129 : memref<1x40xi32, #tpu.memory_space<vmem>> -> memref<40xi32, #tpu.memory_space<vmem>>
        %dma_start3A_131 = arith.constant 0 : i32
        %dma_start3A_132 = arith.constant 0 : i32
        %dma_start3A_133 = tpu.memref_slice %arg17[%dma_start3A_131, %dma_start3A_132] : memref<10000x128xf32, #tpu.memory_space<vmem_shared>> -> memref<10000x128xf32, #tpu.memory_space<vmem_shared>>
        tpu.enqueue_indirect_dma source(%arg7 : memref<40x128xf32, #tpu.memory_space<vmem>>) target(%dma_start3A_133 : memref<10000x128xf32, #tpu.memory_space<vmem_shared>>) offsets(%dma_start3A_130 : memref<40xi32, #tpu.memory_space<vmem>>) semaphore(%run_scoped3A : memref<!tpu.dma_semaphore, #tpu.memory_space<semaphore_mem>>) {add = true}
        %dma_wait3A_134 = arith.constant 0 : i32
        %dma_wait3A_135 = tpu.memref_slice %arg6[%add3A_91, %dma_wait3A_134] : memref<125x40xi32, #tpu.memory_space<vmem>> -> memref<1x40xi32, #tpu.memory_space<vmem>>
        %dma_wait3A_136 = tpu.memref_squeeze %dma_wait3A_135 : memref<1x40xi32, #tpu.memory_space<vmem>> -> memref<40xi32, #tpu.memory_space<vmem>>
        %dma_wait3A_137 = arith.constant 0 : i32
        %dma_wait3A_138 = arith.constant 0 : i32
        %dma_wait3A_139 = tpu.memref_slice %arg17[%dma_wait3A_137, %dma_wait3A_138] : memref<10000x128xf32, #tpu.memory_space<vmem_shared>> -> memref<10000x128xf32, #tpu.memory_space<vmem_shared>>
        tpu.wait_indirect_dma semaphore(%run_scoped3A : memref<!tpu.dma_semaphore, #tpu.memory_space<semaphore_mem>>) src(%arg7 : memref<40x128xf32, #tpu.memory_space<vmem>>) dst(%dma_wait3A_139 : memref<10000x128xf32, #tpu.memory_space<vmem_shared>>)
        tpu.yield
      }) : () -> ()
      %mul3A_95 = arith.constant 5 : i32
      %mul3A_96 = arith.muli %mul3A_95, %scan3A_28 : i32
      %add3A_97 = arith.constant 1 : i32
      %add3A_98 = arith.addi %mul3A_96, %add3A_97 : i32
      %dma_wait3A_99 = arith.constant 0 : i32
      %dma_wait3A_100 = tpu.memref_slice %arg2[%multiple_of3A_47, %dma_wait3A_99] : memref<160000x128xf32, #tpu.memory_space<hbm>> -> memref<40x128xf32, #tpu.memory_space<hbm>>
      %dma_wait3A_101 = arith.constant 0 : i32
      %dma_wait3A_102 = tpu.memref_slice %arg2[%multiple_of3A_47, %dma_wait3A_101] : memref<160000x128xf32, #tpu.memory_space<hbm>> -> memref<40x128xf32, #tpu.memory_space<hbm>>
      tpu.wait_dma2 semaphore(%arg13 : memref<!tpu.dma_semaphore, #tpu.memory_space<semaphore_mem>>) src(%dma_wait3A_102 : memref<40x128xf32, #tpu.memory_space<hbm>>) dst(%arg8 : memref<40x128xf32, #tpu.memory_space<vmem>>)
      "tpu.region"() ({
        %run_scoped3A = tpu.sem_alloc : memref<!tpu.dma_semaphore, #tpu.memory_space<semaphore_mem>>
        %dma_start3A_128 = arith.constant 0 : i32
        %dma_start3A_129 = tpu.memref_slice %arg6[%add3A_98, %dma_start3A_128] : memref<125x40xi32, #tpu.memory_space<vmem>> -> memref<1x40xi32, #tpu.memory_space<vmem>>
        %dma_start3A_130 = tpu.memref_squeeze %dma_start3A_129 : memref<1x40xi32, #tpu.memory_space<vmem>> -> memref<40xi32, #tpu.memory_space<vmem>>
        %dma_start3A_131 = arith.constant 0 : i32
        %dma_start3A_132 = arith.constant 0 : i32
        %dma_start3A_133 = tpu.memref_slice %arg17[%dma_start3A_131, %dma_start3A_132] : memref<10000x128xf32, #tpu.memory_space<vmem_shared>> -> memref<10000x128xf32, #tpu.memory_space<vmem_shared>>
        tpu.enqueue_indirect_dma source(%arg8 : memref<40x128xf32, #tpu.memory_space<vmem>>) target(%dma_start3A_133 : memref<10000x128xf32, #tpu.memory_space<vmem_shared>>) offsets(%dma_start3A_130 : memref<40xi32, #tpu.memory_space<vmem>>) semaphore(%run_scoped3A : memref<!tpu.dma_semaphore, #tpu.memory_space<semaphore_mem>>) {add = true}
        %dma_wait3A_134 = arith.constant 0 : i32
        %dma_wait3A_135 = tpu.memref_slice %arg6[%add3A_98, %dma_wait3A_134] : memref<125x40xi32, #tpu.memory_space<vmem>> -> memref<1x40xi32, #tpu.memory_space<vmem>>
        %dma_wait3A_136 = tpu.memref_squeeze %dma_wait3A_135 : memref<1x40xi32, #tpu.memory_space<vmem>> -> memref<40xi32, #tpu.memory_space<vmem>>
        %dma_wait3A_137 = arith.constant 0 : i32
        %dma_wait3A_138 = arith.constant 0 : i32
        %dma_wait3A_139 = tpu.memref_slice %arg17[%dma_wait3A_137, %dma_wait3A_138] : memref<10000x128xf32, #tpu.memory_space<vmem_shared>> -> memref<10000x128xf32, #tpu.memory_space<vmem_shared>>
        tpu.wait_indirect_dma semaphore(%run_scoped3A : memref<!tpu.dma_semaphore, #tpu.memory_space<semaphore_mem>>) src(%arg8 : memref<40x128xf32, #tpu.memory_space<vmem>>) dst(%dma_wait3A_139 : memref<10000x128xf32, #tpu.memory_space<vmem_shared>>)
        tpu.yield
      }) : () -> ()
      %mul3A_103 = arith.constant 5 : i32
      %mul3A_104 = arith.muli %mul3A_103, %scan3A_28 : i32
      %add3A_105 = arith.constant 2 : i32
      %add3A_106 = arith.addi %mul3A_104, %add3A_105 : i32
      %dma_wait3A_107 = arith.constant 0 : i32
      %dma_wait3A_108 = tpu.memref_slice %arg2[%multiple_of3A_59, %dma_wait3A_107] : memref<160000x128xf32, #tpu.memory_space<hbm>> -> memref<40x128xf32, #tpu.memory_space<hbm>>
      %dma_wait3A_109 = arith.constant 0 : i32
      %dma_wait3A_110 = tpu.memref_slice %arg2[%multiple_of3A_59, %dma_wait3A_109] : memref<160000x128xf32, #tpu.memory_space<hbm>> -> memref<40x128xf32, #tpu.memory_space<hbm>>
      tpu.wait_dma2 semaphore(%arg14 : memref<!tpu.dma_semaphore, #tpu.memory_space<semaphore_mem>>) src(%dma_wait3A_110 : memref<40x128xf32, #tpu.memory_space<hbm>>) dst(%arg9 : memref<40x128xf32, #tpu.memory_space<vmem>>)
      "tpu.region"() ({
        %run_scoped3A = tpu.sem_alloc : memref<!tpu.dma_semaphore, #tpu.memory_space<semaphore_mem>>
        %dma_start3A_128 = arith.constant 0 : i32
        %dma_start3A_129 = tpu.memref_slice %arg6[%add3A_106, %dma_start3A_128] : memref<125x40xi32, #tpu.memory_space<vmem>> -> memref<1x40xi32, #tpu.memory_space<vmem>>
        %dma_start3A_130 = tpu.memref_squeeze %dma_start3A_129 : memref<1x40xi32, #tpu.memory_space<vmem>> -> memref<40xi32, #tpu.memory_space<vmem>>
        %dma_start3A_131 = arith.constant 0 : i32
        %dma_start3A_132 = arith.constant 0 : i32
        %dma_start3A_133 = tpu.memref_slice %arg17[%dma_start3A_131, %dma_start3A_132] : memref<10000x128xf32, #tpu.memory_space<vmem_shared>> -> memref<10000x128xf32, #tpu.memory_space<vmem_shared>>
        tpu.enqueue_indirect_dma source(%arg9 : memref<40x128xf32, #tpu.memory_space<vmem>>) target(%dma_start3A_133 : memref<10000x128xf32, #tpu.memory_space<vmem_shared>>) offsets(%dma_start3A_130 : memref<40xi32, #tpu.memory_space<vmem>>) semaphore(%run_scoped3A : memref<!tpu.dma_semaphore, #tpu.memory_space<semaphore_mem>>) {add = true}
        %dma_wait3A_134 = arith.constant 0 : i32
        %dma_wait3A_135 = tpu.memref_slice %arg6[%add3A_106, %dma_wait3A_134] : memref<125x40xi32, #tpu.memory_space<vmem>> -> memref<1x40xi32, #tpu.memory_space<vmem>>
        %dma_wait3A_136 = tpu.memref_squeeze %dma_wait3A_135 : memref<1x40xi32, #tpu.memory_space<vmem>> -> memref<40xi32, #tpu.memory_space<vmem>>
        %dma_wait3A_137 = arith.constant 0 : i32
        %dma_wait3A_138 = arith.constant 0 : i32
        %dma_wait3A_139 = tpu.memref_slice %arg17[%dma_wait3A_137, %dma_wait3A_138] : memref<10000x128xf32, #tpu.memory_space<vmem_shared>> -> memref<10000x128xf32, #tpu.memory_space<vmem_shared>>
        tpu.wait_indirect_dma semaphore(%run_scoped3A : memref<!tpu.dma_semaphore, #tpu.memory_space<semaphore_mem>>) src(%arg9 : memref<40x128xf32, #tpu.memory_space<vmem>>) dst(%dma_wait3A_139 : memref<10000x128xf32, #tpu.memory_space<vmem_shared>>)
        tpu.yield
      }) : () -> ()
      %mul3A_111 = arith.constant 5 : i32
      %mul3A_112 = arith.muli %mul3A_111, %scan3A_28 : i32
      %add3A_113 = arith.constant 3 : i32
      %add3A_114 = arith.addi %mul3A_112, %add3A_113 : i32
      %dma_wait3A_115 = arith.constant 0 : i32
      %dma_wait3A_116 = tpu.memref_slice %arg2[%multiple_of3A_71, %dma_wait3A_115] : memref<160000x128xf32, #tpu.memory_space<hbm>> -> memref<40x128xf32, #tpu.memory_space<hbm>>
      %dma_wait3A_117 = arith.constant 0 : i32
      %dma_wait3A_118 = tpu.memref_slice %arg2[%multiple_of3A_71, %dma_wait3A_117] : memref<160000x128xf32, #tpu.memory_space<hbm>> -> memref<40x128xf32, #tpu.memory_space<hbm>>
      tpu.wait_dma2 semaphore(%arg15 : memref<!tpu.dma_semaphore, #tpu.memory_space<semaphore_mem>>) src(%dma_wait3A_118 : memref<40x128xf32, #tpu.memory_space<hbm>>) dst(%arg10 : memref<40x128xf32, #tpu.memory_space<vmem>>)
      "tpu.region"() ({
        %run_scoped3A = tpu.sem_alloc : memref<!tpu.dma_semaphore, #tpu.memory_space<semaphore_mem>>
        %dma_start3A_128 = arith.constant 0 : i32
        %dma_start3A_129 = tpu.memref_slice %arg6[%add3A_114, %dma_start3A_128] : memref<125x40xi32, #tpu.memory_space<vmem>> -> memref<1x40xi32, #tpu.memory_space<vmem>>
        %dma_start3A_130 = tpu.memref_squeeze %dma_start3A_129 : memref<1x40xi32, #tpu.memory_space<vmem>> -> memref<40xi32, #tpu.memory_space<vmem>>
        %dma_start3A_131 = arith.constant 0 : i32
        %dma_start3A_132 = arith.constant 0 : i32
        %dma_start3A_133 = tpu.memref_slice %arg17[%dma_start3A_131, %dma_start3A_132] : memref<10000x128xf32, #tpu.memory_space<vmem_shared>> -> memref<10000x128xf32, #tpu.memory_space<vmem_shared>>
        tpu.enqueue_indirect_dma source(%arg10 : memref<40x128xf32, #tpu.memory_space<vmem>>) target(%dma_start3A_133 : memref<10000x128xf32, #tpu.memory_space<vmem_shared>>) offsets(%dma_start3A_130 : memref<40xi32, #tpu.memory_space<vmem>>) semaphore(%run_scoped3A : memref<!tpu.dma_semaphore, #tpu.memory_space<semaphore_mem>>) {add = true}
        %dma_wait3A_134 = arith.constant 0 : i32
        %dma_wait3A_135 = tpu.memref_slice %arg6[%add3A_114, %dma_wait3A_134] : memref<125x40xi32, #tpu.memory_space<vmem>> -> memref<1x40xi32, #tpu.memory_space<vmem>>
        %dma_wait3A_136 = tpu.memref_squeeze %dma_wait3A_135 : memref<1x40xi32, #tpu.memory_space<vmem>> -> memref<40xi32, #tpu.memory_space<vmem>>
        %dma_wait3A_137 = arith.constant 0 : i32
        %dma_wait3A_138 = arith.constant 0 : i32
        %dma_wait3A_139 = tpu.memref_slice %arg17[%dma_wait3A_137, %dma_wait3A_138] : memref<10000x128xf32, #tpu.memory_space<vmem_shared>> -> memref<10000x128xf32, #tpu.memory_space<vmem_shared>>
        tpu.wait_indirect_dma semaphore(%run_scoped3A : memref<!tpu.dma_semaphore, #tpu.memory_space<semaphore_mem>>) src(%arg10 : memref<40x128xf32, #tpu.memory_space<vmem>>) dst(%dma_wait3A_139 : memref<10000x128xf32, #tpu.memory_space<vmem_shared>>)
        tpu.yield
      }) : () -> ()
      %mul3A_119 = arith.constant 5 : i32
      %mul3A_120 = arith.muli %mul3A_119, %scan3A_28 : i32
      %add3A_121 = arith.constant 4 : i32
      %add3A_122 = arith.addi %mul3A_120, %add3A_121 : i32
      %dma_wait3A_123 = arith.constant 0 : i32
      %dma_wait3A_124 = tpu.memref_slice %arg2[%multiple_of3A_83, %dma_wait3A_123] : memref<160000x128xf32, #tpu.memory_space<hbm>> -> memref<40x128xf32, #tpu.memory_space<hbm>>
      %dma_wait3A_125 = arith.constant 0 : i32
      %dma_wait3A_126 = tpu.memref_slice %arg2[%multiple_of3A_83, %dma_wait3A_125] : memref<160000x128xf32, #tpu.memory_space<hbm>> -> memref<40x128xf32, #tpu.memory_space<hbm>>
      tpu.wait_dma2 semaphore(%arg16 : memref<!tpu.dma_semaphore, #tpu.memory_space<semaphore_mem>>) src(%dma_wait3A_126 : memref<40x128xf32, #tpu.memory_space<hbm>>) dst(%arg11 : memref<40x128xf32, #tpu.memory_space<vmem>>)
      "tpu.region"() ({
        %run_scoped3A = tpu.sem_alloc : memref<!tpu.dma_semaphore, #tpu.memory_space<semaphore_mem>>
        %dma_start3A_128 = arith.constant 0 : i32
        %dma_start3A_129 = tpu.memref_slice %arg6[%add3A_122, %dma_start3A_128] : memref<125x40xi32, #tpu.memory_space<vmem>> -> memref<1x40xi32, #tpu.memory_space<vmem>>
        %dma_start3A_130 = tpu.memref_squeeze %dma_start3A_129 : memref<1x40xi32, #tpu.memory_space<vmem>> -> memref<40xi32, #tpu.memory_space<vmem>>
        %dma_start3A_131 = arith.constant 0 : i32
        %dma_start3A_132 = arith.constant 0 : i32
        %dma_start3A_133 = tpu.memref_slice %arg17[%dma_start3A_131, %dma_start3A_132] : memref<10000x128xf32, #tpu.memory_space<vmem_shared>> -> memref<10000x128xf32, #tpu.memory_space<vmem_shared>>
        tpu.enqueue_indirect_dma source(%arg11 : memref<40x128xf32, #tpu.memory_space<vmem>>) target(%dma_start3A_133 : memref<10000x128xf32, #tpu.memory_space<vmem_shared>>) offsets(%dma_start3A_130 : memref<40xi32, #tpu.memory_space<vmem>>) semaphore(%run_scoped3A : memref<!tpu.dma_semaphore, #tpu.memory_space<semaphore_mem>>) {add = true}
        %dma_wait3A_134 = arith.constant 0 : i32
        %dma_wait3A_135 = tpu.memref_slice %arg6[%add3A_122, %dma_wait3A_134] : memref<125x40xi32, #tpu.memory_space<vmem>> -> memref<1x40xi32, #tpu.memory_space<vmem>>
        %dma_wait3A_136 = tpu.memref_squeeze %dma_wait3A_135 : memref<1x40xi32, #tpu.memory_space<vmem>> -> memref<40xi32, #tpu.memory_space<vmem>>
        %dma_wait3A_137 = arith.constant 0 : i32
        %dma_wait3A_138 = arith.constant 0 : i32
        %dma_wait3A_139 = tpu.memref_slice %arg17[%dma_wait3A_137, %dma_wait3A_138] : memref<10000x128xf32, #tpu.memory_space<vmem_shared>> -> memref<10000x128xf32, #tpu.memory_space<vmem_shared>>
        tpu.wait_indirect_dma semaphore(%run_scoped3A : memref<!tpu.dma_semaphore, #tpu.memory_space<semaphore_mem>>) src(%arg11 : memref<40x128xf32, #tpu.memory_space<vmem>>) dst(%dma_wait3A_139 : memref<10000x128xf32, #tpu.memory_space<vmem_shared>>)
        tpu.yield
      }) : () -> ()
      %scan3A_127 = arith.constant 0 : i32
      scf.yield %scan3A_127 : i32
    }
    %scan3A_16 = arith.constant 25 : i32
    %barrier3A_17 = arith.constant 0 : index
    tpu.barrier barrier_id(%barrier3A_17)
    %lt3A_18 = arith.constant 15 : i32
    %lt3A_19 = arith.cmpi slt, %arg1, %lt3A_18 : i32
    %convert_element_type3A_20 = arith.extui %lt3A_19 : i1 to i32
    %cond3A_21 = arith.constant 0 : i32
    %cond3A_22 = arith.cmpi ne, %convert_element_type3A_20, %cond3A_21 : i32
    scf.if %cond3A_22 {
      "tpu.region"() ({
        %run_scoped3A = tpu.sem_alloc : memref<!tpu.dma_semaphore, #tpu.memory_space<semaphore_mem>>
        %dma_start3A = arith.constant 0 : i32
        %dma_start3A_28 = tpu.memref_slice %arg5[%arg0, %mul3A_4, %dma_start3A] : memref<2x10000x128xf32, #tpu.memory_space<hbm>> -> memref<1x640x128xf32, #tpu.memory_space<hbm>>
        %dma_start3A_29 = tpu.memref_squeeze %dma_start3A_28 : memref<1x640x128xf32, #tpu.memory_space<hbm>> -> memref<640x128xf32, #tpu.memory_space<hbm>>
        %dma_start3A_30 = arith.constant 0 : i32
        %dma_start3A_31 = tpu.memref_slice %arg17[%mul3A_4, %dma_start3A_30] : memref<10000x128xf32, #tpu.memory_space<vmem_shared>> -> memref<640x128xf32, #tpu.memory_space<vmem_shared>>
        tpu.enqueue_dma source(%dma_start3A_31 : memref<640x128xf32, #tpu.memory_space<vmem_shared>>) target(%dma_start3A_29 : memref<640x128xf32, #tpu.memory_space<hbm>>) target_semaphore(%run_scoped3A : memref<!tpu.dma_semaphore, #tpu.memory_space<semaphore_mem>>)
        %dma_wait3A = arith.constant 0 : i32
        %dma_wait3A_32 = tpu.memref_slice %arg5[%arg0, %mul3A_4, %dma_wait3A] : memref<2x10000x128xf32, #tpu.memory_space<hbm>> -> memref<1x640x128xf32, #tpu.memory_space<hbm>>
        %dma_wait3A_33 = tpu.memref_squeeze %dma_wait3A_32 : memref<1x640x128xf32, #tpu.memory_space<hbm>> -> memref<640x128xf32, #tpu.memory_space<hbm>>
        %dma_wait3A_34 = arith.constant 0 : i32
        %dma_wait3A_35 = tpu.memref_slice %arg17[%mul3A_4, %dma_wait3A_34] : memref<10000x128xf32, #tpu.memory_space<vmem_shared>> -> memref<640x128xf32, #tpu.memory_space<vmem_shared>>
        tpu.wait_dma2 semaphore(%run_scoped3A : memref<!tpu.dma_semaphore, #tpu.memory_space<semaphore_mem>>) src(%dma_wait3A_35 : memref<640x128xf32, #tpu.memory_space<vmem_shared>>) dst(%dma_wait3A_33 : memref<640x128xf32, #tpu.memory_space<hbm>>)
        tpu.yield
      }) : () -> ()
    } else {
    }
    %eq3A_23 = arith.constant 15 : i32
    %eq3A_24 = arith.cmpi eq, %arg1, %eq3A_23 : i32
    %convert_element_type3A_25 = arith.extui %eq3A_24 : i1 to i32
    %cond3A_26 = arith.constant 0 : i32
    %cond3A_27 = arith.cmpi ne, %convert_element_type3A_25, %cond3A_26 : i32
    scf.if %cond3A_27 {
      "tpu.region"() ({
        %run_scoped3A = tpu.sem_alloc : memref<!tpu.dma_semaphore, #tpu.memory_space<semaphore_mem>>
        %dma_start3A = arith.constant 9600 : i32
        %dma_start3A_28 = arith.constant 0 : i32
        %dma_start3A_29 = tpu.memref_slice %arg5[%arg0, %dma_start3A, %dma_start3A_28] : memref<2x10000x128xf32, #tpu.memory_space<hbm>> -> memref<1x400x128xf32, #tpu.memory_space<hbm>>
        %dma_start3A_30 = tpu.memref_squeeze %dma_start3A_29 : memref<1x400x128xf32, #tpu.memory_space<hbm>> -> memref<400x128xf32, #tpu.memory_space<hbm>>
        %dma_start3A_31 = arith.constant 9600 : i32
        %dma_start3A_32 = arith.constant 0 : i32
        %dma_start3A_33 = tpu.memref_slice %arg17[%dma_start3A_31, %dma_start3A_32] : memref<10000x128xf32, #tpu.memory_space<vmem_shared>> -> memref<400x128xf32, #tpu.memory_space<vmem_shared>>
        tpu.enqueue_dma source(%dma_start3A_33 : memref<400x128xf32, #tpu.memory_space<vmem_shared>>) target(%dma_start3A_30 : memref<400x128xf32, #tpu.memory_space<hbm>>) target_semaphore(%run_scoped3A : memref<!tpu.dma_semaphore, #tpu.memory_space<semaphore_mem>>)
        %dma_wait3A = arith.constant 9600 : i32
        %dma_wait3A_34 = arith.constant 0 : i32
        %dma_wait3A_35 = tpu.memref_slice %arg5[%arg0, %dma_wait3A, %dma_wait3A_34] : memref<2x10000x128xf32, #tpu.memory_space<hbm>> -> memref<1x400x128xf32, #tpu.memory_space<hbm>>
        %dma_wait3A_36 = tpu.memref_squeeze %dma_wait3A_35 : memref<1x400x128xf32, #tpu.memory_space<hbm>> -> memref<400x128xf32, #tpu.memory_space<hbm>>
        %dma_wait3A_37 = arith.constant 9600 : i32
        %dma_wait3A_38 = arith.constant 0 : i32
        %dma_wait3A_39 = tpu.memref_slice %arg17[%dma_wait3A_37, %dma_wait3A_38] : memref<10000x128xf32, #tpu.memory_space<vmem_shared>> -> memref<400x128xf32, #tpu.memory_space<vmem_shared>>
        tpu.wait_dma2 semaphore(%run_scoped3A : memref<!tpu.dma_semaphore, #tpu.memory_space<semaphore_mem>>) src(%dma_wait3A_39 : memref<400x128xf32, #tpu.memory_space<vmem_shared>>) dst(%dma_wait3A_36 : memref<400x128xf32, #tpu.memory_space<hbm>>)
        tpu.yield
      }) : () -> ()
    } else {
    }
    return
  }
}

module attributes {stable_mosaic.version = 14 : i64} {
  func.func @_project_body(%arg0: i32, %arg1: memref<1000x128xf32, #tpu.memory_space<vmem>>, %arg2: memref<1000x128xf32, #tpu.memory_space<vmem>>, %arg3: memref<128x128xf32, #tpu.memory_space<vmem>>, %arg4: memref<128x128xf32, #tpu.memory_space<vmem>>, %arg5: memref<1000x128xf32, #tpu.memory_space<vmem>>, %arg6: memref<1000x128xf32, #tpu.memory_space<vmem>>) attributes {dimension_semantics = [#tpu.dimension_semantics<arbitrary>], iteration_bounds = array<i64: 10>, scalar_prefetch = 0 : i64, scratch_operands = 0 : i64, tpu.core_type = #tpu.core_type<tc>, window_params = [{transform_indices = @transform_0, window_bounds = array<i64: 1000, 128>}, {transform_indices = @transform_1, window_bounds = array<i64: 1000, 128>}, {pipeline_mode = #tpu.pipeline_mode<synchronous>, transform_indices = @transform_2, window_bounds = array<i64: 128, 128>}, {pipeline_mode = #tpu.pipeline_mode<synchronous>, transform_indices = @transform_3, window_bounds = array<i64: 128, 128>}, {transform_indices = @transform_4, window_bounds = array<i64: 1000, 128>}, {transform_indices = @transform_5, window_bounds = array<i64: 1000, 128>}]} {
    %get3A = arith.constant 0 : index
    %get3A_0 = arith.constant 0 : index
    %get3A_1 = vector.load %arg1[%get3A, %get3A_0] : memref<1000x128xf32, #tpu.memory_space<vmem>>, vector<1000x128xf32>
    %get3A_2 = arith.constant 0 : index
    %get3A_3 = arith.constant 0 : index
    %get3A_4 = vector.load %arg3[%get3A_2, %get3A_3] : memref<128x128xf32, #tpu.memory_space<vmem>>, vector<128x128xf32>
    %dot_general3A = arith.constant dense<0.000000e+00> : vector<1000x128xf32>
    %dot_general3A_5 = tpu.matmul %get3A_1, %get3A_4, %dot_general3A {dimension_numbers = #tpu.dot_dimension_numbers<[1], [0], [0], [1], [0, 0, 1, 1], [], []>, transpose_lhs_hint = false} : vector<1000x128xf32>, vector<128x128xf32>, vector<1000x128xf32> -> vector<1000x128xf32>
    %swap3A = arith.constant 0 : index
    %swap3A_6 = arith.constant 0 : index
    %swap3A_7 = vector.load %arg5[%swap3A, %swap3A_6] : memref<1000x128xf32, #tpu.memory_space<vmem>>, vector<1000x128xf32>
    tpu.vector_store %arg5[%swap3A, %swap3A_6], %dot_general3A_5 {strides = array<i32>} : memref<1000x128xf32, #tpu.memory_space<vmem>>, vector<1000x128xf32>,
    %get3A_8 = arith.constant 0 : index
    %get3A_9 = arith.constant 0 : index
    %get3A_10 = vector.load %arg2[%get3A_8, %get3A_9] : memref<1000x128xf32, #tpu.memory_space<vmem>>, vector<1000x128xf32>
    %get3A_11 = arith.constant 0 : index
    %get3A_12 = arith.constant 0 : index
    %get3A_13 = vector.load %arg4[%get3A_11, %get3A_12] : memref<128x128xf32, #tpu.memory_space<vmem>>, vector<128x128xf32>
    %dot_general3A_14 = arith.constant dense<0.000000e+00> : vector<1000x128xf32>
    %dot_general3A_15 = tpu.matmul %get3A_10, %get3A_13, %dot_general3A_14 {dimension_numbers = #tpu.dot_dimension_numbers<[1], [0], [0], [1], [0, 0, 1, 1], [], []>, transpose_lhs_hint = false} : vector<1000x128xf32>, vector<128x128xf32>, vector<1000x128xf32> -> vector<1000x128xf32>
    %swap3A_16 = arith.constant 0 : index
    %swap3A_17 = arith.constant 0 : index
    %swap3A_18 = vector.load %arg6[%swap3A_16, %swap3A_17] : memref<1000x128xf32, #tpu.memory_space<vmem>>, vector<1000x128xf32>
    tpu.vector_store %arg6[%swap3A_16, %swap3A_17], %dot_general3A_15 {strides = array<i32>} : memref<1000x128xf32, #tpu.memory_space<vmem>>, vector<1000x128xf32>,
    return
  }
  func.func @transform_0(%arg0: i32) -> (i32, i32) {
    %c0_i32 = arith.constant 0 : i32
    %c0_i32_0 = arith.constant 0 : i32
    return %arg0, %c0_i32 : i32, i32
  }
  func.func @transform_1(%arg0: i32) -> (i32, i32) {
    %c0_i32 = arith.constant 0 : i32
    %c0_i32_0 = arith.constant 0 : i32
    return %arg0, %c0_i32 : i32, i32
  }
  func.func @transform_2(%arg0: i32) -> (i32, i32) {
    %c0_i32 = arith.constant 0 : i32
    %c0_i32_0 = arith.constant 0 : i32
    %c0_i32_1 = arith.constant 0 : i32
    return %c0_i32, %c0_i32_0 : i32, i32
  }
  func.func @transform_3(%arg0: i32) -> (i32, i32) {
    %c0_i32 = arith.constant 0 : i32
    %c0_i32_0 = arith.constant 0 : i32
    %c0_i32_1 = arith.constant 0 : i32
    return %c0_i32, %c0_i32_0 : i32, i32
  }
  func.func @transform_4(%arg0: i32) -> (i32, i32) {
    %c0_i32 = arith.constant 0 : i32
    %c0_i32_0 = arith.constant 0 : i32
    return %arg0, %c0_i32 : i32, i32
  }
  func.func @transform_5(%arg0: i32) -> (i32, i32) {
    %c0_i32 = arith.constant 0 : i32
    %c0_i32_0 = arith.constant 0 : i32
    return %arg0, %c0_i32 : i32, i32
  }
}

module attributes {stable_mosaic.version = 14 : i64} {
  func.func @_edge_mlp_body(%arg0: i32, %arg1: memref<2000x128xf32, #tpu.memory_space<vmem>>, %arg2: memref<2000x128xf32, #tpu.memory_space<vmem>>, %arg3: memref<2000x128xf32, #tpu.memory_space<vmem>>, %arg4: memref<128x128xf32, #tpu.memory_space<vmem>>, %arg5: memref<1x128xf32, #tpu.memory_space<vmem>>, %arg6: memref<128x128xf32, #tpu.memory_space<vmem>>, %arg7: memref<1x128xf32, #tpu.memory_space<vmem>>, %arg8: memref<1x128xf32, #tpu.memory_space<vmem>>, %arg9: memref<1x128xf32, #tpu.memory_space<vmem>>, %arg10: memref<2000x128xf32, #tpu.memory_space<vmem>>) attributes {dimension_semantics = [#tpu.dimension_semantics<arbitrary>], iteration_bounds = array<i64: 80>, scalar_prefetch = 0 : i64, scratch_operands = 0 : i64, tpu.core_type = #tpu.core_type<tc>, window_params = [{transform_indices = @transform_0, window_bounds = array<i64: 2000, 128>}, {transform_indices = @transform_1, window_bounds = array<i64: 2000, 128>}, {transform_indices = @transform_2, window_bounds = array<i64: 2000, 128>}, {pipeline_mode = #tpu.pipeline_mode<synchronous>, transform_indices = @transform_3, window_bounds = array<i64: 128, 128>}, {pipeline_mode = #tpu.pipeline_mode<synchronous>, transform_indices = @transform_4, window_bounds = array<i64: 1, 128>}, {pipeline_mode = #tpu.pipeline_mode<synchronous>, transform_indices = @transform_5, window_bounds = array<i64: 128, 128>}, {pipeline_mode = #tpu.pipeline_mode<synchronous>, transform_indices = @transform_6, window_bounds = array<i64: 1, 128>}, {pipeline_mode = #tpu.pipeline_mode<synchronous>, transform_indices = @transform_7, window_bounds = array<i64: 1, 128>}, {pipeline_mode = #tpu.pipeline_mode<synchronous>, transform_indices = @transform_8, window_bounds = array<i64: 1, 128>}, {transform_indices = @transform_9, window_bounds = array<i64: 2000, 128>}]} {
    %get3A = arith.constant 0 : index
    %get3A_0 = arith.constant 0 : index
    %get3A_1 = vector.load %arg1[%get3A, %get3A_0] : memref<2000x128xf32, #tpu.memory_space<vmem>>, vector<2000x128xf32>
    %convert_element_type3A = arith.truncf %get3A_1 : vector<2000x128xf32> to vector<2000x128xbf16>
    %get3A_2 = arith.constant 0 : index
    %get3A_3 = arith.constant 0 : index
    %get3A_4 = vector.load %arg4[%get3A_2, %get3A_3] : memref<128x128xf32, #tpu.memory_space<vmem>>, vector<128x128xf32>
    %convert_element_type3A_5 = arith.truncf %get3A_4 : vector<128x128xf32> to vector<128x128xbf16>
    %dot_general3A = arith.constant dense<0.000000e+00> : vector<2000x128xf32>
    %dot_general3A_6 = tpu.matmul %convert_element_type3A, %convert_element_type3A_5, %dot_general3A {dimension_numbers = #tpu.dot_dimension_numbers<[1], [0], [0], [1], [0, 0, 1, 1], [], []>, transpose_lhs_hint = false} : vector<2000x128xbf16>, vector<128x128xbf16>, vector<2000x128xf32> -> vector<2000x128xf32>
    %get3A_7 = arith.constant 0 : index
    %get3A_8 = arith.constant 0 : index
    %get3A_9 = vector.load %arg2[%get3A_7, %get3A_8] : memref<2000x128xf32, #tpu.memory_space<vmem>>, vector<2000x128xf32>
    %add3A = arith.addf %dot_general3A_6, %get3A_9 : vector<2000x128xf32>
    %get3A_10 = arith.constant 0 : index
    %get3A_11 = arith.constant 0 : index
    %get3A_12 = vector.load %arg3[%get3A_10, %get3A_11] : memref<2000x128xf32, #tpu.memory_space<vmem>>, vector<2000x128xf32>
    %add3A_13 = arith.addf %add3A, %get3A_12 : vector<2000x128xf32>
    %get3A_14 = arith.constant 0 : index
    %get3A_15 = arith.constant 0 : index
    %get3A_16 = vector.load %arg5[%get3A_14, %get3A_15] : memref<1x128xf32, #tpu.memory_space<vmem>>, vector<1x128xf32>
    %add3A_17 = vector.broadcast %get3A_16 : vector<1x128xf32> to vector<2000x128xf32>
    %add3A_18 = arith.addf %add3A_13, %add3A_17 : vector<2000x128xf32>
    %logistic3A = arith.negf %add3A_18 : vector<2000x128xf32>
    %logistic3A_19 = math.exp %logistic3A : vector<2000x128xf32>
    %logistic3A_20 = arith.constant 1.000000e+00 : f32
    %logistic3A_21 = vector.broadcast %logistic3A_20 : f32 to vector<2000x128xf32>
    %logistic3A_22 = arith.addf %logistic3A_21, %logistic3A_19 : vector<2000x128xf32>
    %logistic3A_23 = arith.divf %logistic3A_21, %logistic3A_22 : vector<2000x128xf32>
    %mul3A = arith.mulf %add3A_18, %logistic3A_23 : vector<2000x128xf32>
    %convert_element_type3A_24 = arith.truncf %mul3A : vector<2000x128xf32> to vector<2000x128xbf16>
    %get3A_25 = arith.constant 0 : index
    %get3A_26 = arith.constant 0 : index
    %get3A_27 = vector.load %arg6[%get3A_25, %get3A_26] : memref<128x128xf32, #tpu.memory_space<vmem>>, vector<128x128xf32>
    %convert_element_type3A_28 = arith.truncf %get3A_27 : vector<128x128xf32> to vector<128x128xbf16>
    %dot_general3A_29 = arith.constant dense<0.000000e+00> : vector<2000x128xf32>
    %dot_general3A_30 = tpu.matmul %convert_element_type3A_24, %convert_element_type3A_28, %dot_general3A_29 {dimension_numbers = #tpu.dot_dimension_numbers<[1], [0], [0], [1], [0, 0, 1, 1], [], []>, transpose_lhs_hint = false} : vector<2000x128xbf16>, vector<128x128xbf16>, vector<2000x128xf32> -> vector<2000x128xf32>
    %get3A_31 = arith.constant 0 : index
    %get3A_32 = arith.constant 0 : index
    %get3A_33 = vector.load %arg7[%get3A_31, %get3A_32] : memref<1x128xf32, #tpu.memory_space<vmem>>, vector<1x128xf32>
    %add3A_34 = vector.broadcast %get3A_33 : vector<1x128xf32> to vector<2000x128xf32>
    %add3A_35 = arith.addf %dot_general3A_30, %add3A_34 : vector<2000x128xf32>
    %reduce_sum3A = arith.constant dense<0.000000e+00> : vector<2000xf32>
    %reduce_sum3A_36 = vector.multi_reduction <add>, %add3A_35, %reduce_sum3A [1] : vector<2000x128xf32> to vector<2000xf32>
    %broadcast_in_dim3A = vector.shape_cast %reduce_sum3A_36 : vector<2000xf32> to vector<2000x1xf32>
    %div3A = arith.constant 1.280000e+02 : f32
    %div3A_37 = vector.broadcast %div3A : f32 to vector<2000x1xf32>
    %div3A_38 = arith.divf %broadcast_in_dim3A, %div3A_37 : vector<2000x1xf32>
    %sub3A = vector.broadcast %div3A_38 : vector<2000x1xf32> to vector<2000x128xf32>
    %sub3A_39 = arith.subf %add3A_35, %sub3A : vector<2000x128xf32>
    %square3A = arith.mulf %sub3A_39, %sub3A_39 : vector<2000x128xf32>
    %reduce_sum3A_40 = arith.constant dense<0.000000e+00> : vector<2000xf32>
    %reduce_sum3A_41 = vector.multi_reduction <add>, %square3A, %reduce_sum3A_40 [1] : vector<2000x128xf32> to vector<2000xf32>
    %broadcast_in_dim3A_42 = vector.shape_cast %reduce_sum3A_41 : vector<2000xf32> to vector<2000x1xf32>
    %div3A_43 = arith.constant 1.280000e+02 : f32
    %div3A_44 = vector.broadcast %div3A_43 : f32 to vector<2000x1xf32>
    %div3A_45 = arith.divf %broadcast_in_dim3A_42, %div3A_44 : vector<2000x1xf32>
    %sub3A_46 = vector.broadcast %div3A_38 : vector<2000x1xf32> to vector<2000x128xf32>
    %sub3A_47 = arith.subf %add3A_35, %sub3A_46 : vector<2000x128xf32>
    %add3A_48 = arith.constant 9.99999974E-6 : f32
    %add3A_49 = vector.broadcast %add3A_48 : f32 to vector<2000x1xf32>
    %add3A_50 = arith.addf %div3A_45, %add3A_49 : vector<2000x1xf32>
    %rsqrt3A = math.rsqrt %add3A_50 : vector<2000x1xf32>
    %mul3A_51 = vector.broadcast %rsqrt3A : vector<2000x1xf32> to vector<2000x128xf32>
    %mul3A_52 = arith.mulf %sub3A_47, %mul3A_51 : vector<2000x128xf32>
    %get3A_53 = arith.constant 0 : index
    %get3A_54 = arith.constant 0 : index
    %get3A_55 = vector.load %arg8[%get3A_53, %get3A_54] : memref<1x128xf32, #tpu.memory_space<vmem>>, vector<1x128xf32>
    %mul3A_56 = vector.broadcast %get3A_55 : vector<1x128xf32> to vector<2000x128xf32>
    %mul3A_57 = arith.mulf %mul3A_52, %mul3A_56 : vector<2000x128xf32>
    %get3A_58 = arith.constant 0 : index
    %get3A_59 = arith.constant 0 : index
    %get3A_60 = vector.load %arg9[%get3A_58, %get3A_59] : memref<1x128xf32, #tpu.memory_space<vmem>>, vector<1x128xf32>
    %add3A_61 = vector.broadcast %get3A_60 : vector<1x128xf32> to vector<2000x128xf32>
    %add3A_62 = arith.addf %mul3A_57, %add3A_61 : vector<2000x128xf32>
    %swap3A = arith.constant 0 : index
    %swap3A_63 = arith.constant 0 : index
    %swap3A_64 = vector.load %arg10[%swap3A, %swap3A_63] : memref<2000x128xf32, #tpu.memory_space<vmem>>, vector<2000x128xf32>
    tpu.vector_store %arg10[%swap3A, %swap3A_63], %add3A_62 {strides = array<i32>} : memref<2000x128xf32, #tpu.memory_space<vmem>>, vector<2000x128xf32>,
    return
  }
  func.func @transform_0(%arg0: i32) -> (i32, i32) {
    %c0_i32 = arith.constant 0 : i32
    %c0_i32_0 = arith.constant 0 : i32
    return %arg0, %c0_i32 : i32, i32
  }
  func.func @transform_1(%arg0: i32) -> (i32, i32) {
    %c0_i32 = arith.constant 0 : i32
    %c0_i32_0 = arith.constant 0 : i32
    return %arg0, %c0_i32 : i32, i32
  }
  func.func @transform_2(%arg0: i32) -> (i32, i32) {
    %c0_i32 = arith.constant 0 : i32
    %c0_i32_0 = arith.constant 0 : i32
    return %arg0, %c0_i32 : i32, i32
  }
  func.func @transform_3(%arg0: i32) -> (i32, i32) {
    %c0_i32 = arith.constant 0 : i32
    %c0_i32_0 = arith.constant 0 : i32
    %c0_i32_1 = arith.constant 0 : i32
    return %c0_i32, %c0_i32_0 : i32, i32
  }
  func.func @transform_4(%arg0: i32) -> (i32, i32) {
    %c0_i32 = arith.constant 0 : i32
    %c0_i32_0 = arith.constant 0 : i32
    %c0_i32_1 = arith.constant 0 : i32
    return %c0_i32, %c0_i32_0 : i32, i32
  }
  func.func @transform_5(%arg0: i32) -> (i32, i32) {
    %c0_i32 = arith.constant 0 : i32
    %c0_i32_0 = arith.constant 0 : i32
    %c0_i32_1 = arith.constant 0 : i32
    return %c0_i32, %c0_i32_0 : i32, i32
  }
  func.func @transform_6(%arg0: i32) -> (i32, i32) {
    %c0_i32 = arith.constant 0 : i32
    %c0_i32_0 = arith.constant 0 : i32
    %c0_i32_1 = arith.constant 0 : i32
    return %c0_i32, %c0_i32_0 : i32, i32
  }
  func.func @transform_7(%arg0: i32) -> (i32, i32) {
    %c0_i32 = arith.constant 0 : i32
    %c0_i32_0 = arith.constant 0 : i32
    %c0_i32_1 = arith.constant 0 : i32
    return %c0_i32, %c0_i32_0 : i32, i32
  }
  func.func @transform_8(%arg0: i32) -> (i32, i32) {
    %c0_i32 = arith.constant 0 : i32
    %c0_i32_0 = arith.constant 0 : i32
    %c0_i32_1 = arith.constant 0 : i32
    return %c0_i32, %c0_i32_0 : i32, i32
  }
  func.func @transform_9(%arg0: i32) -> (i32, i32) {
    %c0_i32 = arith.constant 0 : i32
    %c0_i32_0 = arith.constant 0 : i32
    return %arg0, %c0_i32 : i32, i32
  }
}

module attributes {stable_mosaic.version = 14 : i64} {
  func.func @_node_mlp_body(%arg0: i32, %arg1: memref<1000x128xf32, #tpu.memory_space<vmem>>, %arg2: memref<1000x128xf32, #tpu.memory_space<vmem>>, %arg3: memref<1000x128xf32, #tpu.memory_space<vmem>>, %arg4: memref<1000x128xf32, #tpu.memory_space<vmem>>, %arg5: memref<1000x128xf32, #tpu.memory_space<vmem>>, %arg6: memref<128x128xf32, #tpu.memory_space<vmem>>, %arg7: memref<128x128xf32, #tpu.memory_space<vmem>>, %arg8: memref<1x128xf32, #tpu.memory_space<vmem>>, %arg9: memref<128x128xf32, #tpu.memory_space<vmem>>, %arg10: memref<1x128xf32, #tpu.memory_space<vmem>>, %arg11: memref<1x128xf32, #tpu.memory_space<vmem>>, %arg12: memref<1x128xf32, #tpu.memory_space<vmem>>, %arg13: memref<1000x128xf32, #tpu.memory_space<vmem>>) attributes {dimension_semantics = [#tpu.dimension_semantics<arbitrary>], iteration_bounds = array<i64: 10>, scalar_prefetch = 0 : i64, scratch_operands = 0 : i64, tpu.core_type = #tpu.core_type<tc>, window_params = [{transform_indices = @transform_0, window_bounds = array<i64: 1000, 128>}, {transform_indices = @transform_1, window_bounds = array<i64: 1000, 128>}, {transform_indices = @transform_2, window_bounds = array<i64: 1000, 128>}, {transform_indices = @transform_3, window_bounds = array<i64: 1000, 128>}, {transform_indices = @transform_4, window_bounds = array<i64: 1000, 128>}, {pipeline_mode = #tpu.pipeline_mode<synchronous>, transform_indices = @transform_5, window_bounds = array<i64: 128, 128>}, {pipeline_mode = #tpu.pipeline_mode<synchronous>, transform_indices = @transform_6, window_bounds = array<i64: 128, 128>}, {pipeline_mode = #tpu.pipeline_mode<synchronous>, transform_indices = @transform_7, window_bounds = array<i64: 1, 128>}, {pipeline_mode = #tpu.pipeline_mode<synchronous>, transform_indices = @transform_8, window_bounds = array<i64: 128, 128>}, {pipeline_mode = #tpu.pipeline_mode<synchronous>, transform_indices = @transform_9, window_bounds = array<i64: 1, 128>}, {pipeline_mode = #tpu.pipeline_mode<synchronous>, transform_indices = @transform_10, window_bounds = array<i64: 1, 128>}, {pipeline_mode = #tpu.pipeline_mode<synchronous>, transform_indices = @transform_11, window_bounds = array<i64: 1, 128>}, {transform_indices = @transform_12, window_bounds = array<i64: 1000, 128>}]} {
    %get3A = arith.constant 0 : index
    %get3A_0 = arith.constant 0 : index
    %get3A_1 = vector.load %arg2[%get3A, %get3A_0] : memref<1000x128xf32, #tpu.memory_space<vmem>>, vector<1000x128xf32>
    %get3A_2 = arith.constant 0 : index
    %get3A_3 = arith.constant 0 : index
    %get3A_4 = vector.load %arg3[%get3A_2, %get3A_3] : memref<1000x128xf32, #tpu.memory_space<vmem>>, vector<1000x128xf32>
    %add3A = arith.addf %get3A_1, %get3A_4 : vector<1000x128xf32>
    %get3A_5 = arith.constant 0 : index
    %get3A_6 = arith.constant 0 : index
    %get3A_7 = vector.load %arg4[%get3A_5, %get3A_6] : memref<1000x128xf32, #tpu.memory_space<vmem>>, vector<1000x128xf32>
    %get3A_8 = arith.constant 0 : index
    %get3A_9 = arith.constant 0 : index
    %get3A_10 = vector.load %arg5[%get3A_8, %get3A_9] : memref<1000x128xf32, #tpu.memory_space<vmem>>, vector<1000x128xf32>
    %add3A_11 = arith.addf %get3A_7, %get3A_10 : vector<1000x128xf32>
    %add3A_12 = arith.addf %add3A, %add3A_11 : vector<1000x128xf32>
    %get3A_13 = arith.constant 0 : index
    %get3A_14 = arith.constant 0 : index
    %get3A_15 = vector.load %arg1[%get3A_13, %get3A_14] : memref<1000x128xf32, #tpu.memory_space<vmem>>, vector<1000x128xf32>
    %convert_element_type3A = arith.truncf %get3A_15 : vector<1000x128xf32> to vector<1000x128xbf16>
    %get3A_16 = arith.constant 0 : index
    %get3A_17 = arith.constant 0 : index
    %get3A_18 = vector.load %arg6[%get3A_16, %get3A_17] : memref<128x128xf32, #tpu.memory_space<vmem>>, vector<128x128xf32>
    %convert_element_type3A_19 = arith.truncf %get3A_18 : vector<128x128xf32> to vector<128x128xbf16>
    %dot_general3A = arith.constant dense<0.000000e+00> : vector<1000x128xf32>
    %dot_general3A_20 = tpu.matmul %convert_element_type3A, %convert_element_type3A_19, %dot_general3A {dimension_numbers = #tpu.dot_dimension_numbers<[1], [0], [0], [1], [0, 0, 1, 1], [], []>, transpose_lhs_hint = false} : vector<1000x128xbf16>, vector<128x128xbf16>, vector<1000x128xf32> -> vector<1000x128xf32>
    %convert_element_type3A_21 = arith.truncf %add3A_12 : vector<1000x128xf32> to vector<1000x128xbf16>
    %get3A_22 = arith.constant 0 : index
    %get3A_23 = arith.constant 0 : index
    %get3A_24 = vector.load %arg7[%get3A_22, %get3A_23] : memref<128x128xf32, #tpu.memory_space<vmem>>, vector<128x128xf32>
    %convert_element_type3A_25 = arith.truncf %get3A_24 : vector<128x128xf32> to vector<128x128xbf16>
    %dot_general3A_26 = arith.constant dense<0.000000e+00> : vector<1000x128xf32>
    %dot_general3A_27 = tpu.matmul %convert_element_type3A_21, %convert_element_type3A_25, %dot_general3A_26 {dimension_numbers = #tpu.dot_dimension_numbers<[1], [0], [0], [1], [0, 0, 1, 1], [], []>, transpose_lhs_hint = false} : vector<1000x128xbf16>, vector<128x128xbf16>, vector<1000x128xf32> -> vector<1000x128xf32>
    %add3A_28 = arith.addf %dot_general3A_20, %dot_general3A_27 : vector<1000x128xf32>
    %get3A_29 = arith.constant 0 : index
    %get3A_30 = arith.constant 0 : index
    %get3A_31 = vector.load %arg8[%get3A_29, %get3A_30] : memref<1x128xf32, #tpu.memory_space<vmem>>, vector<1x128xf32>
    %add3A_32 = vector.broadcast %get3A_31 : vector<1x128xf32> to vector<1000x128xf32>
    %add3A_33 = arith.addf %add3A_28, %add3A_32 : vector<1000x128xf32>
    %logistic3A = arith.negf %add3A_33 : vector<1000x128xf32>
    %logistic3A_34 = math.exp %logistic3A : vector<1000x128xf32>
    %logistic3A_35 = arith.constant 1.000000e+00 : f32
    %logistic3A_36 = vector.broadcast %logistic3A_35 : f32 to vector<1000x128xf32>
    %logistic3A_37 = arith.addf %logistic3A_36, %logistic3A_34 : vector<1000x128xf32>
    %logistic3A_38 = arith.divf %logistic3A_36, %logistic3A_37 : vector<1000x128xf32>
    %mul3A = arith.mulf %add3A_33, %logistic3A_38 : vector<1000x128xf32>
    %convert_element_type3A_39 = arith.truncf %mul3A : vector<1000x128xf32> to vector<1000x128xbf16>
    %get3A_40 = arith.constant 0 : index
    %get3A_41 = arith.constant 0 : index
    %get3A_42 = vector.load %arg9[%get3A_40, %get3A_41] : memref<128x128xf32, #tpu.memory_space<vmem>>, vector<128x128xf32>
    %convert_element_type3A_43 = arith.truncf %get3A_42 : vector<128x128xf32> to vector<128x128xbf16>
    %dot_general3A_44 = arith.constant dense<0.000000e+00> : vector<1000x128xf32>
    %dot_general3A_45 = tpu.matmul %convert_element_type3A_39, %convert_element_type3A_43, %dot_general3A_44 {dimension_numbers = #tpu.dot_dimension_numbers<[1], [0], [0], [1], [0, 0, 1, 1], [], []>, transpose_lhs_hint = false} : vector<1000x128xbf16>, vector<128x128xbf16>, vector<1000x128xf32> -> vector<1000x128xf32>
    %get3A_46 = arith.constant 0 : index
    %get3A_47 = arith.constant 0 : index
    %get3A_48 = vector.load %arg10[%get3A_46, %get3A_47] : memref<1x128xf32, #tpu.memory_space<vmem>>, vector<1x128xf32>
    %add3A_49 = vector.broadcast %get3A_48 : vector<1x128xf32> to vector<1000x128xf32>
    %add3A_50 = arith.addf %dot_general3A_45, %add3A_49 : vector<1000x128xf32>
    %reduce_sum3A = arith.constant dense<0.000000e+00> : vector<1000xf32>
    %reduce_sum3A_51 = vector.multi_reduction <add>, %add3A_50, %reduce_sum3A [1] : vector<1000x128xf32> to vector<1000xf32>
    %broadcast_in_dim3A = vector.shape_cast %reduce_sum3A_51 : vector<1000xf32> to vector<1000x1xf32>
    %div3A = arith.constant 1.280000e+02 : f32
    %div3A_52 = vector.broadcast %div3A : f32 to vector<1000x1xf32>
    %div3A_53 = arith.divf %broadcast_in_dim3A, %div3A_52 : vector<1000x1xf32>
    %sub3A = vector.broadcast %div3A_53 : vector<1000x1xf32> to vector<1000x128xf32>
    %sub3A_54 = arith.subf %add3A_50, %sub3A : vector<1000x128xf32>
    %square3A = arith.mulf %sub3A_54, %sub3A_54 : vector<1000x128xf32>
    %reduce_sum3A_55 = arith.constant dense<0.000000e+00> : vector<1000xf32>
    %reduce_sum3A_56 = vector.multi_reduction <add>, %square3A, %reduce_sum3A_55 [1] : vector<1000x128xf32> to vector<1000xf32>
    %broadcast_in_dim3A_57 = vector.shape_cast %reduce_sum3A_56 : vector<1000xf32> to vector<1000x1xf32>
    %div3A_58 = arith.constant 1.280000e+02 : f32
    %div3A_59 = vector.broadcast %div3A_58 : f32 to vector<1000x1xf32>
    %div3A_60 = arith.divf %broadcast_in_dim3A_57, %div3A_59 : vector<1000x1xf32>
    %sub3A_61 = vector.broadcast %div3A_53 : vector<1000x1xf32> to vector<1000x128xf32>
    %sub3A_62 = arith.subf %add3A_50, %sub3A_61 : vector<1000x128xf32>
    %add3A_63 = arith.constant 9.99999974E-6 : f32
    %add3A_64 = vector.broadcast %add3A_63 : f32 to vector<1000x1xf32>
    %add3A_65 = arith.addf %div3A_60, %add3A_64 : vector<1000x1xf32>
    %rsqrt3A = math.rsqrt %add3A_65 : vector<1000x1xf32>
    %mul3A_66 = vector.broadcast %rsqrt3A : vector<1000x1xf32> to vector<1000x128xf32>
    %mul3A_67 = arith.mulf %sub3A_62, %mul3A_66 : vector<1000x128xf32>
    %get3A_68 = arith.constant 0 : index
    %get3A_69 = arith.constant 0 : index
    %get3A_70 = vector.load %arg11[%get3A_68, %get3A_69] : memref<1x128xf32, #tpu.memory_space<vmem>>, vector<1x128xf32>
    %mul3A_71 = vector.broadcast %get3A_70 : vector<1x128xf32> to vector<1000x128xf32>
    %mul3A_72 = arith.mulf %mul3A_67, %mul3A_71 : vector<1000x128xf32>
    %get3A_73 = arith.constant 0 : index
    %get3A_74 = arith.constant 0 : index
    %get3A_75 = vector.load %arg12[%get3A_73, %get3A_74] : memref<1x128xf32, #tpu.memory_space<vmem>>, vector<1x128xf32>
    %add3A_76 = vector.broadcast %get3A_75 : vector<1x128xf32> to vector<1000x128xf32>
    %add3A_77 = arith.addf %mul3A_72, %add3A_76 : vector<1000x128xf32>
    %get3A_78 = arith.constant 0 : index
    %get3A_79 = arith.constant 0 : index
    %get3A_80 = vector.load %arg1[%get3A_78, %get3A_79] : memref<1000x128xf32, #tpu.memory_space<vmem>>, vector<1000x128xf32>
    %add3A_81 = arith.addf %add3A_77, %get3A_80 : vector<1000x128xf32>
    %swap3A = arith.constant 0 : index
    %swap3A_82 = arith.constant 0 : index
    %swap3A_83 = vector.load %arg13[%swap3A, %swap3A_82] : memref<1000x128xf32, #tpu.memory_space<vmem>>, vector<1000x128xf32>
    tpu.vector_store %arg13[%swap3A, %swap3A_82], %add3A_81 {strides = array<i32>} : memref<1000x128xf32, #tpu.memory_space<vmem>>, vector<1000x128xf32>,
    return
  }
  func.func @transform_0(%arg0: i32) -> (i32, i32) {
    %c0_i32 = arith.constant 0 : i32
    %c0_i32_0 = arith.constant 0 : i32
    return %arg0, %c0_i32 : i32, i32
  }
  func.func @transform_1(%arg0: i32) -> (i32, i32) {
    %c0_i32 = arith.constant 0 : i32
    %c0_i32_0 = arith.constant 0 : i32
    return %arg0, %c0_i32 : i32, i32
  }
  func.func @transform_2(%arg0: i32) -> (i32, i32) {
    %c0_i32 = arith.constant 0 : i32
    %c0_i32_0 = arith.constant 0 : i32
    return %arg0, %c0_i32 : i32, i32
  }
  func.func @transform_3(%arg0: i32) -> (i32, i32) {
    %c0_i32 = arith.constant 0 : i32
    %c0_i32_0 = arith.constant 0 : i32
    return %arg0, %c0_i32 : i32, i32
  }
  func.func @transform_4(%arg0: i32) -> (i32, i32) {
    %c0_i32 = arith.constant 0 : i32
    %c0_i32_0 = arith.constant 0 : i32
    return %arg0, %c0_i32 : i32, i32
  }
  func.func @transform_5(%arg0: i32) -> (i32, i32) {
    %c0_i32 = arith.constant 0 : i32
    %c0_i32_0 = arith.constant 0 : i32
    %c0_i32_1 = arith.constant 0 : i32
    return %c0_i32, %c0_i32_0 : i32, i32
  }
  func.func @transform_6(%arg0: i32) -> (i32, i32) {
    %c0_i32 = arith.constant 0 : i32
    %c0_i32_0 = arith.constant 0 : i32
    %c0_i32_1 = arith.constant 0 : i32
    return %c0_i32, %c0_i32_0 : i32, i32
  }
  func.func @transform_7(%arg0: i32) -> (i32, i32) {
    %c0_i32 = arith.constant 0 : i32
    %c0_i32_0 = arith.constant 0 : i32
    %c0_i32_1 = arith.constant 0 : i32
    return %c0_i32, %c0_i32_0 : i32, i32
  }
  func.func @transform_8(%arg0: i32) -> (i32, i32) {
    %c0_i32 = arith.constant 0 : i32
    %c0_i32_0 = arith.constant 0 : i32
    %c0_i32_1 = arith.constant 0 : i32
    return %c0_i32, %c0_i32_0 : i32, i32
  }
  func.func @transform_9(%arg0: i32) -> (i32, i32) {
    %c0_i32 = arith.constant 0 : i32
    %c0_i32_0 = arith.constant 0 : i32
    %c0_i32_1 = arith.constant 0 : i32
    return %c0_i32, %c0_i32_0 : i32, i32
  }
  func.func @transform_10(%arg0: i32) -> (i32, i32) {
    %c0_i32 = arith.constant 0 : i32
    %c0_i32_0 = arith.constant 0 : i32
    %c0_i32_1 = arith.constant 0 : i32
    return %c0_i32, %c0_i32_0 : i32, i32
  }
  func.func @transform_11(%arg0: i32) -> (i32, i32) {
    %c0_i32 = arith.constant 0 : i32
    %c0_i32_0 = arith.constant 0 : i32
    %c0_i32_1 = arith.constant 0 : i32
    return %c0_i32, %c0_i32_0 : i32, i32
  }
  func.func @transform_12(%arg0: i32) -> (i32, i32) {
    %c0_i32 = arith.constant 0 : i32
    %c0_i32_0 = arith.constant 0 : i32
    return %arg0, %c0_i32 : i32, i32
  }
}

</mosaic_0001>

<sc_bundles>
// kernel: kernel.10.cloned.1.call-start
scs
__scs_entry_jumppad:
0x0: {  	(pc) =	sbr.rel $0x88, $3  }
0x1: {  	(tag) =	ssettag $0x0;
	lr =	simm.s32 $0x1  }
0x2: {  	[smem:$0x3F90] =	sst lr;
	_ =	strace $0xD0000000  }
0x3: {  	_ = 	snop  }
0x4: {  	_ = 	snop  }
0x5: {  	_ = 	snop  }
0x6: {  	_ = 	snop  }
0x7: {  	_ = 	snop  }
__scs_overlays_trampoline_lowered:
0x8: {  	[smem:$0x3F9F] =	sst s0  }
0x9: {  	[smem:$0x3FA0] =	sst s1  }
0xa: {  	[smem:$0x3FA1] =	sst s2  }
0xb: {  	[smem:$0x3FA2] =	sst s3  }
0xc: {  	[smem:$0x3FA3] =	sst s4  }
0xd: {  	[smem:$0x3FA4] =	sst s5  }
0xe: {  	[smem:$0x3FA5] =	sst s6  }
0xf: {  	[smem:$0x3FA6] =	sst s7  }
0x10: {  	[smem:$0x3FA7] =	sst s8  }
0x11: {  	[smem:$0x3FA8] =	sst s9;
	s0 =	simm.s32 @!p0 $0x0  }
0x12: {  	s1 =	sld [smem:$0x3F8E];
	s0 =	simm.s32 @p0 $0x1  }
0x13: {  	[smem:$0x3FA9] =	sst s0;
	s0 =	simm.s32 @!p1 $0x0  }
0x14: {  	s2 =	sld [smem:$0x3F8D];
	s0 =	simm.s32 @p1 $0x1  }
0x15: {  	[smem:$0x3FAA] =	sst s0;
	s0 =	simm.s32 @!p2 $0x0  }
0x16: {  	s3 =	sld [smem:$0x3FDB];
	s0 =	simm.s32 @p2 $0x1  }
0x17: {  	s4 =	simm.s32 $0x1BF5;
	[smem:$0x3FAC] =	sst s0  }
0x18: {  	s0 =	sld [smem:$0x3F8F];
	_ =	swait.ge [sflag:s4], $0x0  }
0x19: {  	s7 =	sld [smem:$0x3F90]  }
0x1a: {  	s8 =	sadd.s32 $0xFFFFE003, lr  }
0x1b: {  	s9 =	sadd.s32 $0xFFFFFEF7, lr;
	s5 =	simm.s32 $0xFFFFFFFF;
	p2 =	slt.u32 s8, $0xFFFFF086  }
0x1c: {  	p1 =	slt.u32 s9, $0xF7A;
	s5 =	simm.s32 @!p2 $0x0  }
0x1d: {  	s5 =	simm.s32 @p1 $0x1;
	p0 =	seq.s32 s7, s2  }
0x1e: {  	s7 =	smul.u32 @!p0 $0xF7A, s2;
	p2 =	seq.s32 @!p0 s5, $0x0  }
0x1f: {  	s9 =	smul.u32 $0xF7A, s1;
	s8 =	simm.s32 @!p0 $0x1BF5;
	p2 =	por !p2, p0  }
0x20: {  	[sflag:s8] =	ssyncset.s32 @!p0 $0xFFFFF086;
	s6 =	sadd.s32 @!p0 s3, s7;
	s7 =	simm.s32 @!p0 $0x108  }
0x21: {  	s3 =	sadd.s32 s3, s9;
	s6 =	sadd.s32 @!p0 $0x88, s6;
	s7 =	simm.s32 @p2 $0x1082  }
0x22: {  	[simem:s7], [sflag:s8] =	dma.local @!p0 [hbm:s6], $0xF7A  }
0x23: {  	s9 =	sor.u32 $0xD0000000, s2;
	s6 =	simm.s32 $0x108;
	_ =	swait.ge @!p0 [sflag:s8], $0x0  }
0x24: {  	s3 =	sadd.s32 $0x88, s3;
	s6 =	simm.s32 @!p1 $0x1082;
	[sflag:s4] =	ssyncset.s32 $0xFFFFF086  }
0x25: {  	[simem:s6], [sflag:s4] =	dma.local [hbm:s3], $0xF7A  }
0x26: {  	[smem:$0x3F90] =	sst s1;
	(tag) =	ssettag s2;
	_ =	strace s9  }
0x27: {  	s1 =	sld [smem:$0x3FA0]  }
0x28: {  	s2 =	sld [smem:$0x3FA1]  }
0x29: {  	s4 =	sld [smem:$0x3FA3]  }
0x2a: {  	p0 =	seq.s32 s5, $0x0;
	s5 =	sld [smem:$0x3FA4]  }
0x2b: {  	s6 =	sld [smem:$0x3FA5]  }
0x2c: {  	s7 =	sld [smem:$0x3FA6]  }
0x2d: {  	s3 =	simm.s32 $0x108;
	s8 =	sld [smem:$0x3FA7]  }
0x2e: {  	s3 =	simm.s32 @!p0 $0x1082;
	s9 =	sld [smem:$0x3FA8]  }
0x2f: {  	lr =	sadd.s32 s0, s3;
	s0 =	sld [smem:$0x3F9F]  }
0x30: {  	s3 =	sld [smem:$0x3FA2]  }
0x31: {  	[smem:$0x3FAB] =	sst s10  }
0x32: {  	s10 =	sld [smem:$0x3FA9];
	_ =	sdelay $0x3  }
0x33: {  	p0 =	seq.s32 s10, $0x1;
	s10 =	sld [smem:$0x3FAB];
	_ =	sdelay $0x3  }
0x34: {  	[smem:$0x3FAB] =	sst s10  }
0x35: {  	s10 =	sld [smem:$0x3FAA];
	_ =	sdelay $0x3  }
0x36: {  	p1 =	seq.s32 s10, $0x1;
	s10 =	sld [smem:$0x3FAB];
	_ =	sdelay $0x3  }
0x37: {  	[smem:$0x3FAB] =	sst s10  }
0x38: {  	s10 =	sld [smem:$0x3FAC]  }
0x39: {  	_ = 	snop;
	(pc) =	sbr.ind lr, $3  }
0x3a: {  	_ = 	snop  }
0x3b: {  	_ = 	snop  }
0x3c: {  	p2 =	seq.s32 s10, $0x1;
	s10 =	sld [smem:$0x3FAB]  }
0x3d: {  	_ =	shalt  }
0x3e: {  	_ =	shalt  }
0x3f: {  	_ =	shalt  }
0x40: {  	_ =	shalt  }
0x41: {  	_ =	shalt  }
0x42: {  	_ =	shalt  }
0x43: {  	_ =	shalt  }
0x44: {  	_ =	shalt  }
0x45: {  	_ =	shalt  }
0x46: {  	_ =	shalt  }
0x47: {  	_ =	shalt  }
0x48: {  	_ =	shalt  }
0x49: {  	_ =	shalt  }
0x4a: {  	_ =	shalt  }
0x4b: {  	_ =	shalt  }
0x4c: {  	_ =	shalt  }
0x4d: {  	_ =	shalt  }
0x4e: {  	_ =	shalt  }
0x4f: {  	_ =	shalt  }
0x50: {  	_ =	shalt  }
0x51: {  	_ =	shalt  }
0x52: {  	_ =	shalt  }
0x53: {  	_ =	shalt  }
0x54: {  	_ =	shalt  }
0x55: {  	_ =	shalt  }
0x56: {  	_ =	shalt  }
0x57: {  	_ =	shalt  }
0x58: {  	_ =	shalt  }
0x59: {  	_ =	shalt  }
0x5a: {  	_ =	shalt  }
0x5b: {  	_ =	shalt  }
0x5c: {  	_ =	shalt  }
0x5d: {  	_ =	shalt  }
0x5e: {  	_ =	shalt  }
0x5f: {  	_ =	shalt  }
0x60: {  	_ =	shalt  }
0x61: {  	_ =	shalt  }
0x62: {  	_ =	shalt  }
0x63: {  	_ =	shalt  }
0x64: {  	_ =	shalt  }
0x65: {  	_ =	shalt  }
0x66: {  	_ =	shalt  }
0x67: {  	_ =	shalt  }
0x68: {  	_ =	shalt  }
0x69: {  	_ =	shalt  }
0x6a: {  	_ =	shalt  }
0x6b: {  	_ =	shalt  }
0x6c: {  	_ =	shalt  }
0x6d: {  	_ =	shalt  }
0x6e: {  	_ =	shalt  }
0x6f: {  	_ =	shalt  }
0x70: {  	_ =	shalt  }
0x71: {  	_ =	shalt  }
0x72: {  	_ =	shalt  }
0x73: {  	_ =	shalt  }
0x74: {  	_ =	shalt  }
0x75: {  	_ =	shalt  }
0x76: {  	_ =	shalt  }
0x77: {  	_ =	shalt  }
0x78: {  	_ =	shalt  }
0x79: {  	_ =	shalt  }
0x7a: {  	_ =	shalt  }
0x7b: {  	_ =	shalt  }
0x7c: {  	_ =	shalt  }
0x7d: {  	_ =	shalt  }
0x7e: {  	_ =	shalt  }
0x7f: {  	_ =	shalt  }
0x80: {  	_ =	shalt  }
0x81: {  	_ =	shalt  }
0x82: {  	_ =	shalt  }
0x83: {  	_ =	shalt  }
0x84: {  	_ =	shalt  }
0x85: {  	_ =	shalt  }
0x86: {  	_ =	shalt  }
0x87: {  	_ =	shalt  }
.Lfunc_end0:
.L_simem_size_0:
called_computation_lowered:
.L_overlay_start_0:
0x88: {  	s2 =	sld [smem:$0x3FD9]  }
0x89: {  	s3 =	sld [smem:$0x3FFE];
	_ =	sdelay $0x1  }
0x8a: {  	s1 =	srdreg.scid  }
0x8b: {  	s0 =	sand.u32 $0x1, s1  }
0x8c: {  	s17 =	sshll.u32 s0, $0xA;
	s2 =	sadd.s32 s3, s2  }
0x8d: {  	s2 =	sadd.s32 s2, s17  }
0x8e: {  	[smem:$0x3FB7] =	sst s2  }
0x8f: {  	_ = 	snop  }
0x90: {  	s2 =	sld [smem:$0x3FD0];
	(tm) =	ssettm $0x1  }
0x91: {  	s18 =	sld [smem:$0x3FFB];
	_ =	sdelay $0x3  }
0x92: {  	_ =	strace s18  }
0x93: {  	s3 =	sld [smem:$0x3FFC];
	_ =	sdelay $0x3  }
0x94: {  	_ =	strace s3  }
0x95: {  	s3 =	sld [smem:$0x3FFD];
	_ =	sdelay $0x3  }
0x96: {  	_ =	strace s3  }
0x97: {  	_ =	strace $0x8FFFFFFF  }
0x98: {  	s19 =	sld [smem:$0x3FDB];
	_ =	sdelay $0x1  }
0x99: {  	s4 =	simm.s32 $_scs_section_size  }
0x9a: {  	s5 =	simm.s32 $_size__tile_overlayer_lowered;
	s6 =	simm.s32 $_tile_overlayer_lowered  }
0x9b: {  	s22 =	simm.s32 $0x1BFF;
	s21 =	sshll.u32 s6, $0x1;
	s3 =	sadd.s32 s4, s19  }
0x9c: {  	s7 =	simm.s32 $0x0;
	s20 =	sshll.u32 s5, $0x1;
	s5 =	sadd.s32 s21, s3  }
0x9d: {  	[timem:s7], [sflag:s22] =	dma.local [hbm:s5], s20  }
0x9e: {  	_ =	swait.ge [sflag:s22], s20  }
0x9f: {  	s4 =	ssub.s32 $0x0, s20;
	[sflag:s22] =	ssyncset.done $0x0  }
0xa0: {  	[sflag:s22] =	ssyncadd.s32 s4;
	_ =	sdelay $0x1  }
0xa1: {  	s23 =	simm.s32 $0x1B8B  }
0xa2: {  	_ =	swait.ge [sflag:s23], $0x1  }
0xa3: {  	[sflag:s23] =	ssyncset.done $0x0  }
0xa4: {  	s25 =	simm.s32 $0x1B8E;
	s24 =	sld [smem:$0x3FFE];
	[sflag:s23] =	ssyncadd.s32 $0xFFFFFFFF  }
0xa5: {  	s26 =	simm.s32 $execute0_lowered;
	[smem:$0x3FD2] =	sst s25  }
0xa6: {  	s5 =	sshll.u32 s26, $0x1;
	_ =	strace $0x80000046;
	[dreg:$0x1] =	wrdreg $0xFFFFFFFF  }
0xa7: {  	s28 =	simm.s32 $_size_execute0_lowered;
	s3 =	sadd.s32 s3, s5;
	[dreg:$0x0] =	wrdreg $0x0  }
0xa8: {  	s5 =	sshll.u32 s28, $0x1;
	[dreg:$0x2] =	wrdreg s3  }
0xa9: {  	[dreg:$0x3] =	wrdreg s5  }
0xaa: {  	[dreg:$0x4] =	wrdreg $0xC0  }
0xab: {  	_ =	task [dreg:s7], $0x5FFFF  }
0xac: {  	[dreg:$0x1] =	wrdreg $0xFFFFFFFF  }
0xad: {  	[dreg:$0x0] =	wrdreg $0x60  }
0xae: {  	[dreg:$0x2] =	wrdreg s2  }
0xaf: {  	[dreg:$0x3] =	wrdreg s24  }
0xb0: {  	[dreg:$0x4] =	wrdreg $0x9  }
0xb1: {  	_ =	task.clear_ibuf [dreg:s7], $0x5FFFF;
	_ =	strace $0x90000046  }
0xb2: {  	s29 =	simm.s32 $0x9;
	_ =	strace $0x80000048  }
0xb3: {  	_ =	swait.ge [sflag:s29], $0x1  }
0xb4: {  	[sflag:s29] =	ssyncadd.s32 $0xFFFFFFFF  }
0xb5: {  	_ =	strace $0x90000048  }
0xb6: {  	_ =	sfence  }
0xb7: {  	s30 =	sld [smem:$0x0];
	_ =	sdelay $0x2  }
0xb8: {  	s31 =	sshll.u32 s1, $0xD;
	s1 =	sshrl.u32 s1, $0x2  }
0xb9: {  	s3 =	sand.u32 $0x4000, s31;
	s1 =	sadd.s32 s1, s30  }
0xba: {  	s0 =	sor.u32 s3, s0;
	s1 =	sshll.u32 s1, $0x11  }
0xbb: {  	s0 =	sor.u32 s1, s0  }
0xbc: {  	s0 =	sadd.s32 $0x8F2B, s0  }
0xbd: {  	[sflag:s0] =	ssyncadd.remote.s32 $0x1  }
0xbe: {  	_ =	sfence.sel $0xFFFF  }
0xbf: {  	[dreg:$0x0] =	wrdreg $0xFFFFFFFF;
	(pc) =	sbr.abs _section_cstart, $3  }
0xc0: {  	[dreg:$0x1] =	wrdreg $0xFFFFFFFF  }
0xc1: {  	_ =	task.clear_ibuf [dreg:s7], $0x2FFFF;
	_ =	strace $0x9FFFFFFF  }
0xc2: {  	(tm) =	ssettm $0x7FFFFFFF  }
0xc3: {  	_ =	shalt  }
tec
execute0_lowered:
.L_overlay_start_1:
0x0: {  	(tag) =	ssettag $0x1  }
0x1: {  	s1 =	rddreg [dreg:$0x0]  }
0x2: {  	s0 =	rddreg [dreg:$0x1];
	s2 =	simm.s32 $0x0;
	s3 =	srdreg.scid  }
0x3: {  	s8 =	stileid.u32;
	s10 =	simm.s32 $0x28;
	s11 =	simm.s32 $0x8000  }
0x4: {  	s12 =	simm.s32 $0xE400;
	s13 =	simm.s32 $0x9400;
	s14 =	simm.s32 $0xF800  }
0x5: {  	s15 =	simm.s32 $0xA800;
	s16 =	simm.s32 $0x10C00;
	s17 =	simm.s32 $0xBC00  }
0x6: {  	s18 =	simm.s32 $0x12000;
	s19 =	simm.s32 $0xD000;
	s20 =	simm.s32 $0x13400  }
0x7: {  	s21 =	simm.s32 $0x1;
	s22 =	simm.s32 $0x6;
	s28 =	simm.s32 $0x4  }
0x8: {  	s29 =	simm.s32 $0x9;
	s30 =	simm.s32 $0x5;
	s31 =	simm.s32 $0xA  }
0x9: {  	[smem:$0x7FF] =	sst s2;
	s3 =	sand.u32 $0x1, s3;
	s4 =	sadd.s32 $0x25200, s0  }
0xa: {  	s6 =	sshll.u32 s8, $0xB;
	s5 =	smul.u32 $0x138800, s3;
	s7 =	sshll.u32 s3, $0xF  }
0xb: {  	s8 =	smul.u32 $0x13880, s8;
	s3 =	ssub.s32 $0x2, s3;
	s6 =	sor.u32 s6, s7  }
0xc: {  	s23 =	sshrl.u32 s3, $0x1;
	s5 =	sadd.s32 s5, s0;
	s0 =	sadd.s32 s6, s0  }
0xd: {  	_ =	strace $0x80000047;
	s3 =	ssub.s32 s3, s23;
	s24 =	sadd.s32 $0x15200, s0  }
0xe: {  	s23 =	simm.s32 $0x2;
	s0 =	sadd.s32 $0x5200, s0;
	[dreg:$0x5] =	wrdreg s24  }
0xf: {  	s5 =	sadd.s32 s8, s5;
	s3 =	smax.u32 s3, $0x1;
	[dreg:$0x6] =	wrdreg s0  }
0x10: {  	s25 =	sadd.s32 $0x4C400, s5;
	s26 =	sadd.s32 $0x2BD400, s5;
	[dreg:$0x7] =	wrdreg s3  }
0x11: {  	s24 =	simm.s32 $0x7;
	s5 =	simm.s32 $0x0;
	[dreg:$0x3] =	wrdreg s25  }
0x12: {  	[dreg:$0x4] =	wrdreg s26;
	s25 =	simm.s32 $0x3;
	s26 =	simm.s32 $0x8  }
.LBB2_1:
0x13: {  	[dreg:$0x8] =	wrdreg s5  }
0x14: {  	s0 =	rddreg [dreg:$0x5];
	s3 =	simm.s32 $0x15  }
0x15: {  	[tilespmem:s2], [sflag:$0x15] =	stream.linear.gather [hbm4b:s0+s2], $0x3E80, $0x38;
	[tilespmem:$0x14800] =	vst v63  }
0x16: {  	_ =	swait.ge [sflag:s3], $0x3E80  }
0x17: {  	[sflag:s3] =	ssyncset.done $0x0  }
0x18: {  	s7 =	simm.s32 $0x4000;
	s6 =	rddreg [dreg:$0x6];
	[sflag:s3] =	ssyncadd.s32 $0xFFFFC180  }
0x19: {  	[tilespmem:s7], [sflag:$0x15] =	stream.linear.gather [hbm4b:s6+s2], $0x3E80, $0x38;
	[tilespmem:$0x14800] =	vst v63  }
0x1a: {  	_ =	swait.ge [sflag:s3], $0x3E80  }
0x1b: {  	p0 =	por $0x1, $0x1;
	[sflag:s3] =	ssyncset.done $0x0  }
0x1c: {  	s0 =	simm.s32 @!p0 $0xB;
	[sflag:s3] =	ssyncadd.s32 $0xFFFFC180  }
0x1d: {  	_ =	swait.ge @!p0 [sflag:s0], $0x1400  }
0x1e: {  	[sflag:s0] =	ssyncset.done @!p0 $0x0  }
0x1f: {  	[sflag:s0] =	ssyncadd.s32 @!p0 $0xFFFFEC00;
	s0 =	simm.s32 @!p0 $0x10  }
0x20: {  	_ =	swait.ge @!p0 [sflag:s0], $0x1400  }
0x21: {  	[sflag:s0] =	ssyncset.done @!p0 $0x0  }
0x22: {  	s8 =	simm.s32 $0x0;
	[sflag:s0] =	ssyncadd.s32 @!p0 $0xFFFFEC00  }
0x23: {  	[tilespmem:s11], [sflag:$0x1] =	stream.indirect.gather [hbm4b:s1+s10], $0x80, s8, s10, $0xb8;
	[tilespmem:$0x14800] =	vst v63  }
0x24: {  	s9 =	simm.s32 $0x4000;
	s3 =	simm.s32 @!p0 $0xC  }
0x25: {  	[tilespmem:s12], [sflag:$0x6] =	stream.indirect.gather [hbm4b:s4+s10], $0x80, s9, s10, $0xb8;
	[tilespmem:$0x14800] =	vst v63  }
0x26: {  	_ =	swait.ge @!p0 [sflag:s3], $0x1400  }
0x27: {  	[sflag:s3] =	ssyncset.done @!p0 $0x0  }
0x28: {  	s0 =	simm.s32 @!p0 $0x11;
	[sflag:s3] =	ssyncadd.s32 @!p0 $0xFFFFEC00  }
0x29: {  	_ =	swait.ge @!p0 [sflag:s0], $0x1400  }
0x2a: {  	[sflag:s0] =	ssyncset.done @!p0 $0x0  }
0x2b: {  	s3 =	simm.s32 $0x80;
	[sflag:s0] =	ssyncadd.s32 @!p0 $0xFFFFEC00  }
0x2c: {  	[tilespmem:s13], [sflag:$0x2] =	stream.indirect.gather [hbm4b:s1+s10], $0x80, s3, s10, $0xb8;
	[tilespmem:$0x14800] =	vst v63  }
0x2d: {  	s5 =	simm.s32 $0x4080;
	s3 =	simm.s32 @!p0 $0xD  }
0x2e: {  	[tilespmem:s14], [sflag:$0x7] =	stream.indirect.gather [hbm4b:s4+s10], $0x80, s5, s10, $0xb8;
	[tilespmem:$0x14800] =	vst v63  }
0x2f: {  	_ =	swait.ge @!p0 [sflag:s3], $0x1400  }
0x30: {  	[sflag:s3] =	ssyncset.done @!p0 $0x0  }
0x31: {  	s0 =	simm.s32 @!p0 $0x12;
	[sflag:s3] =	ssyncadd.s32 @!p0 $0xFFFFEC00  }
0x32: {  	_ =	swait.ge @!p0 [sflag:s0], $0x1400  }
0x33: {  	[sflag:s0] =	ssyncset.done @!p0 $0x0  }
0x34: {  	s6 =	simm.s32 $0x100;
	[sflag:s0] =	ssyncadd.s32 @!p0 $0xFFFFEC00  }
0x35: {  	[tilespmem:s15], [sflag:$0x3] =	stream.indirect.gather [hbm4b:s1+s10], $0x80, s6, s10, $0xb8;
	[tilespmem:$0x14800] =	vst v63  }
0x36: {  	s7 =	simm.s32 $0x4100;
	s3 =	simm.s32 @!p0 $0xE  }
0x37: {  	[tilespmem:s16], [sflag:$0x8] =	stream.indirect.gather [hbm4b:s4+s10], $0x80, s7, s10, $0xb8;
	[tilespmem:$0x14800] =	vst v63  }
0x38: {  	_ =	swait.ge @!p0 [sflag:s3], $0x1400  }
0x39: {  	[sflag:s3] =	ssyncset.done @!p0 $0x0  }
0x3a: {  	s0 =	simm.s32 @!p0 $0x13;
	[sflag:s3] =	ssyncadd.s32 @!p0 $0xFFFFEC00  }
0x3b: {  	_ =	swait.ge @!p0 [sflag:s0], $0x1400  }
0x3c: {  	[sflag:s0] =	ssyncset.done @!p0 $0x0  }
0x3d: {  	s8 =	simm.s32 $0x180;
	[sflag:s0] =	ssyncadd.s32 @!p0 $0xFFFFEC00  }
0x3e: {  	[tilespmem:s17], [sflag:$0x4] =	stream.indirect.gather [hbm4b:s1+s10], $0x80, s8, s10, $0xb8;
	[tilespmem:$0x14800] =	vst v63  }
0x3f: {  	s9 =	simm.s32 $0x4180;
	s3 =	simm.s32 @!p0 $0xF  }
0x40: {  	[tilespmem:s18], [sflag:$0x9] =	stream.indirect.gather [hbm4b:s4+s10], $0x80, s9, s10, $0xb8;
	[tilespmem:$0x14800] =	vst v63  }
0x41: {  	_ =	swait.ge @!p0 [sflag:s3], $0x1400  }
0x42: {  	[sflag:s3] =	ssyncset.done @!p0 $0x0  }
0x43: {  	s0 =	simm.s32 @!p0 $0x14;
	[sflag:s3] =	ssyncadd.s32 @!p0 $0xFFFFEC00  }
0x44: {  	_ =	swait.ge @!p0 [sflag:s0], $0x1400  }
0x45: {  	[sflag:s0] =	ssyncset.done @!p0 $0x0  }
0x46: {  	s3 =	simm.s32 $0x200;
	[sflag:s0] =	ssyncadd.s32 @!p0 $0xFFFFEC00  }
0x47: {  	[tilespmem:s19], [sflag:$0x5] =	stream.indirect.gather [hbm4b:s1+s10], $0x80, s3, s10, $0xb8;
	[tilespmem:$0x14800] =	vst v63  }
0x48: {  	s5 =	simm.s32 $0x4200  }
0x49: {  	[tilespmem:s20], [sflag:$0xA] =	stream.indirect.gather [hbm4b:s4+s10], $0x80, s5, s10, $0xb8;
	[tilespmem:$0x14800] =	vst v63  }
0x4a: {  	_ =	swait.ge [sflag:s21], $0x1400  }
0x4b: {  	[sflag:s21] =	ssyncset.done $0x0  }
0x4c: {  	[sflag:s21] =	ssyncadd.s32 $0xFFFFEC00  }
0x4d: {  	_ =	swait.ge [sflag:s22], $0x1400  }
0x4e: {  	s6 =	rddreg [dreg:$0x3];
	[sflag:s22] =	ssyncset.done $0x0  }
0x4f: {  	s7 =	rddreg [dreg:$0x4];
	[sflag:s22] =	ssyncadd.s32 $0xFFFFEC00;
	s0 =	sadd.s32 $0x0, s6  }
0x50: {  	[hbm4b:s0+s2] =	stream.linear.scatter [tilespmem:s11], [sflag:$0xB], $0x1400, $0x38;
	[tilespmem:$0x14800] =	vst v63  }
0x51: {  	s5 =	sadd.s32 $0x0, s7  }
0x52: {  	[hbm4b:s5+s2] =	stream.linear.scatter [tilespmem:s12], [sflag:$0x10], $0x1400, $0x38;
	[tilespmem:$0x14800] =	vst v63  }
0x53: {  	_ =	swait.ge [sflag:s23], $0x1400  }
0x54: {  	[sflag:s23] =	ssyncset.done $0x0  }
0x55: {  	[sflag:s23] =	ssyncadd.s32 $0xFFFFEC00  }
0x56: {  	_ =	swait.ge [sflag:s24], $0x1400  }
0x57: {  	[sflag:s24] =	ssyncset.done $0x0  }
0x58: {  	s8 =	sadd.s32 $0x280, s0;
	[sflag:s24] =	ssyncadd.s32 $0xFFFFEC00  }
0x59: {  	[hbm4b:s8+s2] =	stream.linear.scatter [tilespmem:s13], [sflag:$0xC], $0x1400, $0x38;
	[tilespmem:$0x14800] =	vst v63  }
0x5a: {  	s9 =	sadd.s32 $0x280, s5  }
0x5b: {  	[hbm4b:s9+s2] =	stream.linear.scatter [tilespmem:s14], [sflag:$0x11], $0x1400, $0x38;
	[tilespmem:$0x14800] =	vst v63  }
0x5c: {  	_ =	swait.ge [sflag:s25], $0x1400  }
0x5d: {  	[sflag:s25] =	ssyncset.done $0x0  }
0x5e: {  	[sflag:s25] =	ssyncadd.s32 $0xFFFFEC00  }
0x5f: {  	_ =	swait.ge [sflag:s26], $0x1400  }
0x60: {  	[sflag:s26] =	ssyncset.done $0x0  }
0x61: {  	s6 =	sadd.s32 $0x500, s0;
	[sflag:s26] =	ssyncadd.s32 $0xFFFFEC00  }
0x62: {  	[hbm4b:s6+s2] =	stream.linear.scatter [tilespmem:s15], [sflag:$0xD], $0x1400, $0x38;
	[tilespmem:$0x14800] =	vst v63  }
0x63: {  	s7 =	sadd.s32 $0x500, s5  }
0x64: {  	[hbm4b:s7+s2] =	stream.linear.scatter [tilespmem:s16], [sflag:$0x12], $0x1400, $0x38;
	[tilespmem:$0x14800] =	vst v63  }
0x65: {  	_ =	swait.ge [sflag:s28], $0x1400  }
0x66: {  	[sflag:s28] =	ssyncset.done $0x0  }
0x67: {  	[sflag:s28] =	ssyncadd.s32 $0xFFFFEC00  }
0x68: {  	_ =	swait.ge [sflag:s29], $0x1400  }
0x69: {  	[sflag:s29] =	ssyncset.done $0x0  }
0x6a: {  	s8 =	sadd.s32 $0x780, s0;
	[sflag:s29] =	ssyncadd.s32 $0xFFFFEC00  }
0x6b: {  	[hbm4b:s8+s2] =	stream.linear.scatter [tilespmem:s17], [sflag:$0xE], $0x1400, $0x38;
	[tilespmem:$0x14800] =	vst v63  }
0x6c: {  	s9 =	sadd.s32 $0x780, s5  }
0x6d: {  	[hbm4b:s9+s2] =	stream.linear.scatter [tilespmem:s18], [sflag:$0x13], $0x1400, $0x38;
	[tilespmem:$0x14800] =	vst v63  }
0x6e: {  	_ =	swait.ge [sflag:s30], $0x1400  }
0x6f: {  	[sflag:s30] =	ssyncset.done $0x0  }
0x70: {  	[sflag:s30] =	ssyncadd.s32 $0xFFFFEC00  }
0x71: {  	_ =	swait.ge [sflag:s31], $0x1400  }
0x72: {  	p1 =	por $0x0, $0x0;
	[sflag:s31] =	ssyncset.done $0x0  }
0x73: {  	s3 =	simm.s32 $0x1900;
	s0 =	sadd.s32 $0xA00, s0;
	[sflag:s31] =	ssyncadd.s32 $0xFFFFEC00  }
0x74: {  	[hbm4b:s0+s2] =	stream.linear.scatter [tilespmem:s19], [sflag:$0xF], $0x1400, $0x38;
	[tilespmem:$0x14800] =	vst v63  }
0x75: {  	s5 =	sadd.s32 $0xA00, s5;
	s7 =	simm.s32 $0xC80;
	s0 =	simm.s32 $0x0  }
.LBB2_2:
0x76: {  	s8 =	simm.s32 @!p1 $0xB  }
0x77: {  	[hbm4b:s5+s2] =	stream.linear.scatter [tilespmem:s20], [sflag:$0x14], $0x1400, $0x38;
	[tilespmem:$0x14800] =	vst v63  }
0x78: {  	_ =	swait.ge @!p1 [sflag:s8], $0x1400  }
0x79: {  	[sflag:s8] =	ssyncset.done @!p1 $0x0  }
0x7a: {  	s5 =	simm.s32 @!p1 $0x10;
	[sflag:s8] =	ssyncadd.s32 @!p1 $0xFFFFEC00  }
0x7b: {  	_ =	swait.ge @!p1 [sflag:s5], $0x1400  }
0x7c: {  	s0 =	sadd.s32 $0xA00, s0;
	[sflag:s5] =	ssyncset.done @!p1 $0x0  }
0x7d: {  	[sflag:s5] =	ssyncadd.s32 @!p1 $0xFFFFEC00;
	s5 =	sshra.s32 s0, $0x2  }
0x7e: {  	[tilespmem:s11], [sflag:$0x1] =	stream.indirect.gather [hbm4b:s1+s10], $0x80, s5, s10, $0xb8;
	[tilespmem:$0x14800] =	vst v63  }
0x7f: {  	s6 =	simm.s32 @!p1 $0xC;
	s8 =	sadd.s32 $0x4000, s5  }
0x80: {  	[tilespmem:s12], [sflag:$0x6] =	stream.indirect.gather [hbm4b:s4+s10], $0x80, s8, s10, $0xb8;
	[tilespmem:$0x14800] =	vst v63  }
0x81: {  	_ =	swait.ge @!p1 [sflag:s6], $0x1400  }
0x82: {  	[sflag:s6] =	ssyncset.done @!p1 $0x0  }
0x83: {  	[sflag:s6] =	ssyncadd.s32 @!p1 $0xFFFFEC00;
	s6 =	simm.s32 @!p1 $0x11  }
0x84: {  	_ =	swait.ge @!p1 [sflag:s6], $0x1400  }
0x85: {  	[sflag:s6] =	ssyncset.done @!p1 $0x0  }
0x86: {  	s8 =	sadd.s32 $0x80, s5;
	[sflag:s6] =	ssyncadd.s32 @!p1 $0xFFFFEC00  }
0x87: {  	[tilespmem:s13], [sflag:$0x2] =	stream.indirect.gather [hbm4b:s1+s10], $0x80, s8, s10, $0xb8;
	[tilespmem:$0x14800] =	vst v63  }
0x88: {  	s6 =	sadd.s32 $0x4080, s5;
	s8 =	simm.s32 @!p1 $0xD  }
0x89: {  	[tilespmem:s14], [sflag:$0x7] =	stream.indirect.gather [hbm4b:s4+s10], $0x80, s6, s10, $0xb8;
	[tilespmem:$0x14800] =	vst v63  }
0x8a: {  	_ =	swait.ge @!p1 [sflag:s8], $0x1400  }
0x8b: {  	[sflag:s8] =	ssyncset.done @!p1 $0x0  }
0x8c: {  	s6 =	simm.s32 @!p1 $0x12;
	[sflag:s8] =	ssyncadd.s32 @!p1 $0xFFFFEC00  }
0x8d: {  	_ =	swait.ge @!p1 [sflag:s6], $0x1400  }
0x8e: {  	[sflag:s6] =	ssyncset.done @!p1 $0x0  }
0x8f: {  	s8 =	sadd.s32 $0x100, s5;
	[sflag:s6] =	ssyncadd.s32 @!p1 $0xFFFFEC00  }
0x90: {  	[tilespmem:s15], [sflag:$0x3] =	stream.indirect.gather [hbm4b:s1+s10], $0x80, s8, s10, $0xb8;
	[tilespmem:$0x14800] =	vst v63  }
0x91: {  	s6 =	sadd.s32 $0x4100, s5;
	s8 =	simm.s32 @!p1 $0xE  }
0x92: {  	[tilespmem:s16], [sflag:$0x8] =	stream.indirect.gather [hbm4b:s4+s10], $0x80, s6, s10, $0xb8;
	[tilespmem:$0x14800] =	vst v63  }
0x93: {  	_ =	swait.ge @!p1 [sflag:s8], $0x1400  }
0x94: {  	[sflag:s8] =	ssyncset.done @!p1 $0x0  }
0x95: {  	s6 =	simm.s32 @!p1 $0x13;
	[sflag:s8] =	ssyncadd.s32 @!p1 $0xFFFFEC00  }
0x96: {  	_ =	swait.ge @!p1 [sflag:s6], $0x1400  }
0x97: {  	[sflag:s6] =	ssyncset.done @!p1 $0x0  }
0x98: {  	s8 =	sadd.s32 $0x180, s5;
	[sflag:s6] =	ssyncadd.s32 @!p1 $0xFFFFEC00  }
0x99: {  	[tilespmem:s17], [sflag:$0x4] =	stream.indirect.gather [hbm4b:s1+s10], $0x80, s8, s10, $0xb8;
	[tilespmem:$0x14800] =	vst v63  }
0x9a: {  	s6 =	sadd.s32 $0x4180, s5;
	s8 =	simm.s32 @!p1 $0xF  }
0x9b: {  	[tilespmem:s18], [sflag:$0x9] =	stream.indirect.gather [hbm4b:s4+s10], $0x80, s6, s10, $0xb8;
	[tilespmem:$0x14800] =	vst v63  }
0x9c: {  	_ =	swait.ge @!p1 [sflag:s8], $0x1400  }
0x9d: {  	[sflag:s8] =	ssyncset.done @!p1 $0x0  }
0x9e: {  	s6 =	simm.s32 @!p1 $0x14;
	[sflag:s8] =	ssyncadd.s32 @!p1 $0xFFFFEC00  }
0x9f: {  	_ =	swait.ge @!p1 [sflag:s6], $0x1400  }
0xa0: {  	[sflag:s6] =	ssyncset.done @!p1 $0x0  }
0xa1: {  	s8 =	sadd.s32 $0x200, s5;
	[sflag:s6] =	ssyncadd.s32 @!p1 $0xFFFFEC00  }
0xa2: {  	[tilespmem:s19], [sflag:$0x5] =	stream.indirect.gather [hbm4b:s1+s10], $0x80, s8, s10, $0xb8;
	[tilespmem:$0x14800] =	vst v63  }
0xa3: {  	s5 =	sadd.s32 $0x4200, s5  }
0xa4: {  	[tilespmem:s20], [sflag:$0xA] =	stream.indirect.gather [hbm4b:s4+s10], $0x80, s5, s10, $0xb8;
	[tilespmem:$0x14800] =	vst v63  }
0xa5: {  	_ =	swait.ge [sflag:s21], $0x1400  }
0xa6: {  	[sflag:s21] =	ssyncset.done $0x0  }
0xa7: {  	[sflag:s21] =	ssyncadd.s32 $0xFFFFEC00  }
0xa8: {  	_ =	swait.ge [sflag:s22], $0x1400  }
0xa9: {  	s6 =	rddreg [dreg:$0x3];
	[sflag:s22] =	ssyncset.done $0x0  }
0xaa: {  	s8 =	rddreg [dreg:$0x4];
	[sflag:s22] =	ssyncadd.s32 $0xFFFFEC00;
	s5 =	sadd.s32 s7, s6  }
0xab: {  	[hbm4b:s5+s2] =	stream.linear.scatter [tilespmem:s11], [sflag:$0xB], $0x1400, $0x38;
	[tilespmem:$0x14800] =	vst v63  }
0xac: {  	s8 =	sadd.s32 s7, s8  }
0xad: {  	[hbm4b:s8+s2] =	stream.linear.scatter [tilespmem:s12], [sflag:$0x10], $0x1400, $0x38;
	[tilespmem:$0x14800] =	vst v63  }
0xae: {  	_ =	swait.ge [sflag:s23], $0x1400  }
0xaf: {  	[sflag:s23] =	ssyncset.done $0x0  }
0xb0: {  	[sflag:s23] =	ssyncadd.s32 $0xFFFFEC00  }
0xb1: {  	_ =	swait.ge [sflag:s24], $0x1400  }
0xb2: {  	s9 =	smov.u32 s3;
	[sflag:s24] =	ssyncset.done $0x0  }
0xb3: {  	s7 =	smov.u32 s9;
	s9 =	sadd.s32 $0x280, s5;
	[sflag:s24] =	ssyncadd.s32 $0xFFFFEC00  }
0xb4: {  	[hbm4b:s9+s2] =	stream.linear.scatter [tilespmem:s13], [sflag:$0xC], $0x1400, $0x38;
	[tilespmem:$0x14800] =	vst v63  }
0xb5: {  	s9 =	sadd.s32 $0x280, s8  }
0xb6: {  	[hbm4b:s9+s2] =	stream.linear.scatter [tilespmem:s14], [sflag:$0x11], $0x1400, $0x38;
	[tilespmem:$0x14800] =	vst v63  }
0xb7: {  	_ =	swait.ge [sflag:s25], $0x1400  }
0xb8: {  	[sflag:s25] =	ssyncset.done $0x0  }
0xb9: {  	[sflag:s25] =	ssyncadd.s32 $0xFFFFEC00  }
0xba: {  	_ =	swait.ge [sflag:s26], $0x1400  }
0xbb: {  	[sflag:s26] =	ssyncset.done $0x0  }
0xbc: {  	s9 =	sadd.s32 $0x500, s5;
	[sflag:s26] =	ssyncadd.s32 $0xFFFFEC00  }
0xbd: {  	[hbm4b:s9+s2] =	stream.linear.scatter [tilespmem:s15], [sflag:$0xD], $0x1400, $0x38;
	[tilespmem:$0x14800] =	vst v63  }
0xbe: {  	s9 =	sadd.s32 $0x500, s8  }
0xbf: {  	[hbm4b:s9+s2] =	stream.linear.scatter [tilespmem:s16], [sflag:$0x12], $0x1400, $0x38;
	[tilespmem:$0x14800] =	vst v63  }
0xc0: {  	_ =	swait.ge [sflag:s28], $0x1400  }
0xc1: {  	[sflag:s28] =	ssyncset.done $0x0  }
0xc2: {  	[sflag:s28] =	ssyncadd.s32 $0xFFFFEC00  }
0xc3: {  	_ =	swait.ge [sflag:s29], $0x1400  }
0xc4: {  	[sflag:s29] =	ssyncset.done $0x0  }
0xc5: {  	s9 =	sadd.s32 $0x780, s5;
	[sflag:s29] =	ssyncadd.s32 $0xFFFFEC00  }
0xc6: {  	[hbm4b:s9+s2] =	stream.linear.scatter [tilespmem:s17], [sflag:$0xE], $0x1400, $0x38;
	[tilespmem:$0x14800] =	vst v63  }
0xc7: {  	s9 =	sadd.s32 $0x780, s8  }
0xc8: {  	[hbm4b:s9+s2] =	stream.linear.scatter [tilespmem:s18], [sflag:$0x13], $0x1400, $0x38;
	[tilespmem:$0x14800] =	vst v63  }
0xc9: {  	s3 =	sadd.s32 $0xC80, s3;
	_ =	swait.ge [sflag:s30], $0x1400  }
0xca: {  	p0 =	sne.s32 s3, $0x13880;
	[sflag:s30] =	ssyncset.done $0x0  }
.Ltmp0:
0xcb: {  	[sflag:s30] =	ssyncadd.s32 $0xFFFFEC00;
	(pc) =	sbr.rel @p0 .LBB2_2-.Ltmp0, $4  }
0xcc: {  	_ =	swait.ge [sflag:s31], $0x1400  }
0xcd: {  	p1 =	seq.s32 s7, $0x0;
	[sflag:s31] =	ssyncset.done $0x0  }
0xce: {  	s9 =	sadd.s32 $0xA00, s5;
	s5 =	sadd.s32 $0xA00, s8;
	[sflag:s31] =	ssyncadd.s32 $0xFFFFEC00  }
0xcf: {  	[hbm4b:s9+s2] =	stream.linear.scatter [tilespmem:s19], [sflag:$0xF], $0x1400, $0x38;
	[tilespmem:$0x14800] =	vst v63  }
0xd0: {  	[hbm4b:s5+s2] =	stream.linear.scatter [tilespmem:s20], [sflag:$0x14], $0x1400, $0x38;
	[tilespmem:$0x14800] =	vst v63  }
0xd1: {  	s3 =	simm.s32 @!p1 $0xB  }
0xd2: {  	_ =	swait.ge @!p1 [sflag:s3], $0x1400  }
0xd3: {  	[sflag:s3] =	ssyncset.done @!p1 $0x0  }
0xd4: {  	[sflag:s3] =	ssyncadd.s32 @!p1 $0xFFFFEC00;
	s3 =	simm.s32 @!p1 $0x10  }
0xd5: {  	_ =	swait.ge @!p1 [sflag:s3], $0x1400  }
0xd6: {  	s0 =	sadd.s32 $0xA00, s0;
	[sflag:s3] =	ssyncset.done @!p1 $0x0  }
0xd7: {  	s0 =	sshra.s32 s0, $0x2;
	[sflag:s3] =	ssyncadd.s32 @!p1 $0xFFFFEC00  }
0xd8: {  	[tilespmem:s11], [sflag:$0x1] =	stream.indirect.gather [hbm4b:s1+s10], $0x80, s0, s10, $0xb8;
	[tilespmem:$0x14800] =	vst v63  }
0xd9: {  	s5 =	sadd.s32 $0x4000, s0;
	s3 =	simm.s32 @!p1 $0xC  }
0xda: {  	[tilespmem:s12], [sflag:$0x6] =	stream.indirect.gather [hbm4b:s4+s10], $0x80, s5, s10, $0xb8;
	[tilespmem:$0x14800] =	vst v63  }
0xdb: {  	_ =	swait.ge @!p1 [sflag:s3], $0x1400  }
0xdc: {  	[sflag:s3] =	ssyncset.done @!p1 $0x0  }
0xdd: {  	[sflag:s3] =	ssyncadd.s32 @!p1 $0xFFFFEC00;
	s3 =	simm.s32 @!p1 $0x11  }
0xde: {  	_ =	swait.ge @!p1 [sflag:s3], $0x1400  }
0xdf: {  	[sflag:s3] =	ssyncset.done @!p1 $0x0  }
0xe0: {  	s6 =	sadd.s32 $0x80, s0;
	[sflag:s3] =	ssyncadd.s32 @!p1 $0xFFFFEC00  }
0xe1: {  	[tilespmem:s13], [sflag:$0x2] =	stream.indirect.gather [hbm4b:s1+s10], $0x80, s6, s10, $0xb8;
	[tilespmem:$0x14800] =	vst v63  }
0xe2: {  	s8 =	sadd.s32 $0x4080, s0;
	s3 =	simm.s32 @!p1 $0xD  }
0xe3: {  	[tilespmem:s14], [sflag:$0x7] =	stream.indirect.gather [hbm4b:s4+s10], $0x80, s8, s10, $0xb8;
	[tilespmem:$0x14800] =	vst v63  }
0xe4: {  	_ =	swait.ge @!p1 [sflag:s3], $0x1400  }
0xe5: {  	[sflag:s3] =	ssyncset.done @!p1 $0x0  }
0xe6: {  	[sflag:s3] =	ssyncadd.s32 @!p1 $0xFFFFEC00;
	s3 =	simm.s32 @!p1 $0x12  }
0xe7: {  	_ =	swait.ge @!p1 [sflag:s3], $0x1400  }
0xe8: {  	[sflag:s3] =	ssyncset.done @!p1 $0x0  }
0xe9: {  	s9 =	sadd.s32 $0x100, s0;
	[sflag:s3] =	ssyncadd.s32 @!p1 $0xFFFFEC00  }
0xea: {  	[tilespmem:s15], [sflag:$0x3] =	stream.indirect.gather [hbm4b:s1+s10], $0x80, s9, s10, $0xb8;
	[tilespmem:$0x14800] =	vst v63  }
0xeb: {  	s5 =	sadd.s32 $0x4100, s0;
	s3 =	simm.s32 @!p1 $0xE  }
0xec: {  	[tilespmem:s16], [sflag:$0x8] =	stream.indirect.gather [hbm4b:s4+s10], $0x80, s5, s10, $0xb8;
	[tilespmem:$0x14800] =	vst v63  }
0xed: {  	_ =	swait.ge @!p1 [sflag:s3], $0x1400  }
0xee: {  	[sflag:s3] =	ssyncset.done @!p1 $0x0  }
0xef: {  	[sflag:s3] =	ssyncadd.s32 @!p1 $0xFFFFEC00;
	s3 =	simm.s32 @!p1 $0x13  }
0xf0: {  	_ =	swait.ge @!p1 [sflag:s3], $0x1400  }
0xf1: {  	[sflag:s3] =	ssyncset.done @!p1 $0x0  }
0xf2: {  	s6 =	sadd.s32 $0x180, s0;
	[sflag:s3] =	ssyncadd.s32 @!p1 $0xFFFFEC00  }
0xf3: {  	[tilespmem:s17], [sflag:$0x4] =	stream.indirect.gather [hbm4b:s1+s10], $0x80, s6, s10, $0xb8;
	[tilespmem:$0x14800] =	vst v63  }
0xf4: {  	s8 =	sadd.s32 $0x4180, s0;
	s3 =	simm.s32 @!p1 $0xF  }
0xf5: {  	[tilespmem:s18], [sflag:$0x9] =	stream.indirect.gather [hbm4b:s4+s10], $0x80, s8, s10, $0xb8;
	[tilespmem:$0x14800] =	vst v63  }
0xf6: {  	_ =	swait.ge @!p1 [sflag:s3], $0x1400  }
0xf7: {  	[sflag:s3] =	ssyncset.done @!p1 $0x0  }
0xf8: {  	[sflag:s3] =	ssyncadd.s32 @!p1 $0xFFFFEC00;
	s3 =	simm.s32 @!p1 $0x14  }
0xf9: {  	_ =	swait.ge @!p1 [sflag:s3], $0x1400  }
0xfa: {  	[sflag:s3] =	ssyncset.done @!p1 $0x0  }
0xfb: {  	s9 =	sadd.s32 $0x200, s0;
	[sflag:s3] =	ssyncadd.s32 @!p1 $0xFFFFEC00  }
0xfc: {  	[tilespmem:s19], [sflag:$0x5] =	stream.indirect.gather [hbm4b:s1+s10], $0x80, s9, s10, $0xb8;
	[tilespmem:$0x14800] =	vst v63  }
0xfd: {  	s0 =	sadd.s32 $0x4200, s0  }
0xfe: {  	[tilespmem:s20], [sflag:$0xA] =	stream.indirect.gather [hbm4b:s4+s10], $0x80, s0, s10, $0xb8;
	[tilespmem:$0x14800] =	vst v63  }
0xff: {  	_ =	swait.ge [sflag:s21], $0x1400  }
0x100: {  	[sflag:s21] =	ssyncset.done $0x0  }
0x101: {  	[sflag:s21] =	ssyncadd.s32 $0xFFFFEC00  }
0x102: {  	_ =	swait.ge [sflag:s22], $0x1400  }
0x103: {  	s5 =	rddreg [dreg:$0x3];
	[sflag:s22] =	ssyncset.done $0x0  }
0x104: {  	s6 =	rddreg [dreg:$0x4];
	[sflag:s22] =	ssyncadd.s32 $0xFFFFEC00;
	s0 =	sadd.s32 s7, s5  }
0x105: {  	[hbm4b:s0+s2] =	stream.linear.scatter [tilespmem:s11], [sflag:$0xB], $0x1400, $0x38;
	[tilespmem:$0x14800] =	vst v63  }
0x106: {  	s3 =	sadd.s32 s7, s6  }
0x107: {  	[hbm4b:s3+s2] =	stream.linear.scatter [tilespmem:s12], [sflag:$0x10], $0x1400, $0x38;
	[tilespmem:$0x14800] =	vst v63  }
0x108: {  	_ =	swait.ge [sflag:s23], $0x1400  }
0x109: {  	[sflag:s23] =	ssyncset.done $0x0  }
0x10a: {  	[sflag:s23] =	ssyncadd.s32 $0xFFFFEC00  }
0x10b: {  	_ =	swait.ge [sflag:s24], $0x1400  }
0x10c: {  	[sflag:s24] =	ssyncset.done $0x0  }
0x10d: {  	s7 =	sadd.s32 $0x280, s0;
	[sflag:s24] =	ssyncadd.s32 $0xFFFFEC00  }
0x10e: {  	[hbm4b:s7+s2] =	stream.linear.scatter [tilespmem:s13], [sflag:$0xC], $0x1400, $0x38;
	[tilespmem:$0x14800] =	vst v63  }
0x10f: {  	s8 =	sadd.s32 $0x280, s3  }
0x110: {  	[hbm4b:s8+s2] =	stream.linear.scatter [tilespmem:s14], [sflag:$0x11], $0x1400, $0x38;
	[tilespmem:$0x14800] =	vst v63  }
0x111: {  	_ =	swait.ge [sflag:s25], $0x1400  }
0x112: {  	[sflag:s25] =	ssyncset.done $0x0  }
0x113: {  	[sflag:s25] =	ssyncadd.s32 $0xFFFFEC00  }
0x114: {  	_ =	swait.ge [sflag:s26], $0x1400  }
0x115: {  	[sflag:s26] =	ssyncset.done $0x0  }
0x116: {  	s9 =	sadd.s32 $0x500, s0;
	[sflag:s26] =	ssyncadd.s32 $0xFFFFEC00  }
0x117: {  	[hbm4b:s9+s2] =	stream.linear.scatter [tilespmem:s15], [sflag:$0xD], $0x1400, $0x38;
	[tilespmem:$0x14800] =	vst v63  }
0x118: {  	s6 =	sadd.s32 $0x500, s3  }
0x119: {  	[hbm4b:s6+s2] =	stream.linear.scatter [tilespmem:s16], [sflag:$0x12], $0x1400, $0x38;
	[tilespmem:$0x14800] =	vst v63  }
0x11a: {  	_ =	swait.ge [sflag:s28], $0x1400  }
0x11b: {  	[sflag:s28] =	ssyncset.done $0x0  }
0x11c: {  	[sflag:s28] =	ssyncadd.s32 $0xFFFFEC00  }
0x11d: {  	_ =	swait.ge [sflag:s29], $0x1400  }
0x11e: {  	[sflag:s29] =	ssyncset.done $0x0  }
0x11f: {  	s7 =	sadd.s32 $0x780, s0;
	[sflag:s29] =	ssyncadd.s32 $0xFFFFEC00  }
0x120: {  	[hbm4b:s7+s2] =	stream.linear.scatter [tilespmem:s17], [sflag:$0xE], $0x1400, $0x38;
	[tilespmem:$0x14800] =	vst v63  }
0x121: {  	s8 =	sadd.s32 $0x780, s3  }
0x122: {  	[hbm4b:s8+s2] =	stream.linear.scatter [tilespmem:s18], [sflag:$0x13], $0x1400, $0x38;
	[tilespmem:$0x14800] =	vst v63  }
0x123: {  	_ =	swait.ge [sflag:s30], $0x1400  }
0x124: {  	[sflag:s30] =	ssyncset.done $0x0  }
0x125: {  	[sflag:s30] =	ssyncadd.s32 $0xFFFFEC00  }
0x126: {  	_ =	swait.ge [sflag:s31], $0x1400  }
0x127: {  	[sflag:s31] =	ssyncset.done $0x0  }
0x128: {  	s0 =	sadd.s32 $0xA00, s0;
	[sflag:s31] =	ssyncadd.s32 $0xFFFFEC00  }
0x129: {  	[hbm4b:s0+s2] =	stream.linear.scatter [tilespmem:s19], [sflag:$0xF], $0x1400, $0x38;
	[tilespmem:$0x14800] =	vst v63  }
0x12a: {  	s9 =	sadd.s32 $0xA00, s3;
	s3 =	simm.s32 $0xB  }
0x12b: {  	[hbm4b:s9+s2] =	stream.linear.scatter [tilespmem:s20], [sflag:$0x14], $0x1400, $0x38;
	[tilespmem:$0x14800] =	vst v63  }
0x12c: {  	_ =	swait.ge [sflag:s3], $0x1400  }
0x12d: {  	[sflag:s3] =	ssyncset.done $0x0  }
0x12e: {  	s5 =	simm.s32 $0x10;
	[sflag:s3] =	ssyncadd.s32 $0xFFFFEC00  }
0x12f: {  	_ =	swait.ge [sflag:s5], $0x1400  }
0x130: {  	[sflag:s5] =	ssyncset.done $0x0  }
0x131: {  	s6 =	simm.s32 $0xC;
	[sflag:s5] =	ssyncadd.s32 $0xFFFFEC00  }
0x132: {  	_ =	swait.ge [sflag:s6], $0x1400  }
0x133: {  	[sflag:s6] =	ssyncset.done $0x0  }
0x134: {  	s7 =	simm.s32 $0x11;
	[sflag:s6] =	ssyncadd.s32 $0xFFFFEC00  }
0x135: {  	_ =	swait.ge [sflag:s7], $0x1400  }
0x136: {  	[sflag:s7] =	ssyncset.done $0x0  }
0x137: {  	s8 =	simm.s32 $0xD;
	[sflag:s7] =	ssyncadd.s32 $0xFFFFEC00  }
0x138: {  	_ =	swait.ge [sflag:s8], $0x1400  }
0x139: {  	[sflag:s8] =	ssyncset.done $0x0  }
0x13a: {  	s9 =	simm.s32 $0x12;
	[sflag:s8] =	ssyncadd.s32 $0xFFFFEC00  }
0x13b: {  	_ =	swait.ge [sflag:s9], $0x1400  }
0x13c: {  	[sflag:s9] =	ssyncset.done $0x0  }
0x13d: {  	s3 =	simm.s32 $0xE;
	[sflag:s9] =	ssyncadd.s32 $0xFFFFEC00  }
0x13e: {  	_ =	swait.ge [sflag:s3], $0x1400  }
0x13f: {  	[sflag:s3] =	ssyncset.done $0x0  }
0x140: {  	s5 =	simm.s32 $0x13;
	[sflag:s3] =	ssyncadd.s32 $0xFFFFEC00  }
0x141: {  	_ =	swait.ge [sflag:s5], $0x1400  }
0x142: {  	[sflag:s5] =	ssyncset.done $0x0  }
0x143: {  	s6 =	simm.s32 $0xF;
	[sflag:s5] =	ssyncadd.s32 $0xFFFFEC00  }
0x144: {  	_ =	swait.ge [sflag:s6], $0x1400  }
0x145: {  	[sflag:s6] =	ssyncset.done $0x0  }
0x146: {  	s7 =	simm.s32 $0x14;
	[sflag:s6] =	ssyncadd.s32 $0xFFFFEC00  }
0x147: {  	_ =	swait.ge [sflag:s7], $0x1400  }
0x148: {  	s8 =	rddreg [dreg:$0x8]  }
0x149: {  	s9 =	rddreg [dreg:$0x7];
	s5 =	sadd.s32 $0x1, s8  }
0x14a: {  	p0 =	sne.s32 s5, s9  }
.Ltmp1:
0x14b: {  	_ = 	snop;
	(pc) =	sbr.rel @p0 .LBB2_1-.Ltmp1, $3  }
0x14c: {  	_ =	sdelay $0x1  }
0x14d: {  	[sflag:s7] =	ssyncset.done $0x0  }
0x14e: {  	[sflag:s7] =	ssyncadd.s32 $0xFFFFEC00  }
0x14f: {  	_ =	sfence.sel $0x180000  }
0x150: {  	[bflag:$0x0] =	sbarrier.arrive $0xFFFF  }
0x151: {  	_ =	strace $0x90000047  }
0x152: {  	s0 =	stileid.u32;
	[bflag:$0x2] =	sbarrier.arrive $0xFFFF  }
0x153: {  	p0 =	sne.s32 s0, $0x0;
	s0 =	rddreg [dreg:$0x2]  }
0x154: {  	s0 =	sadd.s32 @!p0 $0x100000, s0  }
0x155: {  	[sflag:s0] =	ssyncadd.tile.s32 @!p0 $0x1;
	_ =	shalt  }
.Lfunc_end2:
_tile_overlayer_lowered:
.L_overlay_start_2:
0x156: {  	(tag) =	ssettag $0x2  }
0x157: {  	s0 =	rddreg [dreg:$0x0];
	s2 =	stileid.u32  }
0x158: {  	s1 =	rddreg [dreg:$0x1];
	p0 =	sne.s32 s2, $0x0  }
0x159: {  	s3 =	rddreg [dreg:$0x2];
	[bflag:$0x3] =	sbarrier.arrive $0xFFFF;
	s2 =	simm.s32 @!p0 $0x1C15  }
0x15a: {  	[timem:s3], [sflag:s2] =	dma.local @!p0 [hbm:s0], s1  }
0x15b: {  	s0 =	simm.s32 @!p0 $0x15  }
0x15c: {  	_ =	swait.ge @!p0 [sflag:s0], s1  }
0x15d: {  	s1 =	ssub.s32 @!p0 $0x0, s1;
	[sflag:s0] =	ssyncset.done @!p0 $0x0  }
0x15e: {  	[sflag:s0] =	ssyncadd.s32 @!p0 s1  }
0x15f: {  	[bflag:$0x3] =	sbarrier.arrive $0xFFFF  }
0x160: {  	_ =	shalt  }

// kernel: kernel.13.cloned.1.call-start
scs
__scs_entry_jumppad:
0x0: {  	(pc) =	sbr.rel $0x88, $3  }
0x1: {  	(tag) =	ssettag $0x0;
	lr =	simm.s32 $0x1  }
0x2: {  	[smem:$0x3F90] =	sst lr;
	_ =	strace $0xD0000000  }
0x3: {  	_ = 	snop  }
0x4: {  	_ = 	snop  }
0x5: {  	_ = 	snop  }
0x6: {  	_ = 	snop  }
0x7: {  	_ = 	snop  }
__scs_overlays_trampoline_lowered:
0x8: {  	[smem:$0x3F9F] =	sst s0  }
0x9: {  	[smem:$0x3FA0] =	sst s1  }
0xa: {  	[smem:$0x3FA1] =	sst s2  }
0xb: {  	[smem:$0x3FA2] =	sst s3  }
0xc: {  	[smem:$0x3FA3] =	sst s4  }
0xd: {  	[smem:$0x3FA4] =	sst s5  }
0xe: {  	[smem:$0x3FA5] =	sst s6  }
0xf: {  	[smem:$0x3FA6] =	sst s7  }
0x10: {  	[smem:$0x3FA7] =	sst s8  }
0x11: {  	[smem:$0x3FA8] =	sst s9;
	s0 =	simm.s32 @!p0 $0x0  }
0x12: {  	s1 =	sld [smem:$0x3F8E];
	s0 =	simm.s32 @p0 $0x1  }
0x13: {  	[smem:$0x3FA9] =	sst s0;
	s0 =	simm.s32 @!p1 $0x0  }
0x14: {  	s2 =	sld [smem:$0x3F8D];
	s0 =	simm.s32 @p1 $0x1  }
0x15: {  	[smem:$0x3FAA] =	sst s0;
	s0 =	simm.s32 @!p2 $0x0  }
0x16: {  	s3 =	sld [smem:$0x3FDB];
	s0 =	simm.s32 @p2 $0x1  }
0x17: {  	s4 =	simm.s32 $0x1BF5;
	[smem:$0x3FAC] =	sst s0  }
0x18: {  	s0 =	sld [smem:$0x3F8F];
	_ =	swait.ge [sflag:s4], $0x0  }
0x19: {  	s7 =	sld [smem:$0x3F90]  }
0x1a: {  	s8 =	sadd.s32 $0xFFFFE003, lr  }
0x1b: {  	s9 =	sadd.s32 $0xFFFFFEF7, lr;
	s5 =	simm.s32 $0xFFFFFFFF;
	p2 =	slt.u32 s8, $0xFFFFF086  }
0x1c: {  	p1 =	slt.u32 s9, $0xF7A;
	s5 =	simm.s32 @!p2 $0x0  }
0x1d: {  	s5 =	simm.s32 @p1 $0x1;
	p0 =	seq.s32 s7, s2  }
0x1e: {  	s7 =	smul.u32 @!p0 $0xF7A, s2;
	p2 =	seq.s32 @!p0 s5, $0x0  }
0x1f: {  	s9 =	smul.u32 $0xF7A, s1;
	s8 =	simm.s32 @!p0 $0x1BF5;
	p2 =	por !p2, p0  }
0x20: {  	[sflag:s8] =	ssyncset.s32 @!p0 $0xFFFFF086;
	s6 =	sadd.s32 @!p0 s3, s7;
	s7 =	simm.s32 @!p0 $0x108  }
0x21: {  	s3 =	sadd.s32 s3, s9;
	s6 =	sadd.s32 @!p0 $0x88, s6;
	s7 =	simm.s32 @p2 $0x1082  }
0x22: {  	[simem:s7], [sflag:s8] =	dma.local @!p0 [hbm:s6], $0xF7A  }
0x23: {  	s9 =	sor.u32 $0xD0000000, s2;
	s6 =	simm.s32 $0x108;
	_ =	swait.ge @!p0 [sflag:s8], $0x0  }
0x24: {  	s3 =	sadd.s32 $0x88, s3;
	s6 =	simm.s32 @!p1 $0x1082;
	[sflag:s4] =	ssyncset.s32 $0xFFFFF086  }
0x25: {  	[simem:s6], [sflag:s4] =	dma.local [hbm:s3], $0xF7A  }
0x26: {  	[smem:$0x3F90] =	sst s1;
	(tag) =	ssettag s2;
	_ =	strace s9  }
0x27: {  	s1 =	sld [smem:$0x3FA0]  }
0x28: {  	s2 =	sld [smem:$0x3FA1]  }
0x29: {  	s4 =	sld [smem:$0x3FA3]  }
0x2a: {  	p0 =	seq.s32 s5, $0x0;
	s5 =	sld [smem:$0x3FA4]  }
0x2b: {  	s6 =	sld [smem:$0x3FA5]  }
0x2c: {  	s7 =	sld [smem:$0x3FA6]  }
0x2d: {  	s3 =	simm.s32 $0x108;
	s8 =	sld [smem:$0x3FA7]  }
0x2e: {  	s3 =	simm.s32 @!p0 $0x1082;
	s9 =	sld [smem:$0x3FA8]  }
0x2f: {  	lr =	sadd.s32 s0, s3;
	s0 =	sld [smem:$0x3F9F]  }
0x30: {  	s3 =	sld [smem:$0x3FA2]  }
0x31: {  	[smem:$0x3FAB] =	sst s10  }
0x32: {  	s10 =	sld [smem:$0x3FA9];
	_ =	sdelay $0x3  }
0x33: {  	p0 =	seq.s32 s10, $0x1;
	s10 =	sld [smem:$0x3FAB];
	_ =	sdelay $0x3  }
0x34: {  	[smem:$0x3FAB] =	sst s10  }
0x35: {  	s10 =	sld [smem:$0x3FAA];
	_ =	sdelay $0x3  }
0x36: {  	p1 =	seq.s32 s10, $0x1;
	s10 =	sld [smem:$0x3FAB];
	_ =	sdelay $0x3  }
0x37: {  	[smem:$0x3FAB] =	sst s10  }
0x38: {  	s10 =	sld [smem:$0x3FAC]  }
0x39: {  	_ = 	snop;
	(pc) =	sbr.ind lr, $3  }
0x3a: {  	_ = 	snop  }
0x3b: {  	_ = 	snop  }
0x3c: {  	p2 =	seq.s32 s10, $0x1;
	s10 =	sld [smem:$0x3FAB]  }
0x3d: {  	_ =	shalt  }
0x3e: {  	_ =	shalt  }
0x3f: {  	_ =	shalt  }
0x40: {  	_ =	shalt  }
0x41: {  	_ =	shalt  }
0x42: {  	_ =	shalt  }
0x43: {  	_ =	shalt  }
0x44: {  	_ =	shalt  }
0x45: {  	_ =	shalt  }
0x46: {  	_ =	shalt  }
0x47: {  	_ =	shalt  }
0x48: {  	_ =	shalt  }
0x49: {  	_ =	shalt  }
0x4a: {  	_ =	shalt  }
0x4b: {  	_ =	shalt  }
0x4c: {  	_ =	shalt  }
0x4d: {  	_ =	shalt  }
0x4e: {  	_ =	shalt  }
0x4f: {  	_ =	shalt  }
0x50: {  	_ =	shalt  }
0x51: {  	_ =	shalt  }
0x52: {  	_ =	shalt  }
0x53: {  	_ =	shalt  }
0x54: {  	_ =	shalt  }
0x55: {  	_ =	shalt  }
0x56: {  	_ =	shalt  }
0x57: {  	_ =	shalt  }
0x58: {  	_ =	shalt  }
0x59: {  	_ =	shalt  }
0x5a: {  	_ =	shalt  }
0x5b: {  	_ =	shalt  }
0x5c: {  	_ =	shalt  }
0x5d: {  	_ =	shalt  }
0x5e: {  	_ =	shalt  }
0x5f: {  	_ =	shalt  }
0x60: {  	_ =	shalt  }
0x61: {  	_ =	shalt  }
0x62: {  	_ =	shalt  }
0x63: {  	_ =	shalt  }
0x64: {  	_ =	shalt  }
0x65: {  	_ =	shalt  }
0x66: {  	_ =	shalt  }
0x67: {  	_ =	shalt  }
0x68: {  	_ =	shalt  }
0x69: {  	_ =	shalt  }
0x6a: {  	_ =	shalt  }
0x6b: {  	_ =	shalt  }
0x6c: {  	_ =	shalt  }
0x6d: {  	_ =	shalt  }
0x6e: {  	_ =	shalt  }
0x6f: {  	_ =	shalt  }
0x70: {  	_ =	shalt  }
0x71: {  	_ =	shalt  }
0x72: {  	_ =	shalt  }
0x73: {  	_ =	shalt  }
0x74: {  	_ =	shalt  }
0x75: {  	_ =	shalt  }
0x76: {  	_ =	shalt  }
0x77: {  	_ =	shalt  }
0x78: {  	_ =	shalt  }
0x79: {  	_ =	shalt  }
0x7a: {  	_ =	shalt  }
0x7b: {  	_ =	shalt  }
0x7c: {  	_ =	shalt  }
0x7d: {  	_ =	shalt  }
0x7e: {  	_ =	shalt  }
0x7f: {  	_ =	shalt  }
0x80: {  	_ =	shalt  }
0x81: {  	_ =	shalt  }
0x82: {  	_ =	shalt  }
0x83: {  	_ =	shalt  }
0x84: {  	_ =	shalt  }
0x85: {  	_ =	shalt  }
0x86: {  	_ =	shalt  }
0x87: {  	_ =	shalt  }
.Lfunc_end0:
.L_simem_size_0:
called_computation.1_lowered:
.L_overlay_start_0:
0x88: {  	s2 =	sld [smem:$0x3FD9]  }
0x89: {  	s3 =	sld [smem:$0x3FFE];
	_ =	sdelay $0x1  }
0x8a: {  	s1 =	srdreg.scid  }
0x8b: {  	s0 =	sand.u32 $0x1, s1  }
0x8c: {  	s17 =	sshll.u32 s0, $0xA;
	s2 =	sadd.s32 s3, s2  }
0x8d: {  	s2 =	sadd.s32 s2, s17  }
0x8e: {  	[smem:$0x3FB7] =	sst s2  }
0x8f: {  	_ = 	snop  }
0x90: {  	(tm) =	ssettm $0x1  }
0x91: {  	s18 =	sld [smem:$0x3FFB];
	_ =	sdelay $0x3  }
0x92: {  	_ =	strace s18  }
0x93: {  	s2 =	sld [smem:$0x3FFC];
	_ =	sdelay $0x3  }
0x94: {  	_ =	strace s2  }
0x95: {  	s2 =	sld [smem:$0x3FFD];
	_ =	sdelay $0x3  }
0x96: {  	_ =	strace s2  }
0x97: {  	_ =	strace $0x8FFFFFFF  }
0x98: {  	s19 =	sld [smem:$0x3FDB];
	_ =	sdelay $0x1  }
0x99: {  	s20 =	simm.s32 $_scs_section_size  }
0x9a: {  	s4 =	simm.s32 $_size__tile_overlayer_lowered;
	s5 =	simm.s32 $_tile_overlayer_lowered  }
0x9b: {  	s6 =	simm.s32 $0x1BFF;
	s21 =	sshll.u32 s5, $0x1;
	s3 =	sadd.s32 s20, s19  }
0x9c: {  	s22 =	simm.s32 $0x0;
	s4 =	sshll.u32 s4, $0x1;
	s5 =	sadd.s32 s21, s3  }
0x9d: {  	[timem:s22], [sflag:s6] =	dma.local [hbm:s5], s4  }
0x9e: {  	_ =	swait.ge [sflag:s6], s4  }
0x9f: {  	s4 =	ssub.s32 $0x0, s4;
	[sflag:s6] =	ssyncset.done $0x0  }
0xa0: {  	[sflag:s6] =	ssyncadd.s32 s4;
	_ =	sdelay $0x1  }
0xa1: {  	s23 =	simm.s32 $0x1B8B  }
0xa2: {  	_ =	swait.ge [sflag:s23], $0x1  }
0xa3: {  	[sflag:s23] =	ssyncset.done $0x0  }
0xa4: {  	[sflag:s23] =	ssyncadd.s32 $0xFFFFFFFF  }
0xa5: {  	s4 =	sld [smem:$0x0]  }
0xa6: {  	s5 =	sand.u32 $0xFFFFFFFE, s1  }
0xa7: {  	p0 =	sne.s32 s1, s5  }
0xa8: {  	s5 =	sshll.u32 @p0 s5, $0xE  }
0xa9: {  	s5 =	sadd.s32 @p0 $0x11B8D, s5;
	s6 =	sshll.u32 @p0 s4, $0x11  }
0xaa: {  	s5 =	sor.u32 @p0 s6, s5  }
0xab: {  	[sflag:s5] =	ssyncadd.remote.s32 @p0 $0x1;
	_ =	sdelay $0x1  }
0xac: {  	s5 =	simm.s32 @p0 $0x1B8D  }
0xad: {  	_ =	swait.eq @p0 [sflag:s5], $0x1  }
0xae: {  	[sflag:s5] =	ssyncadd.s32 @p0 $0xFFFFFFFF  }
0xaf: {  	s6 =	sshll.u32 @!p0 s1, $0xE  }
0xb0: {  	s6 =	sor.u32 @!p0 $0x4000, s6;
	s5 =	simm.s32 @!p0 $0x1B8D  }
0xb1: {  	s4 =	sshll.u32 @!p0 s4, $0x11;
	s6 =	sadd.s32 @!p0 $0x11B8D, s6;
	_ =	swait.eq @!p0 [sflag:s5], $0x1  }
0xb2: {  	s4 =	sor.u32 @!p0 s4, s6;
	[sflag:s5] =	ssyncadd.s32 @!p0 $0xFFFFFFFF  }
0xb3: {  	s25 =	simm.s32 $0x1B8E;
	s24 =	sld [smem:$0x3FFE];
	[sflag:s4] =	ssyncadd.remote.s32 @!p0 $0x1  }
0xb4: {  	s26 =	simm.s32 $execute0_lowered;
	[smem:$0x3FD2] =	sst s25  }
0xb5: {  	s5 =	sshll.u32 s26, $0x1;
	_ =	strace $0x8000004C;
	[dreg:$0x1] =	wrdreg $0xFFFFFFFF  }
0xb6: {  	s28 =	simm.s32 $_size_execute0_lowered;
	s3 =	sadd.s32 s3, s5;
	[dreg:$0x0] =	wrdreg $0x0  }
0xb7: {  	s5 =	sshll.u32 s28, $0x1;
	[dreg:$0x2] =	wrdreg s3  }
0xb8: {  	[dreg:$0x3] =	wrdreg s5  }
0xb9: {  	[dreg:$0x4] =	wrdreg $0xC0  }
0xba: {  	_ =	task [dreg:s22], $0x5FFFF  }
0xbb: {  	[dreg:$0x1] =	wrdreg $0xFFFFFFFF  }
0xbc: {  	[dreg:$0x0] =	wrdreg $0x60  }
0xbd: {  	[dreg:$0x2] =	wrdreg s24  }
0xbe: {  	[dreg:$0x3] =	wrdreg $0xA4000  }
0xbf: {  	[dreg:$0x4] =	wrdreg $0x9  }
0xc0: {  	_ =	task.clear_ibuf [dreg:s22], $0x5FFFF;
	_ =	strace $0x9000004C  }
0xc1: {  	s29 =	simm.s32 $0x9;
	_ =	strace $0x8000004E  }
0xc2: {  	_ =	swait.ge [sflag:s29], $0x1  }
0xc3: {  	[sflag:s29] =	ssyncadd.s32 $0xFFFFFFFF  }
0xc4: {  	_ =	strace $0x9000004E  }
0xc5: {  	_ =	sfence  }
0xc6: {  	s30 =	sld [smem:$0x0];
	_ =	sdelay $0x2  }
0xc7: {  	s31 =	sshll.u32 s1, $0xD;
	s1 =	sshrl.u32 s1, $0x2  }
0xc8: {  	s4 =	sand.u32 $0x4000, s31;
	s1 =	sadd.s32 s1, s30  }
0xc9: {  	s0 =	sor.u32 s4, s0;
	s1 =	sshll.u32 s1, $0x11  }
0xca: {  	s0 =	sor.u32 s1, s0  }
0xcb: {  	s0 =	sadd.s32 $0x8F2B, s0  }
0xcc: {  	[sflag:s0] =	ssyncadd.remote.s32 $0x1  }
0xcd: {  	_ =	sfence.sel $0xFFFF  }
0xce: {  	[dreg:$0x0] =	wrdreg $0xFFFFFFFF;
	(pc) =	sbr.abs _section_cstart, $3  }
0xcf: {  	[dreg:$0x1] =	wrdreg $0xFFFFFFFF  }
0xd0: {  	_ =	task.clear_ibuf [dreg:s22], $0x2FFFF;
	_ =	strace $0x9FFFFFFF  }
0xd1: {  	(tm) =	ssettm $0x7FFFFFFF  }
tec
execute0_lowered:
.L_overlay_start_1:
0x0: {  	(tag) =	ssettag $0x1  }
0x1: {  	s5 =	rddreg [dreg:$0x0]  }
0x2: {  	s1 =	rddreg [dreg:$0x1]  }
0x3: {  	s2 =	simm.s32 $0x0;
	s3 =	srdreg.scid;
	s16 =	simm.s32 $0x5400  }
0x4: {  	s17 =	simm.s32 $0x6800;
	s18 =	simm.s32 $0x7C00;
	s19 =	simm.s32 $0x9000  }
0x5: {  	s20 =	simm.s32 $0x1;
	s21 =	simm.s32 $0x28;
	s22 =	simm.s32 $0x2  }
0x6: {  	s23 =	simm.s32 $0x3;
	s24 =	simm.s32 $0x4;
	s4 =	sand.u32 $0x1, s3  }
0x7: {  	s25 =	simm.s32 $0x5;
	s3 =	stileid.u32;
	s6 =	smul.u32 $0x138800, s4  }
0x8: {  	[smem:$0x7FF] =	sst s2;
	s11 =	sadd.s32 $0xA57600, s5;
	s26 =	smul.u32 $0x2800, s3  }
0x9: {  	s14 =	sadd.s32 $0x12C000, s1;
	_ =	strace $0x8000004D;
	s9 =	smul.u32 $0x50000, s3  }
0xa: {  	s7 =	sshll.u32 s3, $0xB;
	s8 =	sshll.u32 s4, $0xF;
	s29 =	smul.u32 $0x14000, s3  }
0xb: {  	s4 =	ssub.s32 $0x2, s4;
	s15 =	smul.u32 $0x13880, s3;
	p0 =	seq.s32 s3, $0xF  }
0xc: {  	s7 =	sor.u32 s7, s8;
	s12 =	sshrl.u32 s4, $0x1;
	s10 =	sadd.s32 s6, s5  }
0xd: {  	s7 =	sadd.s32 s7, s5;
	s8 =	sadd.s32 s26, s5;
	s12 =	ssub.s32 s4, s12  }
0xe: {  	s28 =	sshrl.u32 s9, $0x2;
	s5 =	sadd.s32 $0xA55C00, s5;
	s30 =	sadd.s32 s29, s6  }
0xf: {  	s6 =	sshrl.u32 s6, $0x3;
	s26 =	simm.s32 $0x0;
	s13 =	sadd.s32 s28, s1  }
0x10: {  	s4 =	sadd.s32 $0xA30400, s8;
	s8 =	sshrl.u32 s30, $0x3;
	s31 =	sadd.s32 s11, s6  }
0x11: {  	s6 =	sadd.s32 $0x5200, s7;
	s9 =	smax.u32 s12, $0x1;
	s10 =	sadd.s32 s15, s10  }
0x12: {  	s12 =	sshll.u32 @!p0 s3, $0x6;
	s15 =	simm.s32 $0x4000;
	s7 =	sadd.s32 s11, s8  }
0x13: {  	s8 =	sadd.s32 $0x25800, s31;
	s10 =	sadd.s32 $0xF12E00, s10;
	s11 =	sshrl.u32 @p0 s14, $0x3  }
0x14: {  	s12 =	sor.u32 @!p0 $0x1C06, s12;
	s13 =	sshrl.u32 @!p0 s13, $0x3;
	s14 =	simm.s32 $0x6  }
.LBB2_1:
0x15: {  	s28 =	simm.s32 @p0 $0x1FC6  }
0x16: {  	[spmem:s11], [sflag:s28] =	dma.local @p0 [hbm:s5], $0x1900  }
0x17: {  	s28 =	simm.s32 @p0 $0x6  }
0x18: {  	_ =	swait.ge @p0 [sflag:s28], $0x1900  }
0x19: {  	[sflag:s28] =	ssyncset.done @p0 $0x0  }
0x1a: {  	[sflag:s28] =	ssyncadd.s32 @p0 $0xFFFFE700;
	s28 =	simm.s32 @!p0 $0x6  }
0x1b: {  	[spmem:s13], [sflag:s12] =	dma.local @!p0 [hbm:s4], $0x2800  }
0x1c: {  	_ =	swait.ge @!p0 [sflag:s28], $0x2800  }
0x1d: {  	[sflag:s28] =	ssyncset.done @!p0 $0x0  }
0x1e: {  	[sflag:s28] =	ssyncadd.s32 @!p0 $0xFFFFD800  }
0x1f: {  	[tilespmem:s2], [sflag:$0x6] =	stream.linear.gather [hbm4b:s6+s2], $0x3E80, $0x38;
	[tilespmem:$0x1DC80] =	vst v63  }
0x20: {  	_ =	swait.ge [sflag:s14], $0x3E80  }
0x21: {  	[sflag:s14] =	ssyncset.done $0x0  }
0x22: {  	[sflag:s14] =	ssyncadd.s32 $0xFFFFC180  }
0x23: {  	s28 =	sadd.s32 $0xFFFFF600, s10;
	[bflag:$0x0] =	sbarrier.arrive $0xFFFF  }
0x24: {  	[tilespmem:s15], [sflag:$0x1] =	stream.linear.gather [hbm4b:s28+s2], $0x1400, $0x38;
	[tilespmem:$0x1DC80] =	vst v63  }
0x25: {  	s28 =	sadd.s32 $0xFFFFF880, s10  }
0x26: {  	[tilespmem:s16], [sflag:$0x2] =	stream.linear.gather [hbm4b:s28+s2], $0x1400, $0x38;
	[tilespmem:$0x1DC80] =	vst v63  }
0x27: {  	s28 =	sadd.s32 $0xFFFFFB00, s10  }
0x28: {  	[tilespmem:s17], [sflag:$0x3] =	stream.linear.gather [hbm4b:s28+s2], $0x1400, $0x38;
	[tilespmem:$0x1DC80] =	vst v63  }
0x29: {  	s28 =	sadd.s32 $0xFFFFFD80, s10  }
0x2a: {  	[tilespmem:s18], [sflag:$0x4] =	stream.linear.gather [hbm4b:s28+s2], $0x1400, $0x38;
	[tilespmem:$0x1DC80] =	vst v63  }
0x2b: {  	_ = 	snop  }
0x2c: {  	[tilespmem:s19], [sflag:$0x5] =	stream.linear.gather [hbm4b:s10+s2], $0x1400, $0x38;
	[tilespmem:$0x1DC80] =	vst v63  }
0x2d: {  	_ =	swait.ge [sflag:s20], $0x1400  }
0x2e: {  	[sflag:s20] =	ssyncset.done $0x0  }
0x2f: {  	s28 =	simm.s32 $0x0;
	[sflag:s20] =	ssyncadd.s32 $0xFFFFEC00  }
0x30: {  	[spmem:s1] =	stream.indirect.scatter.add.f32 [tilespmem:s15], [sflag:$0x6], $0x80, s28, s21, $0xb8;
	[tilespmem:$0x1DC80] =	vst v63  }
0x31: {  	_ =	swait.ge [sflag:s14], $0x1400  }
0x32: {  	[sflag:s14] =	ssyncset.done $0x0  }
0x33: {  	[sflag:s14] =	ssyncadd.s32 $0xFFFFEC00  }
0x34: {  	_ =	swait.ge [sflag:s22], $0x1400  }
0x35: {  	[sflag:s22] =	ssyncset.done $0x0  }
0x36: {  	s28 =	simm.s32 $0x80;
	[sflag:s22] =	ssyncadd.s32 $0xFFFFEC00  }
0x37: {  	[spmem:s1] =	stream.indirect.scatter.add.f32 [tilespmem:s16], [sflag:$0x6], $0x80, s28, s21, $0xb8;
	[tilespmem:$0x1DC80] =	vst v63  }
0x38: {  	_ =	swait.ge [sflag:s14], $0x1400  }
0x39: {  	[sflag:s14] =	ssyncset.done $0x0  }
0x3a: {  	[sflag:s14] =	ssyncadd.s32 $0xFFFFEC00  }
0x3b: {  	_ =	swait.ge [sflag:s23], $0x1400  }
0x3c: {  	[sflag:s23] =	ssyncset.done $0x0  }
0x3d: {  	s28 =	simm.s32 $0x100;
	[sflag:s23] =	ssyncadd.s32 $0xFFFFEC00  }
0x3e: {  	[spmem:s1] =	stream.indirect.scatter.add.f32 [tilespmem:s17], [sflag:$0x6], $0x80, s28, s21, $0xb8;
	[tilespmem:$0x1DC80] =	vst v63  }
0x3f: {  	_ =	swait.ge [sflag:s14], $0x1400  }
0x40: {  	[sflag:s14] =	ssyncset.done $0x0  }
0x41: {  	[sflag:s14] =	ssyncadd.s32 $0xFFFFEC00  }
0x42: {  	_ =	swait.ge [sflag:s24], $0x1400  }
0x43: {  	[sflag:s24] =	ssyncset.done $0x0  }
0x44: {  	s28 =	simm.s32 $0x180;
	[sflag:s24] =	ssyncadd.s32 $0xFFFFEC00  }
0x45: {  	[spmem:s1] =	stream.indirect.scatter.add.f32 [tilespmem:s18], [sflag:$0x6], $0x80, s28, s21, $0xb8;
	[tilespmem:$0x1DC80] =	vst v63  }
0x46: {  	_ =	swait.ge [sflag:s14], $0x1400  }
0x47: {  	[sflag:s14] =	ssyncset.done $0x0  }
0x48: {  	[sflag:s14] =	ssyncadd.s32 $0xFFFFEC00  }
0x49: {  	_ =	swait.ge [sflag:s25], $0x1400  }
0x4a: {  	[sflag:s25] =	ssyncset.done $0x0  }
0x4b: {  	s28 =	simm.s32 $0x200;
	[sflag:s25] =	ssyncadd.s32 $0xFFFFEC00  }
0x4c: {  	[spmem:s1] =	stream.indirect.scatter.add.f32 [tilespmem:s19], [sflag:$0x6], $0x80, s28, s21, $0xb8;
	[tilespmem:$0x1DC80] =	vst v63  }
0x4d: {  	s30 =	simm.s32 $0x1400;
	_ =	swait.ge [sflag:s14], $0x1400  }
0x4e: {  	s29 =	sadd.s32 $0xC80, s10;
	s28 =	simm.s32 $0xA00;
	[sflag:s14] =	ssyncset.done $0x0  }
.LBB2_2:
0x4f: {  	p1 =	sne.s32 s30, $0xF000;
	s31 =	sadd.s32 $0xFFFFF600, s29;
	[sflag:s14] =	ssyncadd.s32 $0xFFFFEC00  }
0x50: {  	[tilespmem:s15], [sflag:$0x1] =	stream.linear.gather [hbm4b:s31+s2], $0x1400, $0x38;
	[tilespmem:$0x1DC80] =	vst v63  }
0x51: {  	s0 =	smov.u32 s30;
	s30 =	sadd.s32 $0xA00, s30;
	s31 =	sadd.s32 $0xFFFFF880, s29  }
0x52: {  	[tilespmem:s16], [sflag:$0x2] =	stream.linear.gather [hbm4b:s31+s2], $0x1400, $0x38;
	[tilespmem:$0x1DC80] =	vst v63  }
0x53: {  	s31 =	sadd.s32 $0xFFFFFB00, s29  }
0x54: {  	[tilespmem:s17], [sflag:$0x3] =	stream.linear.gather [hbm4b:s31+s2], $0x1400, $0x38;
	[tilespmem:$0x1DC80] =	vst v63  }
0x55: {  	s31 =	sadd.s32 $0xFFFFFD80, s29  }
0x56: {  	[tilespmem:s18], [sflag:$0x4] =	stream.linear.gather [hbm4b:s31+s2], $0x1400, $0x38;
	[tilespmem:$0x1DC80] =	vst v63  }
0x57: {  	_ = 	snop  }
0x58: {  	[tilespmem:s19], [sflag:$0x5] =	stream.linear.gather [hbm4b:s29+s2], $0x1400, $0x38;
	[tilespmem:$0x1DC80] =	vst v63  }
0x59: {  	_ =	swait.ge [sflag:s20], $0x1400  }
0x5a: {  	[sflag:s20] =	ssyncset.done $0x0  }
0x5b: {  	s31 =	sshra.s32 s28, $0x2;
	s28 =	smov.u32 s0;
	[sflag:s20] =	ssyncadd.s32 $0xFFFFEC00  }
0x5c: {  	[spmem:s1] =	stream.indirect.scatter.add.f32 [tilespmem:s15], [sflag:$0x6], $0x80, s31, s21, $0xb8;
	[tilespmem:$0x1DC80] =	vst v63  }
0x5d: {  	_ =	swait.ge [sflag:s14], $0x1400  }
0x5e: {  	[sflag:s14] =	ssyncset.done $0x0  }
0x5f: {  	[sflag:s14] =	ssyncadd.s32 $0xFFFFEC00  }
0x60: {  	_ =	swait.ge [sflag:s22], $0x1400  }
0x61: {  	[sflag:s22] =	ssyncset.done $0x0  }
0x62: {  	s0 =	sadd.s32 $0x80, s31;
	[sflag:s22] =	ssyncadd.s32 $0xFFFFEC00  }
0x63: {  	[spmem:s1] =	stream.indirect.scatter.add.f32 [tilespmem:s16], [sflag:$0x6], $0x80, s0, s21, $0xb8;
	[tilespmem:$0x1DC80] =	vst v63  }
0x64: {  	_ =	swait.ge [sflag:s14], $0x1400  }
0x65: {  	[sflag:s14] =	ssyncset.done $0x0  }
0x66: {  	[sflag:s14] =	ssyncadd.s32 $0xFFFFEC00  }
0x67: {  	_ =	swait.ge [sflag:s23], $0x1400  }
0x68: {  	[sflag:s23] =	ssyncset.done $0x0  }
0x69: {  	s0 =	sadd.s32 $0x100, s31;
	[sflag:s23] =	ssyncadd.s32 $0xFFFFEC00  }
0x6a: {  	[spmem:s1] =	stream.indirect.scatter.add.f32 [tilespmem:s17], [sflag:$0x6], $0x80, s0, s21, $0xb8;
	[tilespmem:$0x1DC80] =	vst v63  }
0x6b: {  	_ =	swait.ge [sflag:s14], $0x1400  }
0x6c: {  	[sflag:s14] =	ssyncset.done $0x0  }
0x6d: {  	[sflag:s14] =	ssyncadd.s32 $0xFFFFEC00  }
0x6e: {  	_ =	swait.ge [sflag:s24], $0x1400  }
0x6f: {  	[sflag:s24] =	ssyncset.done $0x0  }
0x70: {  	s0 =	sadd.s32 $0x180, s31;
	[sflag:s24] =	ssyncadd.s32 $0xFFFFEC00  }
0x71: {  	[spmem:s1] =	stream.indirect.scatter.add.f32 [tilespmem:s18], [sflag:$0x6], $0x80, s0, s21, $0xb8;
	[tilespmem:$0x1DC80] =	vst v63  }
0x72: {  	_ =	swait.ge [sflag:s14], $0x1400  }
0x73: {  	[sflag:s14] =	ssyncset.done $0x0  }
0x74: {  	[sflag:s14] =	ssyncadd.s32 $0xFFFFEC00  }
0x75: {  	_ =	swait.ge [sflag:s25], $0x1400  }
.Ltmp0:
0x76: {  	[sflag:s25] =	ssyncset.done $0x0;
	(pc) =	sbr.rel @p1 .LBB2_2-.Ltmp0, $4  }
0x77: {  	s0 =	sadd.s32 $0x200, s31;
	[sflag:s25] =	ssyncadd.s32 $0xFFFFEC00  }
0x78: {  	[spmem:s1] =	stream.indirect.scatter.add.f32 [tilespmem:s19], [sflag:$0x6], $0x80, s0, s21, $0xb8;
	[tilespmem:$0x1DC80] =	vst v63  }
0x79: {  	_ =	swait.ge [sflag:s14], $0x1400  }
0x7a: {  	s29 =	sadd.s32 $0xC80, s29;
	[sflag:s14] =	ssyncset.done $0x0  }
0x7b: {  	s0 =	sadd.s32 $0xFFFFF600, s29;
	[sflag:s14] =	ssyncadd.s32 $0xFFFFEC00  }
0x7c: {  	[tilespmem:s15], [sflag:$0x1] =	stream.linear.gather [hbm4b:s0+s2], $0x1400, $0x38;
	[tilespmem:$0x1DC80] =	vst v63  }
0x7d: {  	s31 =	sadd.s32 $0xFFFFF880, s29  }
0x7e: {  	[tilespmem:s16], [sflag:$0x2] =	stream.linear.gather [hbm4b:s31+s2], $0x1400, $0x38;
	[tilespmem:$0x1DC80] =	vst v63  }
0x7f: {  	s30 =	sadd.s32 $0xFFFFFB00, s29  }
0x80: {  	[tilespmem:s17], [sflag:$0x3] =	stream.linear.gather [hbm4b:s30+s2], $0x1400, $0x38;
	[tilespmem:$0x1DC80] =	vst v63  }
0x81: {  	s31 =	sadd.s32 $0xFFFFFD80, s29  }
0x82: {  	[tilespmem:s18], [sflag:$0x4] =	stream.linear.gather [hbm4b:s31+s2], $0x1400, $0x38;
	[tilespmem:$0x1DC80] =	vst v63  }
0x83: {  	_ = 	snop  }
0x84: {  	[tilespmem:s19], [sflag:$0x5] =	stream.linear.gather [hbm4b:s29+s2], $0x1400, $0x38;
	[tilespmem:$0x1DC80] =	vst v63  }
0x85: {  	_ =	swait.ge [sflag:s20], $0x1400  }
0x86: {  	[sflag:s20] =	ssyncset.done $0x0  }
0x87: {  	s29 =	sshra.s32 s28, $0x2;
	[sflag:s20] =	ssyncadd.s32 $0xFFFFEC00  }
0x88: {  	[spmem:s1] =	stream.indirect.scatter.add.f32 [tilespmem:s15], [sflag:$0x6], $0x80, s29, s21, $0xb8;
	[tilespmem:$0x1DC80] =	vst v63  }
0x89: {  	_ =	swait.ge [sflag:s14], $0x1400  }
0x8a: {  	[sflag:s14] =	ssyncset.done $0x0  }
0x8b: {  	[sflag:s14] =	ssyncadd.s32 $0xFFFFEC00  }
0x8c: {  	_ =	swait.ge [sflag:s22], $0x1400  }
0x8d: {  	[sflag:s22] =	ssyncset.done $0x0  }
0x8e: {  	s28 =	sadd.s32 $0x80, s29;
	[sflag:s22] =	ssyncadd.s32 $0xFFFFEC00  }
0x8f: {  	[spmem:s1] =	stream.indirect.scatter.add.f32 [tilespmem:s16], [sflag:$0x6], $0x80, s28, s21, $0xb8;
	[tilespmem:$0x1DC80] =	vst v63  }
0x90: {  	_ =	swait.ge [sflag:s14], $0x1400  }
0x91: {  	[sflag:s14] =	ssyncset.done $0x0  }
0x92: {  	[sflag:s14] =	ssyncadd.s32 $0xFFFFEC00  }
0x93: {  	_ =	swait.ge [sflag:s23], $0x1400  }
0x94: {  	[sflag:s23] =	ssyncset.done $0x0  }
0x95: {  	s30 =	sadd.s32 $0x100, s29;
	[sflag:s23] =	ssyncadd.s32 $0xFFFFEC00  }
0x96: {  	[spmem:s1] =	stream.indirect.scatter.add.f32 [tilespmem:s17], [sflag:$0x6], $0x80, s30, s21, $0xb8;
	[tilespmem:$0x1DC80] =	vst v63  }
0x97: {  	_ =	swait.ge [sflag:s14], $0x1400  }
0x98: {  	[sflag:s14] =	ssyncset.done $0x0  }
0x99: {  	[sflag:s14] =	ssyncadd.s32 $0xFFFFEC00  }
0x9a: {  	_ =	swait.ge [sflag:s24], $0x1400  }
0x9b: {  	[sflag:s24] =	ssyncset.done $0x0  }
0x9c: {  	s31 =	sadd.s32 $0x180, s29;
	[sflag:s24] =	ssyncadd.s32 $0xFFFFEC00  }
0x9d: {  	[spmem:s1] =	stream.indirect.scatter.add.f32 [tilespmem:s18], [sflag:$0x6], $0x80, s31, s21, $0xb8;
	[tilespmem:$0x1DC80] =	vst v63  }
0x9e: {  	_ =	swait.ge [sflag:s14], $0x1400  }
0x9f: {  	[sflag:s14] =	ssyncset.done $0x0  }
0xa0: {  	[sflag:s14] =	ssyncadd.s32 $0xFFFFEC00  }
0xa1: {  	_ =	swait.ge [sflag:s25], $0x1400  }
0xa2: {  	[sflag:s25] =	ssyncset.done $0x0  }
0xa3: {  	s0 =	sadd.s32 $0x200, s29;
	[sflag:s25] =	ssyncadd.s32 $0xFFFFEC00  }
0xa4: {  	[spmem:s1] =	stream.indirect.scatter.add.f32 [tilespmem:s19], [sflag:$0x6], $0x80, s0, s21, $0xb8;
	[tilespmem:$0x1DC80] =	vst v63  }
0xa5: {  	_ =	swait.ge [sflag:s14], $0x1400  }
0xa6: {  	[sflag:s14] =	ssyncset.done $0x0  }
0xa7: {  	[sflag:s14] =	ssyncadd.s32 $0xFFFFEC00  }
0xa8: {  	s0 =	simm.s32 @p0 $0x1FC6;
	[bflag:$0x0] =	sbarrier.arrive $0xFFFF  }
0xa9: {  	[hbm:s8], [sflag:s0] =	dma.local @p0 [spmem:s11], $0x1900  }
0xaa: {  	s0 =	simm.s32 @p0 $0x6  }
0xab: {  	s26 =	sadd.s32 $0x1, s26;
	_ =	swait.ge @p0 [sflag:s0], $0x1900  }
0xac: {  	p1 =	sne.s32 s26, s9;
	[sflag:s0] =	ssyncset.done @p0 $0x0  }
.Ltmp1:
0xad: {  	[sflag:s0] =	ssyncadd.s32 @p0 $0xFFFFE700;
	s0 =	simm.s32 @!p0 $0x6;
	(pc) =	sbr.rel @p1 .LBB2_1-.Ltmp1, $4  }
0xae: {  	[hbm:s7], [sflag:s12] =	dma.local @!p0 [spmem:s13], $0x2800  }
0xaf: {  	_ =	swait.ge @!p0 [sflag:s0], $0x2800  }
0xb0: {  	[sflag:s0] =	ssyncset.done @!p0 $0x0  }
0xb1: {  	[sflag:s0] =	ssyncadd.s32 @!p0 $0xFFFFD800  }
0xb2: {  	_ =	sfence.sel $0x180000  }
0xb3: {  	[bflag:$0x0] =	sbarrier.arrive $0xFFFF  }
0xb4: {  	_ =	strace $0x9000004D  }
0xb5: {  	[bflag:$0x2] =	sbarrier.arrive $0xFFFF  }
0xb6: {  	p0 =	sne.s32 s3, $0x0;
	s0 =	rddreg [dreg:$0x2]  }
0xb7: {  	s0 =	sadd.s32 @!p0 $0x100000, s0  }
0xb8: {  	[sflag:s0] =	ssyncadd.tile.s32 @!p0 $0x1;
	_ =	shalt  }
.Lfunc_end2:
_tile_overlayer_lowered:
.L_overlay_start_2:
0xb9: {  	(tag) =	ssettag $0x2  }
0xba: {  	s0 =	rddreg [dreg:$0x0];
	s2 =	stileid.u32  }
0xbb: {  	s1 =	rddreg [dreg:$0x1];
	p0 =	sne.s32 s2, $0x0  }
0xbc: {  	s3 =	rddreg [dreg:$0x2];
	[bflag:$0x3] =	sbarrier.arrive $0xFFFF;
	s2 =	simm.s32 @!p0 $0x1C06  }
0xbd: {  	[timem:s3], [sflag:s2] =	dma.local @!p0 [hbm:s0], s1  }
0xbe: {  	s0 =	simm.s32 @!p0 $0x6  }
0xbf: {  	_ =	swait.ge @!p0 [sflag:s0], s1  }
0xc0: {  	s1 =	ssub.s32 @!p0 $0x0, s1;
	[sflag:s0] =	ssyncset.done @!p0 $0x0  }
0xc1: {  	[sflag:s0] =	ssyncadd.s32 @!p0 s1  }
0xc2: {  	[bflag:$0x3] =	sbarrier.arrive $0xFFFF  }
0xc3: {  	_ =	shalt  }

// kernel: kernel.16.cloned.1.call-start
scs
__scs_entry_jumppad:
0x0: {  	(pc) =	sbr.rel $0x88, $3  }
0x1: {  	(tag) =	ssettag $0x0;
	lr =	simm.s32 $0x1  }
0x2: {  	[smem:$0x3F90] =	sst lr;
	_ =	strace $0xD0000000  }
0x3: {  	_ = 	snop  }
0x4: {  	_ = 	snop  }
0x5: {  	_ = 	snop  }
0x6: {  	_ = 	snop  }
0x7: {  	_ = 	snop  }
__scs_overlays_trampoline_lowered:
0x8: {  	[smem:$0x3F9F] =	sst s0  }
0x9: {  	[smem:$0x3FA0] =	sst s1  }
0xa: {  	[smem:$0x3FA1] =	sst s2  }
0xb: {  	[smem:$0x3FA2] =	sst s3  }
0xc: {  	[smem:$0x3FA3] =	sst s4  }
0xd: {  	[smem:$0x3FA4] =	sst s5  }
0xe: {  	[smem:$0x3FA5] =	sst s6  }
0xf: {  	[smem:$0x3FA6] =	sst s7  }
0x10: {  	[smem:$0x3FA7] =	sst s8  }
0x11: {  	[smem:$0x3FA8] =	sst s9;
	s0 =	simm.s32 @!p0 $0x0  }
0x12: {  	s1 =	sld [smem:$0x3F8E];
	s0 =	simm.s32 @p0 $0x1  }
0x13: {  	[smem:$0x3FA9] =	sst s0;
	s0 =	simm.s32 @!p1 $0x0  }
0x14: {  	s2 =	sld [smem:$0x3F8D];
	s0 =	simm.s32 @p1 $0x1  }
0x15: {  	[smem:$0x3FAA] =	sst s0;
	s0 =	simm.s32 @!p2 $0x0  }
0x16: {  	s3 =	sld [smem:$0x3FDB];
	s0 =	simm.s32 @p2 $0x1  }
0x17: {  	s4 =	simm.s32 $0x1BF5;
	[smem:$0x3FAC] =	sst s0  }
0x18: {  	s0 =	sld [smem:$0x3F8F];
	_ =	swait.ge [sflag:s4], $0x0  }
0x19: {  	s7 =	sld [smem:$0x3F90]  }
0x1a: {  	s8 =	sadd.s32 $0xFFFFE003, lr  }
0x1b: {  	s9 =	sadd.s32 $0xFFFFFEF7, lr;
	s5 =	simm.s32 $0xFFFFFFFF;
	p2 =	slt.u32 s8, $0xFFFFF086  }
0x1c: {  	p1 =	slt.u32 s9, $0xF7A;
	s5 =	simm.s32 @!p2 $0x0  }
0x1d: {  	s5 =	simm.s32 @p1 $0x1;
	p0 =	seq.s32 s7, s2  }
0x1e: {  	s7 =	smul.u32 @!p0 $0xF7A, s2;
	p2 =	seq.s32 @!p0 s5, $0x0  }
0x1f: {  	s9 =	smul.u32 $0xF7A, s1;
	s8 =	simm.s32 @!p0 $0x1BF5;
	p2 =	por !p2, p0  }
0x20: {  	[sflag:s8] =	ssyncset.s32 @!p0 $0xFFFFF086;
	s6 =	sadd.s32 @!p0 s3, s7;
	s7 =	simm.s32 @!p0 $0x108  }
0x21: {  	s3 =	sadd.s32 s3, s9;
	s6 =	sadd.s32 @!p0 $0x88, s6;
	s7 =	simm.s32 @p2 $0x1082  }
0x22: {  	[simem:s7], [sflag:s8] =	dma.local @!p0 [hbm:s6], $0xF7A  }
0x23: {  	s9 =	sor.u32 $0xD0000000, s2;
	s6 =	simm.s32 $0x108;
	_ =	swait.ge @!p0 [sflag:s8], $0x0  }
0x24: {  	s3 =	sadd.s32 $0x88, s3;
	s6 =	simm.s32 @!p1 $0x1082;
	[sflag:s4] =	ssyncset.s32 $0xFFFFF086  }
0x25: {  	[simem:s6], [sflag:s4] =	dma.local [hbm:s3], $0xF7A  }
0x26: {  	[smem:$0x3F90] =	sst s1;
	(tag) =	ssettag s2;
	_ =	strace s9  }
0x27: {  	s1 =	sld [smem:$0x3FA0]  }
0x28: {  	s2 =	sld [smem:$0x3FA1]  }
0x29: {  	s4 =	sld [smem:$0x3FA3]  }
0x2a: {  	p0 =	seq.s32 s5, $0x0;
	s5 =	sld [smem:$0x3FA4]  }
0x2b: {  	s6 =	sld [smem:$0x3FA5]  }
0x2c: {  	s7 =	sld [smem:$0x3FA6]  }
0x2d: {  	s3 =	simm.s32 $0x108;
	s8 =	sld [smem:$0x3FA7]  }
0x2e: {  	s3 =	simm.s32 @!p0 $0x1082;
	s9 =	sld [smem:$0x3FA8]  }
0x2f: {  	lr =	sadd.s32 s0, s3;
	s0 =	sld [smem:$0x3F9F]  }
0x30: {  	s3 =	sld [smem:$0x3FA2]  }
0x31: {  	[smem:$0x3FAB] =	sst s10  }
0x32: {  	s10 =	sld [smem:$0x3FA9];
	_ =	sdelay $0x3  }
0x33: {  	p0 =	seq.s32 s10, $0x1;
	s10 =	sld [smem:$0x3FAB];
	_ =	sdelay $0x3  }
0x34: {  	[smem:$0x3FAB] =	sst s10  }
0x35: {  	s10 =	sld [smem:$0x3FAA];
	_ =	sdelay $0x3  }
0x36: {  	p1 =	seq.s32 s10, $0x1;
	s10 =	sld [smem:$0x3FAB];
	_ =	sdelay $0x3  }
0x37: {  	[smem:$0x3FAB] =	sst s10  }
0x38: {  	s10 =	sld [smem:$0x3FAC]  }
0x39: {  	_ = 	snop;
	(pc) =	sbr.ind lr, $3  }
0x3a: {  	_ = 	snop  }
0x3b: {  	_ = 	snop  }
0x3c: {  	p2 =	seq.s32 s10, $0x1;
	s10 =	sld [smem:$0x3FAB]  }
0x3d: {  	_ =	shalt  }
0x3e: {  	_ =	shalt  }
0x3f: {  	_ =	shalt  }
0x40: {  	_ =	shalt  }
0x41: {  	_ =	shalt  }
0x42: {  	_ =	shalt  }
0x43: {  	_ =	shalt  }
0x44: {  	_ =	shalt  }
0x45: {  	_ =	shalt  }
0x46: {  	_ =	shalt  }
0x47: {  	_ =	shalt  }
0x48: {  	_ =	shalt  }
0x49: {  	_ =	shalt  }
0x4a: {  	_ =	shalt  }
0x4b: {  	_ =	shalt  }
0x4c: {  	_ =	shalt  }
0x4d: {  	_ =	shalt  }
0x4e: {  	_ =	shalt  }
0x4f: {  	_ =	shalt  }
0x50: {  	_ =	shalt  }
0x51: {  	_ =	shalt  }
0x52: {  	_ =	shalt  }
0x53: {  	_ =	shalt  }
0x54: {  	_ =	shalt  }
0x55: {  	_ =	shalt  }
0x56: {  	_ =	shalt  }
0x57: {  	_ =	shalt  }
0x58: {  	_ =	shalt  }
0x59: {  	_ =	shalt  }
0x5a: {  	_ =	shalt  }
0x5b: {  	_ =	shalt  }
0x5c: {  	_ =	shalt  }
0x5d: {  	_ =	shalt  }
0x5e: {  	_ =	shalt  }
0x5f: {  	_ =	shalt  }
0x60: {  	_ =	shalt  }
0x61: {  	_ =	shalt  }
0x62: {  	_ =	shalt  }
0x63: {  	_ =	shalt  }
0x64: {  	_ =	shalt  }
0x65: {  	_ =	shalt  }
0x66: {  	_ =	shalt  }
0x67: {  	_ =	shalt  }
0x68: {  	_ =	shalt  }
0x69: {  	_ =	shalt  }
0x6a: {  	_ =	shalt  }
0x6b: {  	_ =	shalt  }
0x6c: {  	_ =	shalt  }
0x6d: {  	_ =	shalt  }
0x6e: {  	_ =	shalt  }
0x6f: {  	_ =	shalt  }
0x70: {  	_ =	shalt  }
0x71: {  	_ =	shalt  }
0x72: {  	_ =	shalt  }
0x73: {  	_ =	shalt  }
0x74: {  	_ =	shalt  }
0x75: {  	_ =	shalt  }
0x76: {  	_ =	shalt  }
0x77: {  	_ =	shalt  }
0x78: {  	_ =	shalt  }
0x79: {  	_ =	shalt  }
0x7a: {  	_ =	shalt  }
0x7b: {  	_ =	shalt  }
0x7c: {  	_ =	shalt  }
0x7d: {  	_ =	shalt  }
0x7e: {  	_ =	shalt  }
0x7f: {  	_ =	shalt  }
0x80: {  	_ =	shalt  }
0x81: {  	_ =	shalt  }
0x82: {  	_ =	shalt  }
0x83: {  	_ =	shalt  }
0x84: {  	_ =	shalt  }
0x85: {  	_ =	shalt  }
0x86: {  	_ =	shalt  }
0x87: {  	_ =	shalt  }
.Lfunc_end0:
.L_simem_size_0:
called_computation.2_lowered:
.L_overlay_start_0:
0x88: {  	s2 =	sld [smem:$0x3FD9]  }
0x89: {  	s3 =	sld [smem:$0x3FFE];
	_ =	sdelay $0x1  }
0x8a: {  	s1 =	srdreg.scid  }
0x8b: {  	s0 =	sand.u32 $0x1, s1  }
0x8c: {  	s17 =	sshll.u32 s0, $0xA;
	s2 =	sadd.s32 s3, s2  }
0x8d: {  	s2 =	sadd.s32 s2, s17  }
0x8e: {  	[smem:$0x3FB7] =	sst s2  }
0x8f: {  	_ = 	snop  }
0x90: {  	s18 =	sld [smem:$0x3FD0];
	(tm) =	ssettm $0x1  }
0x91: {  	s19 =	sld [smem:$0x3FFB];
	_ =	sdelay $0x3  }
0x92: {  	_ =	strace s19  }
0x93: {  	s2 =	sld [smem:$0x3FFC];
	_ =	sdelay $0x3  }
0x94: {  	_ =	strace s2  }
0x95: {  	s2 =	sld [smem:$0x3FFD];
	_ =	sdelay $0x3  }
0x96: {  	_ =	strace s2  }
0x97: {  	_ =	strace $0x8FFFFFFF  }
0x98: {  	s20 =	sld [smem:$0x3FDB];
	_ =	sdelay $0x1  }
0x99: {  	s4 =	simm.s32 $_scs_section_size  }
0x9a: {  	s5 =	simm.s32 $_size__tile_overlayer_lowered;
	s6 =	simm.s32 $_tile_overlayer_lowered  }
0x9b: {  	s7 =	simm.s32 $0x1BFF;
	s21 =	sshll.u32 s6, $0x1;
	s4 =	sadd.s32 s4, s20  }
0x9c: {  	s22 =	simm.s32 $0x0;
	s5 =	sshll.u32 s5, $0x1;
	s6 =	sadd.s32 s21, s4  }
0x9d: {  	[timem:s22], [sflag:s7] =	dma.local [hbm:s6], s5  }
0x9e: {  	_ =	swait.ge [sflag:s7], s5  }
0x9f: {  	s5 =	ssub.s32 $0x0, s5;
	[sflag:s7] =	ssyncset.done $0x0  }
0xa0: {  	[sflag:s7] =	ssyncadd.s32 s5;
	_ =	sdelay $0x1  }
0xa1: {  	s23 =	simm.s32 $0x1B8B  }
0xa2: {  	_ =	swait.ge [sflag:s23], $0x1  }
0xa3: {  	[sflag:s23] =	ssyncset.done $0x0  }
0xa4: {  	[sflag:s23] =	ssyncadd.s32 $0xFFFFFFFF  }
0xa5: {  	s5 =	sld [smem:$0x0]  }
0xa6: {  	s6 =	sand.u32 $0xFFFFFFFE, s1  }
0xa7: {  	p0 =	sne.s32 s1, s6  }
0xa8: {  	s6 =	sshll.u32 @p0 s6, $0xE  }
0xa9: {  	s6 =	sadd.s32 @p0 $0x11B8D, s6;
	s7 =	sshll.u32 @p0 s5, $0x11  }
0xaa: {  	s6 =	sor.u32 @p0 s7, s6  }
0xab: {  	[sflag:s6] =	ssyncadd.remote.s32 @p0 $0x1;
	_ =	sdelay $0x1  }
0xac: {  	s6 =	simm.s32 @p0 $0x1B8D  }
0xad: {  	_ =	swait.eq @p0 [sflag:s6], $0x1  }
0xae: {  	[sflag:s6] =	ssyncadd.s32 @p0 $0xFFFFFFFF  }
0xaf: {  	s7 =	sshll.u32 @!p0 s1, $0xE  }
0xb0: {  	s7 =	sor.u32 @!p0 $0x4000, s7;
	s6 =	simm.s32 @!p0 $0x1B8D  }
0xb1: {  	s5 =	sshll.u32 @!p0 s5, $0x11;
	s7 =	sadd.s32 @!p0 $0x11B8D, s7;
	_ =	swait.eq @!p0 [sflag:s6], $0x1  }
0xb2: {  	s5 =	sor.u32 @!p0 s5, s7;
	[sflag:s6] =	ssyncadd.s32 @!p0 $0xFFFFFFFF  }
0xb3: {  	s25 =	simm.s32 $0x1B8E;
	s24 =	sld [smem:$0x3FFE];
	[sflag:s5] =	ssyncadd.remote.s32 @!p0 $0x1  }
0xb4: {  	s26 =	simm.s32 $execute0_lowered;
	[smem:$0x3FD2] =	sst s25  }
0xb5: {  	s6 =	sshll.u32 s26, $0x1;
	_ =	strace $0x80000049;
	[dreg:$0x1] =	wrdreg $0xFFFFFFFF  }
0xb6: {  	s28 =	simm.s32 $_size_execute0_lowered;
	s4 =	sadd.s32 s4, s6;
	[dreg:$0x0] =	wrdreg $0x0  }
0xb7: {  	s6 =	sshll.u32 s28, $0x1;
	[dreg:$0x2] =	wrdreg s4  }
0xb8: {  	[dreg:$0x3] =	wrdreg s6  }
0xb9: {  	[dreg:$0x4] =	wrdreg $0xC0  }
0xba: {  	_ =	task [dreg:s22], $0x5FFFF  }
0xbb: {  	[dreg:$0x1] =	wrdreg $0xFFFFFFFF  }
0xbc: {  	[dreg:$0x0] =	wrdreg $0x60  }
0xbd: {  	[dreg:$0x2] =	wrdreg s18  }
0xbe: {  	[dreg:$0x3] =	wrdreg s24  }
0xbf: {  	[dreg:$0x4] =	wrdreg $0xA  }
0xc0: {  	_ =	task.clear_ibuf [dreg:s22], $0x5FFFF;
	_ =	strace $0x90000049  }
0xc1: {  	s29 =	simm.s32 $0xA;
	_ =	strace $0x8000004B  }
0xc2: {  	_ =	swait.ge [sflag:s29], $0x1  }
0xc3: {  	[sflag:s29] =	ssyncadd.s32 $0xFFFFFFFF  }
0xc4: {  	_ =	strace $0x9000004B  }
0xc5: {  	_ =	sfence  }
0xc6: {  	s30 =	sld [smem:$0x0];
	_ =	sdelay $0x2  }
0xc7: {  	s31 =	sshll.u32 s1, $0xD;
	s1 =	sshrl.u32 s1, $0x2  }
0xc8: {  	s4 =	sand.u32 $0x4000, s31;
	s1 =	sadd.s32 s1, s30  }
0xc9: {  	s0 =	sor.u32 s4, s0;
	s1 =	sshll.u32 s1, $0x11  }
0xca: {  	s0 =	sor.u32 s1, s0  }
0xcb: {  	s0 =	sadd.s32 $0x8F2B, s0  }
0xcc: {  	[sflag:s0] =	ssyncadd.remote.s32 $0x1  }
0xcd: {  	_ =	sfence.sel $0xFFFF  }
0xce: {  	[dreg:$0x0] =	wrdreg $0xFFFFFFFF;
	(pc) =	sbr.abs _section_cstart, $3  }
0xcf: {  	[dreg:$0x1] =	wrdreg $0xFFFFFFFF  }
0xd0: {  	_ =	task.clear_ibuf [dreg:s22], $0x2FFFF;
	_ =	strace $0x9FFFFFFF  }
0xd1: {  	(tm) =	ssettm $0x7FFFFFFF  }
tec
execute0_lowered:
.L_overlay_start_1:
0x0: {  	(tag) =	ssettag $0x1  }
0x1: {  	s1 =	rddreg [dreg:$0x0]  }
0x2: {  	s0 =	rddreg [dreg:$0x1];
	s2 =	simm.s32 $0x0;
	s3 =	srdreg.scid  }
0x3: {  	s8 =	stileid.u32;
	s10 =	simm.s32 $0x28;
	s11 =	simm.s32 $0x8000  }
0x4: {  	s12 =	simm.s32 $0xE400;
	s13 =	simm.s32 $0x9400;
	s14 =	simm.s32 $0xF800  }
0x5: {  	s15 =	simm.s32 $0xA800;
	s16 =	simm.s32 $0x10C00;
	s17 =	simm.s32 $0xBC00  }
0x6: {  	s18 =	simm.s32 $0x12000;
	s19 =	simm.s32 $0xD000;
	s20 =	simm.s32 $0x13400  }
0x7: {  	s21 =	simm.s32 $0x1;
	s22 =	simm.s32 $0x6;
	s28 =	simm.s32 $0x4  }
0x8: {  	s29 =	simm.s32 $0x9;
	s30 =	simm.s32 $0x5;
	s31 =	simm.s32 $0xA  }
0x9: {  	[smem:$0x7FF] =	sst s2;
	s3 =	sand.u32 $0x1, s3;
	s4 =	sadd.s32 $0x25200, s0  }
0xa: {  	s6 =	sshll.u32 s8, $0xB;
	s5 =	smul.u32 $0x138800, s3;
	s7 =	sshll.u32 s3, $0xF  }
0xb: {  	s8 =	smul.u32 $0x13880, s8;
	s3 =	ssub.s32 $0x2, s3;
	s6 =	sor.u32 s6, s7  }
0xc: {  	s23 =	sshrl.u32 s3, $0x1;
	s5 =	sadd.s32 s5, s0;
	s0 =	sadd.s32 s6, s0  }
0xd: {  	_ =	strace $0x8000004A;
	s3 =	ssub.s32 s3, s23;
	s24 =	sadd.s32 $0x53E400, s0  }
0xe: {  	s23 =	simm.s32 $0x2;
	s0 =	sadd.s32 $0x52E400, s0;
	[dreg:$0x5] =	wrdreg s24  }
0xf: {  	s5 =	sadd.s32 s8, s5;
	s3 =	smax.u32 s3, $0x1;
	[dreg:$0x6] =	wrdreg s0  }
0x10: {  	s25 =	sadd.s32 $0x54E400, s5;
	s26 =	sadd.s32 $0x7BF400, s5;
	[dreg:$0x7] =	wrdreg s3  }
0x11: {  	s24 =	simm.s32 $0x7;
	s5 =	simm.s32 $0x0;
	[dreg:$0x3] =	wrdreg s25  }
0x12: {  	[dreg:$0x4] =	wrdreg s26;
	s25 =	simm.s32 $0x3;
	s26 =	simm.s32 $0x8  }
.LBB2_1:
0x13: {  	[dreg:$0x8] =	wrdreg s5  }
0x14: {  	s0 =	rddreg [dreg:$0x5];
	s3 =	simm.s32 $0x15  }
0x15: {  	[tilespmem:s2], [sflag:$0x15] =	stream.linear.gather [hbm4b:s0+s2], $0x3E80, $0x38;
	[tilespmem:$0x14800] =	vst v63  }
0x16: {  	_ =	swait.ge [sflag:s3], $0x3E80  }
0x17: {  	[sflag:s3] =	ssyncset.done $0x0  }
0x18: {  	s7 =	simm.s32 $0x4000;
	s6 =	rddreg [dreg:$0x6];
	[sflag:s3] =	ssyncadd.s32 $0xFFFFC180  }
0x19: {  	[tilespmem:s7], [sflag:$0x15] =	stream.linear.gather [hbm4b:s6+s2], $0x3E80, $0x38;
	[tilespmem:$0x14800] =	vst v63  }
0x1a: {  	_ =	swait.ge [sflag:s3], $0x3E80  }
0x1b: {  	p0 =	por $0x1, $0x1;
	[sflag:s3] =	ssyncset.done $0x0  }
0x1c: {  	s0 =	simm.s32 @!p0 $0xB;
	[sflag:s3] =	ssyncadd.s32 $0xFFFFC180  }
0x1d: {  	_ =	swait.ge @!p0 [sflag:s0], $0x1400  }
0x1e: {  	[sflag:s0] =	ssyncset.done @!p0 $0x0  }
0x1f: {  	[sflag:s0] =	ssyncadd.s32 @!p0 $0xFFFFEC00;
	s0 =	simm.s32 @!p0 $0x10  }
0x20: {  	_ =	swait.ge @!p0 [sflag:s0], $0x1400  }
0x21: {  	[sflag:s0] =	ssyncset.done @!p0 $0x0  }
0x22: {  	s8 =	simm.s32 $0x0;
	[sflag:s0] =	ssyncadd.s32 @!p0 $0xFFFFEC00  }
0x23: {  	[tilespmem:s11], [sflag:$0x1] =	stream.indirect.gather [hbm4b:s1+s10], $0x80, s8, s10, $0xb8;
	[tilespmem:$0x14800] =	vst v63  }
0x24: {  	s9 =	simm.s32 $0x4000;
	s3 =	simm.s32 @!p0 $0xC  }
0x25: {  	[tilespmem:s12], [sflag:$0x6] =	stream.indirect.gather [hbm4b:s4+s10], $0x80, s9, s10, $0xb8;
	[tilespmem:$0x14800] =	vst v63  }
0x26: {  	_ =	swait.ge @!p0 [sflag:s3], $0x1400  }
0x27: {  	[sflag:s3] =	ssyncset.done @!p0 $0x0  }
0x28: {  	s0 =	simm.s32 @!p0 $0x11;
	[sflag:s3] =	ssyncadd.s32 @!p0 $0xFFFFEC00  }
0x29: {  	_ =	swait.ge @!p0 [sflag:s0], $0x1400  }
0x2a: {  	[sflag:s0] =	ssyncset.done @!p0 $0x0  }
0x2b: {  	s3 =	simm.s32 $0x80;
	[sflag:s0] =	ssyncadd.s32 @!p0 $0xFFFFEC00  }
0x2c: {  	[tilespmem:s13], [sflag:$0x2] =	stream.indirect.gather [hbm4b:s1+s10], $0x80, s3, s10, $0xb8;
	[tilespmem:$0x14800] =	vst v63  }
0x2d: {  	s5 =	simm.s32 $0x4080;
	s3 =	simm.s32 @!p0 $0xD  }
0x2e: {  	[tilespmem:s14], [sflag:$0x7] =	stream.indirect.gather [hbm4b:s4+s10], $0x80, s5, s10, $0xb8;
	[tilespmem:$0x14800] =	vst v63  }
0x2f: {  	_ =	swait.ge @!p0 [sflag:s3], $0x1400  }
0x30: {  	[sflag:s3] =	ssyncset.done @!p0 $0x0  }
0x31: {  	s0 =	simm.s32 @!p0 $0x12;
	[sflag:s3] =	ssyncadd.s32 @!p0 $0xFFFFEC00  }
0x32: {  	_ =	swait.ge @!p0 [sflag:s0], $0x1400  }
0x33: {  	[sflag:s0] =	ssyncset.done @!p0 $0x0  }
0x34: {  	s6 =	simm.s32 $0x100;
	[sflag:s0] =	ssyncadd.s32 @!p0 $0xFFFFEC00  }
0x35: {  	[tilespmem:s15], [sflag:$0x3] =	stream.indirect.gather [hbm4b:s1+s10], $0x80, s6, s10, $0xb8;
	[tilespmem:$0x14800] =	vst v63  }
0x36: {  	s7 =	simm.s32 $0x4100;
	s3 =	simm.s32 @!p0 $0xE  }
0x37: {  	[tilespmem:s16], [sflag:$0x8] =	stream.indirect.gather [hbm4b:s4+s10], $0x80, s7, s10, $0xb8;
	[tilespmem:$0x14800] =	vst v63  }
0x38: {  	_ =	swait.ge @!p0 [sflag:s3], $0x1400  }
0x39: {  	[sflag:s3] =	ssyncset.done @!p0 $0x0  }
0x3a: {  	s0 =	simm.s32 @!p0 $0x13;
	[sflag:s3] =	ssyncadd.s32 @!p0 $0xFFFFEC00  }
0x3b: {  	_ =	swait.ge @!p0 [sflag:s0], $0x1400  }
0x3c: {  	[sflag:s0] =	ssyncset.done @!p0 $0x0  }
0x3d: {  	s8 =	simm.s32 $0x180;
	[sflag:s0] =	ssyncadd.s32 @!p0 $0xFFFFEC00  }
0x3e: {  	[tilespmem:s17], [sflag:$0x4] =	stream.indirect.gather [hbm4b:s1+s10], $0x80, s8, s10, $0xb8;
	[tilespmem:$0x14800] =	vst v63  }
0x3f: {  	s9 =	simm.s32 $0x4180;
	s3 =	simm.s32 @!p0 $0xF  }
0x40: {  	[tilespmem:s18], [sflag:$0x9] =	stream.indirect.gather [hbm4b:s4+s10], $0x80, s9, s10, $0xb8;
	[tilespmem:$0x14800] =	vst v63  }
0x41: {  	_ =	swait.ge @!p0 [sflag:s3], $0x1400  }
0x42: {  	[sflag:s3] =	ssyncset.done @!p0 $0x0  }
0x43: {  	s0 =	simm.s32 @!p0 $0x14;
	[sflag:s3] =	ssyncadd.s32 @!p0 $0xFFFFEC00  }
0x44: {  	_ =	swait.ge @!p0 [sflag:s0], $0x1400  }
0x45: {  	[sflag:s0] =	ssyncset.done @!p0 $0x0  }
0x46: {  	s3 =	simm.s32 $0x200;
	[sflag:s0] =	ssyncadd.s32 @!p0 $0xFFFFEC00  }
0x47: {  	[tilespmem:s19], [sflag:$0x5] =	stream.indirect.gather [hbm4b:s1+s10], $0x80, s3, s10, $0xb8;
	[tilespmem:$0x14800] =	vst v63  }
0x48: {  	s5 =	simm.s32 $0x4200  }
0x49: {  	[tilespmem:s20], [sflag:$0xA] =	stream.indirect.gather [hbm4b:s4+s10], $0x80, s5, s10, $0xb8;
	[tilespmem:$0x14800] =	vst v63  }
0x4a: {  	_ =	swait.ge [sflag:s21], $0x1400  }
0x4b: {  	[sflag:s21] =	ssyncset.done $0x0  }
0x4c: {  	[sflag:s21] =	ssyncadd.s32 $0xFFFFEC00  }
0x4d: {  	_ =	swait.ge [sflag:s22], $0x1400  }
0x4e: {  	s6 =	rddreg [dreg:$0x3];
	[sflag:s22] =	ssyncset.done $0x0  }
0x4f: {  	s7 =	rddreg [dreg:$0x4];
	[sflag:s22] =	ssyncadd.s32 $0xFFFFEC00;
	s0 =	sadd.s32 $0x0, s6  }
0x50: {  	[hbm4b:s0+s2] =	stream.linear.scatter [tilespmem:s11], [sflag:$0xB], $0x1400, $0x38;
	[tilespmem:$0x14800] =	vst v63  }
0x51: {  	s5 =	sadd.s32 $0x0, s7  }
0x52: {  	[hbm4b:s5+s2] =	stream.linear.scatter [tilespmem:s12], [sflag:$0x10], $0x1400, $0x38;
	[tilespmem:$0x14800] =	vst v63  }
0x53: {  	_ =	swait.ge [sflag:s23], $0x1400  }
0x54: {  	[sflag:s23] =	ssyncset.done $0x0  }
0x55: {  	[sflag:s23] =	ssyncadd.s32 $0xFFFFEC00  }
0x56: {  	_ =	swait.ge [sflag:s24], $0x1400  }
0x57: {  	[sflag:s24] =	ssyncset.done $0x0  }
0x58: {  	s8 =	sadd.s32 $0x280, s0;
	[sflag:s24] =	ssyncadd.s32 $0xFFFFEC00  }
0x59: {  	[hbm4b:s8+s2] =	stream.linear.scatter [tilespmem:s13], [sflag:$0xC], $0x1400, $0x38;
	[tilespmem:$0x14800] =	vst v63  }
0x5a: {  	s9 =	sadd.s32 $0x280, s5  }
0x5b: {  	[hbm4b:s9+s2] =	stream.linear.scatter [tilespmem:s14], [sflag:$0x11], $0x1400, $0x38;
	[tilespmem:$0x14800] =	vst v63  }
0x5c: {  	_ =	swait.ge [sflag:s25], $0x1400  }
0x5d: {  	[sflag:s25] =	ssyncset.done $0x0  }
0x5e: {  	[sflag:s25] =	ssyncadd.s32 $0xFFFFEC00  }
0x5f: {  	_ =	swait.ge [sflag:s26], $0x1400  }
0x60: {  	[sflag:s26] =	ssyncset.done $0x0  }
0x61: {  	s6 =	sadd.s32 $0x500, s0;
	[sflag:s26] =	ssyncadd.s32 $0xFFFFEC00  }
0x62: {  	[hbm4b:s6+s2] =	stream.linear.scatter [tilespmem:s15], [sflag:$0xD], $0x1400, $0x38;
	[tilespmem:$0x14800] =	vst v63  }
0x63: {  	s7 =	sadd.s32 $0x500, s5  }
0x64: {  	[hbm4b:s7+s2] =	stream.linear.scatter [tilespmem:s16], [sflag:$0x12], $0x1400, $0x38;
	[tilespmem:$0x14800] =	vst v63  }
0x65: {  	_ =	swait.ge [sflag:s28], $0x1400  }
0x66: {  	[sflag:s28] =	ssyncset.done $0x0  }
0x67: {  	[sflag:s28] =	ssyncadd.s32 $0xFFFFEC00  }
0x68: {  	_ =	swait.ge [sflag:s29], $0x1400  }
0x69: {  	[sflag:s29] =	ssyncset.done $0x0  }
0x6a: {  	s8 =	sadd.s32 $0x780, s0;
	[sflag:s29] =	ssyncadd.s32 $0xFFFFEC00  }
0x6b: {  	[hbm4b:s8+s2] =	stream.linear.scatter [tilespmem:s17], [sflag:$0xE], $0x1400, $0x38;
	[tilespmem:$0x14800] =	vst v63  }
0x6c: {  	s9 =	sadd.s32 $0x780, s5  }
0x6d: {  	[hbm4b:s9+s2] =	stream.linear.scatter [tilespmem:s18], [sflag:$0x13], $0x1400, $0x38;
	[tilespmem:$0x14800] =	vst v63  }
0x6e: {  	_ =	swait.ge [sflag:s30], $0x1400  }
0x6f: {  	[sflag:s30] =	ssyncset.done $0x0  }
0x70: {  	[sflag:s30] =	ssyncadd.s32 $0xFFFFEC00  }
0x71: {  	_ =	swait.ge [sflag:s31], $0x1400  }
0x72: {  	p1 =	por $0x0, $0x0;
	[sflag:s31] =	ssyncset.done $0x0  }
0x73: {  	s3 =	simm.s32 $0x1900;
	s0 =	sadd.s32 $0xA00, s0;
	[sflag:s31] =	ssyncadd.s32 $0xFFFFEC00  }
0x74: {  	[hbm4b:s0+s2] =	stream.linear.scatter [tilespmem:s19], [sflag:$0xF], $0x1400, $0x38;
	[tilespmem:$0x14800] =	vst v63  }
0x75: {  	s5 =	sadd.s32 $0xA00, s5;
	s7 =	simm.s32 $0xC80;
	s0 =	simm.s32 $0x0  }
.LBB2_2:
0x76: {  	s8 =	simm.s32 @!p1 $0xB  }
0x77: {  	[hbm4b:s5+s2] =	stream.linear.scatter [tilespmem:s20], [sflag:$0x14], $0x1400, $0x38;
	[tilespmem:$0x14800] =	vst v63  }
0x78: {  	_ =	swait.ge @!p1 [sflag:s8], $0x1400  }
0x79: {  	[sflag:s8] =	ssyncset.done @!p1 $0x0  }
0x7a: {  	s5 =	simm.s32 @!p1 $0x10;
	[sflag:s8] =	ssyncadd.s32 @!p1 $0xFFFFEC00  }
0x7b: {  	_ =	swait.ge @!p1 [sflag:s5], $0x1400  }
0x7c: {  	s0 =	sadd.s32 $0xA00, s0;
	[sflag:s5] =	ssyncset.done @!p1 $0x0  }
0x7d: {  	[sflag:s5] =	ssyncadd.s32 @!p1 $0xFFFFEC00;
	s5 =	sshra.s32 s0, $0x2  }
0x7e: {  	[tilespmem:s11], [sflag:$0x1] =	stream.indirect.gather [hbm4b:s1+s10], $0x80, s5, s10, $0xb8;
	[tilespmem:$0x14800] =	vst v63  }
0x7f: {  	s6 =	simm.s32 @!p1 $0xC;
	s8 =	sadd.s32 $0x4000, s5  }
0x80: {  	[tilespmem:s12], [sflag:$0x6] =	stream.indirect.gather [hbm4b:s4+s10], $0x80, s8, s10, $0xb8;
	[tilespmem:$0x14800] =	vst v63  }
0x81: {  	_ =	swait.ge @!p1 [sflag:s6], $0x1400  }
0x82: {  	[sflag:s6] =	ssyncset.done @!p1 $0x0  }
0x83: {  	[sflag:s6] =	ssyncadd.s32 @!p1 $0xFFFFEC00;
	s6 =	simm.s32 @!p1 $0x11  }
0x84: {  	_ =	swait.ge @!p1 [sflag:s6], $0x1400  }
0x85: {  	[sflag:s6] =	ssyncset.done @!p1 $0x0  }
0x86: {  	s8 =	sadd.s32 $0x80, s5;
	[sflag:s6] =	ssyncadd.s32 @!p1 $0xFFFFEC00  }
0x87: {  	[tilespmem:s13], [sflag:$0x2] =	stream.indirect.gather [hbm4b:s1+s10], $0x80, s8, s10, $0xb8;
	[tilespmem:$0x14800] =	vst v63  }
0x88: {  	s6 =	sadd.s32 $0x4080, s5;
	s8 =	simm.s32 @!p1 $0xD  }
0x89: {  	[tilespmem:s14], [sflag:$0x7] =	stream.indirect.gather [hbm4b:s4+s10], $0x80, s6, s10, $0xb8;
	[tilespmem:$0x14800] =	vst v63  }
0x8a: {  	_ =	swait.ge @!p1 [sflag:s8], $0x1400  }
0x8b: {  	[sflag:s8] =	ssyncset.done @!p1 $0x0  }
0x8c: {  	s6 =	simm.s32 @!p1 $0x12;
	[sflag:s8] =	ssyncadd.s32 @!p1 $0xFFFFEC00  }
0x8d: {  	_ =	swait.ge @!p1 [sflag:s6], $0x1400  }
0x8e: {  	[sflag:s6] =	ssyncset.done @!p1 $0x0  }
0x8f: {  	s8 =	sadd.s32 $0x100, s5;
	[sflag:s6] =	ssyncadd.s32 @!p1 $0xFFFFEC00  }
0x90: {  	[tilespmem:s15], [sflag:$0x3] =	stream.indirect.gather [hbm4b:s1+s10], $0x80, s8, s10, $0xb8;
	[tilespmem:$0x14800] =	vst v63  }
0x91: {  	s6 =	sadd.s32 $0x4100, s5;
	s8 =	simm.s32 @!p1 $0xE  }
0x92: {  	[tilespmem:s16], [sflag:$0x8] =	stream.indirect.gather [hbm4b:s4+s10], $0x80, s6, s10, $0xb8;
	[tilespmem:$0x14800] =	vst v63  }
0x93: {  	_ =	swait.ge @!p1 [sflag:s8], $0x1400  }
0x94: {  	[sflag:s8] =	ssyncset.done @!p1 $0x0  }
0x95: {  	s6 =	simm.s32 @!p1 $0x13;
	[sflag:s8] =	ssyncadd.s32 @!p1 $0xFFFFEC00  }
0x96: {  	_ =	swait.ge @!p1 [sflag:s6], $0x1400  }
0x97: {  	[sflag:s6] =	ssyncset.done @!p1 $0x0  }
0x98: {  	s8 =	sadd.s32 $0x180, s5;
	[sflag:s6] =	ssyncadd.s32 @!p1 $0xFFFFEC00  }
0x99: {  	[tilespmem:s17], [sflag:$0x4] =	stream.indirect.gather [hbm4b:s1+s10], $0x80, s8, s10, $0xb8;
	[tilespmem:$0x14800] =	vst v63  }
0x9a: {  	s6 =	sadd.s32 $0x4180, s5;
	s8 =	simm.s32 @!p1 $0xF  }
0x9b: {  	[tilespmem:s18], [sflag:$0x9] =	stream.indirect.gather [hbm4b:s4+s10], $0x80, s6, s10, $0xb8;
	[tilespmem:$0x14800] =	vst v63  }
0x9c: {  	_ =	swait.ge @!p1 [sflag:s8], $0x1400  }
0x9d: {  	[sflag:s8] =	ssyncset.done @!p1 $0x0  }
0x9e: {  	s6 =	simm.s32 @!p1 $0x14;
	[sflag:s8] =	ssyncadd.s32 @!p1 $0xFFFFEC00  }
0x9f: {  	_ =	swait.ge @!p1 [sflag:s6], $0x1400  }
0xa0: {  	[sflag:s6] =	ssyncset.done @!p1 $0x0  }
0xa1: {  	s8 =	sadd.s32 $0x200, s5;
	[sflag:s6] =	ssyncadd.s32 @!p1 $0xFFFFEC00  }
0xa2: {  	[tilespmem:s19], [sflag:$0x5] =	stream.indirect.gather [hbm4b:s1+s10], $0x80, s8, s10, $0xb8;
	[tilespmem:$0x14800] =	vst v63  }
0xa3: {  	s5 =	sadd.s32 $0x4200, s5  }
0xa4: {  	[tilespmem:s20], [sflag:$0xA] =	stream.indirect.gather [hbm4b:s4+s10], $0x80, s5, s10, $0xb8;
	[tilespmem:$0x14800] =	vst v63  }
0xa5: {  	_ =	swait.ge [sflag:s21], $0x1400  }
0xa6: {  	[sflag:s21] =	ssyncset.done $0x0  }
0xa7: {  	[sflag:s21] =	ssyncadd.s32 $0xFFFFEC00  }
0xa8: {  	_ =	swait.ge [sflag:s22], $0x1400  }
0xa9: {  	s6 =	rddreg [dreg:$0x3];
	[sflag:s22] =	ssyncset.done $0x0  }
0xaa: {  	s8 =	rddreg [dreg:$0x4];
	[sflag:s22] =	ssyncadd.s32 $0xFFFFEC00;
	s5 =	sadd.s32 s7, s6  }
0xab: {  	[hbm4b:s5+s2] =	stream.linear.scatter [tilespmem:s11], [sflag:$0xB], $0x1400, $0x38;
	[tilespmem:$0x14800] =	vst v63  }
0xac: {  	s8 =	sadd.s32 s7, s8  }
0xad: {  	[hbm4b:s8+s2] =	stream.linear.scatter [tilespmem:s12], [sflag:$0x10], $0x1400, $0x38;
	[tilespmem:$0x14800] =	vst v63  }
0xae: {  	_ =	swait.ge [sflag:s23], $0x1400  }
0xaf: {  	[sflag:s23] =	ssyncset.done $0x0  }
0xb0: {  	[sflag:s23] =	ssyncadd.s32 $0xFFFFEC00  }
0xb1: {  	_ =	swait.ge [sflag:s24], $0x1400  }
0xb2: {  	s9 =	smov.u32 s3;
	[sflag:s24] =	ssyncset.done $0x0  }
0xb3: {  	s7 =	smov.u32 s9;
	s9 =	sadd.s32 $0x280, s5;
	[sflag:s24] =	ssyncadd.s32 $0xFFFFEC00  }
0xb4: {  	[hbm4b:s9+s2] =	stream.linear.scatter [tilespmem:s13], [sflag:$0xC], $0x1400, $0x38;
	[tilespmem:$0x14800] =	vst v63  }
0xb5: {  	s9 =	sadd.s32 $0x280, s8  }
0xb6: {  	[hbm4b:s9+s2] =	stream.linear.scatter [tilespmem:s14], [sflag:$0x11], $0x1400, $0x38;
	[tilespmem:$0x14800] =	vst v63  }
0xb7: {  	_ =	swait.ge [sflag:s25], $0x1400  }
0xb8: {  	[sflag:s25] =	ssyncset.done $0x0  }
0xb9: {  	[sflag:s25] =	ssyncadd.s32 $0xFFFFEC00  }
0xba: {  	_ =	swait.ge [sflag:s26], $0x1400  }
0xbb: {  	[sflag:s26] =	ssyncset.done $0x0  }
0xbc: {  	s9 =	sadd.s32 $0x500, s5;
	[sflag:s26] =	ssyncadd.s32 $0xFFFFEC00  }
0xbd: {  	[hbm4b:s9+s2] =	stream.linear.scatter [tilespmem:s15], [sflag:$0xD], $0x1400, $0x38;
	[tilespmem:$0x14800] =	vst v63  }
0xbe: {  	s9 =	sadd.s32 $0x500, s8  }
0xbf: {  	[hbm4b:s9+s2] =	stream.linear.scatter [tilespmem:s16], [sflag:$0x12], $0x1400, $0x38;
	[tilespmem:$0x14800] =	vst v63  }
0xc0: {  	_ =	swait.ge [sflag:s28], $0x1400  }
0xc1: {  	[sflag:s28] =	ssyncset.done $0x0  }
0xc2: {  	[sflag:s28] =	ssyncadd.s32 $0xFFFFEC00  }
0xc3: {  	_ =	swait.ge [sflag:s29], $0x1400  }
0xc4: {  	[sflag:s29] =	ssyncset.done $0x0  }
0xc5: {  	s9 =	sadd.s32 $0x780, s5;
	[sflag:s29] =	ssyncadd.s32 $0xFFFFEC00  }
0xc6: {  	[hbm4b:s9+s2] =	stream.linear.scatter [tilespmem:s17], [sflag:$0xE], $0x1400, $0x38;
	[tilespmem:$0x14800] =	vst v63  }
0xc7: {  	s9 =	sadd.s32 $0x780, s8  }
0xc8: {  	[hbm4b:s9+s2] =	stream.linear.scatter [tilespmem:s18], [sflag:$0x13], $0x1400, $0x38;
	[tilespmem:$0x14800] =	vst v63  }
0xc9: {  	s3 =	sadd.s32 $0xC80, s3;
	_ =	swait.ge [sflag:s30], $0x1400  }
0xca: {  	p0 =	sne.s32 s3, $0x13880;
	[sflag:s30] =	ssyncset.done $0x0  }
.Ltmp0:
0xcb: {  	[sflag:s30] =	ssyncadd.s32 $0xFFFFEC00;
	(pc) =	sbr.rel @p0 .LBB2_2-.Ltmp0, $4  }
0xcc: {  	_ =	swait.ge [sflag:s31], $0x1400  }
0xcd: {  	p1 =	seq.s32 s7, $0x0;
	[sflag:s31] =	ssyncset.done $0x0  }
0xce: {  	s9 =	sadd.s32 $0xA00, s5;
	s5 =	sadd.s32 $0xA00, s8;
	[sflag:s31] =	ssyncadd.s32 $0xFFFFEC00  }
0xcf: {  	[hbm4b:s9+s2] =	stream.linear.scatter [tilespmem:s19], [sflag:$0xF], $0x1400, $0x38;
	[tilespmem:$0x14800] =	vst v63  }
0xd0: {  	[hbm4b:s5+s2] =	stream.linear.scatter [tilespmem:s20], [sflag:$0x14], $0x1400, $0x38;
	[tilespmem:$0x14800] =	vst v63  }
0xd1: {  	s3 =	simm.s32 @!p1 $0xB  }
0xd2: {  	_ =	swait.ge @!p1 [sflag:s3], $0x1400  }
0xd3: {  	[sflag:s3] =	ssyncset.done @!p1 $0x0  }
0xd4: {  	[sflag:s3] =	ssyncadd.s32 @!p1 $0xFFFFEC00;
	s3 =	simm.s32 @!p1 $0x10  }
0xd5: {  	_ =	swait.ge @!p1 [sflag:s3], $0x1400  }
0xd6: {  	s0 =	sadd.s32 $0xA00, s0;
	[sflag:s3] =	ssyncset.done @!p1 $0x0  }
0xd7: {  	s0 =	sshra.s32 s0, $0x2;
	[sflag:s3] =	ssyncadd.s32 @!p1 $0xFFFFEC00  }
0xd8: {  	[tilespmem:s11], [sflag:$0x1] =	stream.indirect.gather [hbm4b:s1+s10], $0x80, s0, s10, $0xb8;
	[tilespmem:$0x14800] =	vst v63  }
0xd9: {  	s5 =	sadd.s32 $0x4000, s0;
	s3 =	simm.s32 @!p1 $0xC  }
0xda: {  	[tilespmem:s12], [sflag:$0x6] =	stream.indirect.gather [hbm4b:s4+s10], $0x80, s5, s10, $0xb8;
	[tilespmem:$0x14800] =	vst v63  }
0xdb: {  	_ =	swait.ge @!p1 [sflag:s3], $0x1400  }
0xdc: {  	[sflag:s3] =	ssyncset.done @!p1 $0x0  }
0xdd: {  	[sflag:s3] =	ssyncadd.s32 @!p1 $0xFFFFEC00;
	s3 =	simm.s32 @!p1 $0x11  }
0xde: {  	_ =	swait.ge @!p1 [sflag:s3], $0x1400  }
0xdf: {  	[sflag:s3] =	ssyncset.done @!p1 $0x0  }
0xe0: {  	s6 =	sadd.s32 $0x80, s0;
	[sflag:s3] =	ssyncadd.s32 @!p1 $0xFFFFEC00  }
0xe1: {  	[tilespmem:s13], [sflag:$0x2] =	stream.indirect.gather [hbm4b:s1+s10], $0x80, s6, s10, $0xb8;
	[tilespmem:$0x14800] =	vst v63  }
0xe2: {  	s8 =	sadd.s32 $0x4080, s0;
	s3 =	simm.s32 @!p1 $0xD  }
0xe3: {  	[tilespmem:s14], [sflag:$0x7] =	stream.indirect.gather [hbm4b:s4+s10], $0x80, s8, s10, $0xb8;
	[tilespmem:$0x14800] =	vst v63  }
0xe4: {  	_ =	swait.ge @!p1 [sflag:s3], $0x1400  }
0xe5: {  	[sflag:s3] =	ssyncset.done @!p1 $0x0  }
0xe6: {  	[sflag:s3] =	ssyncadd.s32 @!p1 $0xFFFFEC00;
	s3 =	simm.s32 @!p1 $0x12  }
0xe7: {  	_ =	swait.ge @!p1 [sflag:s3], $0x1400  }
0xe8: {  	[sflag:s3] =	ssyncset.done @!p1 $0x0  }
0xe9: {  	s9 =	sadd.s32 $0x100, s0;
	[sflag:s3] =	ssyncadd.s32 @!p1 $0xFFFFEC00  }
0xea: {  	[tilespmem:s15], [sflag:$0x3] =	stream.indirect.gather [hbm4b:s1+s10], $0x80, s9, s10, $0xb8;
	[tilespmem:$0x14800] =	vst v63  }
0xeb: {  	s5 =	sadd.s32 $0x4100, s0;
	s3 =	simm.s32 @!p1 $0xE  }
0xec: {  	[tilespmem:s16], [sflag:$0x8] =	stream.indirect.gather [hbm4b:s4+s10], $0x80, s5, s10, $0xb8;
	[tilespmem:$0x14800] =	vst v63  }
0xed: {  	_ =	swait.ge @!p1 [sflag:s3], $0x1400  }
0xee: {  	[sflag:s3] =	ssyncset.done @!p1 $0x0  }
0xef: {  	[sflag:s3] =	ssyncadd.s32 @!p1 $0xFFFFEC00;
	s3 =	simm.s32 @!p1 $0x13  }
0xf0: {  	_ =	swait.ge @!p1 [sflag:s3], $0x1400  }
0xf1: {  	[sflag:s3] =	ssyncset.done @!p1 $0x0  }
0xf2: {  	s6 =	sadd.s32 $0x180, s0;
	[sflag:s3] =	ssyncadd.s32 @!p1 $0xFFFFEC00  }
0xf3: {  	[tilespmem:s17], [sflag:$0x4] =	stream.indirect.gather [hbm4b:s1+s10], $0x80, s6, s10, $0xb8;
	[tilespmem:$0x14800] =	vst v63  }
0xf4: {  	s8 =	sadd.s32 $0x4180, s0;
	s3 =	simm.s32 @!p1 $0xF  }
0xf5: {  	[tilespmem:s18], [sflag:$0x9] =	stream.indirect.gather [hbm4b:s4+s10], $0x80, s8, s10, $0xb8;
	[tilespmem:$0x14800] =	vst v63  }
0xf6: {  	_ =	swait.ge @!p1 [sflag:s3], $0x1400  }
0xf7: {  	[sflag:s3] =	ssyncset.done @!p1 $0x0  }
0xf8: {  	[sflag:s3] =	ssyncadd.s32 @!p1 $0xFFFFEC00;
	s3 =	simm.s32 @!p1 $0x14  }
0xf9: {  	_ =	swait.ge @!p1 [sflag:s3], $0x1400  }
0xfa: {  	[sflag:s3] =	ssyncset.done @!p1 $0x0  }
0xfb: {  	s9 =	sadd.s32 $0x200, s0;
	[sflag:s3] =	ssyncadd.s32 @!p1 $0xFFFFEC00  }
0xfc: {  	[tilespmem:s19], [sflag:$0x5] =	stream.indirect.gather [hbm4b:s1+s10], $0x80, s9, s10, $0xb8;
	[tilespmem:$0x14800] =	vst v63  }
0xfd: {  	s0 =	sadd.s32 $0x4200, s0  }
0xfe: {  	[tilespmem:s20], [sflag:$0xA] =	stream.indirect.gather [hbm4b:s4+s10], $0x80, s0, s10, $0xb8;
	[tilespmem:$0x14800] =	vst v63  }
0xff: {  	_ =	swait.ge [sflag:s21], $0x1400  }
0x100: {  	[sflag:s21] =	ssyncset.done $0x0  }
0x101: {  	[sflag:s21] =	ssyncadd.s32 $0xFFFFEC00  }
0x102: {  	_ =	swait.ge [sflag:s22], $0x1400  }
0x103: {  	s5 =	rddreg [dreg:$0x3];
	[sflag:s22] =	ssyncset.done $0x0  }
0x104: {  	s6 =	rddreg [dreg:$0x4];
	[sflag:s22] =	ssyncadd.s32 $0xFFFFEC00;
	s0 =	sadd.s32 s7, s5  }
0x105: {  	[hbm4b:s0+s2] =	stream.linear.scatter [tilespmem:s11], [sflag:$0xB], $0x1400, $0x38;
	[tilespmem:$0x14800] =	vst v63  }
0x106: {  	s3 =	sadd.s32 s7, s6  }
0x107: {  	[hbm4b:s3+s2] =	stream.linear.scatter [tilespmem:s12], [sflag:$0x10], $0x1400, $0x38;
	[tilespmem:$0x14800] =	vst v63  }
0x108: {  	_ =	swait.ge [sflag:s23], $0x1400  }
0x109: {  	[sflag:s23] =	ssyncset.done $0x0  }
0x10a: {  	[sflag:s23] =	ssyncadd.s32 $0xFFFFEC00  }
0x10b: {  	_ =	swait.ge [sflag:s24], $0x1400  }
0x10c: {  	[sflag:s24] =	ssyncset.done $0x0  }
0x10d: {  	s7 =	sadd.s32 $0x280, s0;
	[sflag:s24] =	ssyncadd.s32 $0xFFFFEC00  }
0x10e: {  	[hbm4b:s7+s2] =	stream.linear.scatter [tilespmem:s13], [sflag:$0xC], $0x1400, $0x38;
	[tilespmem:$0x14800] =	vst v63  }
0x10f: {  	s8 =	sadd.s32 $0x280, s3  }
0x110: {  	[hbm4b:s8+s2] =	stream.linear.scatter [tilespmem:s14], [sflag:$0x11], $0x1400, $0x38;
	[tilespmem:$0x14800] =	vst v63  }
0x111: {  	_ =	swait.ge [sflag:s25], $0x1400  }
0x112: {  	[sflag:s25] =	ssyncset.done $0x0  }
0x113: {  	[sflag:s25] =	ssyncadd.s32 $0xFFFFEC00  }
0x114: {  	_ =	swait.ge [sflag:s26], $0x1400  }
0x115: {  	[sflag:s26] =	ssyncset.done $0x0  }
0x116: {  	s9 =	sadd.s32 $0x500, s0;
	[sflag:s26] =	ssyncadd.s32 $0xFFFFEC00  }
0x117: {  	[hbm4b:s9+s2] =	stream.linear.scatter [tilespmem:s15], [sflag:$0xD], $0x1400, $0x38;
	[tilespmem:$0x14800] =	vst v63  }
0x118: {  	s6 =	sadd.s32 $0x500, s3  }
0x119: {  	[hbm4b:s6+s2] =	stream.linear.scatter [tilespmem:s16], [sflag:$0x12], $0x1400, $0x38;
	[tilespmem:$0x14800] =	vst v63  }
0x11a: {  	_ =	swait.ge [sflag:s28], $0x1400  }
0x11b: {  	[sflag:s28] =	ssyncset.done $0x0  }
0x11c: {  	[sflag:s28] =	ssyncadd.s32 $0xFFFFEC00  }
0x11d: {  	_ =	swait.ge [sflag:s29], $0x1400  }
0x11e: {  	[sflag:s29] =	ssyncset.done $0x0  }
0x11f: {  	s7 =	sadd.s32 $0x780, s0;
	[sflag:s29] =	ssyncadd.s32 $0xFFFFEC00  }
0x120: {  	[hbm4b:s7+s2] =	stream.linear.scatter [tilespmem:s17], [sflag:$0xE], $0x1400, $0x38;
	[tilespmem:$0x14800] =	vst v63  }
0x121: {  	s8 =	sadd.s32 $0x780, s3  }
0x122: {  	[hbm4b:s8+s2] =	stream.linear.scatter [tilespmem:s18], [sflag:$0x13], $0x1400, $0x38;
	[tilespmem:$0x14800] =	vst v63  }
0x123: {  	_ =	swait.ge [sflag:s30], $0x1400  }
0x124: {  	[sflag:s30] =	ssyncset.done $0x0  }
0x125: {  	[sflag:s30] =	ssyncadd.s32 $0xFFFFEC00  }
0x126: {  	_ =	swait.ge [sflag:s31], $0x1400  }
0x127: {  	[sflag:s31] =	ssyncset.done $0x0  }
0x128: {  	s0 =	sadd.s32 $0xA00, s0;
	[sflag:s31] =	ssyncadd.s32 $0xFFFFEC00  }
0x129: {  	[hbm4b:s0+s2] =	stream.linear.scatter [tilespmem:s19], [sflag:$0xF], $0x1400, $0x38;
	[tilespmem:$0x14800] =	vst v63  }
0x12a: {  	s9 =	sadd.s32 $0xA00, s3;
	s3 =	simm.s32 $0xB  }
0x12b: {  	[hbm4b:s9+s2] =	stream.linear.scatter [tilespmem:s20], [sflag:$0x14], $0x1400, $0x38;
	[tilespmem:$0x14800] =	vst v63  }
0x12c: {  	_ =	swait.ge [sflag:s3], $0x1400  }
0x12d: {  	[sflag:s3] =	ssyncset.done $0x0  }
0x12e: {  	s5 =	simm.s32 $0x10;
	[sflag:s3] =	ssyncadd.s32 $0xFFFFEC00  }
0x12f: {  	_ =	swait.ge [sflag:s5], $0x1400  }
0x130: {  	[sflag:s5] =	ssyncset.done $0x0  }
0x131: {  	s6 =	simm.s32 $0xC;
	[sflag:s5] =	ssyncadd.s32 $0xFFFFEC00  }
0x132: {  	_ =	swait.ge [sflag:s6], $0x1400  }
0x133: {  	[sflag:s6] =	ssyncset.done $0x0  }
0x134: {  	s7 =	simm.s32 $0x11;
	[sflag:s6] =	ssyncadd.s32 $0xFFFFEC00  }
0x135: {  	_ =	swait.ge [sflag:s7], $0x1400  }
0x136: {  	[sflag:s7] =	ssyncset.done $0x0  }
0x137: {  	s8 =	simm.s32 $0xD;
	[sflag:s7] =	ssyncadd.s32 $0xFFFFEC00  }
0x138: {  	_ =	swait.ge [sflag:s8], $0x1400  }
0x139: {  	[sflag:s8] =	ssyncset.done $0x0  }
0x13a: {  	s9 =	simm.s32 $0x12;
	[sflag:s8] =	ssyncadd.s32 $0xFFFFEC00  }
0x13b: {  	_ =	swait.ge [sflag:s9], $0x1400  }
0x13c: {  	[sflag:s9] =	ssyncset.done $0x0  }
0x13d: {  	s3 =	simm.s32 $0xE;
	[sflag:s9] =	ssyncadd.s32 $0xFFFFEC00  }
0x13e: {  	_ =	swait.ge [sflag:s3], $0x1400  }
0x13f: {  	[sflag:s3] =	ssyncset.done $0x0  }
0x140: {  	s5 =	simm.s32 $0x13;
	[sflag:s3] =	ssyncadd.s32 $0xFFFFEC00  }
0x141: {  	_ =	swait.ge [sflag:s5], $0x1400  }
0x142: {  	[sflag:s5] =	ssyncset.done $0x0  }
0x143: {  	s6 =	simm.s32 $0xF;
	[sflag:s5] =	ssyncadd.s32 $0xFFFFEC00  }
0x144: {  	_ =	swait.ge [sflag:s6], $0x1400  }
0x145: {  	[sflag:s6] =	ssyncset.done $0x0  }
0x146: {  	s7 =	simm.s32 $0x14;
	[sflag:s6] =	ssyncadd.s32 $0xFFFFEC00  }
0x147: {  	_ =	swait.ge [sflag:s7], $0x1400  }
0x148: {  	s8 =	rddreg [dreg:$0x8]  }
0x149: {  	s9 =	rddreg [dreg:$0x7];
	s5 =	sadd.s32 $0x1, s8  }
0x14a: {  	p0 =	sne.s32 s5, s9  }
.Ltmp1:
0x14b: {  	_ = 	snop;
	(pc) =	sbr.rel @p0 .LBB2_1-.Ltmp1, $3  }
0x14c: {  	_ =	sdelay $0x1  }
0x14d: {  	[sflag:s7] =	ssyncset.done $0x0  }
0x14e: {  	[sflag:s7] =	ssyncadd.s32 $0xFFFFEC00  }
0x14f: {  	_ =	sfence.sel $0x180000  }
0x150: {  	[bflag:$0x0] =	sbarrier.arrive $0xFFFF  }
0x151: {  	_ =	strace $0x9000004A  }
0x152: {  	s0 =	stileid.u32;
	[bflag:$0x2] =	sbarrier.arrive $0xFFFF  }
0x153: {  	p0 =	sne.s32 s0, $0x0;
	s0 =	rddreg [dreg:$0x2]  }
0x154: {  	s0 =	sadd.s32 @!p0 $0x100000, s0  }
0x155: {  	[sflag:s0] =	ssyncadd.tile.s32 @!p0 $0x1;
	_ =	shalt  }
.Lfunc_end2:
_tile_overlayer_lowered:
.L_overlay_start_2:
0x156: {  	(tag) =	ssettag $0x2  }
0x157: {  	s0 =	rddreg [dreg:$0x0];
	s2 =	stileid.u32  }
0x158: {  	s1 =	rddreg [dreg:$0x1];
	p0 =	sne.s32 s2, $0x0  }
0x159: {  	s3 =	rddreg [dreg:$0x2];
	[bflag:$0x3] =	sbarrier.arrive $0xFFFF;
	s2 =	simm.s32 @!p0 $0x1C15  }
0x15a: {  	[timem:s3], [sflag:s2] =	dma.local @!p0 [hbm:s0], s1  }
0x15b: {  	s0 =	simm.s32 @!p0 $0x15  }
0x15c: {  	_ =	swait.ge @!p0 [sflag:s0], s1  }
0x15d: {  	s1 =	ssub.s32 @!p0 $0x0, s1;
	[sflag:s0] =	ssyncset.done @!p0 $0x0  }
0x15e: {  	[sflag:s0] =	ssyncadd.s32 @!p0 s1  }
0x15f: {  	[bflag:$0x3] =	sbarrier.arrive $0xFFFF  }
0x160: {  	_ =	shalt  }

// kernel: kernel.19.cloned.1.call-start
scs
__scs_entry_jumppad:
0x0: {  	(pc) =	sbr.rel $0x88, $3  }
0x1: {  	(tag) =	ssettag $0x0;
	lr =	simm.s32 $0x1  }
0x2: {  	[smem:$0x3F90] =	sst lr;
	_ =	strace $0xD0000000  }
0x3: {  	_ = 	snop  }
0x4: {  	_ = 	snop  }
0x5: {  	_ = 	snop  }
0x6: {  	_ = 	snop  }
0x7: {  	_ = 	snop  }
__scs_overlays_trampoline_lowered:
0x8: {  	[smem:$0x3F9F] =	sst s0  }
0x9: {  	[smem:$0x3FA0] =	sst s1  }
0xa: {  	[smem:$0x3FA1] =	sst s2  }
0xb: {  	[smem:$0x3FA2] =	sst s3  }
0xc: {  	[smem:$0x3FA3] =	sst s4  }
0xd: {  	[smem:$0x3FA4] =	sst s5  }
0xe: {  	[smem:$0x3FA5] =	sst s6  }
0xf: {  	[smem:$0x3FA6] =	sst s7  }
0x10: {  	[smem:$0x3FA7] =	sst s8  }
0x11: {  	[smem:$0x3FA8] =	sst s9;
	s0 =	simm.s32 @!p0 $0x0  }
0x12: {  	s1 =	sld [smem:$0x3F8E];
	s0 =	simm.s32 @p0 $0x1  }
0x13: {  	[smem:$0x3FA9] =	sst s0;
	s0 =	simm.s32 @!p1 $0x0  }
0x14: {  	s2 =	sld [smem:$0x3F8D];
	s0 =	simm.s32 @p1 $0x1  }
0x15: {  	[smem:$0x3FAA] =	sst s0;
	s0 =	simm.s32 @!p2 $0x0  }
0x16: {  	s3 =	sld [smem:$0x3FDB];
	s0 =	simm.s32 @p2 $0x1  }
0x17: {  	s4 =	simm.s32 $0x1BF5;
	[smem:$0x3FAC] =	sst s0  }
0x18: {  	s0 =	sld [smem:$0x3F8F];
	_ =	swait.ge [sflag:s4], $0x0  }
0x19: {  	s7 =	sld [smem:$0x3F90]  }
0x1a: {  	s8 =	sadd.s32 $0xFFFFE003, lr  }
0x1b: {  	s9 =	sadd.s32 $0xFFFFFEF7, lr;
	s5 =	simm.s32 $0xFFFFFFFF;
	p2 =	slt.u32 s8, $0xFFFFF086  }
0x1c: {  	p1 =	slt.u32 s9, $0xF7A;
	s5 =	simm.s32 @!p2 $0x0  }
0x1d: {  	s5 =	simm.s32 @p1 $0x1;
	p0 =	seq.s32 s7, s2  }
0x1e: {  	s7 =	smul.u32 @!p0 $0xF7A, s2;
	p2 =	seq.s32 @!p0 s5, $0x0  }
0x1f: {  	s9 =	smul.u32 $0xF7A, s1;
	s8 =	simm.s32 @!p0 $0x1BF5;
	p2 =	por !p2, p0  }
0x20: {  	[sflag:s8] =	ssyncset.s32 @!p0 $0xFFFFF086;
	s6 =	sadd.s32 @!p0 s3, s7;
	s7 =	simm.s32 @!p0 $0x108  }
0x21: {  	s3 =	sadd.s32 s3, s9;
	s6 =	sadd.s32 @!p0 $0x88, s6;
	s7 =	simm.s32 @p2 $0x1082  }
0x22: {  	[simem:s7], [sflag:s8] =	dma.local @!p0 [hbm:s6], $0xF7A  }
0x23: {  	s9 =	sor.u32 $0xD0000000, s2;
	s6 =	simm.s32 $0x108;
	_ =	swait.ge @!p0 [sflag:s8], $0x0  }
0x24: {  	s3 =	sadd.s32 $0x88, s3;
	s6 =	simm.s32 @!p1 $0x1082;
	[sflag:s4] =	ssyncset.s32 $0xFFFFF086  }
0x25: {  	[simem:s6], [sflag:s4] =	dma.local [hbm:s3], $0xF7A  }
0x26: {  	[smem:$0x3F90] =	sst s1;
	(tag) =	ssettag s2;
	_ =	strace s9  }
0x27: {  	s1 =	sld [smem:$0x3FA0]  }
0x28: {  	s2 =	sld [smem:$0x3FA1]  }
0x29: {  	s4 =	sld [smem:$0x3FA3]  }
0x2a: {  	p0 =	seq.s32 s5, $0x0;
	s5 =	sld [smem:$0x3FA4]  }
0x2b: {  	s6 =	sld [smem:$0x3FA5]  }
0x2c: {  	s7 =	sld [smem:$0x3FA6]  }
0x2d: {  	s3 =	simm.s32 $0x108;
	s8 =	sld [smem:$0x3FA7]  }
0x2e: {  	s3 =	simm.s32 @!p0 $0x1082;
	s9 =	sld [smem:$0x3FA8]  }
0x2f: {  	lr =	sadd.s32 s0, s3;
	s0 =	sld [smem:$0x3F9F]  }
0x30: {  	s3 =	sld [smem:$0x3FA2]  }
0x31: {  	[smem:$0x3FAB] =	sst s10  }
0x32: {  	s10 =	sld [smem:$0x3FA9];
	_ =	sdelay $0x3  }
0x33: {  	p0 =	seq.s32 s10, $0x1;
	s10 =	sld [smem:$0x3FAB];
	_ =	sdelay $0x3  }
0x34: {  	[smem:$0x3FAB] =	sst s10  }
0x35: {  	s10 =	sld [smem:$0x3FAA];
	_ =	sdelay $0x3  }
0x36: {  	p1 =	seq.s32 s10, $0x1;
	s10 =	sld [smem:$0x3FAB];
	_ =	sdelay $0x3  }
0x37: {  	[smem:$0x3FAB] =	sst s10  }
0x38: {  	s10 =	sld [smem:$0x3FAC]  }
0x39: {  	_ = 	snop;
	(pc) =	sbr.ind lr, $3  }
0x3a: {  	_ = 	snop  }
0x3b: {  	_ = 	snop  }
0x3c: {  	p2 =	seq.s32 s10, $0x1;
	s10 =	sld [smem:$0x3FAB]  }
0x3d: {  	_ =	shalt  }
0x3e: {  	_ =	shalt  }
0x3f: {  	_ =	shalt  }
0x40: {  	_ =	shalt  }
0x41: {  	_ =	shalt  }
0x42: {  	_ =	shalt  }
0x43: {  	_ =	shalt  }
0x44: {  	_ =	shalt  }
0x45: {  	_ =	shalt  }
0x46: {  	_ =	shalt  }
0x47: {  	_ =	shalt  }
0x48: {  	_ =	shalt  }
0x49: {  	_ =	shalt  }
0x4a: {  	_ =	shalt  }
0x4b: {  	_ =	shalt  }
0x4c: {  	_ =	shalt  }
0x4d: {  	_ =	shalt  }
0x4e: {  	_ =	shalt  }
0x4f: {  	_ =	shalt  }
0x50: {  	_ =	shalt  }
0x51: {  	_ =	shalt  }
0x52: {  	_ =	shalt  }
0x53: {  	_ =	shalt  }
0x54: {  	_ =	shalt  }
0x55: {  	_ =	shalt  }
0x56: {  	_ =	shalt  }
0x57: {  	_ =	shalt  }
0x58: {  	_ =	shalt  }
0x59: {  	_ =	shalt  }
0x5a: {  	_ =	shalt  }
0x5b: {  	_ =	shalt  }
0x5c: {  	_ =	shalt  }
0x5d: {  	_ =	shalt  }
0x5e: {  	_ =	shalt  }
0x5f: {  	_ =	shalt  }
0x60: {  	_ =	shalt  }
0x61: {  	_ =	shalt  }
0x62: {  	_ =	shalt  }
0x63: {  	_ =	shalt  }
0x64: {  	_ =	shalt  }
0x65: {  	_ =	shalt  }
0x66: {  	_ =	shalt  }
0x67: {  	_ =	shalt  }
0x68: {  	_ =	shalt  }
0x69: {  	_ =	shalt  }
0x6a: {  	_ =	shalt  }
0x6b: {  	_ =	shalt  }
0x6c: {  	_ =	shalt  }
0x6d: {  	_ =	shalt  }
0x6e: {  	_ =	shalt  }
0x6f: {  	_ =	shalt  }
0x70: {  	_ =	shalt  }
0x71: {  	_ =	shalt  }
0x72: {  	_ =	shalt  }
0x73: {  	_ =	shalt  }
0x74: {  	_ =	shalt  }
0x75: {  	_ =	shalt  }
0x76: {  	_ =	shalt  }
0x77: {  	_ =	shalt  }
0x78: {  	_ =	shalt  }
0x79: {  	_ =	shalt  }
0x7a: {  	_ =	shalt  }
0x7b: {  	_ =	shalt  }
0x7c: {  	_ =	shalt  }
0x7d: {  	_ =	shalt  }
0x7e: {  	_ =	shalt  }
0x7f: {  	_ =	shalt  }
0x80: {  	_ =	shalt  }
0x81: {  	_ =	shalt  }
0x82: {  	_ =	shalt  }
0x83: {  	_ =	shalt  }
0x84: {  	_ =	shalt  }
0x85: {  	_ =	shalt  }
0x86: {  	_ =	shalt  }
0x87: {  	_ =	shalt  }
.Lfunc_end0:
.L_simem_size_0:
called_computation.3_lowered:
.L_overlay_start_0:
0x88: {  	s2 =	sld [smem:$0x3FD9]  }
0x89: {  	s3 =	sld [smem:$0x3FFE];
	_ =	sdelay $0x1  }
0x8a: {  	s1 =	srdreg.scid  }
0x8b: {  	s0 =	sand.u32 $0x1, s1  }
0x8c: {  	s17 =	sshll.u32 s0, $0xA;
	s2 =	sadd.s32 s3, s2  }
0x8d: {  	s2 =	sadd.s32 s2, s17  }
0x8e: {  	[smem:$0x3FB7] =	sst s2  }
0x8f: {  	_ = 	snop  }
0x90: {  	(tm) =	ssettm $0x1  }
0x91: {  	s18 =	sld [smem:$0x3FFB];
	_ =	sdelay $0x3  }
0x92: {  	_ =	strace s18  }
0x93: {  	s2 =	sld [smem:$0x3FFC];
	_ =	sdelay $0x3  }
0x94: {  	_ =	strace s2  }
0x95: {  	s2 =	sld [smem:$0x3FFD];
	_ =	sdelay $0x3  }
0x96: {  	_ =	strace s2  }
0x97: {  	_ =	strace $0x8FFFFFFF  }
0x98: {  	s19 =	sld [smem:$0x3FDB];
	_ =	sdelay $0x1  }
0x99: {  	s20 =	simm.s32 $_scs_section_size  }
0x9a: {  	s4 =	simm.s32 $_size__tile_overlayer_lowered;
	s5 =	simm.s32 $_tile_overlayer_lowered  }
0x9b: {  	s6 =	simm.s32 $0x1BFF;
	s21 =	sshll.u32 s5, $0x1;
	s3 =	sadd.s32 s20, s19  }
0x9c: {  	s22 =	simm.s32 $0x0;
	s4 =	sshll.u32 s4, $0x1;
	s5 =	sadd.s32 s21, s3  }
0x9d: {  	[timem:s22], [sflag:s6] =	dma.local [hbm:s5], s4  }
0x9e: {  	_ =	swait.ge [sflag:s6], s4  }
0x9f: {  	s4 =	ssub.s32 $0x0, s4;
	[sflag:s6] =	ssyncset.done $0x0  }
0xa0: {  	[sflag:s6] =	ssyncadd.s32 s4;
	_ =	sdelay $0x1  }
0xa1: {  	s23 =	simm.s32 $0x1B8B  }
0xa2: {  	_ =	swait.ge [sflag:s23], $0x1  }
0xa3: {  	[sflag:s23] =	ssyncset.done $0x0  }
0xa4: {  	[sflag:s23] =	ssyncadd.s32 $0xFFFFFFFF  }
0xa5: {  	s4 =	sld [smem:$0x0]  }
0xa6: {  	s5 =	sand.u32 $0xFFFFFFFE, s1  }
0xa7: {  	p0 =	sne.s32 s1, s5  }
0xa8: {  	s5 =	sshll.u32 @p0 s5, $0xE  }
0xa9: {  	s5 =	sadd.s32 @p0 $0x11B8D, s5;
	s6 =	sshll.u32 @p0 s4, $0x11  }
0xaa: {  	s5 =	sor.u32 @p0 s6, s5  }
0xab: {  	[sflag:s5] =	ssyncadd.remote.s32 @p0 $0x1;
	_ =	sdelay $0x1  }
0xac: {  	s5 =	simm.s32 @p0 $0x1B8D  }
0xad: {  	_ =	swait.eq @p0 [sflag:s5], $0x1  }
0xae: {  	[sflag:s5] =	ssyncadd.s32 @p0 $0xFFFFFFFF  }
0xaf: {  	s6 =	sshll.u32 @!p0 s1, $0xE  }
0xb0: {  	s6 =	sor.u32 @!p0 $0x4000, s6;
	s5 =	simm.s32 @!p0 $0x1B8D  }
0xb1: {  	s4 =	sshll.u32 @!p0 s4, $0x11;
	s6 =	sadd.s32 @!p0 $0x11B8D, s6;
	_ =	swait.eq @!p0 [sflag:s5], $0x1  }
0xb2: {  	s4 =	sor.u32 @!p0 s4, s6;
	[sflag:s5] =	ssyncadd.s32 @!p0 $0xFFFFFFFF  }
0xb3: {  	s25 =	simm.s32 $0x1B8E;
	s24 =	sld [smem:$0x3FFE];
	[sflag:s4] =	ssyncadd.remote.s32 @!p0 $0x1  }
0xb4: {  	s26 =	simm.s32 $execute0_lowered;
	[smem:$0x3FD2] =	sst s25  }
0xb5: {  	s5 =	sshll.u32 s26, $0x1;
	_ =	strace $0x8000004F;
	[dreg:$0x1] =	wrdreg $0xFFFFFFFF  }
0xb6: {  	s28 =	simm.s32 $_size_execute0_lowered;
	s3 =	sadd.s32 s3, s5;
	[dreg:$0x0] =	wrdreg $0x0  }
0xb7: {  	s5 =	sshll.u32 s28, $0x1;
	[dreg:$0x2] =	wrdreg s3  }
0xb8: {  	[dreg:$0x3] =	wrdreg s5  }
0xb9: {  	[dreg:$0x4] =	wrdreg $0xC0  }
0xba: {  	_ =	task [dreg:s22], $0x5FFFF  }
0xbb: {  	[dreg:$0x1] =	wrdreg $0xFFFFFFFF  }
0xbc: {  	[dreg:$0x0] =	wrdreg $0x60  }
0xbd: {  	[dreg:$0x2] =	wrdreg s24  }
0xbe: {  	[dreg:$0x3] =	wrdreg $0xA4000  }
0xbf: {  	[dreg:$0x4] =	wrdreg $0xA  }
0xc0: {  	_ =	task.clear_ibuf [dreg:s22], $0x5FFFF;
	_ =	strace $0x9000004F  }
0xc1: {  	s29 =	simm.s32 $0xA;
	_ =	strace $0x80000051  }
0xc2: {  	_ =	swait.ge [sflag:s29], $0x1  }
0xc3: {  	[sflag:s29] =	ssyncadd.s32 $0xFFFFFFFF  }
0xc4: {  	_ =	strace $0x90000051  }
0xc5: {  	_ =	sfence  }
0xc6: {  	s30 =	sld [smem:$0x0];
	_ =	sdelay $0x2  }
0xc7: {  	s31 =	sshll.u32 s1, $0xD;
	s1 =	sshrl.u32 s1, $0x2  }
0xc8: {  	s4 =	sand.u32 $0x4000, s31;
	s1 =	sadd.s32 s1, s30  }
0xc9: {  	s0 =	sor.u32 s4, s0;
	s1 =	sshll.u32 s1, $0x11  }
0xca: {  	s0 =	sor.u32 s1, s0  }
0xcb: {  	s0 =	sadd.s32 $0x8F2B, s0  }
0xcc: {  	[sflag:s0] =	ssyncadd.remote.s32 $0x1  }
0xcd: {  	_ =	sfence.sel $0xFFFF  }
0xce: {  	[dreg:$0x0] =	wrdreg $0xFFFFFFFF;
	(pc) =	sbr.abs _section_cstart, $3  }
0xcf: {  	[dreg:$0x1] =	wrdreg $0xFFFFFFFF  }
0xd0: {  	_ =	task.clear_ibuf [dreg:s22], $0x2FFFF;
	_ =	strace $0x9FFFFFFF  }
0xd1: {  	(tm) =	ssettm $0x7FFFFFFF  }
tec
execute0_lowered:
.L_overlay_start_1:
0x0: {  	(tag) =	ssettag $0x1  }
0x1: {  	s5 =	rddreg [dreg:$0x0]  }
0x2: {  	s1 =	rddreg [dreg:$0x1]  }
0x3: {  	s2 =	simm.s32 $0x0;
	s3 =	srdreg.scid;
	s16 =	simm.s32 $0x5400  }
0x4: {  	s17 =	simm.s32 $0x6800;
	s18 =	simm.s32 $0x7C00;
	s19 =	simm.s32 $0x9000  }
0x5: {  	s20 =	simm.s32 $0x1;
	s21 =	simm.s32 $0x28;
	s22 =	simm.s32 $0x2  }
0x6: {  	s23 =	simm.s32 $0x3;
	s24 =	simm.s32 $0x4;
	s4 =	sand.u32 $0x1, s3  }
0x7: {  	s25 =	simm.s32 $0x5;
	s3 =	stileid.u32;
	s6 =	smul.u32 $0x138800, s4  }
0x8: {  	[smem:$0x7FF] =	sst s2;
	s11 =	sadd.s32 $0x286200, s5;
	s26 =	smul.u32 $0x2800, s3  }
0x9: {  	s14 =	sadd.s32 $0x12C000, s1;
	_ =	strace $0x80000050;
	s9 =	smul.u32 $0x50000, s3  }
0xa: {  	s7 =	sshll.u32 s3, $0xB;
	s8 =	sshll.u32 s4, $0xF;
	s29 =	smul.u32 $0x14000, s3  }
0xb: {  	s4 =	ssub.s32 $0x2, s4;
	s15 =	smul.u32 $0x13880, s3;
	p0 =	seq.s32 s3, $0xF  }
0xc: {  	s7 =	sor.u32 s7, s8;
	s12 =	sshrl.u32 s4, $0x1;
	s10 =	sadd.s32 s6, s5  }
0xd: {  	s7 =	sadd.s32 s7, s5;
	s8 =	sadd.s32 s26, s5;
	s12 =	ssub.s32 s4, s12  }
0xe: {  	s28 =	sshrl.u32 s9, $0x2;
	s5 =	sadd.s32 $0xA55C00, s5;
	s30 =	sadd.s32 s29, s6  }
0xf: {  	s6 =	sshrl.u32 s6, $0x3;
	s26 =	simm.s32 $0x0;
	s13 =	sadd.s32 s28, s1  }
0x10: {  	s4 =	sadd.s32 $0xA30400, s8;
	s8 =	sshrl.u32 s30, $0x3;
	s31 =	sadd.s32 s11, s6  }
0x11: {  	s6 =	sadd.s32 $0x52E400, s7;
	s9 =	smax.u32 s12, $0x1;
	s10 =	sadd.s32 s15, s10  }
0x12: {  	s12 =	sshll.u32 @!p0 s3, $0x6;
	s15 =	simm.s32 $0x4000;
	s7 =	sadd.s32 s11, s8  }
0x13: {  	s8 =	sadd.s32 $0x25800, s31;
	s10 =	sadd.s32 $0x15C00, s10;
	s11 =	sshrl.u32 @p0 s14, $0x3  }
0x14: {  	s12 =	sor.u32 @!p0 $0x1C06, s12;
	s13 =	sshrl.u32 @!p0 s13, $0x3;
	s14 =	simm.s32 $0x6  }
.LBB2_1:
0x15: {  	s28 =	simm.s32 @p0 $0x1FC6  }
0x16: {  	[spmem:s11], [sflag:s28] =	dma.local @p0 [hbm:s5], $0x1900  }
0x17: {  	s28 =	simm.s32 @p0 $0x6  }
0x18: {  	_ =	swait.ge @p0 [sflag:s28], $0x1900  }
0x19: {  	[sflag:s28] =	ssyncset.done @p0 $0x0  }
0x1a: {  	[sflag:s28] =	ssyncadd.s32 @p0 $0xFFFFE700;
	s28 =	simm.s32 @!p0 $0x6  }
0x1b: {  	[spmem:s13], [sflag:s12] =	dma.local @!p0 [hbm:s4], $0x2800  }
0x1c: {  	_ =	swait.ge @!p0 [sflag:s28], $0x2800  }
0x1d: {  	[sflag:s28] =	ssyncset.done @!p0 $0x0  }
0x1e: {  	[sflag:s28] =	ssyncadd.s32 @!p0 $0xFFFFD800  }
0x1f: {  	[tilespmem:s2], [sflag:$0x6] =	stream.linear.gather [hbm4b:s6+s2], $0x3E80, $0x38;
	[tilespmem:$0x1DC80] =	vst v63  }
0x20: {  	_ =	swait.ge [sflag:s14], $0x3E80  }
0x21: {  	[sflag:s14] =	ssyncset.done $0x0  }
0x22: {  	[sflag:s14] =	ssyncadd.s32 $0xFFFFC180  }
0x23: {  	s28 =	sadd.s32 $0xFFFFF600, s10;
	[bflag:$0x0] =	sbarrier.arrive $0xFFFF  }
0x24: {  	[tilespmem:s15], [sflag:$0x1] =	stream.linear.gather [hbm4b:s28+s2], $0x1400, $0x38;
	[tilespmem:$0x1DC80] =	vst v63  }
0x25: {  	s28 =	sadd.s32 $0xFFFFF880, s10  }
0x26: {  	[tilespmem:s16], [sflag:$0x2] =	stream.linear.gather [hbm4b:s28+s2], $0x1400, $0x38;
	[tilespmem:$0x1DC80] =	vst v63  }
0x27: {  	s28 =	sadd.s32 $0xFFFFFB00, s10  }
0x28: {  	[tilespmem:s17], [sflag:$0x3] =	stream.linear.gather [hbm4b:s28+s2], $0x1400, $0x38;
	[tilespmem:$0x1DC80] =	vst v63  }
0x29: {  	s28 =	sadd.s32 $0xFFFFFD80, s10  }
0x2a: {  	[tilespmem:s18], [sflag:$0x4] =	stream.linear.gather [hbm4b:s28+s2], $0x1400, $0x38;
	[tilespmem:$0x1DC80] =	vst v63  }
0x2b: {  	_ = 	snop  }
0x2c: {  	[tilespmem:s19], [sflag:$0x5] =	stream.linear.gather [hbm4b:s10+s2], $0x1400, $0x38;
	[tilespmem:$0x1DC80] =	vst v63  }
0x2d: {  	_ =	swait.ge [sflag:s20], $0x1400  }
0x2e: {  	[sflag:s20] =	ssyncset.done $0x0  }
0x2f: {  	s28 =	simm.s32 $0x0;
	[sflag:s20] =	ssyncadd.s32 $0xFFFFEC00  }
0x30: {  	[spmem:s1] =	stream.indirect.scatter.add.f32 [tilespmem:s15], [sflag:$0x6], $0x80, s28, s21, $0xb8;
	[tilespmem:$0x1DC80] =	vst v63  }
0x31: {  	_ =	swait.ge [sflag:s14], $0x1400  }
0x32: {  	[sflag:s14] =	ssyncset.done $0x0  }
0x33: {  	[sflag:s14] =	ssyncadd.s32 $0xFFFFEC00  }
0x34: {  	_ =	swait.ge [sflag:s22], $0x1400  }
0x35: {  	[sflag:s22] =	ssyncset.done $0x0  }
0x36: {  	s28 =	simm.s32 $0x80;
	[sflag:s22] =	ssyncadd.s32 $0xFFFFEC00  }
0x37: {  	[spmem:s1] =	stream.indirect.scatter.add.f32 [tilespmem:s16], [sflag:$0x6], $0x80, s28, s21, $0xb8;
	[tilespmem:$0x1DC80] =	vst v63  }
0x38: {  	_ =	swait.ge [sflag:s14], $0x1400  }
0x39: {  	[sflag:s14] =	ssyncset.done $0x0  }
0x3a: {  	[sflag:s14] =	ssyncadd.s32 $0xFFFFEC00  }
0x3b: {  	_ =	swait.ge [sflag:s23], $0x1400  }
0x3c: {  	[sflag:s23] =	ssyncset.done $0x0  }
0x3d: {  	s28 =	simm.s32 $0x100;
	[sflag:s23] =	ssyncadd.s32 $0xFFFFEC00  }
0x3e: {  	[spmem:s1] =	stream.indirect.scatter.add.f32 [tilespmem:s17], [sflag:$0x6], $0x80, s28, s21, $0xb8;
	[tilespmem:$0x1DC80] =	vst v63  }
0x3f: {  	_ =	swait.ge [sflag:s14], $0x1400  }
0x40: {  	[sflag:s14] =	ssyncset.done $0x0  }
0x41: {  	[sflag:s14] =	ssyncadd.s32 $0xFFFFEC00  }
0x42: {  	_ =	swait.ge [sflag:s24], $0x1400  }
0x43: {  	[sflag:s24] =	ssyncset.done $0x0  }
0x44: {  	s28 =	simm.s32 $0x180;
	[sflag:s24] =	ssyncadd.s32 $0xFFFFEC00  }
0x45: {  	[spmem:s1] =	stream.indirect.scatter.add.f32 [tilespmem:s18], [sflag:$0x6], $0x80, s28, s21, $0xb8;
	[tilespmem:$0x1DC80] =	vst v63  }
0x46: {  	_ =	swait.ge [sflag:s14], $0x1400  }
0x47: {  	[sflag:s14] =	ssyncset.done $0x0  }
0x48: {  	[sflag:s14] =	ssyncadd.s32 $0xFFFFEC00  }
0x49: {  	_ =	swait.ge [sflag:s25], $0x1400  }
0x4a: {  	[sflag:s25] =	ssyncset.done $0x0  }
0x4b: {  	s28 =	simm.s32 $0x200;
	[sflag:s25] =	ssyncadd.s32 $0xFFFFEC00  }
0x4c: {  	[spmem:s1] =	stream.indirect.scatter.add.f32 [tilespmem:s19], [sflag:$0x6], $0x80, s28, s21, $0xb8;
	[tilespmem:$0x1DC80] =	vst v63  }
0x4d: {  	s30 =	simm.s32 $0x1400;
	_ =	swait.ge [sflag:s14], $0x1400  }
0x4e: {  	s29 =	sadd.s32 $0xC80, s10;
	s28 =	simm.s32 $0xA00;
	[sflag:s14] =	ssyncset.done $0x0  }
.LBB2_2:
0x4f: {  	p1 =	sne.s32 s30, $0xF000;
	s31 =	sadd.s32 $0xFFFFF600, s29;
	[sflag:s14] =	ssyncadd.s32 $0xFFFFEC00  }
0x50: {  	[tilespmem:s15], [sflag:$0x1] =	stream.linear.gather [hbm4b:s31+s2], $0x1400, $0x38;
	[tilespmem:$0x1DC80] =	vst v63  }
0x51: {  	s0 =	smov.u32 s30;
	s30 =	sadd.s32 $0xA00, s30;
	s31 =	sadd.s32 $0xFFFFF880, s29  }
0x52: {  	[tilespmem:s16], [sflag:$0x2] =	stream.linear.gather [hbm4b:s31+s2], $0x1400, $0x38;
	[tilespmem:$0x1DC80] =	vst v63  }
0x53: {  	s31 =	sadd.s32 $0xFFFFFB00, s29  }
0x54: {  	[tilespmem:s17], [sflag:$0x3] =	stream.linear.gather [hbm4b:s31+s2], $0x1400, $0x38;
	[tilespmem:$0x1DC80] =	vst v63  }
0x55: {  	s31 =	sadd.s32 $0xFFFFFD80, s29  }
0x56: {  	[tilespmem:s18], [sflag:$0x4] =	stream.linear.gather [hbm4b:s31+s2], $0x1400, $0x38;
	[tilespmem:$0x1DC80] =	vst v63  }
0x57: {  	_ = 	snop  }
0x58: {  	[tilespmem:s19], [sflag:$0x5] =	stream.linear.gather [hbm4b:s29+s2], $0x1400, $0x38;
	[tilespmem:$0x1DC80] =	vst v63  }
0x59: {  	_ =	swait.ge [sflag:s20], $0x1400  }
0x5a: {  	[sflag:s20] =	ssyncset.done $0x0  }
0x5b: {  	s31 =	sshra.s32 s28, $0x2;
	s28 =	smov.u32 s0;
	[sflag:s20] =	ssyncadd.s32 $0xFFFFEC00  }
0x5c: {  	[spmem:s1] =	stream.indirect.scatter.add.f32 [tilespmem:s15], [sflag:$0x6], $0x80, s31, s21, $0xb8;
	[tilespmem:$0x1DC80] =	vst v63  }
0x5d: {  	_ =	swait.ge [sflag:s14], $0x1400  }
0x5e: {  	[sflag:s14] =	ssyncset.done $0x0  }
0x5f: {  	[sflag:s14] =	ssyncadd.s32 $0xFFFFEC00  }
0x60: {  	_ =	swait.ge [sflag:s22], $0x1400  }
0x61: {  	[sflag:s22] =	ssyncset.done $0x0  }
0x62: {  	s0 =	sadd.s32 $0x80, s31;
	[sflag:s22] =	ssyncadd.s32 $0xFFFFEC00  }
0x63: {  	[spmem:s1] =	stream.indirect.scatter.add.f32 [tilespmem:s16], [sflag:$0x6], $0x80, s0, s21, $0xb8;
	[tilespmem:$0x1DC80] =	vst v63  }
0x64: {  	_ =	swait.ge [sflag:s14], $0x1400  }
0x65: {  	[sflag:s14] =	ssyncset.done $0x0  }
0x66: {  	[sflag:s14] =	ssyncadd.s32 $0xFFFFEC00  }
0x67: {  	_ =	swait.ge [sflag:s23], $0x1400  }
0x68: {  	[sflag:s23] =	ssyncset.done $0x0  }
0x69: {  	s0 =	sadd.s32 $0x100, s31;
	[sflag:s23] =	ssyncadd.s32 $0xFFFFEC00  }
0x6a: {  	[spmem:s1] =	stream.indirect.scatter.add.f32 [tilespmem:s17], [sflag:$0x6], $0x80, s0, s21, $0xb8;
	[tilespmem:$0x1DC80] =	vst v63  }
0x6b: {  	_ =	swait.ge [sflag:s14], $0x1400  }
0x6c: {  	[sflag:s14] =	ssyncset.done $0x0  }
0x6d: {  	[sflag:s14] =	ssyncadd.s32 $0xFFFFEC00  }
0x6e: {  	_ =	swait.ge [sflag:s24], $0x1400  }
0x6f: {  	[sflag:s24] =	ssyncset.done $0x0  }
0x70: {  	s0 =	sadd.s32 $0x180, s31;
	[sflag:s24] =	ssyncadd.s32 $0xFFFFEC00  }
0x71: {  	[spmem:s1] =	stream.indirect.scatter.add.f32 [tilespmem:s18], [sflag:$0x6], $0x80, s0, s21, $0xb8;
	[tilespmem:$0x1DC80] =	vst v63  }
0x72: {  	_ =	swait.ge [sflag:s14], $0x1400  }
0x73: {  	[sflag:s14] =	ssyncset.done $0x0  }
0x74: {  	[sflag:s14] =	ssyncadd.s32 $0xFFFFEC00  }
0x75: {  	_ =	swait.ge [sflag:s25], $0x1400  }
.Ltmp0:
0x76: {  	[sflag:s25] =	ssyncset.done $0x0;
	(pc) =	sbr.rel @p1 .LBB2_2-.Ltmp0, $4  }
0x77: {  	s0 =	sadd.s32 $0x200, s31;
	[sflag:s25] =	ssyncadd.s32 $0xFFFFEC00  }
0x78: {  	[spmem:s1] =	stream.indirect.scatter.add.f32 [tilespmem:s19], [sflag:$0x6], $0x80, s0, s21, $0xb8;
	[tilespmem:$0x1DC80] =	vst v63  }
0x79: {  	_ =	swait.ge [sflag:s14], $0x1400  }
0x7a: {  	s29 =	sadd.s32 $0xC80, s29;
	[sflag:s14] =	ssyncset.done $0x0  }
0x7b: {  	s0 =	sadd.s32 $0xFFFFF600, s29;
	[sflag:s14] =	ssyncadd.s32 $0xFFFFEC00  }
0x7c: {  	[tilespmem:s15], [sflag:$0x1] =	stream.linear.gather [hbm4b:s0+s2], $0x1400, $0x38;
	[tilespmem:$0x1DC80] =	vst v63  }
0x7d: {  	s31 =	sadd.s32 $0xFFFFF880, s29  }
0x7e: {  	[tilespmem:s16], [sflag:$0x2] =	stream.linear.gather [hbm4b:s31+s2], $0x1400, $0x38;
	[tilespmem:$0x1DC80] =	vst v63  }
0x7f: {  	s30 =	sadd.s32 $0xFFFFFB00, s29  }
0x80: {  	[tilespmem:s17], [sflag:$0x3] =	stream.linear.gather [hbm4b:s30+s2], $0x1400, $0x38;
	[tilespmem:$0x1DC80] =	vst v63  }
0x81: {  	s31 =	sadd.s32 $0xFFFFFD80, s29  }
0x82: {  	[tilespmem:s18], [sflag:$0x4] =	stream.linear.gather [hbm4b:s31+s2], $0x1400, $0x38;
	[tilespmem:$0x1DC80] =	vst v63  }
0x83: {  	_ = 	snop  }
0x84: {  	[tilespmem:s19], [sflag:$0x5] =	stream.linear.gather [hbm4b:s29+s2], $0x1400, $0x38;
	[tilespmem:$0x1DC80] =	vst v63  }
0x85: {  	_ =	swait.ge [sflag:s20], $0x1400  }
0x86: {  	[sflag:s20] =	ssyncset.done $0x0  }
0x87: {  	s29 =	sshra.s32 s28, $0x2;
	[sflag:s20] =	ssyncadd.s32 $0xFFFFEC00  }
0x88: {  	[spmem:s1] =	stream.indirect.scatter.add.f32 [tilespmem:s15], [sflag:$0x6], $0x80, s29, s21, $0xb8;
	[tilespmem:$0x1DC80] =	vst v63  }
0x89: {  	_ =	swait.ge [sflag:s14], $0x1400  }
0x8a: {  	[sflag:s14] =	ssyncset.done $0x0  }
0x8b: {  	[sflag:s14] =	ssyncadd.s32 $0xFFFFEC00  }
0x8c: {  	_ =	swait.ge [sflag:s22], $0x1400  }
0x8d: {  	[sflag:s22] =	ssyncset.done $0x0  }
0x8e: {  	s28 =	sadd.s32 $0x80, s29;
	[sflag:s22] =	ssyncadd.s32 $0xFFFFEC00  }
0x8f: {  	[spmem:s1] =	stream.indirect.scatter.add.f32 [tilespmem:s16], [sflag:$0x6], $0x80, s28, s21, $0xb8;
	[tilespmem:$0x1DC80] =	vst v63  }
0x90: {  	_ =	swait.ge [sflag:s14], $0x1400  }
0x91: {  	[sflag:s14] =	ssyncset.done $0x0  }
0x92: {  	[sflag:s14] =	ssyncadd.s32 $0xFFFFEC00  }
0x93: {  	_ =	swait.ge [sflag:s23], $0x1400  }
0x94: {  	[sflag:s23] =	ssyncset.done $0x0  }
0x95: {  	s30 =	sadd.s32 $0x100, s29;
	[sflag:s23] =	ssyncadd.s32 $0xFFFFEC00  }
0x96: {  	[spmem:s1] =	stream.indirect.scatter.add.f32 [tilespmem:s17], [sflag:$0x6], $0x80, s30, s21, $0xb8;
	[tilespmem:$0x1DC80] =	vst v63  }
0x97: {  	_ =	swait.ge [sflag:s14], $0x1400  }
0x98: {  	[sflag:s14] =	ssyncset.done $0x0  }
0x99: {  	[sflag:s14] =	ssyncadd.s32 $0xFFFFEC00  }
0x9a: {  	_ =	swait.ge [sflag:s24], $0x1400  }
0x9b: {  	[sflag:s24] =	ssyncset.done $0x0  }
0x9c: {  	s31 =	sadd.s32 $0x180, s29;
	[sflag:s24] =	ssyncadd.s32 $0xFFFFEC00  }
0x9d: {  	[spmem:s1] =	stream.indirect.scatter.add.f32 [tilespmem:s18], [sflag:$0x6], $0x80, s31, s21, $0xb8;
	[tilespmem:$0x1DC80] =	vst v63  }
0x9e: {  	_ =	swait.ge [sflag:s14], $0x1400  }
0x9f: {  	[sflag:s14] =	ssyncset.done $0x0  }
0xa0: {  	[sflag:s14] =	ssyncadd.s32 $0xFFFFEC00  }
0xa1: {  	_ =	swait.ge [sflag:s25], $0x1400  }
0xa2: {  	[sflag:s25] =	ssyncset.done $0x0  }
0xa3: {  	s0 =	sadd.s32 $0x200, s29;
	[sflag:s25] =	ssyncadd.s32 $0xFFFFEC00  }
0xa4: {  	[spmem:s1] =	stream.indirect.scatter.add.f32 [tilespmem:s19], [sflag:$0x6], $0x80, s0, s21, $0xb8;
	[tilespmem:$0x1DC80] =	vst v63  }
0xa5: {  	_ =	swait.ge [sflag:s14], $0x1400  }
0xa6: {  	[sflag:s14] =	ssyncset.done $0x0  }
0xa7: {  	[sflag:s14] =	ssyncadd.s32 $0xFFFFEC00  }
0xa8: {  	s0 =	simm.s32 @p0 $0x1FC6;
	[bflag:$0x0] =	sbarrier.arrive $0xFFFF  }
0xa9: {  	[hbm:s8], [sflag:s0] =	dma.local @p0 [spmem:s11], $0x1900  }
0xaa: {  	s0 =	simm.s32 @p0 $0x6  }
0xab: {  	s26 =	sadd.s32 $0x1, s26;
	_ =	swait.ge @p0 [sflag:s0], $0x1900  }
0xac: {  	p1 =	sne.s32 s26, s9;
	[sflag:s0] =	ssyncset.done @p0 $0x0  }
.Ltmp1:
0xad: {  	[sflag:s0] =	ssyncadd.s32 @p0 $0xFFFFE700;
	s0 =	simm.s32 @!p0 $0x6;
	(pc) =	sbr.rel @p1 .LBB2_1-.Ltmp1, $4  }
0xae: {  	[hbm:s7], [sflag:s12] =	dma.local @!p0 [spmem:s13], $0x2800  }
0xaf: {  	_ =	swait.ge @!p0 [sflag:s0], $0x2800  }
0xb0: {  	[sflag:s0] =	ssyncset.done @!p0 $0x0  }
0xb1: {  	[sflag:s0] =	ssyncadd.s32 @!p0 $0xFFFFD800  }
0xb2: {  	_ =	sfence.sel $0x180000  }
0xb3: {  	[bflag:$0x0] =	sbarrier.arrive $0xFFFF  }
0xb4: {  	_ =	strace $0x90000050  }
0xb5: {  	[bflag:$0x2] =	sbarrier.arrive $0xFFFF  }
0xb6: {  	p0 =	sne.s32 s3, $0x0;
	s0 =	rddreg [dreg:$0x2]  }
0xb7: {  	s0 =	sadd.s32 @!p0 $0x100000, s0  }
0xb8: {  	[sflag:s0] =	ssyncadd.tile.s32 @!p0 $0x1;
	_ =	shalt  }
.Lfunc_end2:
_tile_overlayer_lowered:
.L_overlay_start_2:
0xb9: {  	(tag) =	ssettag $0x2  }
0xba: {  	s0 =	rddreg [dreg:$0x0];
	s2 =	stileid.u32  }
0xbb: {  	s1 =	rddreg [dreg:$0x1];
	p0 =	sne.s32 s2, $0x0  }
0xbc: {  	s3 =	rddreg [dreg:$0x2];
	[bflag:$0x3] =	sbarrier.arrive $0xFFFF;
	s2 =	simm.s32 @!p0 $0x1C06  }
0xbd: {  	[timem:s3], [sflag:s2] =	dma.local @!p0 [hbm:s0], s1  }
0xbe: {  	s0 =	simm.s32 @!p0 $0x6  }
0xbf: {  	_ =	swait.ge @!p0 [sflag:s0], s1  }
0xc0: {  	s1 =	ssub.s32 @!p0 $0x0, s1;
	[sflag:s0] =	ssyncset.done @!p0 $0x0  }
0xc1: {  	[sflag:s0] =	ssyncadd.s32 @!p0 s1  }
0xc2: {  	[bflag:$0x3] =	sbarrier.arrive $0xFFFF  }
0xc3: {  	_ =	shalt  }

</sc_bundles>
